<compile_context>
chip_gen: v7x
topology: tpu7x:2x2x1
jax: 0.10.2.dev20260603
libtpu: 0.0.44.dev20260713+nightly
codegen_flags: <defaults>
</compile_context>

<pallas_src>
import functools

import jax
import jax.numpy as jnp
from jax import lax
from jax.experimental import pallas as pl
from jax.experimental.pallas import tpu as pltpu
from jax.experimental.pallas import tpu_sc as plsc

_D = 1024
_SEG = _D // 8
_NC = 2
_NS = 16
_NW = _NC * _NS


@functools.lru_cache(maxsize=None)
def _make_gather(n_rows: int):
    assert n_rows % (8 * _NW) == 0
    b_per_w = n_rows // _NW
    cr = 16
    ci = cr * 8
    ng = 1
    assert b_per_w % cr == 0
    n_chunks = b_per_w // cr
    nbuf = 6

    mesh = plsc.VectorSubcoreMesh(core_axis_name="c", subcore_axis_name="s")

    @functools.partial(
        pl.kernel,
        mesh=mesh,
        out_type=jax.ShapeDtypeStruct((n_rows * 8, _SEG), jnp.float32),
        scratch_types=[
            pltpu.VMEM((b_per_w,), jnp.int32),
        ]
        + [pltpu.VMEM((ci, _SEG), jnp.float32) for _ in range(nbuf)]
        + [pltpu.VMEM((ci,), jnp.int32) for _ in range(nbuf)]
        + [pltpu.VMEM((32,), jnp.int32)]
        + [pltpu.SemaphoreType.DMA for _ in range(2 * nbuf)],
    )
    def gather(table_hbm, idx_hbm, out_hbm, idx_v, *scratch):
        bufs = scratch[:nbuf]
        idxes = scratch[nbuf:2 * nbuf]
        tmp = scratch[2 * nbuf]
        gsems = scratch[2 * nbuf + 1:3 * nbuf + 1]
        wsems = scratch[3 * nbuf + 1:]
        wid = lax.axis_index("s") * _NC + lax.axis_index("c")
        base = wid * b_per_w
        pltpu.sync_copy(idx_hbm.at[pl.ds(base, b_per_w)], idx_v)

        lane = lax.iota(jnp.int32, 16)
        low = lane < 8

        def expand(chunk, slot):
            for h in range(cr // 16):
                w = idx_v[pl.ds(chunk * cr + h * 16, 16)] * 8
                tmp[pl.ds(0, 16)] = w
                tmp[pl.ds(16, 16)] = w
                sw = tmp[pl.ds(8, 16)]
                dup = (jnp.where(low, w, sw), jnp.where(low, sw, w))
                for v in range(8):
                    t = (2 * v + (lane >> 3)) & 7
                    idxes[slot][pl.ds(h * 128 + v * 16, 16)] = dup[v >> 2] + t

        def start_gather(chunk, slot):
            expand(chunk, slot)
            return [
                pltpu.async_copy(
                    table_hbm.at[idxes[slot].at[pl.ds(g * 128, 128)]],
                    bufs[slot].at[pl.ds(g * 128, 128)],
                    gsems[slot],
                )
                for g in range(ng)
            ]

        gathers = [None] * nbuf
        writes = [None] * nbuf
        for j in range(min(nbuf - 1, n_chunks)):
            gathers[j] = start_gather(j, j)
        for i in range(n_chunks):
            p = i % nbuf
            nx = i + nbuf - 1
            if nx < n_chunks:
                q = nx % nbuf
                if writes[q] is not None:
                    writes[q].wait()
                    writes[q] = None
                gathers[q] = start_gather(nx, q)
            for d in gathers[p]:
                d.wait()
            writes[p] = pltpu.async_copy(
                bufs[p],
                out_hbm.at[pl.ds(base * 8 + i * ci, ci)],
                wsems[p],
            )
        for w in writes:
            if w is not None:
                w.wait()

    return gather


def kernel(x_len, index, r_pos):
    b, l, _ = index.shape
    table = jnp.reshape(r_pos, (r_pos.shape[1] * 8, _SEG))
    idx = jnp.reshape(index, (b * l,)).astype(jnp.int32)
    out = _make_gather(b * l)(table, idx)
    out = jnp.reshape(out, (b * l // 8, 8, 8, _SEG))
    out = jnp.transpose(out, (0, 2, 1, 3))
    return jnp.reshape(out, (b, l, _D))

# --- scband reference (transcript-rebuilt; emitter-appended) ---
"""Pipeline reference for scband-positional-encoding-46548855554241 (READ-ONLY COPY).

The authoritative reference and input builder live on the scoring server;
editing this copy changes nothing except your own understanding.
"""

import jax, jax.numpy as jnp
import numpy as np
import math

D_MODEL = 1024
MAX_LEN = 4097

def _build_pe():
    position = np.arange(MAX_LEN, dtype=np.float32)[:, None]
    div_term = np.exp(np.arange(0, D_MODEL, 2, dtype=np.float32) * (-math.log(10000.0) / D_MODEL))
    pe = np.zeros((MAX_LEN, D_MODEL), dtype=np.float32)
    pe[:, 0::2] = np.sin(position * div_term)
    pe[:, 1::2] = np.cos(position * div_term)
    return jnp.asarray(pe)[None, :, :]  # [1, max_len, d_model]

def setup_inputs(seed: int = 0) -> dict:
    key = jax.random.key(seed)
    index = jax.random.randint(key, (4, 4096, 1), 0, MAX_LEN, dtype=jnp.int64 if jax.config.jax_enable_x64 else jnp.int32)
    return {"x_len": 4096, "index": index, "r_pos": _build_pe()}

def reference(x_len, index, r_pos):
    # Faithful translation: index is not None branch
    # return self.r_pos.squeeze(0)[index[..., 0]]
    table = jnp.squeeze(r_pos, axis=0)           # [max_len, d_model]
    return jnp.take(table, index[..., 0], axis=0)  # [B, L, d_model]

if __name__ == "__main__":
    import jax
    _d = setup_inputs()
    print(jax.jit(kernel)(*tuple(_d.values())))

</pallas_src>

<mosaic_0001>
#map = affine_map<(d0, d1) -> (0, 0)>
#map1 = affine_map<(d0, d1) -> (0)>
module attributes {stable_mosaic.version = 14 : i64} {
  func.func @gather(%arg0: i32, %arg1: i32, %arg2: memref<32776x128xf32, #tpu.memory_space<hbm>>, %arg3: memref<16384xi32, #tpu.memory_space<hbm>>, %arg4: memref<131072x128xf32, #tpu.memory_space<hbm>>, %arg5: memref<512xi32, #tpu.memory_space<vmem>>, %arg6: memref<128x128xf32, #tpu.memory_space<vmem>>, %arg7: memref<128x128xf32, #tpu.memory_space<vmem>>, %arg8: memref<128x128xf32, #tpu.memory_space<vmem>>, %arg9: memref<128x128xf32, #tpu.memory_space<vmem>>, %arg10: memref<128x128xf32, #tpu.memory_space<vmem>>, %arg11: memref<128x128xf32, #tpu.memory_space<vmem>>, %arg12: memref<128xi32, #tpu.memory_space<vmem>>, %arg13: memref<128xi32, #tpu.memory_space<vmem>>, %arg14: memref<128xi32, #tpu.memory_space<vmem>>, %arg15: memref<128xi32, #tpu.memory_space<vmem>>, %arg16: memref<128xi32, #tpu.memory_space<vmem>>, %arg17: memref<128xi32, #tpu.memory_space<vmem>>, %arg18: memref<32xi32, #tpu.memory_space<vmem>>, %arg19: memref<!tpu.dma_semaphore, #tpu.memory_space<semaphore_mem>>, %arg20: memref<!tpu.dma_semaphore, #tpu.memory_space<semaphore_mem>>, %arg21: memref<!tpu.dma_semaphore, #tpu.memory_space<semaphore_mem>>, %arg22: memref<!tpu.dma_semaphore, #tpu.memory_space<semaphore_mem>>, %arg23: memref<!tpu.dma_semaphore, #tpu.memory_space<semaphore_mem>>, %arg24: memref<!tpu.dma_semaphore, #tpu.memory_space<semaphore_mem>>, %arg25: memref<!tpu.dma_semaphore, #tpu.memory_space<semaphore_mem>>, %arg26: memref<!tpu.dma_semaphore, #tpu.memory_space<semaphore_mem>>, %arg27: memref<!tpu.dma_semaphore, #tpu.memory_space<semaphore_mem>>, %arg28: memref<!tpu.dma_semaphore, #tpu.memory_space<semaphore_mem>>, %arg29: memref<!tpu.dma_semaphore, #tpu.memory_space<semaphore_mem>>, %arg30: memref<!tpu.dma_semaphore, #tpu.memory_space<semaphore_mem>>) attributes {dimension_semantics = [#tpu.dimension_semantics<core_parallel>, #tpu.dimension_semantics<subcore_parallel>], iteration_bounds = array<i64: 2, 16>, scalar_prefetch = 0 : i64, scratch_operands = 26 : i64, tpu.core_type = #tpu.core_type<sc_vector_subcore>, window_params = [{transform_indices = #map}, {transform_indices = #map1}, {transform_indices = #map}]} {
    %mul3A = arith.constant 2 : i32
    %mul3A_0 = arith.muli %arg1, %mul3A : i32
    %add3A = arith.addi %mul3A_0, %arg0 : i32
    %mul3A_1 = arith.constant 512 : i32
    %mul3A_2 = arith.muli %add3A, %mul3A_1 : i32
    "tpu.region"() ({
      %run_scoped3A = tpu.sem_alloc : memref<!tpu.dma_semaphore, #tpu.memory_space<semaphore_mem>>
      %dma_start3A_5086 = tpu.memref_slice %arg3[%mul3A_2] : memref<16384xi32, #tpu.memory_space<hbm>> -> memref<512xi32, #tpu.memory_space<hbm>>
      %dma_start3A_5087 = tpu.memref_slice %arg3[%mul3A_2] : memref<16384xi32, #tpu.memory_space<hbm>> -> memref<512xi32, #tpu.memory_space<hbm>>
      tpu.enqueue_dma source(%dma_start3A_5087 : memref<512xi32, #tpu.memory_space<hbm>>) target(%arg5 : memref<512xi32, #tpu.memory_space<vmem>>) target_semaphore(%run_scoped3A : memref<!tpu.dma_semaphore, #tpu.memory_space<semaphore_mem>>)
      %dma_wait3A_5088 = tpu.memref_slice %arg3[%mul3A_2] : memref<16384xi32, #tpu.memory_space<hbm>> -> memref<512xi32, #tpu.memory_space<hbm>>
      %dma_wait3A_5089 = tpu.memref_slice %arg3[%mul3A_2] : memref<16384xi32, #tpu.memory_space<hbm>> -> memref<512xi32, #tpu.memory_space<hbm>>
      tpu.wait_dma2 semaphore(%run_scoped3A : memref<!tpu.dma_semaphore, #tpu.memory_space<semaphore_mem>>) src(%dma_wait3A_5089 : memref<512xi32, #tpu.memory_space<hbm>>) dst(%arg5 : memref<512xi32, #tpu.memory_space<vmem>>)
      tpu.yield
    }) : () -> ()
    %iota3A = tpu.iota {dimensions = array<i32: 0>} : vector<16xi32>
    %lt3A = arith.constant 8 : i32
    %lt3A_3 = vector.broadcast %lt3A : i32 to vector<16xi32>
    %lt3A_4 = arith.cmpi slt, %iota3A, %lt3A_3 : vector<16xi32>
    %get3A = arith.constant 0 : index
    %get3A_5 = tpu.vector_load %arg5[%get3A] {strides = array<i32>} : memref<512xi32, #tpu.memory_space<vmem>>, vector<16xi32>,
    %get3A_6 = vector.shape_cast %get3A_5 : vector<16xi32> to vector<16xi32>
    %mul3A_7 = arith.constant 8 : i32
    %mul3A_8 = vector.broadcast %mul3A_7 : i32 to vector<16xi32>
    %mul3A_9 = arith.muli %get3A_6, %mul3A_8 : vector<16xi32>
    %swap3A = arith.constant 0 : index
    %swap3A_10 = tpu.vector_load %arg18[%swap3A] {strides = array<i32>} : memref<32xi32, #tpu.memory_space<vmem>>, vector<16xi32>,
    %swap3A_11 = vector.shape_cast %swap3A_10 : vector<16xi32> to vector<16xi32>
    %swap3A_12 = vector.shape_cast %mul3A_9 : vector<16xi32> to vector<16xi32>
    tpu.vector_store %arg18[%swap3A], %swap3A_12 {strides = array<i32>} : memref<32xi32, #tpu.memory_space<vmem>>, vector<16xi32>,
    %swap3A_13 = arith.constant 16 : index
    %swap3A_14 = tpu.vector_load %arg18[%swap3A_13] {strides = array<i32>} : memref<32xi32, #tpu.memory_space<vmem>>, vector<16xi32>,
    %swap3A_15 = vector.shape_cast %swap3A_14 : vector<16xi32> to vector<16xi32>
    %swap3A_16 = vector.shape_cast %mul3A_9 : vector<16xi32> to vector<16xi32>
    tpu.vector_store %arg18[%swap3A_13], %swap3A_16 {strides = array<i32>} : memref<32xi32, #tpu.memory_space<vmem>>, vector<16xi32>,
    %get3A_17 = arith.constant 8 : index
    %get3A_18 = tpu.vector_load %arg18[%get3A_17] {strides = array<i32>} : memref<32xi32, #tpu.memory_space<vmem>>, vector<16xi32>,
    %get3A_19 = vector.shape_cast %get3A_18 : vector<16xi32> to vector<16xi32>
    %select_n3A = arith.select %lt3A_4, %mul3A_9, %get3A_19 : vector<16xi1>, vector<16xi32>
    %select_n3A_20 = arith.select %lt3A_4, %get3A_19, %mul3A_9 : vector<16xi1>, vector<16xi32>
    %shift_right_arithmetic3A = arith.constant 3 : i32
    %shift_right_arithmetic3A_21 = vector.broadcast %shift_right_arithmetic3A : i32 to vector<16xi32>
    %shift_right_arithmetic3A_22 = arith.shrsi %iota3A, %shift_right_arithmetic3A_21 : vector<16xi32>
    %add3A_23 = arith.constant 0 : i32
    %add3A_24 = vector.broadcast %add3A_23 : i32 to vector<16xi32>
    %add3A_25 = arith.addi %add3A_24, %shift_right_arithmetic3A_22 : vector<16xi32>
    %and3A = arith.constant 7 : i32
    %and3A_26 = vector.broadcast %and3A : i32 to vector<16xi32>
    %and3A_27 = arith.andi %add3A_25, %and3A_26 : vector<16xi32>
    %add3A_28 = arith.addi %select_n3A, %and3A_27 : vector<16xi32>
    %swap3A_29 = arith.constant 0 : index
    %swap3A_30 = tpu.vector_load %arg12[%swap3A_29] {strides = array<i32>} : memref<128xi32, #tpu.memory_space<vmem>>, vector<16xi32>,
    %swap3A_31 = vector.shape_cast %swap3A_30 : vector<16xi32> to vector<16xi32>
    %swap3A_32 = vector.shape_cast %add3A_28 : vector<16xi32> to vector<16xi32>
    tpu.vector_store %arg12[%swap3A_29], %swap3A_32 {strides = array<i32>} : memref<128xi32, #tpu.memory_space<vmem>>, vector<16xi32>,
    %shift_right_arithmetic3A_33 = arith.constant 3 : i32
    %shift_right_arithmetic3A_34 = vector.broadcast %shift_right_arithmetic3A_33 : i32 to vector<16xi32>
    %shift_right_arithmetic3A_35 = arith.shrsi %iota3A, %shift_right_arithmetic3A_34 : vector<16xi32>
    %add3A_36 = arith.constant 2 : i32
    %add3A_37 = vector.broadcast %add3A_36 : i32 to vector<16xi32>
    %add3A_38 = arith.addi %add3A_37, %shift_right_arithmetic3A_35 : vector<16xi32>
    %and3A_39 = arith.constant 7 : i32
    %and3A_40 = vector.broadcast %and3A_39 : i32 to vector<16xi32>
    %and3A_41 = arith.andi %add3A_38, %and3A_40 : vector<16xi32>
    %add3A_42 = arith.addi %select_n3A, %and3A_41 : vector<16xi32>
    %swap3A_43 = arith.constant 16 : index
    %swap3A_44 = tpu.vector_load %arg12[%swap3A_43] {strides = array<i32>} : memref<128xi32, #tpu.memory_space<vmem>>, vector<16xi32>,
    %swap3A_45 = vector.shape_cast %swap3A_44 : vector<16xi32> to vector<16xi32>
    %swap3A_46 = vector.shape_cast %add3A_42 : vector<16xi32> to vector<16xi32>
    tpu.vector_store %arg12[%swap3A_43], %swap3A_46 {strides = array<i32>} : memref<128xi32, #tpu.memory_space<vmem>>, vector<16xi32>,
    %shift_right_arithmetic3A_47 = arith.constant 3 : i32
    %shift_right_arithmetic3A_48 = vector.broadcast %shift_right_arithmetic3A_47 : i32 to vector<16xi32>
    %shift_right_arithmetic3A_49 = arith.shrsi %iota3A, %shift_right_arithmetic3A_48 : vector<16xi32>
    %add3A_50 = arith.constant 4 : i32
    %add3A_51 = vector.broadcast %add3A_50 : i32 to vector<16xi32>
    %add3A_52 = arith.addi %add3A_51, %shift_right_arithmetic3A_49 : vector<16xi32>
    %and3A_53 = arith.constant 7 : i32
    %and3A_54 = vector.broadcast %and3A_53 : i32 to vector<16xi32>
    %and3A_55 = arith.andi %add3A_52, %and3A_54 : vector<16xi32>
    %add3A_56 = arith.addi %select_n3A, %and3A_55 : vector<16xi32>
    %swap3A_57 = arith.constant 32 : index
    %swap3A_58 = tpu.vector_load %arg12[%swap3A_57] {strides = array<i32>} : memref<128xi32, #tpu.memory_space<vmem>>, vector<16xi32>,
    %swap3A_59 = vector.shape_cast %swap3A_58 : vector<16xi32> to vector<16xi32>
    %swap3A_60 = vector.shape_cast %add3A_56 : vector<16xi32> to vector<16xi32>
    tpu.vector_store %arg12[%swap3A_57], %swap3A_60 {strides = array<i32>} : memref<128xi32, #tpu.memory_space<vmem>>, vector<16xi32>,
    %shift_right_arithmetic3A_61 = arith.constant 3 : i32
    %shift_right_arithmetic3A_62 = vector.broadcast %shift_right_arithmetic3A_61 : i32 to vector<16xi32>
    %shift_right_arithmetic3A_63 = arith.shrsi %iota3A, %shift_right_arithmetic3A_62 : vector<16xi32>
    %add3A_64 = arith.constant 6 : i32
    %add3A_65 = vector.broadcast %add3A_64 : i32 to vector<16xi32>
    %add3A_66 = arith.addi %add3A_65, %shift_right_arithmetic3A_63 : vector<16xi32>
    %and3A_67 = arith.constant 7 : i32
    %and3A_68 = vector.broadcast %and3A_67 : i32 to vector<16xi32>
    %and3A_69 = arith.andi %add3A_66, %and3A_68 : vector<16xi32>
    %add3A_70 = arith.addi %select_n3A, %and3A_69 : vector<16xi32>
    %swap3A_71 = arith.constant 48 : index
    %swap3A_72 = tpu.vector_load %arg12[%swap3A_71] {strides = array<i32>} : memref<128xi32, #tpu.memory_space<vmem>>, vector<16xi32>,
    %swap3A_73 = vector.shape_cast %swap3A_72 : vector<16xi32> to vector<16xi32>
    %swap3A_74 = vector.shape_cast %add3A_70 : vector<16xi32> to vector<16xi32>
    tpu.vector_store %arg12[%swap3A_71], %swap3A_74 {strides = array<i32>} : memref<128xi32, #tpu.memory_space<vmem>>, vector<16xi32>,
    %shift_right_arithmetic3A_75 = arith.constant 3 : i32
    %shift_right_arithmetic3A_76 = vector.broadcast %shift_right_arithmetic3A_75 : i32 to vector<16xi32>
    %shift_right_arithmetic3A_77 = arith.shrsi %iota3A, %shift_right_arithmetic3A_76 : vector<16xi32>
    %add3A_78 = arith.constant 8 : i32
    %add3A_79 = vector.broadcast %add3A_78 : i32 to vector<16xi32>
    %add3A_80 = arith.addi %add3A_79, %shift_right_arithmetic3A_77 : vector<16xi32>
    %and3A_81 = arith.constant 7 : i32
    %and3A_82 = vector.broadcast %and3A_81 : i32 to vector<16xi32>
    %and3A_83 = arith.andi %add3A_80, %and3A_82 : vector<16xi32>
    %add3A_84 = arith.addi %select_n3A_20, %and3A_83 : vector<16xi32>
    %swap3A_85 = arith.constant 64 : index
    %swap3A_86 = tpu.vector_load %arg12[%swap3A_85] {strides = array<i32>} : memref<128xi32, #tpu.memory_space<vmem>>, vector<16xi32>,
    %swap3A_87 = vector.shape_cast %swap3A_86 : vector<16xi32> to vector<16xi32>
    %swap3A_88 = vector.shape_cast %add3A_84 : vector<16xi32> to vector<16xi32>
    tpu.vector_store %arg12[%swap3A_85], %swap3A_88 {strides = array<i32>} : memref<128xi32, #tpu.memory_space<vmem>>, vector<16xi32>,
    %shift_right_arithmetic3A_89 = arith.constant 3 : i32
    %shift_right_arithmetic3A_90 = vector.broadcast %shift_right_arithmetic3A_89 : i32 to vector<16xi32>
    %shift_right_arithmetic3A_91 = arith.shrsi %iota3A, %shift_right_arithmetic3A_90 : vector<16xi32>
    %add3A_92 = arith.constant 10 : i32
    %add3A_93 = vector.broadcast %add3A_92 : i32 to vector<16xi32>
    %add3A_94 = arith.addi %add3A_93, %shift_right_arithmetic3A_91 : vector<16xi32>
    %and3A_95 = arith.constant 7 : i32
    %and3A_96 = vector.broadcast %and3A_95 : i32 to vector<16xi32>
    %and3A_97 = arith.andi %add3A_94, %and3A_96 : vector<16xi32>
    %add3A_98 = arith.addi %select_n3A_20, %and3A_97 : vector<16xi32>
    %swap3A_99 = arith.constant 80 : index
    %swap3A_100 = tpu.vector_load %arg12[%swap3A_99] {strides = array<i32>} : memref<128xi32, #tpu.memory_space<vmem>>, vector<16xi32>,
    %swap3A_101 = vector.shape_cast %swap3A_100 : vector<16xi32> to vector<16xi32>
    %swap3A_102 = vector.shape_cast %add3A_98 : vector<16xi32> to vector<16xi32>
    tpu.vector_store %arg12[%swap3A_99], %swap3A_102 {strides = array<i32>} : memref<128xi32, #tpu.memory_space<vmem>>, vector<16xi32>,
    %shift_right_arithmetic3A_103 = arith.constant 3 : i32
    %shift_right_arithmetic3A_104 = vector.broadcast %shift_right_arithmetic3A_103 : i32 to vector<16xi32>
    %shift_right_arithmetic3A_105 = arith.shrsi %iota3A, %shift_right_arithmetic3A_104 : vector<16xi32>
    %add3A_106 = arith.constant 12 : i32
    %add3A_107 = vector.broadcast %add3A_106 : i32 to vector<16xi32>
    %add3A_108 = arith.addi %add3A_107, %shift_right_arithmetic3A_105 : vector<16xi32>
    %and3A_109 = arith.constant 7 : i32
    %and3A_110 = vector.broadcast %and3A_109 : i32 to vector<16xi32>
    %and3A_111 = arith.andi %add3A_108, %and3A_110 : vector<16xi32>
    %add3A_112 = arith.addi %select_n3A_20, %and3A_111 : vector<16xi32>
    %swap3A_113 = arith.constant 96 : index
    %swap3A_114 = tpu.vector_load %arg12[%swap3A_113] {strides = array<i32>} : memref<128xi32, #tpu.memory_space<vmem>>, vector<16xi32>,
    %swap3A_115 = vector.shape_cast %swap3A_114 : vector<16xi32> to vector<16xi32>
    %swap3A_116 = vector.shape_cast %add3A_112 : vector<16xi32> to vector<16xi32>
    tpu.vector_store %arg12[%swap3A_113], %swap3A_116 {strides = array<i32>} : memref<128xi32, #tpu.memory_space<vmem>>, vector<16xi32>,
    %shift_right_arithmetic3A_117 = arith.constant 3 : i32
    %shift_right_arithmetic3A_118 = vector.broadcast %shift_right_arithmetic3A_117 : i32 to vector<16xi32>
    %shift_right_arithmetic3A_119 = arith.shrsi %iota3A, %shift_right_arithmetic3A_118 : vector<16xi32>
    %add3A_120 = arith.constant 14 : i32
    %add3A_121 = vector.broadcast %add3A_120 : i32 to vector<16xi32>
    %add3A_122 = arith.addi %add3A_121, %shift_right_arithmetic3A_119 : vector<16xi32>
    %and3A_123 = arith.constant 7 : i32
    %and3A_124 = vector.broadcast %and3A_123 : i32 to vector<16xi32>
    %and3A_125 = arith.andi %add3A_122, %and3A_124 : vector<16xi32>
    %add3A_126 = arith.addi %select_n3A_20, %and3A_125 : vector<16xi32>
    %swap3A_127 = arith.constant 112 : index
    %swap3A_128 = tpu.vector_load %arg12[%swap3A_127] {strides = array<i32>} : memref<128xi32, #tpu.memory_space<vmem>>, vector<16xi32>,
    %swap3A_129 = vector.shape_cast %swap3A_128 : vector<16xi32> to vector<16xi32>
    %swap3A_130 = vector.shape_cast %add3A_126 : vector<16xi32> to vector<16xi32>
    tpu.vector_store %arg12[%swap3A_127], %swap3A_130 {strides = array<i32>} : memref<128xi32, #tpu.memory_space<vmem>>, vector<16xi32>,
    %dma_start3A = arith.constant 0 : i32
    %dma_start3A_131 = arith.constant 0 : i32
    %dma_start3A_132 = tpu.memref_slice %arg6[%dma_start3A, %dma_start3A_131] : memref<128x128xf32, #tpu.memory_space<vmem>> -> memref<128x128xf32, #tpu.memory_space<vmem>>
    %dma_start3A_133 = arith.constant 0 : i32
    %dma_start3A_134 = tpu.memref_slice %arg12[%dma_start3A_133] : memref<128xi32, #tpu.memory_space<vmem>> -> memref<128xi32, #tpu.memory_space<vmem>>
    %dma_start3A_135 = arith.constant 0 : i32
    %dma_start3A_136 = arith.constant 0 : i32
    %dma_start3A_137 = tpu.memref_slice %arg2[%dma_start3A_135, %dma_start3A_136] : memref<32776x128xf32, #tpu.memory_space<hbm>> -> memref<32776x128xf32, #tpu.memory_space<hbm>>
    tpu.enqueue_indirect_dma source(%dma_start3A_137 : memref<32776x128xf32, #tpu.memory_space<hbm>>) target(%dma_start3A_132 : memref<128x128xf32, #tpu.memory_space<vmem>>) offsets(%dma_start3A_134 : memref<128xi32, #tpu.memory_space<vmem>>) semaphore(%arg19 : memref<!tpu.dma_semaphore, #tpu.memory_space<semaphore_mem>>)
    %get3A_138 = arith.constant 16 : index
    %get3A_139 = tpu.vector_load %arg5[%get3A_138] {strides = array<i32>} : memref<512xi32, #tpu.memory_space<vmem>>, vector<16xi32>,
    %get3A_140 = vector.shape_cast %get3A_139 : vector<16xi32> to vector<16xi32>
    %mul3A_141 = arith.constant 8 : i32
    %mul3A_142 = vector.broadcast %mul3A_141 : i32 to vector<16xi32>
    %mul3A_143 = arith.muli %get3A_140, %mul3A_142 : vector<16xi32>
    %swap3A_144 = arith.constant 0 : index
    %swap3A_145 = tpu.vector_load %arg18[%swap3A_144] {strides = array<i32>} : memref<32xi32, #tpu.memory_space<vmem>>, vector<16xi32>,
    %swap3A_146 = vector.shape_cast %swap3A_145 : vector<16xi32> to vector<16xi32>
    %swap3A_147 = vector.shape_cast %mul3A_143 : vector<16xi32> to vector<16xi32>
    tpu.vector_store %arg18[%swap3A_144], %swap3A_147 {strides = array<i32>} : memref<32xi32, #tpu.memory_space<vmem>>, vector<16xi32>,
    %swap3A_148 = arith.constant 16 : index
    %swap3A_149 = tpu.vector_load %arg18[%swap3A_148] {strides = array<i32>} : memref<32xi32, #tpu.memory_space<vmem>>, vector<16xi32>,
    %swap3A_150 = vector.shape_cast %swap3A_149 : vector<16xi32> to vector<16xi32>
    %swap3A_151 = vector.shape_cast %mul3A_143 : vector<16xi32> to vector<16xi32>
    tpu.vector_store %arg18[%swap3A_148], %swap3A_151 {strides = array<i32>} : memref<32xi32, #tpu.memory_space<vmem>>, vector<16xi32>,
    %get3A_152 = arith.constant 8 : index
    %get3A_153 = tpu.vector_load %arg18[%get3A_152] {strides = array<i32>} : memref<32xi32, #tpu.memory_space<vmem>>, vector<16xi32>,
    %get3A_154 = vector.shape_cast %get3A_153 : vector<16xi32> to vector<16xi32>
    %select_n3A_155 = arith.select %lt3A_4, %mul3A_143, %get3A_154 : vector<16xi1>, vector<16xi32>
    %select_n3A_156 = arith.select %lt3A_4, %get3A_154, %mul3A_143 : vector<16xi1>, vector<16xi32>
    %shift_right_arithmetic3A_157 = arith.constant 3 : i32
    %shift_right_arithmetic3A_158 = vector.broadcast %shift_right_arithmetic3A_157 : i32 to vector<16xi32>
    %shift_right_arithmetic3A_159 = arith.shrsi %iota3A, %shift_right_arithmetic3A_158 : vector<16xi32>
    %add3A_160 = arith.constant 0 : i32
    %add3A_161 = vector.broadcast %add3A_160 : i32 to vector<16xi32>
    %add3A_162 = arith.addi %add3A_161, %shift_right_arithmetic3A_159 : vector<16xi32>
    %and3A_163 = arith.constant 7 : i32
    %and3A_164 = vector.broadcast %and3A_163 : i32 to vector<16xi32>
    %and3A_165 = arith.andi %add3A_162, %and3A_164 : vector<16xi32>
    %add3A_166 = arith.addi %select_n3A_155, %and3A_165 : vector<16xi32>
    %swap3A_167 = arith.constant 0 : index
    %swap3A_168 = tpu.vector_load %arg13[%swap3A_167] {strides = array<i32>} : memref<128xi32, #tpu.memory_space<vmem>>, vector<16xi32>,
    %swap3A_169 = vector.shape_cast %swap3A_168 : vector<16xi32> to vector<16xi32>
    %swap3A_170 = vector.shape_cast %add3A_166 : vector<16xi32> to vector<16xi32>
    tpu.vector_store %arg13[%swap3A_167], %swap3A_170 {strides = array<i32>} : memref<128xi32, #tpu.memory_space<vmem>>, vector<16xi32>,
    %shift_right_arithmetic3A_171 = arith.constant 3 : i32
    %shift_right_arithmetic3A_172 = vector.broadcast %shift_right_arithmetic3A_171 : i32 to vector<16xi32>
    %shift_right_arithmetic3A_173 = arith.shrsi %iota3A, %shift_right_arithmetic3A_172 : vector<16xi32>
    %add3A_174 = arith.constant 2 : i32
    %add3A_175 = vector.broadcast %add3A_174 : i32 to vector<16xi32>
    %add3A_176 = arith.addi %add3A_175, %shift_right_arithmetic3A_173 : vector<16xi32>
    %and3A_177 = arith.constant 7 : i32
    %and3A_178 = vector.broadcast %and3A_177 : i32 to vector<16xi32>
    %and3A_179 = arith.andi %add3A_176, %and3A_178 : vector<16xi32>
    %add3A_180 = arith.addi %select_n3A_155, %and3A_179 : vector<16xi32>
    %swap3A_181 = arith.constant 16 : index
    %swap3A_182 = tpu.vector_load %arg13[%swap3A_181] {strides = array<i32>} : memref<128xi32, #tpu.memory_space<vmem>>, vector<16xi32>,
    %swap3A_183 = vector.shape_cast %swap3A_182 : vector<16xi32> to vector<16xi32>
    %swap3A_184 = vector.shape_cast %add3A_180 : vector<16xi32> to vector<16xi32>
    tpu.vector_store %arg13[%swap3A_181], %swap3A_184 {strides = array<i32>} : memref<128xi32, #tpu.memory_space<vmem>>, vector<16xi32>,
    %shift_right_arithmetic3A_185 = arith.constant 3 : i32
    %shift_right_arithmetic3A_186 = vector.broadcast %shift_right_arithmetic3A_185 : i32 to vector<16xi32>
    %shift_right_arithmetic3A_187 = arith.shrsi %iota3A, %shift_right_arithmetic3A_186 : vector<16xi32>
    %add3A_188 = arith.constant 4 : i32
    %add3A_189 = vector.broadcast %add3A_188 : i32 to vector<16xi32>
    %add3A_190 = arith.addi %add3A_189, %shift_right_arithmetic3A_187 : vector<16xi32>
    %and3A_191 = arith.constant 7 : i32
    %and3A_192 = vector.broadcast %and3A_191 : i32 to vector<16xi32>
    %and3A_193 = arith.andi %add3A_190, %and3A_192 : vector<16xi32>
    %add3A_194 = arith.addi %select_n3A_155, %and3A_193 : vector<16xi32>
    %swap3A_195 = arith.constant 32 : index
    %swap3A_196 = tpu.vector_load %arg13[%swap3A_195] {strides = array<i32>} : memref<128xi32, #tpu.memory_space<vmem>>, vector<16xi32>,
    %swap3A_197 = vector.shape_cast %swap3A_196 : vector<16xi32> to vector<16xi32>
    %swap3A_198 = vector.shape_cast %add3A_194 : vector<16xi32> to vector<16xi32>
    tpu.vector_store %arg13[%swap3A_195], %swap3A_198 {strides = array<i32>} : memref<128xi32, #tpu.memory_space<vmem>>, vector<16xi32>,
    %shift_right_arithmetic3A_199 = arith.constant 3 : i32
    %shift_right_arithmetic3A_200 = vector.broadcast %shift_right_arithmetic3A_199 : i32 to vector<16xi32>
    %shift_right_arithmetic3A_201 = arith.shrsi %iota3A, %shift_right_arithmetic3A_200 : vector<16xi32>
    %add3A_202 = arith.constant 6 : i32
    %add3A_203 = vector.broadcast %add3A_202 : i32 to vector<16xi32>
    %add3A_204 = arith.addi %add3A_203, %shift_right_arithmetic3A_201 : vector<16xi32>
    %and3A_205 = arith.constant 7 : i32
    %and3A_206 = vector.broadcast %and3A_205 : i32 to vector<16xi32>
    %and3A_207 = arith.andi %add3A_204, %and3A_206 : vector<16xi32>
    %add3A_208 = arith.addi %select_n3A_155, %and3A_207 : vector<16xi32>
    %swap3A_209 = arith.constant 48 : index
    %swap3A_210 = tpu.vector_load %arg13[%swap3A_209] {strides = array<i32>} : memref<128xi32, #tpu.memory_space<vmem>>, vector<16xi32>,
    %swap3A_211 = vector.shape_cast %swap3A_210 : vector<16xi32> to vector<16xi32>
    %swap3A_212 = vector.shape_cast %add3A_208 : vector<16xi32> to vector<16xi32>
    tpu.vector_store %arg13[%swap3A_209], %swap3A_212 {strides = array<i32>} : memref<128xi32, #tpu.memory_space<vmem>>, vector<16xi32>,
    %shift_right_arithmetic3A_213 = arith.constant 3 : i32
    %shift_right_arithmetic3A_214 = vector.broadcast %shift_right_arithmetic3A_213 : i32 to vector<16xi32>
    %shift_right_arithmetic3A_215 = arith.shrsi %iota3A, %shift_right_arithmetic3A_214 : vector<16xi32>
    %add3A_216 = arith.constant 8 : i32
    %add3A_217 = vector.broadcast %add3A_216 : i32 to vector<16xi32>
    %add3A_218 = arith.addi %add3A_217, %shift_right_arithmetic3A_215 : vector<16xi32>
    %and3A_219 = arith.constant 7 : i32
    %and3A_220 = vector.broadcast %and3A_219 : i32 to vector<16xi32>
    %and3A_221 = arith.andi %add3A_218, %and3A_220 : vector<16xi32>
    %add3A_222 = arith.addi %select_n3A_156, %and3A_221 : vector<16xi32>
    %swap3A_223 = arith.constant 64 : index
    %swap3A_224 = tpu.vector_load %arg13[%swap3A_223] {strides = array<i32>} : memref<128xi32, #tpu.memory_space<vmem>>, vector<16xi32>,
    %swap3A_225 = vector.shape_cast %swap3A_224 : vector<16xi32> to vector<16xi32>
    %swap3A_226 = vector.shape_cast %add3A_222 : vector<16xi32> to vector<16xi32>
    tpu.vector_store %arg13[%swap3A_223], %swap3A_226 {strides = array<i32>} : memref<128xi32, #tpu.memory_space<vmem>>, vector<16xi32>,
    %shift_right_arithmetic3A_227 = arith.constant 3 : i32
    %shift_right_arithmetic3A_228 = vector.broadcast %shift_right_arithmetic3A_227 : i32 to vector<16xi32>
    %shift_right_arithmetic3A_229 = arith.shrsi %iota3A, %shift_right_arithmetic3A_228 : vector<16xi32>
    %add3A_230 = arith.constant 10 : i32
    %add3A_231 = vector.broadcast %add3A_230 : i32 to vector<16xi32>
    %add3A_232 = arith.addi %add3A_231, %shift_right_arithmetic3A_229 : vector<16xi32>
    %and3A_233 = arith.constant 7 : i32
    %and3A_234 = vector.broadcast %and3A_233 : i32 to vector<16xi32>
    %and3A_235 = arith.andi %add3A_232, %and3A_234 : vector<16xi32>
    %add3A_236 = arith.addi %select_n3A_156, %and3A_235 : vector<16xi32>
    %swap3A_237 = arith.constant 80 : index
    %swap3A_238 = tpu.vector_load %arg13[%swap3A_237] {strides = array<i32>} : memref<128xi32, #tpu.memory_space<vmem>>, vector<16xi32>,
    %swap3A_239 = vector.shape_cast %swap3A_238 : vector<16xi32> to vector<16xi32>
    %swap3A_240 = vector.shape_cast %add3A_236 : vector<16xi32> to vector<16xi32>
    tpu.vector_store %arg13[%swap3A_237], %swap3A_240 {strides = array<i32>} : memref<128xi32, #tpu.memory_space<vmem>>, vector<16xi32>,
    %shift_right_arithmetic3A_241 = arith.constant 3 : i32
    %shift_right_arithmetic3A_242 = vector.broadcast %shift_right_arithmetic3A_241 : i32 to vector<16xi32>
    %shift_right_arithmetic3A_243 = arith.shrsi %iota3A, %shift_right_arithmetic3A_242 : vector<16xi32>
    %add3A_244 = arith.constant 12 : i32
    %add3A_245 = vector.broadcast %add3A_244 : i32 to vector<16xi32>
    %add3A_246 = arith.addi %add3A_245, %shift_right_arithmetic3A_243 : vector<16xi32>
    %and3A_247 = arith.constant 7 : i32
    %and3A_248 = vector.broadcast %and3A_247 : i32 to vector<16xi32>
    %and3A_249 = arith.andi %add3A_246, %and3A_248 : vector<16xi32>
    %add3A_250 = arith.addi %select_n3A_156, %and3A_249 : vector<16xi32>
    %swap3A_251 = arith.constant 96 : index
    %swap3A_252 = tpu.vector_load %arg13[%swap3A_251] {strides = array<i32>} : memref<128xi32, #tpu.memory_space<vmem>>, vector<16xi32>,
    %swap3A_253 = vector.shape_cast %swap3A_252 : vector<16xi32> to vector<16xi32>
    %swap3A_254 = vector.shape_cast %add3A_250 : vector<16xi32> to vector<16xi32>
    tpu.vector_store %arg13[%swap3A_251], %swap3A_254 {strides = array<i32>} : memref<128xi32, #tpu.memory_space<vmem>>, vector<16xi32>,
    %shift_right_arithmetic3A_255 = arith.constant 3 : i32
    %shift_right_arithmetic3A_256 = vector.broadcast %shift_right_arithmetic3A_255 : i32 to vector<16xi32>
    %shift_right_arithmetic3A_257 = arith.shrsi %iota3A, %shift_right_arithmetic3A_256 : vector<16xi32>
    %add3A_258 = arith.constant 14 : i32
    %add3A_259 = vector.broadcast %add3A_258 : i32 to vector<16xi32>
    %add3A_260 = arith.addi %add3A_259, %shift_right_arithmetic3A_257 : vector<16xi32>
    %and3A_261 = arith.constant 7 : i32
    %and3A_262 = vector.broadcast %and3A_261 : i32 to vector<16xi32>
    %and3A_263 = arith.andi %add3A_260, %and3A_262 : vector<16xi32>
    %add3A_264 = arith.addi %select_n3A_156, %and3A_263 : vector<16xi32>
    %swap3A_265 = arith.constant 112 : index
    %swap3A_266 = tpu.vector_load %arg13[%swap3A_265] {strides = array<i32>} : memref<128xi32, #tpu.memory_space<vmem>>, vector<16xi32>,
    %swap3A_267 = vector.shape_cast %swap3A_266 : vector<16xi32> to vector<16xi32>
    %swap3A_268 = vector.shape_cast %add3A_264 : vector<16xi32> to vector<16xi32>
    tpu.vector_store %arg13[%swap3A_265], %swap3A_268 {strides = array<i32>} : memref<128xi32, #tpu.memory_space<vmem>>, vector<16xi32>,
    %dma_start3A_269 = arith.constant 0 : i32
    %dma_start3A_270 = arith.constant 0 : i32
    %dma_start3A_271 = tpu.memref_slice %arg7[%dma_start3A_269, %dma_start3A_270] : memref<128x128xf32, #tpu.memory_space<vmem>> -> memref<128x128xf32, #tpu.memory_space<vmem>>
    %dma_start3A_272 = arith.constant 0 : i32
    %dma_start3A_273 = tpu.memref_slice %arg13[%dma_start3A_272] : memref<128xi32, #tpu.memory_space<vmem>> -> memref<128xi32, #tpu.memory_space<vmem>>
    %dma_start3A_274 = arith.constant 0 : i32
    %dma_start3A_275 = arith.constant 0 : i32
    %dma_start3A_276 = tpu.memref_slice %arg2[%dma_start3A_274, %dma_start3A_275] : memref<32776x128xf32, #tpu.memory_space<hbm>> -> memref<32776x128xf32, #tpu.memory_space<hbm>>
    tpu.enqueue_indirect_dma source(%dma_start3A_276 : memref<32776x128xf32, #tpu.memory_space<hbm>>) target(%dma_start3A_271 : memref<128x128xf32, #tpu.memory_space<vmem>>) offsets(%dma_start3A_273 : memref<128xi32, #tpu.memory_space<vmem>>) semaphore(%arg20 : memref<!tpu.dma_semaphore, #tpu.memory_space<semaphore_mem>>)
    %get3A_277 = arith.constant 32 : index
    %get3A_278 = tpu.vector_load %arg5[%get3A_277] {strides = array<i32>} : memref<512xi32, #tpu.memory_space<vmem>>, vector<16xi32>,
    %get3A_279 = vector.shape_cast %get3A_278 : vector<16xi32> to vector<16xi32>
    %mul3A_280 = arith.constant 8 : i32
    %mul3A_281 = vector.broadcast %mul3A_280 : i32 to vector<16xi32>
    %mul3A_282 = arith.muli %get3A_279, %mul3A_281 : vector<16xi32>
    %swap3A_283 = arith.constant 0 : index
    %swap3A_284 = tpu.vector_load %arg18[%swap3A_283] {strides = array<i32>} : memref<32xi32, #tpu.memory_space<vmem>>, vector<16xi32>,
    %swap3A_285 = vector.shape_cast %swap3A_284 : vector<16xi32> to vector<16xi32>
    %swap3A_286 = vector.shape_cast %mul3A_282 : vector<16xi32> to vector<16xi32>
    tpu.vector_store %arg18[%swap3A_283], %swap3A_286 {strides = array<i32>} : memref<32xi32, #tpu.memory_space<vmem>>, vector<16xi32>,
    %swap3A_287 = arith.constant 16 : index
    %swap3A_288 = tpu.vector_load %arg18[%swap3A_287] {strides = array<i32>} : memref<32xi32, #tpu.memory_space<vmem>>, vector<16xi32>,
    %swap3A_289 = vector.shape_cast %swap3A_288 : vector<16xi32> to vector<16xi32>
    %swap3A_290 = vector.shape_cast %mul3A_282 : vector<16xi32> to vector<16xi32>
    tpu.vector_store %arg18[%swap3A_287], %swap3A_290 {strides = array<i32>} : memref<32xi32, #tpu.memory_space<vmem>>, vector<16xi32>,
    %get3A_291 = arith.constant 8 : index
    %get3A_292 = tpu.vector_load %arg18[%get3A_291] {strides = array<i32>} : memref<32xi32, #tpu.memory_space<vmem>>, vector<16xi32>,
    %get3A_293 = vector.shape_cast %get3A_292 : vector<16xi32> to vector<16xi32>
    %select_n3A_294 = arith.select %lt3A_4, %mul3A_282, %get3A_293 : vector<16xi1>, vector<16xi32>
    %select_n3A_295 = arith.select %lt3A_4, %get3A_293, %mul3A_282 : vector<16xi1>, vector<16xi32>
    %shift_right_arithmetic3A_296 = arith.constant 3 : i32
    %shift_right_arithmetic3A_297 = vector.broadcast %shift_right_arithmetic3A_296 : i32 to vector<16xi32>
    %shift_right_arithmetic3A_298 = arith.shrsi %iota3A, %shift_right_arithmetic3A_297 : vector<16xi32>
    %add3A_299 = arith.constant 0 : i32
    %add3A_300 = vector.broadcast %add3A_299 : i32 to vector<16xi32>
    %add3A_301 = arith.addi %add3A_300, %shift_right_arithmetic3A_298 : vector<16xi32>
    %and3A_302 = arith.constant 7 : i32
    %and3A_303 = vector.broadcast %and3A_302 : i32 to vector<16xi32>
    %and3A_304 = arith.andi %add3A_301, %and3A_303 : vector<16xi32>
    %add3A_305 = arith.addi %select_n3A_294, %and3A_304 : vector<16xi32>
    %swap3A_306 = arith.constant 0 : index
    %swap3A_307 = tpu.vector_load %arg14[%swap3A_306] {strides = array<i32>} : memref<128xi32, #tpu.memory_space<vmem>>, vector<16xi32>,
    %swap3A_308 = vector.shape_cast %swap3A_307 : vector<16xi32> to vector<16xi32>
    %swap3A_309 = vector.shape_cast %add3A_305 : vector<16xi32> to vector<16xi32>
    tpu.vector_store %arg14[%swap3A_306], %swap3A_309 {strides = array<i32>} : memref<128xi32, #tpu.memory_space<vmem>>, vector<16xi32>,
    %shift_right_arithmetic3A_310 = arith.constant 3 : i32
    %shift_right_arithmetic3A_311 = vector.broadcast %shift_right_arithmetic3A_310 : i32 to vector<16xi32>
    %shift_right_arithmetic3A_312 = arith.shrsi %iota3A, %shift_right_arithmetic3A_311 : vector<16xi32>
    %add3A_313 = arith.constant 2 : i32
    %add3A_314 = vector.broadcast %add3A_313 : i32 to vector<16xi32>
    %add3A_315 = arith.addi %add3A_314, %shift_right_arithmetic3A_312 : vector<16xi32>
    %and3A_316 = arith.constant 7 : i32
    %and3A_317 = vector.broadcast %and3A_316 : i32 to vector<16xi32>
    %and3A_318 = arith.andi %add3A_315, %and3A_317 : vector<16xi32>
    %add3A_319 = arith.addi %select_n3A_294, %and3A_318 : vector<16xi32>
    %swap3A_320 = arith.constant 16 : index
    %swap3A_321 = tpu.vector_load %arg14[%swap3A_320] {strides = array<i32>} : memref<128xi32, #tpu.memory_space<vmem>>, vector<16xi32>,
    %swap3A_322 = vector.shape_cast %swap3A_321 : vector<16xi32> to vector<16xi32>
    %swap3A_323 = vector.shape_cast %add3A_319 : vector<16xi32> to vector<16xi32>
    tpu.vector_store %arg14[%swap3A_320], %swap3A_323 {strides = array<i32>} : memref<128xi32, #tpu.memory_space<vmem>>, vector<16xi32>,
    %shift_right_arithmetic3A_324 = arith.constant 3 : i32
    %shift_right_arithmetic3A_325 = vector.broadcast %shift_right_arithmetic3A_324 : i32 to vector<16xi32>
    %shift_right_arithmetic3A_326 = arith.shrsi %iota3A, %shift_right_arithmetic3A_325 : vector<16xi32>
    %add3A_327 = arith.constant 4 : i32
    %add3A_328 = vector.broadcast %add3A_327 : i32 to vector<16xi32>
    %add3A_329 = arith.addi %add3A_328, %shift_right_arithmetic3A_326 : vector<16xi32>
    %and3A_330 = arith.constant 7 : i32
    %and3A_331 = vector.broadcast %and3A_330 : i32 to vector<16xi32>
    %and3A_332 = arith.andi %add3A_329, %and3A_331 : vector<16xi32>
    %add3A_333 = arith.addi %select_n3A_294, %and3A_332 : vector<16xi32>
    %swap3A_334 = arith.constant 32 : index
    %swap3A_335 = tpu.vector_load %arg14[%swap3A_334] {strides = array<i32>} : memref<128xi32, #tpu.memory_space<vmem>>, vector<16xi32>,
    %swap3A_336 = vector.shape_cast %swap3A_335 : vector<16xi32> to vector<16xi32>
    %swap3A_337 = vector.shape_cast %add3A_333 : vector<16xi32> to vector<16xi32>
    tpu.vector_store %arg14[%swap3A_334], %swap3A_337 {strides = array<i32>} : memref<128xi32, #tpu.memory_space<vmem>>, vector<16xi32>,
    %shift_right_arithmetic3A_338 = arith.constant 3 : i32
    %shift_right_arithmetic3A_339 = vector.broadcast %shift_right_arithmetic3A_338 : i32 to vector<16xi32>
    %shift_right_arithmetic3A_340 = arith.shrsi %iota3A, %shift_right_arithmetic3A_339 : vector<16xi32>
    %add3A_341 = arith.constant 6 : i32
    %add3A_342 = vector.broadcast %add3A_341 : i32 to vector<16xi32>
    %add3A_343 = arith.addi %add3A_342, %shift_right_arithmetic3A_340 : vector<16xi32>
    %and3A_344 = arith.constant 7 : i32
    %and3A_345 = vector.broadcast %and3A_344 : i32 to vector<16xi32>
    %and3A_346 = arith.andi %add3A_343, %and3A_345 : vector<16xi32>
    %add3A_347 = arith.addi %select_n3A_294, %and3A_346 : vector<16xi32>
    %swap3A_348 = arith.constant 48 : index
    %swap3A_349 = tpu.vector_load %arg14[%swap3A_348] {strides = array<i32>} : memref<128xi32, #tpu.memory_space<vmem>>, vector<16xi32>,
    %swap3A_350 = vector.shape_cast %swap3A_349 : vector<16xi32> to vector<16xi32>
    %swap3A_351 = vector.shape_cast %add3A_347 : vector<16xi32> to vector<16xi32>
    tpu.vector_store %arg14[%swap3A_348], %swap3A_351 {strides = array<i32>} : memref<128xi32, #tpu.memory_space<vmem>>, vector<16xi32>,
    %shift_right_arithmetic3A_352 = arith.constant 3 : i32
    %shift_right_arithmetic3A_353 = vector.broadcast %shift_right_arithmetic3A_352 : i32 to vector<16xi32>
    %shift_right_arithmetic3A_354 = arith.shrsi %iota3A, %shift_right_arithmetic3A_353 : vector<16xi32>
    %add3A_355 = arith.constant 8 : i32
    %add3A_356 = vector.broadcast %add3A_355 : i32 to vector<16xi32>
    %add3A_357 = arith.addi %add3A_356, %shift_right_arithmetic3A_354 : vector<16xi32>
    %and3A_358 = arith.constant 7 : i32
    %and3A_359 = vector.broadcast %and3A_358 : i32 to vector<16xi32>
    %and3A_360 = arith.andi %add3A_357, %and3A_359 : vector<16xi32>
    %add3A_361 = arith.addi %select_n3A_295, %and3A_360 : vector<16xi32>
    %swap3A_362 = arith.constant 64 : index
    %swap3A_363 = tpu.vector_load %arg14[%swap3A_362] {strides = array<i32>} : memref<128xi32, #tpu.memory_space<vmem>>, vector<16xi32>,
    %swap3A_364 = vector.shape_cast %swap3A_363 : vector<16xi32> to vector<16xi32>
    %swap3A_365 = vector.shape_cast %add3A_361 : vector<16xi32> to vector<16xi32>
    tpu.vector_store %arg14[%swap3A_362], %swap3A_365 {strides = array<i32>} : memref<128xi32, #tpu.memory_space<vmem>>, vector<16xi32>,
    %shift_right_arithmetic3A_366 = arith.constant 3 : i32
    %shift_right_arithmetic3A_367 = vector.broadcast %shift_right_arithmetic3A_366 : i32 to vector<16xi32>
    %shift_right_arithmetic3A_368 = arith.shrsi %iota3A, %shift_right_arithmetic3A_367 : vector<16xi32>
    %add3A_369 = arith.constant 10 : i32
    %add3A_370 = vector.broadcast %add3A_369 : i32 to vector<16xi32>
    %add3A_371 = arith.addi %add3A_370, %shift_right_arithmetic3A_368 : vector<16xi32>
    %and3A_372 = arith.constant 7 : i32
    %and3A_373 = vector.broadcast %and3A_372 : i32 to vector<16xi32>
    %and3A_374 = arith.andi %add3A_371, %and3A_373 : vector<16xi32>
    %add3A_375 = arith.addi %select_n3A_295, %and3A_374 : vector<16xi32>
    %swap3A_376 = arith.constant 80 : index
    %swap3A_377 = tpu.vector_load %arg14[%swap3A_376] {strides = array<i32>} : memref<128xi32, #tpu.memory_space<vmem>>, vector<16xi32>,
    %swap3A_378 = vector.shape_cast %swap3A_377 : vector<16xi32> to vector<16xi32>
    %swap3A_379 = vector.shape_cast %add3A_375 : vector<16xi32> to vector<16xi32>
    tpu.vector_store %arg14[%swap3A_376], %swap3A_379 {strides = array<i32>} : memref<128xi32, #tpu.memory_space<vmem>>, vector<16xi32>,
    %shift_right_arithmetic3A_380 = arith.constant 3 : i32
    %shift_right_arithmetic3A_381 = vector.broadcast %shift_right_arithmetic3A_380 : i32 to vector<16xi32>
    %shift_right_arithmetic3A_382 = arith.shrsi %iota3A, %shift_right_arithmetic3A_381 : vector<16xi32>
    %add3A_383 = arith.constant 12 : i32
    %add3A_384 = vector.broadcast %add3A_383 : i32 to vector<16xi32>
    %add3A_385 = arith.addi %add3A_384, %shift_right_arithmetic3A_382 : vector<16xi32>
    %and3A_386 = arith.constant 7 : i32
    %and3A_387 = vector.broadcast %and3A_386 : i32 to vector<16xi32>
    %and3A_388 = arith.andi %add3A_385, %and3A_387 : vector<16xi32>
    %add3A_389 = arith.addi %select_n3A_295, %and3A_388 : vector<16xi32>
    %swap3A_390 = arith.constant 96 : index
    %swap3A_391 = tpu.vector_load %arg14[%swap3A_390] {strides = array<i32>} : memref<128xi32, #tpu.memory_space<vmem>>, vector<16xi32>,
    %swap3A_392 = vector.shape_cast %swap3A_391 : vector<16xi32> to vector<16xi32>
    %swap3A_393 = vector.shape_cast %add3A_389 : vector<16xi32> to vector<16xi32>
    tpu.vector_store %arg14[%swap3A_390], %swap3A_393 {strides = array<i32>} : memref<128xi32, #tpu.memory_space<vmem>>, vector<16xi32>,
    %shift_right_arithmetic3A_394 = arith.constant 3 : i32
    %shift_right_arithmetic3A_395 = vector.broadcast %shift_right_arithmetic3A_394 : i32 to vector<16xi32>
    %shift_right_arithmetic3A_396 = arith.shrsi %iota3A, %shift_right_arithmetic3A_395 : vector<16xi32>
    %add3A_397 = arith.constant 14 : i32
    %add3A_398 = vector.broadcast %add3A_397 : i32 to vector<16xi32>
    %add3A_399 = arith.addi %add3A_398, %shift_right_arithmetic3A_396 : vector<16xi32>
    %and3A_400 = arith.constant 7 : i32
    %and3A_401 = vector.broadcast %and3A_400 : i32 to vector<16xi32>
    %and3A_402 = arith.andi %add3A_399, %and3A_401 : vector<16xi32>
    %add3A_403 = arith.addi %select_n3A_295, %and3A_402 : vector<16xi32>
    %swap3A_404 = arith.constant 112 : index
    %swap3A_405 = tpu.vector_load %arg14[%swap3A_404] {strides = array<i32>} : memref<128xi32, #tpu.memory_space<vmem>>, vector<16xi32>,
    %swap3A_406 = vector.shape_cast %swap3A_405 : vector<16xi32> to vector<16xi32>
    %swap3A_407 = vector.shape_cast %add3A_403 : vector<16xi32> to vector<16xi32>
    tpu.vector_store %arg14[%swap3A_404], %swap3A_407 {strides = array<i32>} : memref<128xi32, #tpu.memory_space<vmem>>, vector<16xi32>,
    %dma_start3A_408 = arith.constant 0 : i32
    %dma_start3A_409 = arith.constant 0 : i32
    %dma_start3A_410 = tpu.memref_slice %arg8[%dma_start3A_408, %dma_start3A_409] : memref<128x128xf32, #tpu.memory_space<vmem>> -> memref<128x128xf32, #tpu.memory_space<vmem>>
    %dma_start3A_411 = arith.constant 0 : i32
    %dma_start3A_412 = tpu.memref_slice %arg14[%dma_start3A_411] : memref<128xi32, #tpu.memory_space<vmem>> -> memref<128xi32, #tpu.memory_space<vmem>>
    %dma_start3A_413 = arith.constant 0 : i32
    %dma_start3A_414 = arith.constant 0 : i32
    %dma_start3A_415 = tpu.memref_slice %arg2[%dma_start3A_413, %dma_start3A_414] : memref<32776x128xf32, #tpu.memory_space<hbm>> -> memref<32776x128xf32, #tpu.memory_space<hbm>>
    tpu.enqueue_indirect_dma source(%dma_start3A_415 : memref<32776x128xf32, #tpu.memory_space<hbm>>) target(%dma_start3A_410 : memref<128x128xf32, #tpu.memory_space<vmem>>) offsets(%dma_start3A_412 : memref<128xi32, #tpu.memory_space<vmem>>) semaphore(%arg21 : memref<!tpu.dma_semaphore, #tpu.memory_space<semaphore_mem>>)
    %get3A_416 = arith.constant 48 : index
    %get3A_417 = tpu.vector_load %arg5[%get3A_416] {strides = array<i32>} : memref<512xi32, #tpu.memory_space<vmem>>, vector<16xi32>,
    %get3A_418 = vector.shape_cast %get3A_417 : vector<16xi32> to vector<16xi32>
    %mul3A_419 = arith.constant 8 : i32
    %mul3A_420 = vector.broadcast %mul3A_419 : i32 to vector<16xi32>
    %mul3A_421 = arith.muli %get3A_418, %mul3A_420 : vector<16xi32>
    %swap3A_422 = arith.constant 0 : index
    %swap3A_423 = tpu.vector_load %arg18[%swap3A_422] {strides = array<i32>} : memref<32xi32, #tpu.memory_space<vmem>>, vector<16xi32>,
    %swap3A_424 = vector.shape_cast %swap3A_423 : vector<16xi32> to vector<16xi32>
    %swap3A_425 = vector.shape_cast %mul3A_421 : vector<16xi32> to vector<16xi32>
    tpu.vector_store %arg18[%swap3A_422], %swap3A_425 {strides = array<i32>} : memref<32xi32, #tpu.memory_space<vmem>>, vector<16xi32>,
    %swap3A_426 = arith.constant 16 : index
    %swap3A_427 = tpu.vector_load %arg18[%swap3A_426] {strides = array<i32>} : memref<32xi32, #tpu.memory_space<vmem>>, vector<16xi32>,
    %swap3A_428 = vector.shape_cast %swap3A_427 : vector<16xi32> to vector<16xi32>
    %swap3A_429 = vector.shape_cast %mul3A_421 : vector<16xi32> to vector<16xi32>
    tpu.vector_store %arg18[%swap3A_426], %swap3A_429 {strides = array<i32>} : memref<32xi32, #tpu.memory_space<vmem>>, vector<16xi32>,
    %get3A_430 = arith.constant 8 : index
    %get3A_431 = tpu.vector_load %arg18[%get3A_430] {strides = array<i32>} : memref<32xi32, #tpu.memory_space<vmem>>, vector<16xi32>,
    %get3A_432 = vector.shape_cast %get3A_431 : vector<16xi32> to vector<16xi32>
    %select_n3A_433 = arith.select %lt3A_4, %mul3A_421, %get3A_432 : vector<16xi1>, vector<16xi32>
    %select_n3A_434 = arith.select %lt3A_4, %get3A_432, %mul3A_421 : vector<16xi1>, vector<16xi32>
    %shift_right_arithmetic3A_435 = arith.constant 3 : i32
    %shift_right_arithmetic3A_436 = vector.broadcast %shift_right_arithmetic3A_435 : i32 to vector<16xi32>
    %shift_right_arithmetic3A_437 = arith.shrsi %iota3A, %shift_right_arithmetic3A_436 : vector<16xi32>
    %add3A_438 = arith.constant 0 : i32
    %add3A_439 = vector.broadcast %add3A_438 : i32 to vector<16xi32>
    %add3A_440 = arith.addi %add3A_439, %shift_right_arithmetic3A_437 : vector<16xi32>
    %and3A_441 = arith.constant 7 : i32
    %and3A_442 = vector.broadcast %and3A_441 : i32 to vector<16xi32>
    %and3A_443 = arith.andi %add3A_440, %and3A_442 : vector<16xi32>
    %add3A_444 = arith.addi %select_n3A_433, %and3A_443 : vector<16xi32>
    %swap3A_445 = arith.constant 0 : index
    %swap3A_446 = tpu.vector_load %arg15[%swap3A_445] {strides = array<i32>} : memref<128xi32, #tpu.memory_space<vmem>>, vector<16xi32>,
    %swap3A_447 = vector.shape_cast %swap3A_446 : vector<16xi32> to vector<16xi32>
    %swap3A_448 = vector.shape_cast %add3A_444 : vector<16xi32> to vector<16xi32>
    tpu.vector_store %arg15[%swap3A_445], %swap3A_448 {strides = array<i32>} : memref<128xi32, #tpu.memory_space<vmem>>, vector<16xi32>,
    %shift_right_arithmetic3A_449 = arith.constant 3 : i32
    %shift_right_arithmetic3A_450 = vector.broadcast %shift_right_arithmetic3A_449 : i32 to vector<16xi32>
    %shift_right_arithmetic3A_451 = arith.shrsi %iota3A, %shift_right_arithmetic3A_450 : vector<16xi32>
    %add3A_452 = arith.constant 2 : i32
    %add3A_453 = vector.broadcast %add3A_452 : i32 to vector<16xi32>
    %add3A_454 = arith.addi %add3A_453, %shift_right_arithmetic3A_451 : vector<16xi32>
    %and3A_455 = arith.constant 7 : i32
    %and3A_456 = vector.broadcast %and3A_455 : i32 to vector<16xi32>
    %and3A_457 = arith.andi %add3A_454, %and3A_456 : vector<16xi32>
    %add3A_458 = arith.addi %select_n3A_433, %and3A_457 : vector<16xi32>
    %swap3A_459 = arith.constant 16 : index
    %swap3A_460 = tpu.vector_load %arg15[%swap3A_459] {strides = array<i32>} : memref<128xi32, #tpu.memory_space<vmem>>, vector<16xi32>,
    %swap3A_461 = vector.shape_cast %swap3A_460 : vector<16xi32> to vector<16xi32>
    %swap3A_462 = vector.shape_cast %add3A_458 : vector<16xi32> to vector<16xi32>
    tpu.vector_store %arg15[%swap3A_459], %swap3A_462 {strides = array<i32>} : memref<128xi32, #tpu.memory_space<vmem>>, vector<16xi32>,
    %shift_right_arithmetic3A_463 = arith.constant 3 : i32
    %shift_right_arithmetic3A_464 = vector.broadcast %shift_right_arithmetic3A_463 : i32 to vector<16xi32>
    %shift_right_arithmetic3A_465 = arith.shrsi %iota3A, %shift_right_arithmetic3A_464 : vector<16xi32>
    %add3A_466 = arith.constant 4 : i32
    %add3A_467 = vector.broadcast %add3A_466 : i32 to vector<16xi32>
    %add3A_468 = arith.addi %add3A_467, %shift_right_arithmetic3A_465 : vector<16xi32>
    %and3A_469 = arith.constant 7 : i32
    %and3A_470 = vector.broadcast %and3A_469 : i32 to vector<16xi32>
    %and3A_471 = arith.andi %add3A_468, %and3A_470 : vector<16xi32>
    %add3A_472 = arith.addi %select_n3A_433, %and3A_471 : vector<16xi32>
    %swap3A_473 = arith.constant 32 : index
    %swap3A_474 = tpu.vector_load %arg15[%swap3A_473] {strides = array<i32>} : memref<128xi32, #tpu.memory_space<vmem>>, vector<16xi32>,
    %swap3A_475 = vector.shape_cast %swap3A_474 : vector<16xi32> to vector<16xi32>
    %swap3A_476 = vector.shape_cast %add3A_472 : vector<16xi32> to vector<16xi32>
    tpu.vector_store %arg15[%swap3A_473], %swap3A_476 {strides = array<i32>} : memref<128xi32, #tpu.memory_space<vmem>>, vector<16xi32>,
    %shift_right_arithmetic3A_477 = arith.constant 3 : i32
    %shift_right_arithmetic3A_478 = vector.broadcast %shift_right_arithmetic3A_477 : i32 to vector<16xi32>
    %shift_right_arithmetic3A_479 = arith.shrsi %iota3A, %shift_right_arithmetic3A_478 : vector<16xi32>
    %add3A_480 = arith.constant 6 : i32
    %add3A_481 = vector.broadcast %add3A_480 : i32 to vector<16xi32>
    %add3A_482 = arith.addi %add3A_481, %shift_right_arithmetic3A_479 : vector<16xi32>
    %and3A_483 = arith.constant 7 : i32
    %and3A_484 = vector.broadcast %and3A_483 : i32 to vector<16xi32>
    %and3A_485 = arith.andi %add3A_482, %and3A_484 : vector<16xi32>
    %add3A_486 = arith.addi %select_n3A_433, %and3A_485 : vector<16xi32>
    %swap3A_487 = arith.constant 48 : index
    %swap3A_488 = tpu.vector_load %arg15[%swap3A_487] {strides = array<i32>} : memref<128xi32, #tpu.memory_space<vmem>>, vector<16xi32>,
    %swap3A_489 = vector.shape_cast %swap3A_488 : vector<16xi32> to vector<16xi32>
    %swap3A_490 = vector.shape_cast %add3A_486 : vector<16xi32> to vector<16xi32>
    tpu.vector_store %arg15[%swap3A_487], %swap3A_490 {strides = array<i32>} : memref<128xi32, #tpu.memory_space<vmem>>, vector<16xi32>,
    %shift_right_arithmetic3A_491 = arith.constant 3 : i32
    %shift_right_arithmetic3A_492 = vector.broadcast %shift_right_arithmetic3A_491 : i32 to vector<16xi32>
    %shift_right_arithmetic3A_493 = arith.shrsi %iota3A, %shift_right_arithmetic3A_492 : vector<16xi32>
    %add3A_494 = arith.constant 8 : i32
    %add3A_495 = vector.broadcast %add3A_494 : i32 to vector<16xi32>
    %add3A_496 = arith.addi %add3A_495, %shift_right_arithmetic3A_493 : vector<16xi32>
    %and3A_497 = arith.constant 7 : i32
    %and3A_498 = vector.broadcast %and3A_497 : i32 to vector<16xi32>
    %and3A_499 = arith.andi %add3A_496, %and3A_498 : vector<16xi32>
    %add3A_500 = arith.addi %select_n3A_434, %and3A_499 : vector<16xi32>
    %swap3A_501 = arith.constant 64 : index
    %swap3A_502 = tpu.vector_load %arg15[%swap3A_501] {strides = array<i32>} : memref<128xi32, #tpu.memory_space<vmem>>, vector<16xi32>,
    %swap3A_503 = vector.shape_cast %swap3A_502 : vector<16xi32> to vector<16xi32>
    %swap3A_504 = vector.shape_cast %add3A_500 : vector<16xi32> to vector<16xi32>
    tpu.vector_store %arg15[%swap3A_501], %swap3A_504 {strides = array<i32>} : memref<128xi32, #tpu.memory_space<vmem>>, vector<16xi32>,
    %shift_right_arithmetic3A_505 = arith.constant 3 : i32
    %shift_right_arithmetic3A_506 = vector.broadcast %shift_right_arithmetic3A_505 : i32 to vector<16xi32>
    %shift_right_arithmetic3A_507 = arith.shrsi %iota3A, %shift_right_arithmetic3A_506 : vector<16xi32>
    %add3A_508 = arith.constant 10 : i32
    %add3A_509 = vector.broadcast %add3A_508 : i32 to vector<16xi32>
    %add3A_510 = arith.addi %add3A_509, %shift_right_arithmetic3A_507 : vector<16xi32>
    %and3A_511 = arith.constant 7 : i32
    %and3A_512 = vector.broadcast %and3A_511 : i32 to vector<16xi32>
    %and3A_513 = arith.andi %add3A_510, %and3A_512 : vector<16xi32>
    %add3A_514 = arith.addi %select_n3A_434, %and3A_513 : vector<16xi32>
    %swap3A_515 = arith.constant 80 : index
    %swap3A_516 = tpu.vector_load %arg15[%swap3A_515] {strides = array<i32>} : memref<128xi32, #tpu.memory_space<vmem>>, vector<16xi32>,
    %swap3A_517 = vector.shape_cast %swap3A_516 : vector<16xi32> to vector<16xi32>
    %swap3A_518 = vector.shape_cast %add3A_514 : vector<16xi32> to vector<16xi32>
    tpu.vector_store %arg15[%swap3A_515], %swap3A_518 {strides = array<i32>} : memref<128xi32, #tpu.memory_space<vmem>>, vector<16xi32>,
    %shift_right_arithmetic3A_519 = arith.constant 3 : i32
    %shift_right_arithmetic3A_520 = vector.broadcast %shift_right_arithmetic3A_519 : i32 to vector<16xi32>
    %shift_right_arithmetic3A_521 = arith.shrsi %iota3A, %shift_right_arithmetic3A_520 : vector<16xi32>
    %add3A_522 = arith.constant 12 : i32
    %add3A_523 = vector.broadcast %add3A_522 : i32 to vector<16xi32>
    %add3A_524 = arith.addi %add3A_523, %shift_right_arithmetic3A_521 : vector<16xi32>
    %and3A_525 = arith.constant 7 : i32
    %and3A_526 = vector.broadcast %and3A_525 : i32 to vector<16xi32>
    %and3A_527 = arith.andi %add3A_524, %and3A_526 : vector<16xi32>
    %add3A_528 = arith.addi %select_n3A_434, %and3A_527 : vector<16xi32>
    %swap3A_529 = arith.constant 96 : index
    %swap3A_530 = tpu.vector_load %arg15[%swap3A_529] {strides = array<i32>} : memref<128xi32, #tpu.memory_space<vmem>>, vector<16xi32>,
    %swap3A_531 = vector.shape_cast %swap3A_530 : vector<16xi32> to vector<16xi32>
    %swap3A_532 = vector.shape_cast %add3A_528 : vector<16xi32> to vector<16xi32>
    tpu.vector_store %arg15[%swap3A_529], %swap3A_532 {strides = array<i32>} : memref<128xi32, #tpu.memory_space<vmem>>, vector<16xi32>,
    %shift_right_arithmetic3A_533 = arith.constant 3 : i32
    %shift_right_arithmetic3A_534 = vector.broadcast %shift_right_arithmetic3A_533 : i32 to vector<16xi32>
    %shift_right_arithmetic3A_535 = arith.shrsi %iota3A, %shift_right_arithmetic3A_534 : vector<16xi32>
    %add3A_536 = arith.constant 14 : i32
    %add3A_537 = vector.broadcast %add3A_536 : i32 to vector<16xi32>
    %add3A_538 = arith.addi %add3A_537, %shift_right_arithmetic3A_535 : vector<16xi32>
    %and3A_539 = arith.constant 7 : i32
    %and3A_540 = vector.broadcast %and3A_539 : i32 to vector<16xi32>
    %and3A_541 = arith.andi %add3A_538, %and3A_540 : vector<16xi32>
    %add3A_542 = arith.addi %select_n3A_434, %and3A_541 : vector<16xi32>
    %swap3A_543 = arith.constant 112 : index
    %swap3A_544 = tpu.vector_load %arg15[%swap3A_543] {strides = array<i32>} : memref<128xi32, #tpu.memory_space<vmem>>, vector<16xi32>,
    %swap3A_545 = vector.shape_cast %swap3A_544 : vector<16xi32> to vector<16xi32>
    %swap3A_546 = vector.shape_cast %add3A_542 : vector<16xi32> to vector<16xi32>
    tpu.vector_store %arg15[%swap3A_543], %swap3A_546 {strides = array<i32>} : memref<128xi32, #tpu.memory_space<vmem>>, vector<16xi32>,
    %dma_start3A_547 = arith.constant 0 : i32
    %dma_start3A_548 = arith.constant 0 : i32
    %dma_start3A_549 = tpu.memref_slice %arg9[%dma_start3A_547, %dma_start3A_548] : memref<128x128xf32, #tpu.memory_space<vmem>> -> memref<128x128xf32, #tpu.memory_space<vmem>>
    %dma_start3A_550 = arith.constant 0 : i32
    %dma_start3A_551 = tpu.memref_slice %arg15[%dma_start3A_550] : memref<128xi32, #tpu.memory_space<vmem>> -> memref<128xi32, #tpu.memory_space<vmem>>
    %dma_start3A_552 = arith.constant 0 : i32
    %dma_start3A_553 = arith.constant 0 : i32
    %dma_start3A_554 = tpu.memref_slice %arg2[%dma_start3A_552, %dma_start3A_553] : memref<32776x128xf32, #tpu.memory_space<hbm>> -> memref<32776x128xf32, #tpu.memory_space<hbm>>
    tpu.enqueue_indirect_dma source(%dma_start3A_554 : memref<32776x128xf32, #tpu.memory_space<hbm>>) target(%dma_start3A_549 : memref<128x128xf32, #tpu.memory_space<vmem>>) offsets(%dma_start3A_551 : memref<128xi32, #tpu.memory_space<vmem>>) semaphore(%arg22 : memref<!tpu.dma_semaphore, #tpu.memory_space<semaphore_mem>>)
    %get3A_555 = arith.constant 64 : index
    %get3A_556 = tpu.vector_load %arg5[%get3A_555] {strides = array<i32>} : memref<512xi32, #tpu.memory_space<vmem>>, vector<16xi32>,
    %get3A_557 = vector.shape_cast %get3A_556 : vector<16xi32> to vector<16xi32>
    %mul3A_558 = arith.constant 8 : i32
    %mul3A_559 = vector.broadcast %mul3A_558 : i32 to vector<16xi32>
    %mul3A_560 = arith.muli %get3A_557, %mul3A_559 : vector<16xi32>
    %swap3A_561 = arith.constant 0 : index
    %swap3A_562 = tpu.vector_load %arg18[%swap3A_561] {strides = array<i32>} : memref<32xi32, #tpu.memory_space<vmem>>, vector<16xi32>,
    %swap3A_563 = vector.shape_cast %swap3A_562 : vector<16xi32> to vector<16xi32>
    %swap3A_564 = vector.shape_cast %mul3A_560 : vector<16xi32> to vector<16xi32>
    tpu.vector_store %arg18[%swap3A_561], %swap3A_564 {strides = array<i32>} : memref<32xi32, #tpu.memory_space<vmem>>, vector<16xi32>,
    %swap3A_565 = arith.constant 16 : index
    %swap3A_566 = tpu.vector_load %arg18[%swap3A_565] {strides = array<i32>} : memref<32xi32, #tpu.memory_space<vmem>>, vector<16xi32>,
    %swap3A_567 = vector.shape_cast %swap3A_566 : vector<16xi32> to vector<16xi32>
    %swap3A_568 = vector.shape_cast %mul3A_560 : vector<16xi32> to vector<16xi32>
    tpu.vector_store %arg18[%swap3A_565], %swap3A_568 {strides = array<i32>} : memref<32xi32, #tpu.memory_space<vmem>>, vector<16xi32>,
    %get3A_569 = arith.constant 8 : index
    %get3A_570 = tpu.vector_load %arg18[%get3A_569] {strides = array<i32>} : memref<32xi32, #tpu.memory_space<vmem>>, vector<16xi32>,
    %get3A_571 = vector.shape_cast %get3A_570 : vector<16xi32> to vector<16xi32>
    %select_n3A_572 = arith.select %lt3A_4, %mul3A_560, %get3A_571 : vector<16xi1>, vector<16xi32>
    %select_n3A_573 = arith.select %lt3A_4, %get3A_571, %mul3A_560 : vector<16xi1>, vector<16xi32>
    %shift_right_arithmetic3A_574 = arith.constant 3 : i32
    %shift_right_arithmetic3A_575 = vector.broadcast %shift_right_arithmetic3A_574 : i32 to vector<16xi32>
    %shift_right_arithmetic3A_576 = arith.shrsi %iota3A, %shift_right_arithmetic3A_575 : vector<16xi32>
    %add3A_577 = arith.constant 0 : i32
    %add3A_578 = vector.broadcast %add3A_577 : i32 to vector<16xi32>
    %add3A_579 = arith.addi %add3A_578, %shift_right_arithmetic3A_576 : vector<16xi32>
    %and3A_580 = arith.constant 7 : i32
    %and3A_581 = vector.broadcast %and3A_580 : i32 to vector<16xi32>
    %and3A_582 = arith.andi %add3A_579, %and3A_581 : vector<16xi32>
    %add3A_583 = arith.addi %select_n3A_572, %and3A_582 : vector<16xi32>
    %swap3A_584 = arith.constant 0 : index
    %swap3A_585 = tpu.vector_load %arg16[%swap3A_584] {strides = array<i32>} : memref<128xi32, #tpu.memory_space<vmem>>, vector<16xi32>,
    %swap3A_586 = vector.shape_cast %swap3A_585 : vector<16xi32> to vector<16xi32>
    %swap3A_587 = vector.shape_cast %add3A_583 : vector<16xi32> to vector<16xi32>
    tpu.vector_store %arg16[%swap3A_584], %swap3A_587 {strides = array<i32>} : memref<128xi32, #tpu.memory_space<vmem>>, vector<16xi32>,
    %shift_right_arithmetic3A_588 = arith.constant 3 : i32
    %shift_right_arithmetic3A_589 = vector.broadcast %shift_right_arithmetic3A_588 : i32 to vector<16xi32>
    %shift_right_arithmetic3A_590 = arith.shrsi %iota3A, %shift_right_arithmetic3A_589 : vector<16xi32>
    %add3A_591 = arith.constant 2 : i32
    %add3A_592 = vector.broadcast %add3A_591 : i32 to vector<16xi32>
    %add3A_593 = arith.addi %add3A_592, %shift_right_arithmetic3A_590 : vector<16xi32>
    %and3A_594 = arith.constant 7 : i32
    %and3A_595 = vector.broadcast %and3A_594 : i32 to vector<16xi32>
    %and3A_596 = arith.andi %add3A_593, %and3A_595 : vector<16xi32>
    %add3A_597 = arith.addi %select_n3A_572, %and3A_596 : vector<16xi32>
    %swap3A_598 = arith.constant 16 : index
    %swap3A_599 = tpu.vector_load %arg16[%swap3A_598] {strides = array<i32>} : memref<128xi32, #tpu.memory_space<vmem>>, vector<16xi32>,
    %swap3A_600 = vector.shape_cast %swap3A_599 : vector<16xi32> to vector<16xi32>
    %swap3A_601 = vector.shape_cast %add3A_597 : vector<16xi32> to vector<16xi32>
    tpu.vector_store %arg16[%swap3A_598], %swap3A_601 {strides = array<i32>} : memref<128xi32, #tpu.memory_space<vmem>>, vector<16xi32>,
    %shift_right_arithmetic3A_602 = arith.constant 3 : i32
    %shift_right_arithmetic3A_603 = vector.broadcast %shift_right_arithmetic3A_602 : i32 to vector<16xi32>
    %shift_right_arithmetic3A_604 = arith.shrsi %iota3A, %shift_right_arithmetic3A_603 : vector<16xi32>
    %add3A_605 = arith.constant 4 : i32
    %add3A_606 = vector.broadcast %add3A_605 : i32 to vector<16xi32>
    %add3A_607 = arith.addi %add3A_606, %shift_right_arithmetic3A_604 : vector<16xi32>
    %and3A_608 = arith.constant 7 : i32
    %and3A_609 = vector.broadcast %and3A_608 : i32 to vector<16xi32>
    %and3A_610 = arith.andi %add3A_607, %and3A_609 : vector<16xi32>
    %add3A_611 = arith.addi %select_n3A_572, %and3A_610 : vector<16xi32>
    %swap3A_612 = arith.constant 32 : index
    %swap3A_613 = tpu.vector_load %arg16[%swap3A_612] {strides = array<i32>} : memref<128xi32, #tpu.memory_space<vmem>>, vector<16xi32>,
    %swap3A_614 = vector.shape_cast %swap3A_613 : vector<16xi32> to vector<16xi32>
    %swap3A_615 = vector.shape_cast %add3A_611 : vector<16xi32> to vector<16xi32>
    tpu.vector_store %arg16[%swap3A_612], %swap3A_615 {strides = array<i32>} : memref<128xi32, #tpu.memory_space<vmem>>, vector<16xi32>,
    %shift_right_arithmetic3A_616 = arith.constant 3 : i32
    %shift_right_arithmetic3A_617 = vector.broadcast %shift_right_arithmetic3A_616 : i32 to vector<16xi32>
    %shift_right_arithmetic3A_618 = arith.shrsi %iota3A, %shift_right_arithmetic3A_617 : vector<16xi32>
    %add3A_619 = arith.constant 6 : i32
    %add3A_620 = vector.broadcast %add3A_619 : i32 to vector<16xi32>
    %add3A_621 = arith.addi %add3A_620, %shift_right_arithmetic3A_618 : vector<16xi32>
    %and3A_622 = arith.constant 7 : i32
    %and3A_623 = vector.broadcast %and3A_622 : i32 to vector<16xi32>
    %and3A_624 = arith.andi %add3A_621, %and3A_623 : vector<16xi32>
    %add3A_625 = arith.addi %select_n3A_572, %and3A_624 : vector<16xi32>
    %swap3A_626 = arith.constant 48 : index
    %swap3A_627 = tpu.vector_load %arg16[%swap3A_626] {strides = array<i32>} : memref<128xi32, #tpu.memory_space<vmem>>, vector<16xi32>,
    %swap3A_628 = vector.shape_cast %swap3A_627 : vector<16xi32> to vector<16xi32>
    %swap3A_629 = vector.shape_cast %add3A_625 : vector<16xi32> to vector<16xi32>
    tpu.vector_store %arg16[%swap3A_626], %swap3A_629 {strides = array<i32>} : memref<128xi32, #tpu.memory_space<vmem>>, vector<16xi32>,
    %shift_right_arithmetic3A_630 = arith.constant 3 : i32
    %shift_right_arithmetic3A_631 = vector.broadcast %shift_right_arithmetic3A_630 : i32 to vector<16xi32>
    %shift_right_arithmetic3A_632 = arith.shrsi %iota3A, %shift_right_arithmetic3A_631 : vector<16xi32>
    %add3A_633 = arith.constant 8 : i32
    %add3A_634 = vector.broadcast %add3A_633 : i32 to vector<16xi32>
    %add3A_635 = arith.addi %add3A_634, %shift_right_arithmetic3A_632 : vector<16xi32>
    %and3A_636 = arith.constant 7 : i32
    %and3A_637 = vector.broadcast %and3A_636 : i32 to vector<16xi32>
    %and3A_638 = arith.andi %add3A_635, %and3A_637 : vector<16xi32>
    %add3A_639 = arith.addi %select_n3A_573, %and3A_638 : vector<16xi32>
    %swap3A_640 = arith.constant 64 : index
    %swap3A_641 = tpu.vector_load %arg16[%swap3A_640] {strides = array<i32>} : memref<128xi32, #tpu.memory_space<vmem>>, vector<16xi32>,
    %swap3A_642 = vector.shape_cast %swap3A_641 : vector<16xi32> to vector<16xi32>
    %swap3A_643 = vector.shape_cast %add3A_639 : vector<16xi32> to vector<16xi32>
    tpu.vector_store %arg16[%swap3A_640], %swap3A_643 {strides = array<i32>} : memref<128xi32, #tpu.memory_space<vmem>>, vector<16xi32>,
    %shift_right_arithmetic3A_644 = arith.constant 3 : i32
    %shift_right_arithmetic3A_645 = vector.broadcast %shift_right_arithmetic3A_644 : i32 to vector<16xi32>
    %shift_right_arithmetic3A_646 = arith.shrsi %iota3A, %shift_right_arithmetic3A_645 : vector<16xi32>
    %add3A_647 = arith.constant 10 : i32
    %add3A_648 = vector.broadcast %add3A_647 : i32 to vector<16xi32>
    %add3A_649 = arith.addi %add3A_648, %shift_right_arithmetic3A_646 : vector<16xi32>
    %and3A_650 = arith.constant 7 : i32
    %and3A_651 = vector.broadcast %and3A_650 : i32 to vector<16xi32>
    %and3A_652 = arith.andi %add3A_649, %and3A_651 : vector<16xi32>
    %add3A_653 = arith.addi %select_n3A_573, %and3A_652 : vector<16xi32>
    %swap3A_654 = arith.constant 80 : index
    %swap3A_655 = tpu.vector_load %arg16[%swap3A_654] {strides = array<i32>} : memref<128xi32, #tpu.memory_space<vmem>>, vector<16xi32>,
    %swap3A_656 = vector.shape_cast %swap3A_655 : vector<16xi32> to vector<16xi32>
    %swap3A_657 = vector.shape_cast %add3A_653 : vector<16xi32> to vector<16xi32>
    tpu.vector_store %arg16[%swap3A_654], %swap3A_657 {strides = array<i32>} : memref<128xi32, #tpu.memory_space<vmem>>, vector<16xi32>,
    %shift_right_arithmetic3A_658 = arith.constant 3 : i32
    %shift_right_arithmetic3A_659 = vector.broadcast %shift_right_arithmetic3A_658 : i32 to vector<16xi32>
    %shift_right_arithmetic3A_660 = arith.shrsi %iota3A, %shift_right_arithmetic3A_659 : vector<16xi32>
    %add3A_661 = arith.constant 12 : i32
    %add3A_662 = vector.broadcast %add3A_661 : i32 to vector<16xi32>
    %add3A_663 = arith.addi %add3A_662, %shift_right_arithmetic3A_660 : vector<16xi32>
    %and3A_664 = arith.constant 7 : i32
    %and3A_665 = vector.broadcast %and3A_664 : i32 to vector<16xi32>
    %and3A_666 = arith.andi %add3A_663, %and3A_665 : vector<16xi32>
    %add3A_667 = arith.addi %select_n3A_573, %and3A_666 : vector<16xi32>
    %swap3A_668 = arith.constant 96 : index
    %swap3A_669 = tpu.vector_load %arg16[%swap3A_668] {strides = array<i32>} : memref<128xi32, #tpu.memory_space<vmem>>, vector<16xi32>,
    %swap3A_670 = vector.shape_cast %swap3A_669 : vector<16xi32> to vector<16xi32>
    %swap3A_671 = vector.shape_cast %add3A_667 : vector<16xi32> to vector<16xi32>
    tpu.vector_store %arg16[%swap3A_668], %swap3A_671 {strides = array<i32>} : memref<128xi32, #tpu.memory_space<vmem>>, vector<16xi32>,
    %shift_right_arithmetic3A_672 = arith.constant 3 : i32
    %shift_right_arithmetic3A_673 = vector.broadcast %shift_right_arithmetic3A_672 : i32 to vector<16xi32>
    %shift_right_arithmetic3A_674 = arith.shrsi %iota3A, %shift_right_arithmetic3A_673 : vector<16xi32>
    %add3A_675 = arith.constant 14 : i32
    %add3A_676 = vector.broadcast %add3A_675 : i32 to vector<16xi32>
    %add3A_677 = arith.addi %add3A_676, %shift_right_arithmetic3A_674 : vector<16xi32>
    %and3A_678 = arith.constant 7 : i32
    %and3A_679 = vector.broadcast %and3A_678 : i32 to vector<16xi32>
    %and3A_680 = arith.andi %add3A_677, %and3A_679 : vector<16xi32>
    %add3A_681 = arith.addi %select_n3A_573, %and3A_680 : vector<16xi32>
    %swap3A_682 = arith.constant 112 : index
    %swap3A_683 = tpu.vector_load %arg16[%swap3A_682] {strides = array<i32>} : memref<128xi32, #tpu.memory_space<vmem>>, vector<16xi32>,
    %swap3A_684 = vector.shape_cast %swap3A_683 : vector<16xi32> to vector<16xi32>
    %swap3A_685 = vector.shape_cast %add3A_681 : vector<16xi32> to vector<16xi32>
    tpu.vector_store %arg16[%swap3A_682], %swap3A_685 {strides = array<i32>} : memref<128xi32, #tpu.memory_space<vmem>>, vector<16xi32>,
    %dma_start3A_686 = arith.constant 0 : i32
    %dma_start3A_687 = arith.constant 0 : i32
    %dma_start3A_688 = tpu.memref_slice %arg10[%dma_start3A_686, %dma_start3A_687] : memref<128x128xf32, #tpu.memory_space<vmem>> -> memref<128x128xf32, #tpu.memory_space<vmem>>
    %dma_start3A_689 = arith.constant 0 : i32
    %dma_start3A_690 = tpu.memref_slice %arg16[%dma_start3A_689] : memref<128xi32, #tpu.memory_space<vmem>> -> memref<128xi32, #tpu.memory_space<vmem>>
    %dma_start3A_691 = arith.constant 0 : i32
    %dma_start3A_692 = arith.constant 0 : i32
    %dma_start3A_693 = tpu.memref_slice %arg2[%dma_start3A_691, %dma_start3A_692] : memref<32776x128xf32, #tpu.memory_space<hbm>> -> memref<32776x128xf32, #tpu.memory_space<hbm>>
    tpu.enqueue_indirect_dma source(%dma_start3A_693 : memref<32776x128xf32, #tpu.memory_space<hbm>>) target(%dma_start3A_688 : memref<128x128xf32, #tpu.memory_space<vmem>>) offsets(%dma_start3A_690 : memref<128xi32, #tpu.memory_space<vmem>>) semaphore(%arg23 : memref<!tpu.dma_semaphore, #tpu.memory_space<semaphore_mem>>)
    %get3A_694 = arith.constant 80 : index
    %get3A_695 = tpu.vector_load %arg5[%get3A_694] {strides = array<i32>} : memref<512xi32, #tpu.memory_space<vmem>>, vector<16xi32>,
    %get3A_696 = vector.shape_cast %get3A_695 : vector<16xi32> to vector<16xi32>
    %mul3A_697 = arith.constant 8 : i32
    %mul3A_698 = vector.broadcast %mul3A_697 : i32 to vector<16xi32>
    %mul3A_699 = arith.muli %get3A_696, %mul3A_698 : vector<16xi32>
    %swap3A_700 = arith.constant 0 : index
    %swap3A_701 = tpu.vector_load %arg18[%swap3A_700] {strides = array<i32>} : memref<32xi32, #tpu.memory_space<vmem>>, vector<16xi32>,
    %swap3A_702 = vector.shape_cast %swap3A_701 : vector<16xi32> to vector<16xi32>
    %swap3A_703 = vector.shape_cast %mul3A_699 : vector<16xi32> to vector<16xi32>
    tpu.vector_store %arg18[%swap3A_700], %swap3A_703 {strides = array<i32>} : memref<32xi32, #tpu.memory_space<vmem>>, vector<16xi32>,
    %swap3A_704 = arith.constant 16 : index
    %swap3A_705 = tpu.vector_load %arg18[%swap3A_704] {strides = array<i32>} : memref<32xi32, #tpu.memory_space<vmem>>, vector<16xi32>,
    %swap3A_706 = vector.shape_cast %swap3A_705 : vector<16xi32> to vector<16xi32>
    %swap3A_707 = vector.shape_cast %mul3A_699 : vector<16xi32> to vector<16xi32>
    tpu.vector_store %arg18[%swap3A_704], %swap3A_707 {strides = array<i32>} : memref<32xi32, #tpu.memory_space<vmem>>, vector<16xi32>,
    %get3A_708 = arith.constant 8 : index
    %get3A_709 = tpu.vector_load %arg18[%get3A_708] {strides = array<i32>} : memref<32xi32, #tpu.memory_space<vmem>>, vector<16xi32>,
    %get3A_710 = vector.shape_cast %get3A_709 : vector<16xi32> to vector<16xi32>
    %select_n3A_711 = arith.select %lt3A_4, %mul3A_699, %get3A_710 : vector<16xi1>, vector<16xi32>
    %select_n3A_712 = arith.select %lt3A_4, %get3A_710, %mul3A_699 : vector<16xi1>, vector<16xi32>
    %shift_right_arithmetic3A_713 = arith.constant 3 : i32
    %shift_right_arithmetic3A_714 = vector.broadcast %shift_right_arithmetic3A_713 : i32 to vector<16xi32>
    %shift_right_arithmetic3A_715 = arith.shrsi %iota3A, %shift_right_arithmetic3A_714 : vector<16xi32>
    %add3A_716 = arith.constant 0 : i32
    %add3A_717 = vector.broadcast %add3A_716 : i32 to vector<16xi32>
    %add3A_718 = arith.addi %add3A_717, %shift_right_arithmetic3A_715 : vector<16xi32>
    %and3A_719 = arith.constant 7 : i32
    %and3A_720 = vector.broadcast %and3A_719 : i32 to vector<16xi32>
    %and3A_721 = arith.andi %add3A_718, %and3A_720 : vector<16xi32>
    %add3A_722 = arith.addi %select_n3A_711, %and3A_721 : vector<16xi32>
    %swap3A_723 = arith.constant 0 : index
    %swap3A_724 = tpu.vector_load %arg17[%swap3A_723] {strides = array<i32>} : memref<128xi32, #tpu.memory_space<vmem>>, vector<16xi32>,
    %swap3A_725 = vector.shape_cast %swap3A_724 : vector<16xi32> to vector<16xi32>
    %swap3A_726 = vector.shape_cast %add3A_722 : vector<16xi32> to vector<16xi32>
    tpu.vector_store %arg17[%swap3A_723], %swap3A_726 {strides = array<i32>} : memref<128xi32, #tpu.memory_space<vmem>>, vector<16xi32>,
    %shift_right_arithmetic3A_727 = arith.constant 3 : i32
    %shift_right_arithmetic3A_728 = vector.broadcast %shift_right_arithmetic3A_727 : i32 to vector<16xi32>
    %shift_right_arithmetic3A_729 = arith.shrsi %iota3A, %shift_right_arithmetic3A_728 : vector<16xi32>
    %add3A_730 = arith.constant 2 : i32
    %add3A_731 = vector.broadcast %add3A_730 : i32 to vector<16xi32>
    %add3A_732 = arith.addi %add3A_731, %shift_right_arithmetic3A_729 : vector<16xi32>
    %and3A_733 = arith.constant 7 : i32
    %and3A_734 = vector.broadcast %and3A_733 : i32 to vector<16xi32>
    %and3A_735 = arith.andi %add3A_732, %and3A_734 : vector<16xi32>
    %add3A_736 = arith.addi %select_n3A_711, %and3A_735 : vector<16xi32>
    %swap3A_737 = arith.constant 16 : index
    %swap3A_738 = tpu.vector_load %arg17[%swap3A_737] {strides = array<i32>} : memref<128xi32, #tpu.memory_space<vmem>>, vector<16xi32>,
    %swap3A_739 = vector.shape_cast %swap3A_738 : vector<16xi32> to vector<16xi32>
    %swap3A_740 = vector.shape_cast %add3A_736 : vector<16xi32> to vector<16xi32>
    tpu.vector_store %arg17[%swap3A_737], %swap3A_740 {strides = array<i32>} : memref<128xi32, #tpu.memory_space<vmem>>, vector<16xi32>,
    %shift_right_arithmetic3A_741 = arith.constant 3 : i32
    %shift_right_arithmetic3A_742 = vector.broadcast %shift_right_arithmetic3A_741 : i32 to vector<16xi32>
    %shift_right_arithmetic3A_743 = arith.shrsi %iota3A, %shift_right_arithmetic3A_742 : vector<16xi32>
    %add3A_744 = arith.constant 4 : i32
    %add3A_745 = vector.broadcast %add3A_744 : i32 to vector<16xi32>
    %add3A_746 = arith.addi %add3A_745, %shift_right_arithmetic3A_743 : vector<16xi32>
    %and3A_747 = arith.constant 7 : i32
    %and3A_748 = vector.broadcast %and3A_747 : i32 to vector<16xi32>
    %and3A_749 = arith.andi %add3A_746, %and3A_748 : vector<16xi32>
    %add3A_750 = arith.addi %select_n3A_711, %and3A_749 : vector<16xi32>
    %swap3A_751 = arith.constant 32 : index
    %swap3A_752 = tpu.vector_load %arg17[%swap3A_751] {strides = array<i32>} : memref<128xi32, #tpu.memory_space<vmem>>, vector<16xi32>,
    %swap3A_753 = vector.shape_cast %swap3A_752 : vector<16xi32> to vector<16xi32>
    %swap3A_754 = vector.shape_cast %add3A_750 : vector<16xi32> to vector<16xi32>
    tpu.vector_store %arg17[%swap3A_751], %swap3A_754 {strides = array<i32>} : memref<128xi32, #tpu.memory_space<vmem>>, vector<16xi32>,
    %shift_right_arithmetic3A_755 = arith.constant 3 : i32
    %shift_right_arithmetic3A_756 = vector.broadcast %shift_right_arithmetic3A_755 : i32 to vector<16xi32>
    %shift_right_arithmetic3A_757 = arith.shrsi %iota3A, %shift_right_arithmetic3A_756 : vector<16xi32>
    %add3A_758 = arith.constant 6 : i32
    %add3A_759 = vector.broadcast %add3A_758 : i32 to vector<16xi32>
    %add3A_760 = arith.addi %add3A_759, %shift_right_arithmetic3A_757 : vector<16xi32>
    %and3A_761 = arith.constant 7 : i32
    %and3A_762 = vector.broadcast %and3A_761 : i32 to vector<16xi32>
    %and3A_763 = arith.andi %add3A_760, %and3A_762 : vector<16xi32>
    %add3A_764 = arith.addi %select_n3A_711, %and3A_763 : vector<16xi32>
    %swap3A_765 = arith.constant 48 : index
    %swap3A_766 = tpu.vector_load %arg17[%swap3A_765] {strides = array<i32>} : memref<128xi32, #tpu.memory_space<vmem>>, vector<16xi32>,
    %swap3A_767 = vector.shape_cast %swap3A_766 : vector<16xi32> to vector<16xi32>
    %swap3A_768 = vector.shape_cast %add3A_764 : vector<16xi32> to vector<16xi32>
    tpu.vector_store %arg17[%swap3A_765], %swap3A_768 {strides = array<i32>} : memref<128xi32, #tpu.memory_space<vmem>>, vector<16xi32>,
    %shift_right_arithmetic3A_769 = arith.constant 3 : i32
    %shift_right_arithmetic3A_770 = vector.broadcast %shift_right_arithmetic3A_769 : i32 to vector<16xi32>
    %shift_right_arithmetic3A_771 = arith.shrsi %iota3A, %shift_right_arithmetic3A_770 : vector<16xi32>
    %add3A_772 = arith.constant 8 : i32
    %add3A_773 = vector.broadcast %add3A_772 : i32 to vector<16xi32>
    %add3A_774 = arith.addi %add3A_773, %shift_right_arithmetic3A_771 : vector<16xi32>
    %and3A_775 = arith.constant 7 : i32
    %and3A_776 = vector.broadcast %and3A_775 : i32 to vector<16xi32>
    %and3A_777 = arith.andi %add3A_774, %and3A_776 : vector<16xi32>
    %add3A_778 = arith.addi %select_n3A_712, %and3A_777 : vector<16xi32>
    %swap3A_779 = arith.constant 64 : index
    %swap3A_780 = tpu.vector_load %arg17[%swap3A_779] {strides = array<i32>} : memref<128xi32, #tpu.memory_space<vmem>>, vector<16xi32>,
    %swap3A_781 = vector.shape_cast %swap3A_780 : vector<16xi32> to vector<16xi32>
    %swap3A_782 = vector.shape_cast %add3A_778 : vector<16xi32> to vector<16xi32>
    tpu.vector_store %arg17[%swap3A_779], %swap3A_782 {strides = array<i32>} : memref<128xi32, #tpu.memory_space<vmem>>, vector<16xi32>,
    %shift_right_arithmetic3A_783 = arith.constant 3 : i32
    %shift_right_arithmetic3A_784 = vector.broadcast %shift_right_arithmetic3A_783 : i32 to vector<16xi32>
    %shift_right_arithmetic3A_785 = arith.shrsi %iota3A, %shift_right_arithmetic3A_784 : vector<16xi32>
    %add3A_786 = arith.constant 10 : i32
    %add3A_787 = vector.broadcast %add3A_786 : i32 to vector<16xi32>
    %add3A_788 = arith.addi %add3A_787, %shift_right_arithmetic3A_785 : vector<16xi32>
    %and3A_789 = arith.constant 7 : i32
    %and3A_790 = vector.broadcast %and3A_789 : i32 to vector<16xi32>
    %and3A_791 = arith.andi %add3A_788, %and3A_790 : vector<16xi32>
    %add3A_792 = arith.addi %select_n3A_712, %and3A_791 : vector<16xi32>
    %swap3A_793 = arith.constant 80 : index
    %swap3A_794 = tpu.vector_load %arg17[%swap3A_793] {strides = array<i32>} : memref<128xi32, #tpu.memory_space<vmem>>, vector<16xi32>,
    %swap3A_795 = vector.shape_cast %swap3A_794 : vector<16xi32> to vector<16xi32>
    %swap3A_796 = vector.shape_cast %add3A_792 : vector<16xi32> to vector<16xi32>
    tpu.vector_store %arg17[%swap3A_793], %swap3A_796 {strides = array<i32>} : memref<128xi32, #tpu.memory_space<vmem>>, vector<16xi32>,
    %shift_right_arithmetic3A_797 = arith.constant 3 : i32
    %shift_right_arithmetic3A_798 = vector.broadcast %shift_right_arithmetic3A_797 : i32 to vector<16xi32>
    %shift_right_arithmetic3A_799 = arith.shrsi %iota3A, %shift_right_arithmetic3A_798 : vector<16xi32>
    %add3A_800 = arith.constant 12 : i32
    %add3A_801 = vector.broadcast %add3A_800 : i32 to vector<16xi32>
    %add3A_802 = arith.addi %add3A_801, %shift_right_arithmetic3A_799 : vector<16xi32>
    %and3A_803 = arith.constant 7 : i32
    %and3A_804 = vector.broadcast %and3A_803 : i32 to vector<16xi32>
    %and3A_805 = arith.andi %add3A_802, %and3A_804 : vector<16xi32>
    %add3A_806 = arith.addi %select_n3A_712, %and3A_805 : vector<16xi32>
    %swap3A_807 = arith.constant 96 : index
    %swap3A_808 = tpu.vector_load %arg17[%swap3A_807] {strides = array<i32>} : memref<128xi32, #tpu.memory_space<vmem>>, vector<16xi32>,
    %swap3A_809 = vector.shape_cast %swap3A_808 : vector<16xi32> to vector<16xi32>
    %swap3A_810 = vector.shape_cast %add3A_806 : vector<16xi32> to vector<16xi32>
    tpu.vector_store %arg17[%swap3A_807], %swap3A_810 {strides = array<i32>} : memref<128xi32, #tpu.memory_space<vmem>>, vector<16xi32>,
    %shift_right_arithmetic3A_811 = arith.constant 3 : i32
    %shift_right_arithmetic3A_812 = vector.broadcast %shift_right_arithmetic3A_811 : i32 to vector<16xi32>
    %shift_right_arithmetic3A_813 = arith.shrsi %iota3A, %shift_right_arithmetic3A_812 : vector<16xi32>
    %add3A_814 = arith.constant 14 : i32
    %add3A_815 = vector.broadcast %add3A_814 : i32 to vector<16xi32>
    %add3A_816 = arith.addi %add3A_815, %shift_right_arithmetic3A_813 : vector<16xi32>
    %and3A_817 = arith.constant 7 : i32
    %and3A_818 = vector.broadcast %and3A_817 : i32 to vector<16xi32>
    %and3A_819 = arith.andi %add3A_816, %and3A_818 : vector<16xi32>
    %add3A_820 = arith.addi %select_n3A_712, %and3A_819 : vector<16xi32>
    %swap3A_821 = arith.constant 112 : index
    %swap3A_822 = tpu.vector_load %arg17[%swap3A_821] {strides = array<i32>} : memref<128xi32, #tpu.memory_space<vmem>>, vector<16xi32>,
    %swap3A_823 = vector.shape_cast %swap3A_822 : vector<16xi32> to vector<16xi32>
    %swap3A_824 = vector.shape_cast %add3A_820 : vector<16xi32> to vector<16xi32>
    tpu.vector_store %arg17[%swap3A_821], %swap3A_824 {strides = array<i32>} : memref<128xi32, #tpu.memory_space<vmem>>, vector<16xi32>,
    %dma_start3A_825 = arith.constant 0 : i32
    %dma_start3A_826 = arith.constant 0 : i32
    %dma_start3A_827 = tpu.memref_slice %arg11[%dma_start3A_825, %dma_start3A_826] : memref<128x128xf32, #tpu.memory_space<vmem>> -> memref<128x128xf32, #tpu.memory_space<vmem>>
    %dma_start3A_828 = arith.constant 0 : i32
    %dma_start3A_829 = tpu.memref_slice %arg17[%dma_start3A_828] : memref<128xi32, #tpu.memory_space<vmem>> -> memref<128xi32, #tpu.memory_space<vmem>>
    %dma_start3A_830 = arith.constant 0 : i32
    %dma_start3A_831 = arith.constant 0 : i32
    %dma_start3A_832 = tpu.memref_slice %arg2[%dma_start3A_830, %dma_start3A_831] : memref<32776x128xf32, #tpu.memory_space<hbm>> -> memref<32776x128xf32, #tpu.memory_space<hbm>>
    tpu.enqueue_indirect_dma source(%dma_start3A_832 : memref<32776x128xf32, #tpu.memory_space<hbm>>) target(%dma_start3A_827 : memref<128x128xf32, #tpu.memory_space<vmem>>) offsets(%dma_start3A_829 : memref<128xi32, #tpu.memory_space<vmem>>) semaphore(%arg24 : memref<!tpu.dma_semaphore, #tpu.memory_space<semaphore_mem>>)
    %dma_wait3A = arith.constant 0 : i32
    %dma_wait3A_833 = arith.constant 0 : i32
    %dma_wait3A_834 = tpu.memref_slice %arg6[%dma_wait3A, %dma_wait3A_833] : memref<128x128xf32, #tpu.memory_space<vmem>> -> memref<128x128xf32, #tpu.memory_space<vmem>>
    %dma_wait3A_835 = arith.constant 0 : i32
    %dma_wait3A_836 = tpu.memref_slice %arg12[%dma_wait3A_835] : memref<128xi32, #tpu.memory_space<vmem>> -> memref<128xi32, #tpu.memory_space<vmem>>
    %dma_wait3A_837 = arith.constant 0 : i32
    %dma_wait3A_838 = arith.constant 0 : i32
    %dma_wait3A_839 = tpu.memref_slice %arg2[%dma_wait3A_837, %dma_wait3A_838] : memref<32776x128xf32, #tpu.memory_space<hbm>> -> memref<32776x128xf32, #tpu.memory_space<hbm>>
    tpu.wait_indirect_dma semaphore(%arg19 : memref<!tpu.dma_semaphore, #tpu.memory_space<semaphore_mem>>) src(%dma_wait3A_839 : memref<32776x128xf32, #tpu.memory_space<hbm>>) dst(%dma_wait3A_834 : memref<128x128xf32, #tpu.memory_space<vmem>>)
    %mul3A_840 = arith.constant 8 : i32
    %mul3A_841 = arith.muli %mul3A_2, %mul3A_840 : i32
    %add3A_842 = arith.constant 0 : i32
    %add3A_843 = arith.addi %mul3A_841, %add3A_842 : i32
    %dma_start3A_844 = arith.constant 0 : i32
    %dma_start3A_845 = tpu.memref_slice %arg4[%add3A_843, %dma_start3A_844] : memref<131072x128xf32, #tpu.memory_space<hbm>> -> memref<128x128xf32, #tpu.memory_space<hbm>>
    %dma_start3A_846 = arith.constant 0 : i32
    %dma_start3A_847 = tpu.memref_slice %arg4[%add3A_843, %dma_start3A_846] : memref<131072x128xf32, #tpu.memory_space<hbm>> -> memref<128x128xf32, #tpu.memory_space<hbm>>
    tpu.enqueue_dma source(%arg6 : memref<128x128xf32, #tpu.memory_space<vmem>>) target(%dma_start3A_847 : memref<128x128xf32, #tpu.memory_space<hbm>>) target_semaphore(%arg25 : memref<!tpu.dma_semaphore, #tpu.memory_space<semaphore_mem>>)
    %dma_wait3A_848 = arith.constant 0 : i32
    %dma_wait3A_849 = tpu.memref_slice %arg4[%add3A_843, %dma_wait3A_848] : memref<131072x128xf32, #tpu.memory_space<hbm>> -> memref<128x128xf32, #tpu.memory_space<hbm>>
    %dma_wait3A_850 = arith.constant 0 : i32
    %dma_wait3A_851 = tpu.memref_slice %arg4[%add3A_843, %dma_wait3A_850] : memref<131072x128xf32, #tpu.memory_space<hbm>> -> memref<128x128xf32, #tpu.memory_space<hbm>>
    tpu.wait_dma2 semaphore(%arg25 : memref<!tpu.dma_semaphore, #tpu.memory_space<semaphore_mem>>) src(%arg6 : memref<128x128xf32, #tpu.memory_space<vmem>>) dst(%dma_wait3A_851 : memref<128x128xf32, #tpu.memory_space<hbm>>)
    %get3A_852 = arith.constant 96 : index
    %get3A_853 = tpu.vector_load %arg5[%get3A_852] {strides = array<i32>} : memref<512xi32, #tpu.memory_space<vmem>>, vector<16xi32>,
    %get3A_854 = vector.shape_cast %get3A_853 : vector<16xi32> to vector<16xi32>
    %mul3A_855 = arith.constant 8 : i32
    %mul3A_856 = vector.broadcast %mul3A_855 : i32 to vector<16xi32>
    %mul3A_857 = arith.muli %get3A_854, %mul3A_856 : vector<16xi32>
    %swap3A_858 = arith.constant 0 : index
    %swap3A_859 = tpu.vector_load %arg18[%swap3A_858] {strides = array<i32>} : memref<32xi32, #tpu.memory_space<vmem>>, vector<16xi32>,
    %swap3A_860 = vector.shape_cast %swap3A_859 : vector<16xi32> to vector<16xi32>
    %swap3A_861 = vector.shape_cast %mul3A_857 : vector<16xi32> to vector<16xi32>
    tpu.vector_store %arg18[%swap3A_858], %swap3A_861 {strides = array<i32>} : memref<32xi32, #tpu.memory_space<vmem>>, vector<16xi32>,
    %swap3A_862 = arith.constant 16 : index
    %swap3A_863 = tpu.vector_load %arg18[%swap3A_862] {strides = array<i32>} : memref<32xi32, #tpu.memory_space<vmem>>, vector<16xi32>,
    %swap3A_864 = vector.shape_cast %swap3A_863 : vector<16xi32> to vector<16xi32>
    %swap3A_865 = vector.shape_cast %mul3A_857 : vector<16xi32> to vector<16xi32>
    tpu.vector_store %arg18[%swap3A_862], %swap3A_865 {strides = array<i32>} : memref<32xi32, #tpu.memory_space<vmem>>, vector<16xi32>,
    %get3A_866 = arith.constant 8 : index
    %get3A_867 = tpu.vector_load %arg18[%get3A_866] {strides = array<i32>} : memref<32xi32, #tpu.memory_space<vmem>>, vector<16xi32>,
    %get3A_868 = vector.shape_cast %get3A_867 : vector<16xi32> to vector<16xi32>
    %select_n3A_869 = arith.select %lt3A_4, %mul3A_857, %get3A_868 : vector<16xi1>, vector<16xi32>
    %select_n3A_870 = arith.select %lt3A_4, %get3A_868, %mul3A_857 : vector<16xi1>, vector<16xi32>
    %shift_right_arithmetic3A_871 = arith.constant 3 : i32
    %shift_right_arithmetic3A_872 = vector.broadcast %shift_right_arithmetic3A_871 : i32 to vector<16xi32>
    %shift_right_arithmetic3A_873 = arith.shrsi %iota3A, %shift_right_arithmetic3A_872 : vector<16xi32>
    %add3A_874 = arith.constant 0 : i32
    %add3A_875 = vector.broadcast %add3A_874 : i32 to vector<16xi32>
    %add3A_876 = arith.addi %add3A_875, %shift_right_arithmetic3A_873 : vector<16xi32>
    %and3A_877 = arith.constant 7 : i32
    %and3A_878 = vector.broadcast %and3A_877 : i32 to vector<16xi32>
    %and3A_879 = arith.andi %add3A_876, %and3A_878 : vector<16xi32>
    %add3A_880 = arith.addi %select_n3A_869, %and3A_879 : vector<16xi32>
    %swap3A_881 = arith.constant 0 : index
    %swap3A_882 = tpu.vector_load %arg12[%swap3A_881] {strides = array<i32>} : memref<128xi32, #tpu.memory_space<vmem>>, vector<16xi32>,
    %swap3A_883 = vector.shape_cast %swap3A_882 : vector<16xi32> to vector<16xi32>
    %swap3A_884 = vector.shape_cast %add3A_880 : vector<16xi32> to vector<16xi32>
    tpu.vector_store %arg12[%swap3A_881], %swap3A_884 {strides = array<i32>} : memref<128xi32, #tpu.memory_space<vmem>>, vector<16xi32>,
    %shift_right_arithmetic3A_885 = arith.constant 3 : i32
    %shift_right_arithmetic3A_886 = vector.broadcast %shift_right_arithmetic3A_885 : i32 to vector<16xi32>
    %shift_right_arithmetic3A_887 = arith.shrsi %iota3A, %shift_right_arithmetic3A_886 : vector<16xi32>
    %add3A_888 = arith.constant 2 : i32
    %add3A_889 = vector.broadcast %add3A_888 : i32 to vector<16xi32>
    %add3A_890 = arith.addi %add3A_889, %shift_right_arithmetic3A_887 : vector<16xi32>
    %and3A_891 = arith.constant 7 : i32
    %and3A_892 = vector.broadcast %and3A_891 : i32 to vector<16xi32>
    %and3A_893 = arith.andi %add3A_890, %and3A_892 : vector<16xi32>
    %add3A_894 = arith.addi %select_n3A_869, %and3A_893 : vector<16xi32>
    %swap3A_895 = arith.constant 16 : index
    %swap3A_896 = tpu.vector_load %arg12[%swap3A_895] {strides = array<i32>} : memref<128xi32, #tpu.memory_space<vmem>>, vector<16xi32>,
    %swap3A_897 = vector.shape_cast %swap3A_896 : vector<16xi32> to vector<16xi32>
    %swap3A_898 = vector.shape_cast %add3A_894 : vector<16xi32> to vector<16xi32>
    tpu.vector_store %arg12[%swap3A_895], %swap3A_898 {strides = array<i32>} : memref<128xi32, #tpu.memory_space<vmem>>, vector<16xi32>,
    %shift_right_arithmetic3A_899 = arith.constant 3 : i32
    %shift_right_arithmetic3A_900 = vector.broadcast %shift_right_arithmetic3A_899 : i32 to vector<16xi32>
    %shift_right_arithmetic3A_901 = arith.shrsi %iota3A, %shift_right_arithmetic3A_900 : vector<16xi32>
    %add3A_902 = arith.constant 4 : i32
    %add3A_903 = vector.broadcast %add3A_902 : i32 to vector<16xi32>
    %add3A_904 = arith.addi %add3A_903, %shift_right_arithmetic3A_901 : vector<16xi32>
    %and3A_905 = arith.constant 7 : i32
    %and3A_906 = vector.broadcast %and3A_905 : i32 to vector<16xi32>
    %and3A_907 = arith.andi %add3A_904, %and3A_906 : vector<16xi32>
    %add3A_908 = arith.addi %select_n3A_869, %and3A_907 : vector<16xi32>
    %swap3A_909 = arith.constant 32 : index
    %swap3A_910 = tpu.vector_load %arg12[%swap3A_909] {strides = array<i32>} : memref<128xi32, #tpu.memory_space<vmem>>, vector<16xi32>,
    %swap3A_911 = vector.shape_cast %swap3A_910 : vector<16xi32> to vector<16xi32>
    %swap3A_912 = vector.shape_cast %add3A_908 : vector<16xi32> to vector<16xi32>
    tpu.vector_store %arg12[%swap3A_909], %swap3A_912 {strides = array<i32>} : memref<128xi32, #tpu.memory_space<vmem>>, vector<16xi32>,
    %shift_right_arithmetic3A_913 = arith.constant 3 : i32
    %shift_right_arithmetic3A_914 = vector.broadcast %shift_right_arithmetic3A_913 : i32 to vector<16xi32>
    %shift_right_arithmetic3A_915 = arith.shrsi %iota3A, %shift_right_arithmetic3A_914 : vector<16xi32>
    %add3A_916 = arith.constant 6 : i32
    %add3A_917 = vector.broadcast %add3A_916 : i32 to vector<16xi32>
    %add3A_918 = arith.addi %add3A_917, %shift_right_arithmetic3A_915 : vector<16xi32>
    %and3A_919 = arith.constant 7 : i32
    %and3A_920 = vector.broadcast %and3A_919 : i32 to vector<16xi32>
    %and3A_921 = arith.andi %add3A_918, %and3A_920 : vector<16xi32>
    %add3A_922 = arith.addi %select_n3A_869, %and3A_921 : vector<16xi32>
    %swap3A_923 = arith.constant 48 : index
    %swap3A_924 = tpu.vector_load %arg12[%swap3A_923] {strides = array<i32>} : memref<128xi32, #tpu.memory_space<vmem>>, vector<16xi32>,
    %swap3A_925 = vector.shape_cast %swap3A_924 : vector<16xi32> to vector<16xi32>
    %swap3A_926 = vector.shape_cast %add3A_922 : vector<16xi32> to vector<16xi32>
    tpu.vector_store %arg12[%swap3A_923], %swap3A_926 {strides = array<i32>} : memref<128xi32, #tpu.memory_space<vmem>>, vector<16xi32>,
    %shift_right_arithmetic3A_927 = arith.constant 3 : i32
    %shift_right_arithmetic3A_928 = vector.broadcast %shift_right_arithmetic3A_927 : i32 to vector<16xi32>
    %shift_right_arithmetic3A_929 = arith.shrsi %iota3A, %shift_right_arithmetic3A_928 : vector<16xi32>
    %add3A_930 = arith.constant 8 : i32
    %add3A_931 = vector.broadcast %add3A_930 : i32 to vector<16xi32>
    %add3A_932 = arith.addi %add3A_931, %shift_right_arithmetic3A_929 : vector<16xi32>
    %and3A_933 = arith.constant 7 : i32
    %and3A_934 = vector.broadcast %and3A_933 : i32 to vector<16xi32>
    %and3A_935 = arith.andi %add3A_932, %and3A_934 : vector<16xi32>
    %add3A_936 = arith.addi %select_n3A_870, %and3A_935 : vector<16xi32>
    %swap3A_937 = arith.constant 64 : index
    %swap3A_938 = tpu.vector_load %arg12[%swap3A_937] {strides = array<i32>} : memref<128xi32, #tpu.memory_space<vmem>>, vector<16xi32>,
    %swap3A_939 = vector.shape_cast %swap3A_938 : vector<16xi32> to vector<16xi32>
    %swap3A_940 = vector.shape_cast %add3A_936 : vector<16xi32> to vector<16xi32>
    tpu.vector_store %arg12[%swap3A_937], %swap3A_940 {strides = array<i32>} : memref<128xi32, #tpu.memory_space<vmem>>, vector<16xi32>,
    %shift_right_arithmetic3A_941 = arith.constant 3 : i32
    %shift_right_arithmetic3A_942 = vector.broadcast %shift_right_arithmetic3A_941 : i32 to vector<16xi32>
    %shift_right_arithmetic3A_943 = arith.shrsi %iota3A, %shift_right_arithmetic3A_942 : vector<16xi32>
    %add3A_944 = arith.constant 10 : i32
    %add3A_945 = vector.broadcast %add3A_944 : i32 to vector<16xi32>
    %add3A_946 = arith.addi %add3A_945, %shift_right_arithmetic3A_943 : vector<16xi32>
    %and3A_947 = arith.constant 7 : i32
    %and3A_948 = vector.broadcast %and3A_947 : i32 to vector<16xi32>
    %and3A_949 = arith.andi %add3A_946, %and3A_948 : vector<16xi32>
    %add3A_950 = arith.addi %select_n3A_870, %and3A_949 : vector<16xi32>
    %swap3A_951 = arith.constant 80 : index
    %swap3A_952 = tpu.vector_load %arg12[%swap3A_951] {strides = array<i32>} : memref<128xi32, #tpu.memory_space<vmem>>, vector<16xi32>,
    %swap3A_953 = vector.shape_cast %swap3A_952 : vector<16xi32> to vector<16xi32>
    %swap3A_954 = vector.shape_cast %add3A_950 : vector<16xi32> to vector<16xi32>
    tpu.vector_store %arg12[%swap3A_951], %swap3A_954 {strides = array<i32>} : memref<128xi32, #tpu.memory_space<vmem>>, vector<16xi32>,
    %shift_right_arithmetic3A_955 = arith.constant 3 : i32
    %shift_right_arithmetic3A_956 = vector.broadcast %shift_right_arithmetic3A_955 : i32 to vector<16xi32>
    %shift_right_arithmetic3A_957 = arith.shrsi %iota3A, %shift_right_arithmetic3A_956 : vector<16xi32>
    %add3A_958 = arith.constant 12 : i32
    %add3A_959 = vector.broadcast %add3A_958 : i32 to vector<16xi32>
    %add3A_960 = arith.addi %add3A_959, %shift_right_arithmetic3A_957 : vector<16xi32>
    %and3A_961 = arith.constant 7 : i32
    %and3A_962 = vector.broadcast %and3A_961 : i32 to vector<16xi32>
    %and3A_963 = arith.andi %add3A_960, %and3A_962 : vector<16xi32>
    %add3A_964 = arith.addi %select_n3A_870, %and3A_963 : vector<16xi32>
    %swap3A_965 = arith.constant 96 : index
    %swap3A_966 = tpu.vector_load %arg12[%swap3A_965] {strides = array<i32>} : memref<128xi32, #tpu.memory_space<vmem>>, vector<16xi32>,
    %swap3A_967 = vector.shape_cast %swap3A_966 : vector<16xi32> to vector<16xi32>
    %swap3A_968 = vector.shape_cast %add3A_964 : vector<16xi32> to vector<16xi32>
    tpu.vector_store %arg12[%swap3A_965], %swap3A_968 {strides = array<i32>} : memref<128xi32, #tpu.memory_space<vmem>>, vector<16xi32>,
    %shift_right_arithmetic3A_969 = arith.constant 3 : i32
    %shift_right_arithmetic3A_970 = vector.broadcast %shift_right_arithmetic3A_969 : i32 to vector<16xi32>
    %shift_right_arithmetic3A_971 = arith.shrsi %iota3A, %shift_right_arithmetic3A_970 : vector<16xi32>
    %add3A_972 = arith.constant 14 : i32
    %add3A_973 = vector.broadcast %add3A_972 : i32 to vector<16xi32>
    %add3A_974 = arith.addi %add3A_973, %shift_right_arithmetic3A_971 : vector<16xi32>
    %and3A_975 = arith.constant 7 : i32
    %and3A_976 = vector.broadcast %and3A_975 : i32 to vector<16xi32>
    %and3A_977 = arith.andi %add3A_974, %and3A_976 : vector<16xi32>
    %add3A_978 = arith.addi %select_n3A_870, %and3A_977 : vector<16xi32>
    %swap3A_979 = arith.constant 112 : index
    %swap3A_980 = tpu.vector_load %arg12[%swap3A_979] {strides = array<i32>} : memref<128xi32, #tpu.memory_space<vmem>>, vector<16xi32>,
    %swap3A_981 = vector.shape_cast %swap3A_980 : vector<16xi32> to vector<16xi32>
    %swap3A_982 = vector.shape_cast %add3A_978 : vector<16xi32> to vector<16xi32>
    tpu.vector_store %arg12[%swap3A_979], %swap3A_982 {strides = array<i32>} : memref<128xi32, #tpu.memory_space<vmem>>, vector<16xi32>,
    %dma_start3A_983 = arith.constant 0 : i32
    %dma_start3A_984 = arith.constant 0 : i32
    %dma_start3A_985 = tpu.memref_slice %arg6[%dma_start3A_983, %dma_start3A_984] : memref<128x128xf32, #tpu.memory_space<vmem>> -> memref<128x128xf32, #tpu.memory_space<vmem>>
    %dma_start3A_986 = arith.constant 0 : i32
    %dma_start3A_987 = tpu.memref_slice %arg12[%dma_start3A_986] : memref<128xi32, #tpu.memory_space<vmem>> -> memref<128xi32, #tpu.memory_space<vmem>>
    %dma_start3A_988 = arith.constant 0 : i32
    %dma_start3A_989 = arith.constant 0 : i32
    %dma_start3A_990 = tpu.memref_slice %arg2[%dma_start3A_988, %dma_start3A_989] : memref<32776x128xf32, #tpu.memory_space<hbm>> -> memref<32776x128xf32, #tpu.memory_space<hbm>>
    tpu.enqueue_indirect_dma source(%dma_start3A_990 : memref<32776x128xf32, #tpu.memory_space<hbm>>) target(%dma_start3A_985 : memref<128x128xf32, #tpu.memory_space<vmem>>) offsets(%dma_start3A_987 : memref<128xi32, #tpu.memory_space<vmem>>) semaphore(%arg19 : memref<!tpu.dma_semaphore, #tpu.memory_space<semaphore_mem>>)
    %dma_wait3A_991 = arith.constant 0 : i32
    %dma_wait3A_992 = arith.constant 0 : i32
    %dma_wait3A_993 = tpu.memref_slice %arg7[%dma_wait3A_991, %dma_wait3A_992] : memref<128x128xf32, #tpu.memory_space<vmem>> -> memref<128x128xf32, #tpu.memory_space<vmem>>
    %dma_wait3A_994 = arith.constant 0 : i32
    %dma_wait3A_995 = tpu.memref_slice %arg13[%dma_wait3A_994] : memref<128xi32, #tpu.memory_space<vmem>> -> memref<128xi32, #tpu.memory_space<vmem>>
    %dma_wait3A_996 = arith.constant 0 : i32
    %dma_wait3A_997 = arith.constant 0 : i32
    %dma_wait3A_998 = tpu.memref_slice %arg2[%dma_wait3A_996, %dma_wait3A_997] : memref<32776x128xf32, #tpu.memory_space<hbm>> -> memref<32776x128xf32, #tpu.memory_space<hbm>>
    tpu.wait_indirect_dma semaphore(%arg20 : memref<!tpu.dma_semaphore, #tpu.memory_space<semaphore_mem>>) src(%dma_wait3A_998 : memref<32776x128xf32, #tpu.memory_space<hbm>>) dst(%dma_wait3A_993 : memref<128x128xf32, #tpu.memory_space<vmem>>)
    %mul3A_999 = arith.constant 8 : i32
    %mul3A_1000 = arith.muli %mul3A_2, %mul3A_999 : i32
    %add3A_1001 = arith.constant 128 : i32
    %add3A_1002 = arith.addi %mul3A_1000, %add3A_1001 : i32
    %dma_start3A_1003 = arith.constant 0 : i32
    %dma_start3A_1004 = tpu.memref_slice %arg4[%add3A_1002, %dma_start3A_1003] : memref<131072x128xf32, #tpu.memory_space<hbm>> -> memref<128x128xf32, #tpu.memory_space<hbm>>
    %dma_start3A_1005 = arith.constant 0 : i32
    %dma_start3A_1006 = tpu.memref_slice %arg4[%add3A_1002, %dma_start3A_1005] : memref<131072x128xf32, #tpu.memory_space<hbm>> -> memref<128x128xf32, #tpu.memory_space<hbm>>
    tpu.enqueue_dma source(%arg7 : memref<128x128xf32, #tpu.memory_space<vmem>>) target(%dma_start3A_1006 : memref<128x128xf32, #tpu.memory_space<hbm>>) target_semaphore(%arg26 : memref<!tpu.dma_semaphore, #tpu.memory_space<semaphore_mem>>)
    %dma_wait3A_1007 = arith.constant 0 : i32
    %dma_wait3A_1008 = tpu.memref_slice %arg4[%add3A_1002, %dma_wait3A_1007] : memref<131072x128xf32, #tpu.memory_space<hbm>> -> memref<128x128xf32, #tpu.memory_space<hbm>>
    %dma_wait3A_1009 = arith.constant 0 : i32
    %dma_wait3A_1010 = tpu.memref_slice %arg4[%add3A_1002, %dma_wait3A_1009] : memref<131072x128xf32, #tpu.memory_space<hbm>> -> memref<128x128xf32, #tpu.memory_space<hbm>>
    tpu.wait_dma2 semaphore(%arg26 : memref<!tpu.dma_semaphore, #tpu.memory_space<semaphore_mem>>) src(%arg7 : memref<128x128xf32, #tpu.memory_space<vmem>>) dst(%dma_wait3A_1010 : memref<128x128xf32, #tpu.memory_space<hbm>>)
    %get3A_1011 = arith.constant 112 : index
    %get3A_1012 = tpu.vector_load %arg5[%get3A_1011] {strides = array<i32>} : memref<512xi32, #tpu.memory_space<vmem>>, vector<16xi32>,
    %get3A_1013 = vector.shape_cast %get3A_1012 : vector<16xi32> to vector<16xi32>
    %mul3A_1014 = arith.constant 8 : i32
    %mul3A_1015 = vector.broadcast %mul3A_1014 : i32 to vector<16xi32>
    %mul3A_1016 = arith.muli %get3A_1013, %mul3A_1015 : vector<16xi32>
    %swap3A_1017 = arith.constant 0 : index
    %swap3A_1018 = tpu.vector_load %arg18[%swap3A_1017] {strides = array<i32>} : memref<32xi32, #tpu.memory_space<vmem>>, vector<16xi32>,
    %swap3A_1019 = vector.shape_cast %swap3A_1018 : vector<16xi32> to vector<16xi32>
    %swap3A_1020 = vector.shape_cast %mul3A_1016 : vector<16xi32> to vector<16xi32>
    tpu.vector_store %arg18[%swap3A_1017], %swap3A_1020 {strides = array<i32>} : memref<32xi32, #tpu.memory_space<vmem>>, vector<16xi32>,
    %swap3A_1021 = arith.constant 16 : index
    %swap3A_1022 = tpu.vector_load %arg18[%swap3A_1021] {strides = array<i32>} : memref<32xi32, #tpu.memory_space<vmem>>, vector<16xi32>,
    %swap3A_1023 = vector.shape_cast %swap3A_1022 : vector<16xi32> to vector<16xi32>
    %swap3A_1024 = vector.shape_cast %mul3A_1016 : vector<16xi32> to vector<16xi32>
    tpu.vector_store %arg18[%swap3A_1021], %swap3A_1024 {strides = array<i32>} : memref<32xi32, #tpu.memory_space<vmem>>, vector<16xi32>,
    %get3A_1025 = arith.constant 8 : index
    %get3A_1026 = tpu.vector_load %arg18[%get3A_1025] {strides = array<i32>} : memref<32xi32, #tpu.memory_space<vmem>>, vector<16xi32>,
    %get3A_1027 = vector.shape_cast %get3A_1026 : vector<16xi32> to vector<16xi32>
    %select_n3A_1028 = arith.select %lt3A_4, %mul3A_1016, %get3A_1027 : vector<16xi1>, vector<16xi32>
    %select_n3A_1029 = arith.select %lt3A_4, %get3A_1027, %mul3A_1016 : vector<16xi1>, vector<16xi32>
    %shift_right_arithmetic3A_1030 = arith.constant 3 : i32
    %shift_right_arithmetic3A_1031 = vector.broadcast %shift_right_arithmetic3A_1030 : i32 to vector<16xi32>
    %shift_right_arithmetic3A_1032 = arith.shrsi %iota3A, %shift_right_arithmetic3A_1031 : vector<16xi32>
    %add3A_1033 = arith.constant 0 : i32
    %add3A_1034 = vector.broadcast %add3A_1033 : i32 to vector<16xi32>
    %add3A_1035 = arith.addi %add3A_1034, %shift_right_arithmetic3A_1032 : vector<16xi32>
    %and3A_1036 = arith.constant 7 : i32
    %and3A_1037 = vector.broadcast %and3A_1036 : i32 to vector<16xi32>
    %and3A_1038 = arith.andi %add3A_1035, %and3A_1037 : vector<16xi32>
    %add3A_1039 = arith.addi %select_n3A_1028, %and3A_1038 : vector<16xi32>
    %swap3A_1040 = arith.constant 0 : index
    %swap3A_1041 = tpu.vector_load %arg13[%swap3A_1040] {strides = array<i32>} : memref<128xi32, #tpu.memory_space<vmem>>, vector<16xi32>,
    %swap3A_1042 = vector.shape_cast %swap3A_1041 : vector<16xi32> to vector<16xi32>
    %swap3A_1043 = vector.shape_cast %add3A_1039 : vector<16xi32> to vector<16xi32>
    tpu.vector_store %arg13[%swap3A_1040], %swap3A_1043 {strides = array<i32>} : memref<128xi32, #tpu.memory_space<vmem>>, vector<16xi32>,
    %shift_right_arithmetic3A_1044 = arith.constant 3 : i32
    %shift_right_arithmetic3A_1045 = vector.broadcast %shift_right_arithmetic3A_1044 : i32 to vector<16xi32>
    %shift_right_arithmetic3A_1046 = arith.shrsi %iota3A, %shift_right_arithmetic3A_1045 : vector<16xi32>
    %add3A_1047 = arith.constant 2 : i32
    %add3A_1048 = vector.broadcast %add3A_1047 : i32 to vector<16xi32>
    %add3A_1049 = arith.addi %add3A_1048, %shift_right_arithmetic3A_1046 : vector<16xi32>
    %and3A_1050 = arith.constant 7 : i32
    %and3A_1051 = vector.broadcast %and3A_1050 : i32 to vector<16xi32>
    %and3A_1052 = arith.andi %add3A_1049, %and3A_1051 : vector<16xi32>
    %add3A_1053 = arith.addi %select_n3A_1028, %and3A_1052 : vector<16xi32>
    %swap3A_1054 = arith.constant 16 : index
    %swap3A_1055 = tpu.vector_load %arg13[%swap3A_1054] {strides = array<i32>} : memref<128xi32, #tpu.memory_space<vmem>>, vector<16xi32>,
    %swap3A_1056 = vector.shape_cast %swap3A_1055 : vector<16xi32> to vector<16xi32>
    %swap3A_1057 = vector.shape_cast %add3A_1053 : vector<16xi32> to vector<16xi32>
    tpu.vector_store %arg13[%swap3A_1054], %swap3A_1057 {strides = array<i32>} : memref<128xi32, #tpu.memory_space<vmem>>, vector<16xi32>,
    %shift_right_arithmetic3A_1058 = arith.constant 3 : i32
    %shift_right_arithmetic3A_1059 = vector.broadcast %shift_right_arithmetic3A_1058 : i32 to vector<16xi32>
    %shift_right_arithmetic3A_1060 = arith.shrsi %iota3A, %shift_right_arithmetic3A_1059 : vector<16xi32>
    %add3A_1061 = arith.constant 4 : i32
    %add3A_1062 = vector.broadcast %add3A_1061 : i32 to vector<16xi32>
    %add3A_1063 = arith.addi %add3A_1062, %shift_right_arithmetic3A_1060 : vector<16xi32>
    %and3A_1064 = arith.constant 7 : i32
    %and3A_1065 = vector.broadcast %and3A_1064 : i32 to vector<16xi32>
    %and3A_1066 = arith.andi %add3A_1063, %and3A_1065 : vector<16xi32>
    %add3A_1067 = arith.addi %select_n3A_1028, %and3A_1066 : vector<16xi32>
    %swap3A_1068 = arith.constant 32 : index
    %swap3A_1069 = tpu.vector_load %arg13[%swap3A_1068] {strides = array<i32>} : memref<128xi32, #tpu.memory_space<vmem>>, vector<16xi32>,
    %swap3A_1070 = vector.shape_cast %swap3A_1069 : vector<16xi32> to vector<16xi32>
    %swap3A_1071 = vector.shape_cast %add3A_1067 : vector<16xi32> to vector<16xi32>
    tpu.vector_store %arg13[%swap3A_1068], %swap3A_1071 {strides = array<i32>} : memref<128xi32, #tpu.memory_space<vmem>>, vector<16xi32>,
    %shift_right_arithmetic3A_1072 = arith.constant 3 : i32
    %shift_right_arithmetic3A_1073 = vector.broadcast %shift_right_arithmetic3A_1072 : i32 to vector<16xi32>
    %shift_right_arithmetic3A_1074 = arith.shrsi %iota3A, %shift_right_arithmetic3A_1073 : vector<16xi32>
    %add3A_1075 = arith.constant 6 : i32
    %add3A_1076 = vector.broadcast %add3A_1075 : i32 to vector<16xi32>
    %add3A_1077 = arith.addi %add3A_1076, %shift_right_arithmetic3A_1074 : vector<16xi32>
    %and3A_1078 = arith.constant 7 : i32
    %and3A_1079 = vector.broadcast %and3A_1078 : i32 to vector<16xi32>
    %and3A_1080 = arith.andi %add3A_1077, %and3A_1079 : vector<16xi32>
    %add3A_1081 = arith.addi %select_n3A_1028, %and3A_1080 : vector<16xi32>
    %swap3A_1082 = arith.constant 48 : index
    %swap3A_1083 = tpu.vector_load %arg13[%swap3A_1082] {strides = array<i32>} : memref<128xi32, #tpu.memory_space<vmem>>, vector<16xi32>,
    %swap3A_1084 = vector.shape_cast %swap3A_1083 : vector<16xi32> to vector<16xi32>
    %swap3A_1085 = vector.shape_cast %add3A_1081 : vector<16xi32> to vector<16xi32>
    tpu.vector_store %arg13[%swap3A_1082], %swap3A_1085 {strides = array<i32>} : memref<128xi32, #tpu.memory_space<vmem>>, vector<16xi32>,
    %shift_right_arithmetic3A_1086 = arith.constant 3 : i32
    %shift_right_arithmetic3A_1087 = vector.broadcast %shift_right_arithmetic3A_1086 : i32 to vector<16xi32>
    %shift_right_arithmetic3A_1088 = arith.shrsi %iota3A, %shift_right_arithmetic3A_1087 : vector<16xi32>
    %add3A_1089 = arith.constant 8 : i32
    %add3A_1090 = vector.broadcast %add3A_1089 : i32 to vector<16xi32>
    %add3A_1091 = arith.addi %add3A_1090, %shift_right_arithmetic3A_1088 : vector<16xi32>
    %and3A_1092 = arith.constant 7 : i32
    %and3A_1093 = vector.broadcast %and3A_1092 : i32 to vector<16xi32>
    %and3A_1094 = arith.andi %add3A_1091, %and3A_1093 : vector<16xi32>
    %add3A_1095 = arith.addi %select_n3A_1029, %and3A_1094 : vector<16xi32>
    %swap3A_1096 = arith.constant 64 : index
    %swap3A_1097 = tpu.vector_load %arg13[%swap3A_1096] {strides = array<i32>} : memref<128xi32, #tpu.memory_space<vmem>>, vector<16xi32>,
    %swap3A_1098 = vector.shape_cast %swap3A_1097 : vector<16xi32> to vector<16xi32>
    %swap3A_1099 = vector.shape_cast %add3A_1095 : vector<16xi32> to vector<16xi32>
    tpu.vector_store %arg13[%swap3A_1096], %swap3A_1099 {strides = array<i32>} : memref<128xi32, #tpu.memory_space<vmem>>, vector<16xi32>,
    %shift_right_arithmetic3A_1100 = arith.constant 3 : i32
    %shift_right_arithmetic3A_1101 = vector.broadcast %shift_right_arithmetic3A_1100 : i32 to vector<16xi32>
    %shift_right_arithmetic3A_1102 = arith.shrsi %iota3A, %shift_right_arithmetic3A_1101 : vector<16xi32>
    %add3A_1103 = arith.constant 10 : i32
    %add3A_1104 = vector.broadcast %add3A_1103 : i32 to vector<16xi32>
    %add3A_1105 = arith.addi %add3A_1104, %shift_right_arithmetic3A_1102 : vector<16xi32>
    %and3A_1106 = arith.constant 7 : i32
    %and3A_1107 = vector.broadcast %and3A_1106 : i32 to vector<16xi32>
    %and3A_1108 = arith.andi %add3A_1105, %and3A_1107 : vector<16xi32>
    %add3A_1109 = arith.addi %select_n3A_1029, %and3A_1108 : vector<16xi32>
    %swap3A_1110 = arith.constant 80 : index
    %swap3A_1111 = tpu.vector_load %arg13[%swap3A_1110] {strides = array<i32>} : memref<128xi32, #tpu.memory_space<vmem>>, vector<16xi32>,
    %swap3A_1112 = vector.shape_cast %swap3A_1111 : vector<16xi32> to vector<16xi32>
    %swap3A_1113 = vector.shape_cast %add3A_1109 : vector<16xi32> to vector<16xi32>
    tpu.vector_store %arg13[%swap3A_1110], %swap3A_1113 {strides = array<i32>} : memref<128xi32, #tpu.memory_space<vmem>>, vector<16xi32>,
    %shift_right_arithmetic3A_1114 = arith.constant 3 : i32
    %shift_right_arithmetic3A_1115 = vector.broadcast %shift_right_arithmetic3A_1114 : i32 to vector<16xi32>
    %shift_right_arithmetic3A_1116 = arith.shrsi %iota3A, %shift_right_arithmetic3A_1115 : vector<16xi32>
    %add3A_1117 = arith.constant 12 : i32
    %add3A_1118 = vector.broadcast %add3A_1117 : i32 to vector<16xi32>
    %add3A_1119 = arith.addi %add3A_1118, %shift_right_arithmetic3A_1116 : vector<16xi32>
    %and3A_1120 = arith.constant 7 : i32
    %and3A_1121 = vector.broadcast %and3A_1120 : i32 to vector<16xi32>
    %and3A_1122 = arith.andi %add3A_1119, %and3A_1121 : vector<16xi32>
    %add3A_1123 = arith.addi %select_n3A_1029, %and3A_1122 : vector<16xi32>
    %swap3A_1124 = arith.constant 96 : index
    %swap3A_1125 = tpu.vector_load %arg13[%swap3A_1124] {strides = array<i32>} : memref<128xi32, #tpu.memory_space<vmem>>, vector<16xi32>,
    %swap3A_1126 = vector.shape_cast %swap3A_1125 : vector<16xi32> to vector<16xi32>
    %swap3A_1127 = vector.shape_cast %add3A_1123 : vector<16xi32> to vector<16xi32>
    tpu.vector_store %arg13[%swap3A_1124], %swap3A_1127 {strides = array<i32>} : memref<128xi32, #tpu.memory_space<vmem>>, vector<16xi32>,
    %shift_right_arithmetic3A_1128 = arith.constant 3 : i32
    %shift_right_arithmetic3A_1129 = vector.broadcast %shift_right_arithmetic3A_1128 : i32 to vector<16xi32>
    %shift_right_arithmetic3A_1130 = arith.shrsi %iota3A, %shift_right_arithmetic3A_1129 : vector<16xi32>
    %add3A_1131 = arith.constant 14 : i32
    %add3A_1132 = vector.broadcast %add3A_1131 : i32 to vector<16xi32>
    %add3A_1133 = arith.addi %add3A_1132, %shift_right_arithmetic3A_1130 : vector<16xi32>
    %and3A_1134 = arith.constant 7 : i32
    %and3A_1135 = vector.broadcast %and3A_1134 : i32 to vector<16xi32>
    %and3A_1136 = arith.andi %add3A_1133, %and3A_1135 : vector<16xi32>
    %add3A_1137 = arith.addi %select_n3A_1029, %and3A_1136 : vector<16xi32>
    %swap3A_1138 = arith.constant 112 : index
    %swap3A_1139 = tpu.vector_load %arg13[%swap3A_1138] {strides = array<i32>} : memref<128xi32, #tpu.memory_space<vmem>>, vector<16xi32>,
    %swap3A_1140 = vector.shape_cast %swap3A_1139 : vector<16xi32> to vector<16xi32>
    %swap3A_1141 = vector.shape_cast %add3A_1137 : vector<16xi32> to vector<16xi32>
    tpu.vector_store %arg13[%swap3A_1138], %swap3A_1141 {strides = array<i32>} : memref<128xi32, #tpu.memory_space<vmem>>, vector<16xi32>,
    %dma_start3A_1142 = arith.constant 0 : i32
    %dma_start3A_1143 = arith.constant 0 : i32
    %dma_start3A_1144 = tpu.memref_slice %arg7[%dma_start3A_1142, %dma_start3A_1143] : memref<128x128xf32, #tpu.memory_space<vmem>> -> memref<128x128xf32, #tpu.memory_space<vmem>>
    %dma_start3A_1145 = arith.constant 0 : i32
    %dma_start3A_1146 = tpu.memref_slice %arg13[%dma_start3A_1145] : memref<128xi32, #tpu.memory_space<vmem>> -> memref<128xi32, #tpu.memory_space<vmem>>
    %dma_start3A_1147 = arith.constant 0 : i32
    %dma_start3A_1148 = arith.constant 0 : i32
    %dma_start3A_1149 = tpu.memref_slice %arg2[%dma_start3A_1147, %dma_start3A_1148] : memref<32776x128xf32, #tpu.memory_space<hbm>> -> memref<32776x128xf32, #tpu.memory_space<hbm>>
    tpu.enqueue_indirect_dma source(%dma_start3A_1149 : memref<32776x128xf32, #tpu.memory_space<hbm>>) target(%dma_start3A_1144 : memref<128x128xf32, #tpu.memory_space<vmem>>) offsets(%dma_start3A_1146 : memref<128xi32, #tpu.memory_space<vmem>>) semaphore(%arg20 : memref<!tpu.dma_semaphore, #tpu.memory_space<semaphore_mem>>)
    %dma_wait3A_1150 = arith.constant 0 : i32
    %dma_wait3A_1151 = arith.constant 0 : i32
    %dma_wait3A_1152 = tpu.memref_slice %arg8[%dma_wait3A_1150, %dma_wait3A_1151] : memref<128x128xf32, #tpu.memory_space<vmem>> -> memref<128x128xf32, #tpu.memory_space<vmem>>
    %dma_wait3A_1153 = arith.constant 0 : i32
    %dma_wait3A_1154 = tpu.memref_slice %arg14[%dma_wait3A_1153] : memref<128xi32, #tpu.memory_space<vmem>> -> memref<128xi32, #tpu.memory_space<vmem>>
    %dma_wait3A_1155 = arith.constant 0 : i32
    %dma_wait3A_1156 = arith.constant 0 : i32
    %dma_wait3A_1157 = tpu.memref_slice %arg2[%dma_wait3A_1155, %dma_wait3A_1156] : memref<32776x128xf32, #tpu.memory_space<hbm>> -> memref<32776x128xf32, #tpu.memory_space<hbm>>
    tpu.wait_indirect_dma semaphore(%arg21 : memref<!tpu.dma_semaphore, #tpu.memory_space<semaphore_mem>>) src(%dma_wait3A_1157 : memref<32776x128xf32, #tpu.memory_space<hbm>>) dst(%dma_wait3A_1152 : memref<128x128xf32, #tpu.memory_space<vmem>>)
    %mul3A_1158 = arith.constant 8 : i32
    %mul3A_1159 = arith.muli %mul3A_2, %mul3A_1158 : i32
    %add3A_1160 = arith.constant 256 : i32
    %add3A_1161 = arith.addi %mul3A_1159, %add3A_1160 : i32
    %dma_start3A_1162 = arith.constant 0 : i32
    %dma_start3A_1163 = tpu.memref_slice %arg4[%add3A_1161, %dma_start3A_1162] : memref<131072x128xf32, #tpu.memory_space<hbm>> -> memref<128x128xf32, #tpu.memory_space<hbm>>
    %dma_start3A_1164 = arith.constant 0 : i32
    %dma_start3A_1165 = tpu.memref_slice %arg4[%add3A_1161, %dma_start3A_1164] : memref<131072x128xf32, #tpu.memory_space<hbm>> -> memref<128x128xf32, #tpu.memory_space<hbm>>
    tpu.enqueue_dma source(%arg8 : memref<128x128xf32, #tpu.memory_space<vmem>>) target(%dma_start3A_1165 : memref<128x128xf32, #tpu.memory_space<hbm>>) target_semaphore(%arg27 : memref<!tpu.dma_semaphore, #tpu.memory_space<semaphore_mem>>)
    %dma_wait3A_1166 = arith.constant 0 : i32
    %dma_wait3A_1167 = tpu.memref_slice %arg4[%add3A_1161, %dma_wait3A_1166] : memref<131072x128xf32, #tpu.memory_space<hbm>> -> memref<128x128xf32, #tpu.memory_space<hbm>>
    %dma_wait3A_1168 = arith.constant 0 : i32
    %dma_wait3A_1169 = tpu.memref_slice %arg4[%add3A_1161, %dma_wait3A_1168] : memref<131072x128xf32, #tpu.memory_space<hbm>> -> memref<128x128xf32, #tpu.memory_space<hbm>>
    tpu.wait_dma2 semaphore(%arg27 : memref<!tpu.dma_semaphore, #tpu.memory_space<semaphore_mem>>) src(%arg8 : memref<128x128xf32, #tpu.memory_space<vmem>>) dst(%dma_wait3A_1169 : memref<128x128xf32, #tpu.memory_space<hbm>>)
    %get3A_1170 = arith.constant 128 : index
    %get3A_1171 = tpu.vector_load %arg5[%get3A_1170] {strides = array<i32>} : memref<512xi32, #tpu.memory_space<vmem>>, vector<16xi32>,
    %get3A_1172 = vector.shape_cast %get3A_1171 : vector<16xi32> to vector<16xi32>
    %mul3A_1173 = arith.constant 8 : i32
    %mul3A_1174 = vector.broadcast %mul3A_1173 : i32 to vector<16xi32>
    %mul3A_1175 = arith.muli %get3A_1172, %mul3A_1174 : vector<16xi32>
    %swap3A_1176 = arith.constant 0 : index
    %swap3A_1177 = tpu.vector_load %arg18[%swap3A_1176] {strides = array<i32>} : memref<32xi32, #tpu.memory_space<vmem>>, vector<16xi32>,
    %swap3A_1178 = vector.shape_cast %swap3A_1177 : vector<16xi32> to vector<16xi32>
    %swap3A_1179 = vector.shape_cast %mul3A_1175 : vector<16xi32> to vector<16xi32>
    tpu.vector_store %arg18[%swap3A_1176], %swap3A_1179 {strides = array<i32>} : memref<32xi32, #tpu.memory_space<vmem>>, vector<16xi32>,
    %swap3A_1180 = arith.constant 16 : index
    %swap3A_1181 = tpu.vector_load %arg18[%swap3A_1180] {strides = array<i32>} : memref<32xi32, #tpu.memory_space<vmem>>, vector<16xi32>,
    %swap3A_1182 = vector.shape_cast %swap3A_1181 : vector<16xi32> to vector<16xi32>
    %swap3A_1183 = vector.shape_cast %mul3A_1175 : vector<16xi32> to vector<16xi32>
    tpu.vector_store %arg18[%swap3A_1180], %swap3A_1183 {strides = array<i32>} : memref<32xi32, #tpu.memory_space<vmem>>, vector<16xi32>,
    %get3A_1184 = arith.constant 8 : index
    %get3A_1185 = tpu.vector_load %arg18[%get3A_1184] {strides = array<i32>} : memref<32xi32, #tpu.memory_space<vmem>>, vector<16xi32>,
    %get3A_1186 = vector.shape_cast %get3A_1185 : vector<16xi32> to vector<16xi32>
    %select_n3A_1187 = arith.select %lt3A_4, %mul3A_1175, %get3A_1186 : vector<16xi1>, vector<16xi32>
    %select_n3A_1188 = arith.select %lt3A_4, %get3A_1186, %mul3A_1175 : vector<16xi1>, vector<16xi32>
    %shift_right_arithmetic3A_1189 = arith.constant 3 : i32
    %shift_right_arithmetic3A_1190 = vector.broadcast %shift_right_arithmetic3A_1189 : i32 to vector<16xi32>
    %shift_right_arithmetic3A_1191 = arith.shrsi %iota3A, %shift_right_arithmetic3A_1190 : vector<16xi32>
    %add3A_1192 = arith.constant 0 : i32
    %add3A_1193 = vector.broadcast %add3A_1192 : i32 to vector<16xi32>
    %add3A_1194 = arith.addi %add3A_1193, %shift_right_arithmetic3A_1191 : vector<16xi32>
    %and3A_1195 = arith.constant 7 : i32
    %and3A_1196 = vector.broadcast %and3A_1195 : i32 to vector<16xi32>
    %and3A_1197 = arith.andi %add3A_1194, %and3A_1196 : vector<16xi32>
    %add3A_1198 = arith.addi %select_n3A_1187, %and3A_1197 : vector<16xi32>
    %swap3A_1199 = arith.constant 0 : index
    %swap3A_1200 = tpu.vector_load %arg14[%swap3A_1199] {strides = array<i32>} : memref<128xi32, #tpu.memory_space<vmem>>, vector<16xi32>,
    %swap3A_1201 = vector.shape_cast %swap3A_1200 : vector<16xi32> to vector<16xi32>
    %swap3A_1202 = vector.shape_cast %add3A_1198 : vector<16xi32> to vector<16xi32>
    tpu.vector_store %arg14[%swap3A_1199], %swap3A_1202 {strides = array<i32>} : memref<128xi32, #tpu.memory_space<vmem>>, vector<16xi32>,
    %shift_right_arithmetic3A_1203 = arith.constant 3 : i32
    %shift_right_arithmetic3A_1204 = vector.broadcast %shift_right_arithmetic3A_1203 : i32 to vector<16xi32>
    %shift_right_arithmetic3A_1205 = arith.shrsi %iota3A, %shift_right_arithmetic3A_1204 : vector<16xi32>
    %add3A_1206 = arith.constant 2 : i32
    %add3A_1207 = vector.broadcast %add3A_1206 : i32 to vector<16xi32>
    %add3A_1208 = arith.addi %add3A_1207, %shift_right_arithmetic3A_1205 : vector<16xi32>
    %and3A_1209 = arith.constant 7 : i32
    %and3A_1210 = vector.broadcast %and3A_1209 : i32 to vector<16xi32>
    %and3A_1211 = arith.andi %add3A_1208, %and3A_1210 : vector<16xi32>
    %add3A_1212 = arith.addi %select_n3A_1187, %and3A_1211 : vector<16xi32>
    %swap3A_1213 = arith.constant 16 : index
    %swap3A_1214 = tpu.vector_load %arg14[%swap3A_1213] {strides = array<i32>} : memref<128xi32, #tpu.memory_space<vmem>>, vector<16xi32>,
    %swap3A_1215 = vector.shape_cast %swap3A_1214 : vector<16xi32> to vector<16xi32>
    %swap3A_1216 = vector.shape_cast %add3A_1212 : vector<16xi32> to vector<16xi32>
    tpu.vector_store %arg14[%swap3A_1213], %swap3A_1216 {strides = array<i32>} : memref<128xi32, #tpu.memory_space<vmem>>, vector<16xi32>,
    %shift_right_arithmetic3A_1217 = arith.constant 3 : i32
    %shift_right_arithmetic3A_1218 = vector.broadcast %shift_right_arithmetic3A_1217 : i32 to vector<16xi32>
    %shift_right_arithmetic3A_1219 = arith.shrsi %iota3A, %shift_right_arithmetic3A_1218 : vector<16xi32>
    %add3A_1220 = arith.constant 4 : i32
    %add3A_1221 = vector.broadcast %add3A_1220 : i32 to vector<16xi32>
    %add3A_1222 = arith.addi %add3A_1221, %shift_right_arithmetic3A_1219 : vector<16xi32>
    %and3A_1223 = arith.constant 7 : i32
    %and3A_1224 = vector.broadcast %and3A_1223 : i32 to vector<16xi32>
    %and3A_1225 = arith.andi %add3A_1222, %and3A_1224 : vector<16xi32>
    %add3A_1226 = arith.addi %select_n3A_1187, %and3A_1225 : vector<16xi32>
    %swap3A_1227 = arith.constant 32 : index
    %swap3A_1228 = tpu.vector_load %arg14[%swap3A_1227] {strides = array<i32>} : memref<128xi32, #tpu.memory_space<vmem>>, vector<16xi32>,
    %swap3A_1229 = vector.shape_cast %swap3A_1228 : vector<16xi32> to vector<16xi32>
    %swap3A_1230 = vector.shape_cast %add3A_1226 : vector<16xi32> to vector<16xi32>
    tpu.vector_store %arg14[%swap3A_1227], %swap3A_1230 {strides = array<i32>} : memref<128xi32, #tpu.memory_space<vmem>>, vector<16xi32>,
    %shift_right_arithmetic3A_1231 = arith.constant 3 : i32
    %shift_right_arithmetic3A_1232 = vector.broadcast %shift_right_arithmetic3A_1231 : i32 to vector<16xi32>
    %shift_right_arithmetic3A_1233 = arith.shrsi %iota3A, %shift_right_arithmetic3A_1232 : vector<16xi32>
    %add3A_1234 = arith.constant 6 : i32
    %add3A_1235 = vector.broadcast %add3A_1234 : i32 to vector<16xi32>
    %add3A_1236 = arith.addi %add3A_1235, %shift_right_arithmetic3A_1233 : vector<16xi32>
    %and3A_1237 = arith.constant 7 : i32
    %and3A_1238 = vector.broadcast %and3A_1237 : i32 to vector<16xi32>
    %and3A_1239 = arith.andi %add3A_1236, %and3A_1238 : vector<16xi32>
    %add3A_1240 = arith.addi %select_n3A_1187, %and3A_1239 : vector<16xi32>
    %swap3A_1241 = arith.constant 48 : index
    %swap3A_1242 = tpu.vector_load %arg14[%swap3A_1241] {strides = array<i32>} : memref<128xi32, #tpu.memory_space<vmem>>, vector<16xi32>,
    %swap3A_1243 = vector.shape_cast %swap3A_1242 : vector<16xi32> to vector<16xi32>
    %swap3A_1244 = vector.shape_cast %add3A_1240 : vector<16xi32> to vector<16xi32>
    tpu.vector_store %arg14[%swap3A_1241], %swap3A_1244 {strides = array<i32>} : memref<128xi32, #tpu.memory_space<vmem>>, vector<16xi32>,
    %shift_right_arithmetic3A_1245 = arith.constant 3 : i32
    %shift_right_arithmetic3A_1246 = vector.broadcast %shift_right_arithmetic3A_1245 : i32 to vector<16xi32>
    %shift_right_arithmetic3A_1247 = arith.shrsi %iota3A, %shift_right_arithmetic3A_1246 : vector<16xi32>
    %add3A_1248 = arith.constant 8 : i32
    %add3A_1249 = vector.broadcast %add3A_1248 : i32 to vector<16xi32>
    %add3A_1250 = arith.addi %add3A_1249, %shift_right_arithmetic3A_1247 : vector<16xi32>
    %and3A_1251 = arith.constant 7 : i32
    %and3A_1252 = vector.broadcast %and3A_1251 : i32 to vector<16xi32>
    %and3A_1253 = arith.andi %add3A_1250, %and3A_1252 : vector<16xi32>
    %add3A_1254 = arith.addi %select_n3A_1188, %and3A_1253 : vector<16xi32>
    %swap3A_1255 = arith.constant 64 : index
    %swap3A_1256 = tpu.vector_load %arg14[%swap3A_1255] {strides = array<i32>} : memref<128xi32, #tpu.memory_space<vmem>>, vector<16xi32>,
    %swap3A_1257 = vector.shape_cast %swap3A_1256 : vector<16xi32> to vector<16xi32>
    %swap3A_1258 = vector.shape_cast %add3A_1254 : vector<16xi32> to vector<16xi32>
    tpu.vector_store %arg14[%swap3A_1255], %swap3A_1258 {strides = array<i32>} : memref<128xi32, #tpu.memory_space<vmem>>, vector<16xi32>,
    %shift_right_arithmetic3A_1259 = arith.constant 3 : i32
    %shift_right_arithmetic3A_1260 = vector.broadcast %shift_right_arithmetic3A_1259 : i32 to vector<16xi32>
    %shift_right_arithmetic3A_1261 = arith.shrsi %iota3A, %shift_right_arithmetic3A_1260 : vector<16xi32>
    %add3A_1262 = arith.constant 10 : i32
    %add3A_1263 = vector.broadcast %add3A_1262 : i32 to vector<16xi32>
    %add3A_1264 = arith.addi %add3A_1263, %shift_right_arithmetic3A_1261 : vector<16xi32>
    %and3A_1265 = arith.constant 7 : i32
    %and3A_1266 = vector.broadcast %and3A_1265 : i32 to vector<16xi32>
    %and3A_1267 = arith.andi %add3A_1264, %and3A_1266 : vector<16xi32>
    %add3A_1268 = arith.addi %select_n3A_1188, %and3A_1267 : vector<16xi32>
    %swap3A_1269 = arith.constant 80 : index
    %swap3A_1270 = tpu.vector_load %arg14[%swap3A_1269] {strides = array<i32>} : memref<128xi32, #tpu.memory_space<vmem>>, vector<16xi32>,
    %swap3A_1271 = vector.shape_cast %swap3A_1270 : vector<16xi32> to vector<16xi32>
    %swap3A_1272 = vector.shape_cast %add3A_1268 : vector<16xi32> to vector<16xi32>
    tpu.vector_store %arg14[%swap3A_1269], %swap3A_1272 {strides = array<i32>} : memref<128xi32, #tpu.memory_space<vmem>>, vector<16xi32>,
    %shift_right_arithmetic3A_1273 = arith.constant 3 : i32
    %shift_right_arithmetic3A_1274 = vector.broadcast %shift_right_arithmetic3A_1273 : i32 to vector<16xi32>
    %shift_right_arithmetic3A_1275 = arith.shrsi %iota3A, %shift_right_arithmetic3A_1274 : vector<16xi32>
    %add3A_1276 = arith.constant 12 : i32
    %add3A_1277 = vector.broadcast %add3A_1276 : i32 to vector<16xi32>
    %add3A_1278 = arith.addi %add3A_1277, %shift_right_arithmetic3A_1275 : vector<16xi32>
    %and3A_1279 = arith.constant 7 : i32
    %and3A_1280 = vector.broadcast %and3A_1279 : i32 to vector<16xi32>
    %and3A_1281 = arith.andi %add3A_1278, %and3A_1280 : vector<16xi32>
    %add3A_1282 = arith.addi %select_n3A_1188, %and3A_1281 : vector<16xi32>
    %swap3A_1283 = arith.constant 96 : index
    %swap3A_1284 = tpu.vector_load %arg14[%swap3A_1283] {strides = array<i32>} : memref<128xi32, #tpu.memory_space<vmem>>, vector<16xi32>,
    %swap3A_1285 = vector.shape_cast %swap3A_1284 : vector<16xi32> to vector<16xi32>
    %swap3A_1286 = vector.shape_cast %add3A_1282 : vector<16xi32> to vector<16xi32>
    tpu.vector_store %arg14[%swap3A_1283], %swap3A_1286 {strides = array<i32>} : memref<128xi32, #tpu.memory_space<vmem>>, vector<16xi32>,
    %shift_right_arithmetic3A_1287 = arith.constant 3 : i32
    %shift_right_arithmetic3A_1288 = vector.broadcast %shift_right_arithmetic3A_1287 : i32 to vector<16xi32>
    %shift_right_arithmetic3A_1289 = arith.shrsi %iota3A, %shift_right_arithmetic3A_1288 : vector<16xi32>
    %add3A_1290 = arith.constant 14 : i32
    %add3A_1291 = vector.broadcast %add3A_1290 : i32 to vector<16xi32>
    %add3A_1292 = arith.addi %add3A_1291, %shift_right_arithmetic3A_1289 : vector<16xi32>
    %and3A_1293 = arith.constant 7 : i32
    %and3A_1294 = vector.broadcast %and3A_1293 : i32 to vector<16xi32>
    %and3A_1295 = arith.andi %add3A_1292, %and3A_1294 : vector<16xi32>
    %add3A_1296 = arith.addi %select_n3A_1188, %and3A_1295 : vector<16xi32>
    %swap3A_1297 = arith.constant 112 : index
    %swap3A_1298 = tpu.vector_load %arg14[%swap3A_1297] {strides = array<i32>} : memref<128xi32, #tpu.memory_space<vmem>>, vector<16xi32>,
    %swap3A_1299 = vector.shape_cast %swap3A_1298 : vector<16xi32> to vector<16xi32>
    %swap3A_1300 = vector.shape_cast %add3A_1296 : vector<16xi32> to vector<16xi32>
    tpu.vector_store %arg14[%swap3A_1297], %swap3A_1300 {strides = array<i32>} : memref<128xi32, #tpu.memory_space<vmem>>, vector<16xi32>,
    %dma_start3A_1301 = arith.constant 0 : i32
    %dma_start3A_1302 = arith.constant 0 : i32
    %dma_start3A_1303 = tpu.memref_slice %arg8[%dma_start3A_1301, %dma_start3A_1302] : memref<128x128xf32, #tpu.memory_space<vmem>> -> memref<128x128xf32, #tpu.memory_space<vmem>>
    %dma_start3A_1304 = arith.constant 0 : i32
    %dma_start3A_1305 = tpu.memref_slice %arg14[%dma_start3A_1304] : memref<128xi32, #tpu.memory_space<vmem>> -> memref<128xi32, #tpu.memory_space<vmem>>
    %dma_start3A_1306 = arith.constant 0 : i32
    %dma_start3A_1307 = arith.constant 0 : i32
    %dma_start3A_1308 = tpu.memref_slice %arg2[%dma_start3A_1306, %dma_start3A_1307] : memref<32776x128xf32, #tpu.memory_space<hbm>> -> memref<32776x128xf32, #tpu.memory_space<hbm>>
    tpu.enqueue_indirect_dma source(%dma_start3A_1308 : memref<32776x128xf32, #tpu.memory_space<hbm>>) target(%dma_start3A_1303 : memref<128x128xf32, #tpu.memory_space<vmem>>) offsets(%dma_start3A_1305 : memref<128xi32, #tpu.memory_space<vmem>>) semaphore(%arg21 : memref<!tpu.dma_semaphore, #tpu.memory_space<semaphore_mem>>)
    %dma_wait3A_1309 = arith.constant 0 : i32
    %dma_wait3A_1310 = arith.constant 0 : i32
    %dma_wait3A_1311 = tpu.memref_slice %arg9[%dma_wait3A_1309, %dma_wait3A_1310] : memref<128x128xf32, #tpu.memory_space<vmem>> -> memref<128x128xf32, #tpu.memory_space<vmem>>
    %dma_wait3A_1312 = arith.constant 0 : i32
    %dma_wait3A_1313 = tpu.memref_slice %arg15[%dma_wait3A_1312] : memref<128xi32, #tpu.memory_space<vmem>> -> memref<128xi32, #tpu.memory_space<vmem>>
    %dma_wait3A_1314 = arith.constant 0 : i32
    %dma_wait3A_1315 = arith.constant 0 : i32
    %dma_wait3A_1316 = tpu.memref_slice %arg2[%dma_wait3A_1314, %dma_wait3A_1315] : memref<32776x128xf32, #tpu.memory_space<hbm>> -> memref<32776x128xf32, #tpu.memory_space<hbm>>
    tpu.wait_indirect_dma semaphore(%arg22 : memref<!tpu.dma_semaphore, #tpu.memory_space<semaphore_mem>>) src(%dma_wait3A_1316 : memref<32776x128xf32, #tpu.memory_space<hbm>>) dst(%dma_wait3A_1311 : memref<128x128xf32, #tpu.memory_space<vmem>>)
    %mul3A_1317 = arith.constant 8 : i32
    %mul3A_1318 = arith.muli %mul3A_2, %mul3A_1317 : i32
    %add3A_1319 = arith.constant 384 : i32
    %add3A_1320 = arith.addi %mul3A_1318, %add3A_1319 : i32
    %dma_start3A_1321 = arith.constant 0 : i32
    %dma_start3A_1322 = tpu.memref_slice %arg4[%add3A_1320, %dma_start3A_1321] : memref<131072x128xf32, #tpu.memory_space<hbm>> -> memref<128x128xf32, #tpu.memory_space<hbm>>
    %dma_start3A_1323 = arith.constant 0 : i32
    %dma_start3A_1324 = tpu.memref_slice %arg4[%add3A_1320, %dma_start3A_1323] : memref<131072x128xf32, #tpu.memory_space<hbm>> -> memref<128x128xf32, #tpu.memory_space<hbm>>
    tpu.enqueue_dma source(%arg9 : memref<128x128xf32, #tpu.memory_space<vmem>>) target(%dma_start3A_1324 : memref<128x128xf32, #tpu.memory_space<hbm>>) target_semaphore(%arg28 : memref<!tpu.dma_semaphore, #tpu.memory_space<semaphore_mem>>)
    %dma_wait3A_1325 = arith.constant 0 : i32
    %dma_wait3A_1326 = tpu.memref_slice %arg4[%add3A_1320, %dma_wait3A_1325] : memref<131072x128xf32, #tpu.memory_space<hbm>> -> memref<128x128xf32, #tpu.memory_space<hbm>>
    %dma_wait3A_1327 = arith.constant 0 : i32
    %dma_wait3A_1328 = tpu.memref_slice %arg4[%add3A_1320, %dma_wait3A_1327] : memref<131072x128xf32, #tpu.memory_space<hbm>> -> memref<128x128xf32, #tpu.memory_space<hbm>>
    tpu.wait_dma2 semaphore(%arg28 : memref<!tpu.dma_semaphore, #tpu.memory_space<semaphore_mem>>) src(%arg9 : memref<128x128xf32, #tpu.memory_space<vmem>>) dst(%dma_wait3A_1328 : memref<128x128xf32, #tpu.memory_space<hbm>>)
    %get3A_1329 = arith.constant 144 : index
    %get3A_1330 = tpu.vector_load %arg5[%get3A_1329] {strides = array<i32>} : memref<512xi32, #tpu.memory_space<vmem>>, vector<16xi32>,
    %get3A_1331 = vector.shape_cast %get3A_1330 : vector<16xi32> to vector<16xi32>
    %mul3A_1332 = arith.constant 8 : i32
    %mul3A_1333 = vector.broadcast %mul3A_1332 : i32 to vector<16xi32>
    %mul3A_1334 = arith.muli %get3A_1331, %mul3A_1333 : vector<16xi32>
    %swap3A_1335 = arith.constant 0 : index
    %swap3A_1336 = tpu.vector_load %arg18[%swap3A_1335] {strides = array<i32>} : memref<32xi32, #tpu.memory_space<vmem>>, vector<16xi32>,
    %swap3A_1337 = vector.shape_cast %swap3A_1336 : vector<16xi32> to vector<16xi32>
    %swap3A_1338 = vector.shape_cast %mul3A_1334 : vector<16xi32> to vector<16xi32>
    tpu.vector_store %arg18[%swap3A_1335], %swap3A_1338 {strides = array<i32>} : memref<32xi32, #tpu.memory_space<vmem>>, vector<16xi32>,
    %swap3A_1339 = arith.constant 16 : index
    %swap3A_1340 = tpu.vector_load %arg18[%swap3A_1339] {strides = array<i32>} : memref<32xi32, #tpu.memory_space<vmem>>, vector<16xi32>,
    %swap3A_1341 = vector.shape_cast %swap3A_1340 : vector<16xi32> to vector<16xi32>
    %swap3A_1342 = vector.shape_cast %mul3A_1334 : vector<16xi32> to vector<16xi32>
    tpu.vector_store %arg18[%swap3A_1339], %swap3A_1342 {strides = array<i32>} : memref<32xi32, #tpu.memory_space<vmem>>, vector<16xi32>,
    %get3A_1343 = arith.constant 8 : index
    %get3A_1344 = tpu.vector_load %arg18[%get3A_1343] {strides = array<i32>} : memref<32xi32, #tpu.memory_space<vmem>>, vector<16xi32>,
    %get3A_1345 = vector.shape_cast %get3A_1344 : vector<16xi32> to vector<16xi32>
    %select_n3A_1346 = arith.select %lt3A_4, %mul3A_1334, %get3A_1345 : vector<16xi1>, vector<16xi32>
    %select_n3A_1347 = arith.select %lt3A_4, %get3A_1345, %mul3A_1334 : vector<16xi1>, vector<16xi32>
    %shift_right_arithmetic3A_1348 = arith.constant 3 : i32
    %shift_right_arithmetic3A_1349 = vector.broadcast %shift_right_arithmetic3A_1348 : i32 to vector<16xi32>
    %shift_right_arithmetic3A_1350 = arith.shrsi %iota3A, %shift_right_arithmetic3A_1349 : vector<16xi32>
    %add3A_1351 = arith.constant 0 : i32
    %add3A_1352 = vector.broadcast %add3A_1351 : i32 to vector<16xi32>
    %add3A_1353 = arith.addi %add3A_1352, %shift_right_arithmetic3A_1350 : vector<16xi32>
    %and3A_1354 = arith.constant 7 : i32
    %and3A_1355 = vector.broadcast %and3A_1354 : i32 to vector<16xi32>
    %and3A_1356 = arith.andi %add3A_1353, %and3A_1355 : vector<16xi32>
    %add3A_1357 = arith.addi %select_n3A_1346, %and3A_1356 : vector<16xi32>
    %swap3A_1358 = arith.constant 0 : index
    %swap3A_1359 = tpu.vector_load %arg15[%swap3A_1358] {strides = array<i32>} : memref<128xi32, #tpu.memory_space<vmem>>, vector<16xi32>,
    %swap3A_1360 = vector.shape_cast %swap3A_1359 : vector<16xi32> to vector<16xi32>
    %swap3A_1361 = vector.shape_cast %add3A_1357 : vector<16xi32> to vector<16xi32>
    tpu.vector_store %arg15[%swap3A_1358], %swap3A_1361 {strides = array<i32>} : memref<128xi32, #tpu.memory_space<vmem>>, vector<16xi32>,
    %shift_right_arithmetic3A_1362 = arith.constant 3 : i32
    %shift_right_arithmetic3A_1363 = vector.broadcast %shift_right_arithmetic3A_1362 : i32 to vector<16xi32>
    %shift_right_arithmetic3A_1364 = arith.shrsi %iota3A, %shift_right_arithmetic3A_1363 : vector<16xi32>
    %add3A_1365 = arith.constant 2 : i32
    %add3A_1366 = vector.broadcast %add3A_1365 : i32 to vector<16xi32>
    %add3A_1367 = arith.addi %add3A_1366, %shift_right_arithmetic3A_1364 : vector<16xi32>
    %and3A_1368 = arith.constant 7 : i32
    %and3A_1369 = vector.broadcast %and3A_1368 : i32 to vector<16xi32>
    %and3A_1370 = arith.andi %add3A_1367, %and3A_1369 : vector<16xi32>
    %add3A_1371 = arith.addi %select_n3A_1346, %and3A_1370 : vector<16xi32>
    %swap3A_1372 = arith.constant 16 : index
    %swap3A_1373 = tpu.vector_load %arg15[%swap3A_1372] {strides = array<i32>} : memref<128xi32, #tpu.memory_space<vmem>>, vector<16xi32>,
    %swap3A_1374 = vector.shape_cast %swap3A_1373 : vector<16xi32> to vector<16xi32>
    %swap3A_1375 = vector.shape_cast %add3A_1371 : vector<16xi32> to vector<16xi32>
    tpu.vector_store %arg15[%swap3A_1372], %swap3A_1375 {strides = array<i32>} : memref<128xi32, #tpu.memory_space<vmem>>, vector<16xi32>,
    %shift_right_arithmetic3A_1376 = arith.constant 3 : i32
    %shift_right_arithmetic3A_1377 = vector.broadcast %shift_right_arithmetic3A_1376 : i32 to vector<16xi32>
    %shift_right_arithmetic3A_1378 = arith.shrsi %iota3A, %shift_right_arithmetic3A_1377 : vector<16xi32>
    %add3A_1379 = arith.constant 4 : i32
    %add3A_1380 = vector.broadcast %add3A_1379 : i32 to vector<16xi32>
    %add3A_1381 = arith.addi %add3A_1380, %shift_right_arithmetic3A_1378 : vector<16xi32>
    %and3A_1382 = arith.constant 7 : i32
    %and3A_1383 = vector.broadcast %and3A_1382 : i32 to vector<16xi32>
    %and3A_1384 = arith.andi %add3A_1381, %and3A_1383 : vector<16xi32>
    %add3A_1385 = arith.addi %select_n3A_1346, %and3A_1384 : vector<16xi32>
    %swap3A_1386 = arith.constant 32 : index
    %swap3A_1387 = tpu.vector_load %arg15[%swap3A_1386] {strides = array<i32>} : memref<128xi32, #tpu.memory_space<vmem>>, vector<16xi32>,
    %swap3A_1388 = vector.shape_cast %swap3A_1387 : vector<16xi32> to vector<16xi32>
    %swap3A_1389 = vector.shape_cast %add3A_1385 : vector<16xi32> to vector<16xi32>
    tpu.vector_store %arg15[%swap3A_1386], %swap3A_1389 {strides = array<i32>} : memref<128xi32, #tpu.memory_space<vmem>>, vector<16xi32>,
    %shift_right_arithmetic3A_1390 = arith.constant 3 : i32
    %shift_right_arithmetic3A_1391 = vector.broadcast %shift_right_arithmetic3A_1390 : i32 to vector<16xi32>
    %shift_right_arithmetic3A_1392 = arith.shrsi %iota3A, %shift_right_arithmetic3A_1391 : vector<16xi32>
    %add3A_1393 = arith.constant 6 : i32
    %add3A_1394 = vector.broadcast %add3A_1393 : i32 to vector<16xi32>
    %add3A_1395 = arith.addi %add3A_1394, %shift_right_arithmetic3A_1392 : vector<16xi32>
    %and3A_1396 = arith.constant 7 : i32
    %and3A_1397 = vector.broadcast %and3A_1396 : i32 to vector<16xi32>
    %and3A_1398 = arith.andi %add3A_1395, %and3A_1397 : vector<16xi32>
    %add3A_1399 = arith.addi %select_n3A_1346, %and3A_1398 : vector<16xi32>
    %swap3A_1400 = arith.constant 48 : index
    %swap3A_1401 = tpu.vector_load %arg15[%swap3A_1400] {strides = array<i32>} : memref<128xi32, #tpu.memory_space<vmem>>, vector<16xi32>,
    %swap3A_1402 = vector.shape_cast %swap3A_1401 : vector<16xi32> to vector<16xi32>
    %swap3A_1403 = vector.shape_cast %add3A_1399 : vector<16xi32> to vector<16xi32>
    tpu.vector_store %arg15[%swap3A_1400], %swap3A_1403 {strides = array<i32>} : memref<128xi32, #tpu.memory_space<vmem>>, vector<16xi32>,
    %shift_right_arithmetic3A_1404 = arith.constant 3 : i32
    %shift_right_arithmetic3A_1405 = vector.broadcast %shift_right_arithmetic3A_1404 : i32 to vector<16xi32>
    %shift_right_arithmetic3A_1406 = arith.shrsi %iota3A, %shift_right_arithmetic3A_1405 : vector<16xi32>
    %add3A_1407 = arith.constant 8 : i32
    %add3A_1408 = vector.broadcast %add3A_1407 : i32 to vector<16xi32>
    %add3A_1409 = arith.addi %add3A_1408, %shift_right_arithmetic3A_1406 : vector<16xi32>
    %and3A_1410 = arith.constant 7 : i32
    %and3A_1411 = vector.broadcast %and3A_1410 : i32 to vector<16xi32>
    %and3A_1412 = arith.andi %add3A_1409, %and3A_1411 : vector<16xi32>
    %add3A_1413 = arith.addi %select_n3A_1347, %and3A_1412 : vector<16xi32>
    %swap3A_1414 = arith.constant 64 : index
    %swap3A_1415 = tpu.vector_load %arg15[%swap3A_1414] {strides = array<i32>} : memref<128xi32, #tpu.memory_space<vmem>>, vector<16xi32>,
    %swap3A_1416 = vector.shape_cast %swap3A_1415 : vector<16xi32> to vector<16xi32>
    %swap3A_1417 = vector.shape_cast %add3A_1413 : vector<16xi32> to vector<16xi32>
    tpu.vector_store %arg15[%swap3A_1414], %swap3A_1417 {strides = array<i32>} : memref<128xi32, #tpu.memory_space<vmem>>, vector<16xi32>,
    %shift_right_arithmetic3A_1418 = arith.constant 3 : i32
    %shift_right_arithmetic3A_1419 = vector.broadcast %shift_right_arithmetic3A_1418 : i32 to vector<16xi32>
    %shift_right_arithmetic3A_1420 = arith.shrsi %iota3A, %shift_right_arithmetic3A_1419 : vector<16xi32>
    %add3A_1421 = arith.constant 10 : i32
    %add3A_1422 = vector.broadcast %add3A_1421 : i32 to vector<16xi32>
    %add3A_1423 = arith.addi %add3A_1422, %shift_right_arithmetic3A_1420 : vector<16xi32>
    %and3A_1424 = arith.constant 7 : i32
    %and3A_1425 = vector.broadcast %and3A_1424 : i32 to vector<16xi32>
    %and3A_1426 = arith.andi %add3A_1423, %and3A_1425 : vector<16xi32>
    %add3A_1427 = arith.addi %select_n3A_1347, %and3A_1426 : vector<16xi32>
    %swap3A_1428 = arith.constant 80 : index
    %swap3A_1429 = tpu.vector_load %arg15[%swap3A_1428] {strides = array<i32>} : memref<128xi32, #tpu.memory_space<vmem>>, vector<16xi32>,
    %swap3A_1430 = vector.shape_cast %swap3A_1429 : vector<16xi32> to vector<16xi32>
    %swap3A_1431 = vector.shape_cast %add3A_1427 : vector<16xi32> to vector<16xi32>
    tpu.vector_store %arg15[%swap3A_1428], %swap3A_1431 {strides = array<i32>} : memref<128xi32, #tpu.memory_space<vmem>>, vector<16xi32>,
    %shift_right_arithmetic3A_1432 = arith.constant 3 : i32
    %shift_right_arithmetic3A_1433 = vector.broadcast %shift_right_arithmetic3A_1432 : i32 to vector<16xi32>
    %shift_right_arithmetic3A_1434 = arith.shrsi %iota3A, %shift_right_arithmetic3A_1433 : vector<16xi32>
    %add3A_1435 = arith.constant 12 : i32
    %add3A_1436 = vector.broadcast %add3A_1435 : i32 to vector<16xi32>
    %add3A_1437 = arith.addi %add3A_1436, %shift_right_arithmetic3A_1434 : vector<16xi32>
    %and3A_1438 = arith.constant 7 : i32
    %and3A_1439 = vector.broadcast %and3A_1438 : i32 to vector<16xi32>
    %and3A_1440 = arith.andi %add3A_1437, %and3A_1439 : vector<16xi32>
    %add3A_1441 = arith.addi %select_n3A_1347, %and3A_1440 : vector<16xi32>
    %swap3A_1442 = arith.constant 96 : index
    %swap3A_1443 = tpu.vector_load %arg15[%swap3A_1442] {strides = array<i32>} : memref<128xi32, #tpu.memory_space<vmem>>, vector<16xi32>,
    %swap3A_1444 = vector.shape_cast %swap3A_1443 : vector<16xi32> to vector<16xi32>
    %swap3A_1445 = vector.shape_cast %add3A_1441 : vector<16xi32> to vector<16xi32>
    tpu.vector_store %arg15[%swap3A_1442], %swap3A_1445 {strides = array<i32>} : memref<128xi32, #tpu.memory_space<vmem>>, vector<16xi32>,
    %shift_right_arithmetic3A_1446 = arith.constant 3 : i32
    %shift_right_arithmetic3A_1447 = vector.broadcast %shift_right_arithmetic3A_1446 : i32 to vector<16xi32>
    %shift_right_arithmetic3A_1448 = arith.shrsi %iota3A, %shift_right_arithmetic3A_1447 : vector<16xi32>
    %add3A_1449 = arith.constant 14 : i32
    %add3A_1450 = vector.broadcast %add3A_1449 : i32 to vector<16xi32>
    %add3A_1451 = arith.addi %add3A_1450, %shift_right_arithmetic3A_1448 : vector<16xi32>
    %and3A_1452 = arith.constant 7 : i32
    %and3A_1453 = vector.broadcast %and3A_1452 : i32 to vector<16xi32>
    %and3A_1454 = arith.andi %add3A_1451, %and3A_1453 : vector<16xi32>
    %add3A_1455 = arith.addi %select_n3A_1347, %and3A_1454 : vector<16xi32>
    %swap3A_1456 = arith.constant 112 : index
    %swap3A_1457 = tpu.vector_load %arg15[%swap3A_1456] {strides = array<i32>} : memref<128xi32, #tpu.memory_space<vmem>>, vector<16xi32>,
    %swap3A_1458 = vector.shape_cast %swap3A_1457 : vector<16xi32> to vector<16xi32>
    %swap3A_1459 = vector.shape_cast %add3A_1455 : vector<16xi32> to vector<16xi32>
    tpu.vector_store %arg15[%swap3A_1456], %swap3A_1459 {strides = array<i32>} : memref<128xi32, #tpu.memory_space<vmem>>, vector<16xi32>,
    %dma_start3A_1460 = arith.constant 0 : i32
    %dma_start3A_1461 = arith.constant 0 : i32
    %dma_start3A_1462 = tpu.memref_slice %arg9[%dma_start3A_1460, %dma_start3A_1461] : memref<128x128xf32, #tpu.memory_space<vmem>> -> memref<128x128xf32, #tpu.memory_space<vmem>>
    %dma_start3A_1463 = arith.constant 0 : i32
    %dma_start3A_1464 = tpu.memref_slice %arg15[%dma_start3A_1463] : memref<128xi32, #tpu.memory_space<vmem>> -> memref<128xi32, #tpu.memory_space<vmem>>
    %dma_start3A_1465 = arith.constant 0 : i32
    %dma_start3A_1466 = arith.constant 0 : i32
    %dma_start3A_1467 = tpu.memref_slice %arg2[%dma_start3A_1465, %dma_start3A_1466] : memref<32776x128xf32, #tpu.memory_space<hbm>> -> memref<32776x128xf32, #tpu.memory_space<hbm>>
    tpu.enqueue_indirect_dma source(%dma_start3A_1467 : memref<32776x128xf32, #tpu.memory_space<hbm>>) target(%dma_start3A_1462 : memref<128x128xf32, #tpu.memory_space<vmem>>) offsets(%dma_start3A_1464 : memref<128xi32, #tpu.memory_space<vmem>>) semaphore(%arg22 : memref<!tpu.dma_semaphore, #tpu.memory_space<semaphore_mem>>)
    %dma_wait3A_1468 = arith.constant 0 : i32
    %dma_wait3A_1469 = arith.constant 0 : i32
    %dma_wait3A_1470 = tpu.memref_slice %arg10[%dma_wait3A_1468, %dma_wait3A_1469] : memref<128x128xf32, #tpu.memory_space<vmem>> -> memref<128x128xf32, #tpu.memory_space<vmem>>
    %dma_wait3A_1471 = arith.constant 0 : i32
    %dma_wait3A_1472 = tpu.memref_slice %arg16[%dma_wait3A_1471] : memref<128xi32, #tpu.memory_space<vmem>> -> memref<128xi32, #tpu.memory_space<vmem>>
    %dma_wait3A_1473 = arith.constant 0 : i32
    %dma_wait3A_1474 = arith.constant 0 : i32
    %dma_wait3A_1475 = tpu.memref_slice %arg2[%dma_wait3A_1473, %dma_wait3A_1474] : memref<32776x128xf32, #tpu.memory_space<hbm>> -> memref<32776x128xf32, #tpu.memory_space<hbm>>
    tpu.wait_indirect_dma semaphore(%arg23 : memref<!tpu.dma_semaphore, #tpu.memory_space<semaphore_mem>>) src(%dma_wait3A_1475 : memref<32776x128xf32, #tpu.memory_space<hbm>>) dst(%dma_wait3A_1470 : memref<128x128xf32, #tpu.memory_space<vmem>>)
    %mul3A_1476 = arith.constant 8 : i32
    %mul3A_1477 = arith.muli %mul3A_2, %mul3A_1476 : i32
    %add3A_1478 = arith.constant 512 : i32
    %add3A_1479 = arith.addi %mul3A_1477, %add3A_1478 : i32
    %dma_start3A_1480 = arith.constant 0 : i32
    %dma_start3A_1481 = tpu.memref_slice %arg4[%add3A_1479, %dma_start3A_1480] : memref<131072x128xf32, #tpu.memory_space<hbm>> -> memref<128x128xf32, #tpu.memory_space<hbm>>
    %dma_start3A_1482 = arith.constant 0 : i32
    %dma_start3A_1483 = tpu.memref_slice %arg4[%add3A_1479, %dma_start3A_1482] : memref<131072x128xf32, #tpu.memory_space<hbm>> -> memref<128x128xf32, #tpu.memory_space<hbm>>
    tpu.enqueue_dma source(%arg10 : memref<128x128xf32, #tpu.memory_space<vmem>>) target(%dma_start3A_1483 : memref<128x128xf32, #tpu.memory_space<hbm>>) target_semaphore(%arg29 : memref<!tpu.dma_semaphore, #tpu.memory_space<semaphore_mem>>)
    %dma_wait3A_1484 = arith.constant 0 : i32
    %dma_wait3A_1485 = tpu.memref_slice %arg4[%add3A_1479, %dma_wait3A_1484] : memref<131072x128xf32, #tpu.memory_space<hbm>> -> memref<128x128xf32, #tpu.memory_space<hbm>>
    %dma_wait3A_1486 = arith.constant 0 : i32
    %dma_wait3A_1487 = tpu.memref_slice %arg4[%add3A_1479, %dma_wait3A_1486] : memref<131072x128xf32, #tpu.memory_space<hbm>> -> memref<128x128xf32, #tpu.memory_space<hbm>>
    tpu.wait_dma2 semaphore(%arg29 : memref<!tpu.dma_semaphore, #tpu.memory_space<semaphore_mem>>) src(%arg10 : memref<128x128xf32, #tpu.memory_space<vmem>>) dst(%dma_wait3A_1487 : memref<128x128xf32, #tpu.memory_space<hbm>>)
    %get3A_1488 = arith.constant 160 : index
    %get3A_1489 = tpu.vector_load %arg5[%get3A_1488] {strides = array<i32>} : memref<512xi32, #tpu.memory_space<vmem>>, vector<16xi32>,
    %get3A_1490 = vector.shape_cast %get3A_1489 : vector<16xi32> to vector<16xi32>
    %mul3A_1491 = arith.constant 8 : i32
    %mul3A_1492 = vector.broadcast %mul3A_1491 : i32 to vector<16xi32>
    %mul3A_1493 = arith.muli %get3A_1490, %mul3A_1492 : vector<16xi32>
    %swap3A_1494 = arith.constant 0 : index
    %swap3A_1495 = tpu.vector_load %arg18[%swap3A_1494] {strides = array<i32>} : memref<32xi32, #tpu.memory_space<vmem>>, vector<16xi32>,
    %swap3A_1496 = vector.shape_cast %swap3A_1495 : vector<16xi32> to vector<16xi32>
    %swap3A_1497 = vector.shape_cast %mul3A_1493 : vector<16xi32> to vector<16xi32>
    tpu.vector_store %arg18[%swap3A_1494], %swap3A_1497 {strides = array<i32>} : memref<32xi32, #tpu.memory_space<vmem>>, vector<16xi32>,
    %swap3A_1498 = arith.constant 16 : index
    %swap3A_1499 = tpu.vector_load %arg18[%swap3A_1498] {strides = array<i32>} : memref<32xi32, #tpu.memory_space<vmem>>, vector<16xi32>,
    %swap3A_1500 = vector.shape_cast %swap3A_1499 : vector<16xi32> to vector<16xi32>
    %swap3A_1501 = vector.shape_cast %mul3A_1493 : vector<16xi32> to vector<16xi32>
    tpu.vector_store %arg18[%swap3A_1498], %swap3A_1501 {strides = array<i32>} : memref<32xi32, #tpu.memory_space<vmem>>, vector<16xi32>,
    %get3A_1502 = arith.constant 8 : index
    %get3A_1503 = tpu.vector_load %arg18[%get3A_1502] {strides = array<i32>} : memref<32xi32, #tpu.memory_space<vmem>>, vector<16xi32>,
    %get3A_1504 = vector.shape_cast %get3A_1503 : vector<16xi32> to vector<16xi32>
    %select_n3A_1505 = arith.select %lt3A_4, %mul3A_1493, %get3A_1504 : vector<16xi1>, vector<16xi32>
    %select_n3A_1506 = arith.select %lt3A_4, %get3A_1504, %mul3A_1493 : vector<16xi1>, vector<16xi32>
    %shift_right_arithmetic3A_1507 = arith.constant 3 : i32
    %shift_right_arithmetic3A_1508 = vector.broadcast %shift_right_arithmetic3A_1507 : i32 to vector<16xi32>
    %shift_right_arithmetic3A_1509 = arith.shrsi %iota3A, %shift_right_arithmetic3A_1508 : vector<16xi32>
    %add3A_1510 = arith.constant 0 : i32
    %add3A_1511 = vector.broadcast %add3A_1510 : i32 to vector<16xi32>
    %add3A_1512 = arith.addi %add3A_1511, %shift_right_arithmetic3A_1509 : vector<16xi32>
    %and3A_1513 = arith.constant 7 : i32
    %and3A_1514 = vector.broadcast %and3A_1513 : i32 to vector<16xi32>
    %and3A_1515 = arith.andi %add3A_1512, %and3A_1514 : vector<16xi32>
    %add3A_1516 = arith.addi %select_n3A_1505, %and3A_1515 : vector<16xi32>
    %swap3A_1517 = arith.constant 0 : index
    %swap3A_1518 = tpu.vector_load %arg16[%swap3A_1517] {strides = array<i32>} : memref<128xi32, #tpu.memory_space<vmem>>, vector<16xi32>,
    %swap3A_1519 = vector.shape_cast %swap3A_1518 : vector<16xi32> to vector<16xi32>
    %swap3A_1520 = vector.shape_cast %add3A_1516 : vector<16xi32> to vector<16xi32>
    tpu.vector_store %arg16[%swap3A_1517], %swap3A_1520 {strides = array<i32>} : memref<128xi32, #tpu.memory_space<vmem>>, vector<16xi32>,
    %shift_right_arithmetic3A_1521 = arith.constant 3 : i32
    %shift_right_arithmetic3A_1522 = vector.broadcast %shift_right_arithmetic3A_1521 : i32 to vector<16xi32>
    %shift_right_arithmetic3A_1523 = arith.shrsi %iota3A, %shift_right_arithmetic3A_1522 : vector<16xi32>
    %add3A_1524 = arith.constant 2 : i32
    %add3A_1525 = vector.broadcast %add3A_1524 : i32 to vector<16xi32>
    %add3A_1526 = arith.addi %add3A_1525, %shift_right_arithmetic3A_1523 : vector<16xi32>
    %and3A_1527 = arith.constant 7 : i32
    %and3A_1528 = vector.broadcast %and3A_1527 : i32 to vector<16xi32>
    %and3A_1529 = arith.andi %add3A_1526, %and3A_1528 : vector<16xi32>
    %add3A_1530 = arith.addi %select_n3A_1505, %and3A_1529 : vector<16xi32>
    %swap3A_1531 = arith.constant 16 : index
    %swap3A_1532 = tpu.vector_load %arg16[%swap3A_1531] {strides = array<i32>} : memref<128xi32, #tpu.memory_space<vmem>>, vector<16xi32>,
    %swap3A_1533 = vector.shape_cast %swap3A_1532 : vector<16xi32> to vector<16xi32>
    %swap3A_1534 = vector.shape_cast %add3A_1530 : vector<16xi32> to vector<16xi32>
    tpu.vector_store %arg16[%swap3A_1531], %swap3A_1534 {strides = array<i32>} : memref<128xi32, #tpu.memory_space<vmem>>, vector<16xi32>,
    %shift_right_arithmetic3A_1535 = arith.constant 3 : i32
    %shift_right_arithmetic3A_1536 = vector.broadcast %shift_right_arithmetic3A_1535 : i32 to vector<16xi32>
    %shift_right_arithmetic3A_1537 = arith.shrsi %iota3A, %shift_right_arithmetic3A_1536 : vector<16xi32>
    %add3A_1538 = arith.constant 4 : i32
    %add3A_1539 = vector.broadcast %add3A_1538 : i32 to vector<16xi32>
    %add3A_1540 = arith.addi %add3A_1539, %shift_right_arithmetic3A_1537 : vector<16xi32>
    %and3A_1541 = arith.constant 7 : i32
    %and3A_1542 = vector.broadcast %and3A_1541 : i32 to vector<16xi32>
    %and3A_1543 = arith.andi %add3A_1540, %and3A_1542 : vector<16xi32>
    %add3A_1544 = arith.addi %select_n3A_1505, %and3A_1543 : vector<16xi32>
    %swap3A_1545 = arith.constant 32 : index
    %swap3A_1546 = tpu.vector_load %arg16[%swap3A_1545] {strides = array<i32>} : memref<128xi32, #tpu.memory_space<vmem>>, vector<16xi32>,
    %swap3A_1547 = vector.shape_cast %swap3A_1546 : vector<16xi32> to vector<16xi32>
    %swap3A_1548 = vector.shape_cast %add3A_1544 : vector<16xi32> to vector<16xi32>
    tpu.vector_store %arg16[%swap3A_1545], %swap3A_1548 {strides = array<i32>} : memref<128xi32, #tpu.memory_space<vmem>>, vector<16xi32>,
    %shift_right_arithmetic3A_1549 = arith.constant 3 : i32
    %shift_right_arithmetic3A_1550 = vector.broadcast %shift_right_arithmetic3A_1549 : i32 to vector<16xi32>
    %shift_right_arithmetic3A_1551 = arith.shrsi %iota3A, %shift_right_arithmetic3A_1550 : vector<16xi32>
    %add3A_1552 = arith.constant 6 : i32
    %add3A_1553 = vector.broadcast %add3A_1552 : i32 to vector<16xi32>
    %add3A_1554 = arith.addi %add3A_1553, %shift_right_arithmetic3A_1551 : vector<16xi32>
    %and3A_1555 = arith.constant 7 : i32
    %and3A_1556 = vector.broadcast %and3A_1555 : i32 to vector<16xi32>
    %and3A_1557 = arith.andi %add3A_1554, %and3A_1556 : vector<16xi32>
    %add3A_1558 = arith.addi %select_n3A_1505, %and3A_1557 : vector<16xi32>
    %swap3A_1559 = arith.constant 48 : index
    %swap3A_1560 = tpu.vector_load %arg16[%swap3A_1559] {strides = array<i32>} : memref<128xi32, #tpu.memory_space<vmem>>, vector<16xi32>,
    %swap3A_1561 = vector.shape_cast %swap3A_1560 : vector<16xi32> to vector<16xi32>
    %swap3A_1562 = vector.shape_cast %add3A_1558 : vector<16xi32> to vector<16xi32>
    tpu.vector_store %arg16[%swap3A_1559], %swap3A_1562 {strides = array<i32>} : memref<128xi32, #tpu.memory_space<vmem>>, vector<16xi32>,
    %shift_right_arithmetic3A_1563 = arith.constant 3 : i32
    %shift_right_arithmetic3A_1564 = vector.broadcast %shift_right_arithmetic3A_1563 : i32 to vector<16xi32>
    %shift_right_arithmetic3A_1565 = arith.shrsi %iota3A, %shift_right_arithmetic3A_1564 : vector<16xi32>
    %add3A_1566 = arith.constant 8 : i32
    %add3A_1567 = vector.broadcast %add3A_1566 : i32 to vector<16xi32>
    %add3A_1568 = arith.addi %add3A_1567, %shift_right_arithmetic3A_1565 : vector<16xi32>
    %and3A_1569 = arith.constant 7 : i32
    %and3A_1570 = vector.broadcast %and3A_1569 : i32 to vector<16xi32>
    %and3A_1571 = arith.andi %add3A_1568, %and3A_1570 : vector<16xi32>
    %add3A_1572 = arith.addi %select_n3A_1506, %and3A_1571 : vector<16xi32>
    %swap3A_1573 = arith.constant 64 : index
    %swap3A_1574 = tpu.vector_load %arg16[%swap3A_1573] {strides = array<i32>} : memref<128xi32, #tpu.memory_space<vmem>>, vector<16xi32>,
    %swap3A_1575 = vector.shape_cast %swap3A_1574 : vector<16xi32> to vector<16xi32>
    %swap3A_1576 = vector.shape_cast %add3A_1572 : vector<16xi32> to vector<16xi32>
    tpu.vector_store %arg16[%swap3A_1573], %swap3A_1576 {strides = array<i32>} : memref<128xi32, #tpu.memory_space<vmem>>, vector<16xi32>,
    %shift_right_arithmetic3A_1577 = arith.constant 3 : i32
    %shift_right_arithmetic3A_1578 = vector.broadcast %shift_right_arithmetic3A_1577 : i32 to vector<16xi32>
    %shift_right_arithmetic3A_1579 = arith.shrsi %iota3A, %shift_right_arithmetic3A_1578 : vector<16xi32>
    %add3A_1580 = arith.constant 10 : i32
    %add3A_1581 = vector.broadcast %add3A_1580 : i32 to vector<16xi32>
    %add3A_1582 = arith.addi %add3A_1581, %shift_right_arithmetic3A_1579 : vector<16xi32>
    %and3A_1583 = arith.constant 7 : i32
    %and3A_1584 = vector.broadcast %and3A_1583 : i32 to vector<16xi32>
    %and3A_1585 = arith.andi %add3A_1582, %and3A_1584 : vector<16xi32>
    %add3A_1586 = arith.addi %select_n3A_1506, %and3A_1585 : vector<16xi32>
    %swap3A_1587 = arith.constant 80 : index
    %swap3A_1588 = tpu.vector_load %arg16[%swap3A_1587] {strides = array<i32>} : memref<128xi32, #tpu.memory_space<vmem>>, vector<16xi32>,
    %swap3A_1589 = vector.shape_cast %swap3A_1588 : vector<16xi32> to vector<16xi32>
    %swap3A_1590 = vector.shape_cast %add3A_1586 : vector<16xi32> to vector<16xi32>
    tpu.vector_store %arg16[%swap3A_1587], %swap3A_1590 {strides = array<i32>} : memref<128xi32, #tpu.memory_space<vmem>>, vector<16xi32>,
    %shift_right_arithmetic3A_1591 = arith.constant 3 : i32
    %shift_right_arithmetic3A_1592 = vector.broadcast %shift_right_arithmetic3A_1591 : i32 to vector<16xi32>
    %shift_right_arithmetic3A_1593 = arith.shrsi %iota3A, %shift_right_arithmetic3A_1592 : vector<16xi32>
    %add3A_1594 = arith.constant 12 : i32
    %add3A_1595 = vector.broadcast %add3A_1594 : i32 to vector<16xi32>
    %add3A_1596 = arith.addi %add3A_1595, %shift_right_arithmetic3A_1593 : vector<16xi32>
    %and3A_1597 = arith.constant 7 : i32
    %and3A_1598 = vector.broadcast %and3A_1597 : i32 to vector<16xi32>
    %and3A_1599 = arith.andi %add3A_1596, %and3A_1598 : vector<16xi32>
    %add3A_1600 = arith.addi %select_n3A_1506, %and3A_1599 : vector<16xi32>
    %swap3A_1601 = arith.constant 96 : index
    %swap3A_1602 = tpu.vector_load %arg16[%swap3A_1601] {strides = array<i32>} : memref<128xi32, #tpu.memory_space<vmem>>, vector<16xi32>,
    %swap3A_1603 = vector.shape_cast %swap3A_1602 : vector<16xi32> to vector<16xi32>
    %swap3A_1604 = vector.shape_cast %add3A_1600 : vector<16xi32> to vector<16xi32>
    tpu.vector_store %arg16[%swap3A_1601], %swap3A_1604 {strides = array<i32>} : memref<128xi32, #tpu.memory_space<vmem>>, vector<16xi32>,
    %shift_right_arithmetic3A_1605 = arith.constant 3 : i32
    %shift_right_arithmetic3A_1606 = vector.broadcast %shift_right_arithmetic3A_1605 : i32 to vector<16xi32>
    %shift_right_arithmetic3A_1607 = arith.shrsi %iota3A, %shift_right_arithmetic3A_1606 : vector<16xi32>
    %add3A_1608 = arith.constant 14 : i32
    %add3A_1609 = vector.broadcast %add3A_1608 : i32 to vector<16xi32>
    %add3A_1610 = arith.addi %add3A_1609, %shift_right_arithmetic3A_1607 : vector<16xi32>
    %and3A_1611 = arith.constant 7 : i32
    %and3A_1612 = vector.broadcast %and3A_1611 : i32 to vector<16xi32>
    %and3A_1613 = arith.andi %add3A_1610, %and3A_1612 : vector<16xi32>
    %add3A_1614 = arith.addi %select_n3A_1506, %and3A_1613 : vector<16xi32>
    %swap3A_1615 = arith.constant 112 : index
    %swap3A_1616 = tpu.vector_load %arg16[%swap3A_1615] {strides = array<i32>} : memref<128xi32, #tpu.memory_space<vmem>>, vector<16xi32>,
    %swap3A_1617 = vector.shape_cast %swap3A_1616 : vector<16xi32> to vector<16xi32>
    %swap3A_1618 = vector.shape_cast %add3A_1614 : vector<16xi32> to vector<16xi32>
    tpu.vector_store %arg16[%swap3A_1615], %swap3A_1618 {strides = array<i32>} : memref<128xi32, #tpu.memory_space<vmem>>, vector<16xi32>,
    %dma_start3A_1619 = arith.constant 0 : i32
    %dma_start3A_1620 = arith.constant 0 : i32
    %dma_start3A_1621 = tpu.memref_slice %arg10[%dma_start3A_1619, %dma_start3A_1620] : memref<128x128xf32, #tpu.memory_space<vmem>> -> memref<128x128xf32, #tpu.memory_space<vmem>>
    %dma_start3A_1622 = arith.constant 0 : i32
    %dma_start3A_1623 = tpu.memref_slice %arg16[%dma_start3A_1622] : memref<128xi32, #tpu.memory_space<vmem>> -> memref<128xi32, #tpu.memory_space<vmem>>
    %dma_start3A_1624 = arith.constant 0 : i32
    %dma_start3A_1625 = arith.constant 0 : i32
    %dma_start3A_1626 = tpu.memref_slice %arg2[%dma_start3A_1624, %dma_start3A_1625] : memref<32776x128xf32, #tpu.memory_space<hbm>> -> memref<32776x128xf32, #tpu.memory_space<hbm>>
    tpu.enqueue_indirect_dma source(%dma_start3A_1626 : memref<32776x128xf32, #tpu.memory_space<hbm>>) target(%dma_start3A_1621 : memref<128x128xf32, #tpu.memory_space<vmem>>) offsets(%dma_start3A_1623 : memref<128xi32, #tpu.memory_space<vmem>>) semaphore(%arg23 : memref<!tpu.dma_semaphore, #tpu.memory_space<semaphore_mem>>)
    %dma_wait3A_1627 = arith.constant 0 : i32
    %dma_wait3A_1628 = arith.constant 0 : i32
    %dma_wait3A_1629 = tpu.memref_slice %arg11[%dma_wait3A_1627, %dma_wait3A_1628] : memref<128x128xf32, #tpu.memory_space<vmem>> -> memref<128x128xf32, #tpu.memory_space<vmem>>
    %dma_wait3A_1630 = arith.constant 0 : i32
    %dma_wait3A_1631 = tpu.memref_slice %arg17[%dma_wait3A_1630] : memref<128xi32, #tpu.memory_space<vmem>> -> memref<128xi32, #tpu.memory_space<vmem>>
    %dma_wait3A_1632 = arith.constant 0 : i32
    %dma_wait3A_1633 = arith.constant 0 : i32
    %dma_wait3A_1634 = tpu.memref_slice %arg2[%dma_wait3A_1632, %dma_wait3A_1633] : memref<32776x128xf32, #tpu.memory_space<hbm>> -> memref<32776x128xf32, #tpu.memory_space<hbm>>
    tpu.wait_indirect_dma semaphore(%arg24 : memref<!tpu.dma_semaphore, #tpu.memory_space<semaphore_mem>>) src(%dma_wait3A_1634 : memref<32776x128xf32, #tpu.memory_space<hbm>>) dst(%dma_wait3A_1629 : memref<128x128xf32, #tpu.memory_space<vmem>>)
    %mul3A_1635 = arith.constant 8 : i32
    %mul3A_1636 = arith.muli %mul3A_2, %mul3A_1635 : i32
    %add3A_1637 = arith.constant 640 : i32
    %add3A_1638 = arith.addi %mul3A_1636, %add3A_1637 : i32
    %dma_start3A_1639 = arith.constant 0 : i32
    %dma_start3A_1640 = tpu.memref_slice %arg4[%add3A_1638, %dma_start3A_1639] : memref<131072x128xf32, #tpu.memory_space<hbm>> -> memref<128x128xf32, #tpu.memory_space<hbm>>
    %dma_start3A_1641 = arith.constant 0 : i32
    %dma_start3A_1642 = tpu.memref_slice %arg4[%add3A_1638, %dma_start3A_1641] : memref<131072x128xf32, #tpu.memory_space<hbm>> -> memref<128x128xf32, #tpu.memory_space<hbm>>
    tpu.enqueue_dma source(%arg11 : memref<128x128xf32, #tpu.memory_space<vmem>>) target(%dma_start3A_1642 : memref<128x128xf32, #tpu.memory_space<hbm>>) target_semaphore(%arg30 : memref<!tpu.dma_semaphore, #tpu.memory_space<semaphore_mem>>)
    %dma_wait3A_1643 = arith.constant 0 : i32
    %dma_wait3A_1644 = tpu.memref_slice %arg4[%add3A_1638, %dma_wait3A_1643] : memref<131072x128xf32, #tpu.memory_space<hbm>> -> memref<128x128xf32, #tpu.memory_space<hbm>>
    %dma_wait3A_1645 = arith.constant 0 : i32
    %dma_wait3A_1646 = tpu.memref_slice %arg4[%add3A_1638, %dma_wait3A_1645] : memref<131072x128xf32, #tpu.memory_space<hbm>> -> memref<128x128xf32, #tpu.memory_space<hbm>>
    tpu.wait_dma2 semaphore(%arg30 : memref<!tpu.dma_semaphore, #tpu.memory_space<semaphore_mem>>) src(%arg11 : memref<128x128xf32, #tpu.memory_space<vmem>>) dst(%dma_wait3A_1646 : memref<128x128xf32, #tpu.memory_space<hbm>>)
    %get3A_1647 = arith.constant 176 : index
    %get3A_1648 = tpu.vector_load %arg5[%get3A_1647] {strides = array<i32>} : memref<512xi32, #tpu.memory_space<vmem>>, vector<16xi32>,
    %get3A_1649 = vector.shape_cast %get3A_1648 : vector<16xi32> to vector<16xi32>
    %mul3A_1650 = arith.constant 8 : i32
    %mul3A_1651 = vector.broadcast %mul3A_1650 : i32 to vector<16xi32>
    %mul3A_1652 = arith.muli %get3A_1649, %mul3A_1651 : vector<16xi32>
    %swap3A_1653 = arith.constant 0 : index
    %swap3A_1654 = tpu.vector_load %arg18[%swap3A_1653] {strides = array<i32>} : memref<32xi32, #tpu.memory_space<vmem>>, vector<16xi32>,
    %swap3A_1655 = vector.shape_cast %swap3A_1654 : vector<16xi32> to vector<16xi32>
    %swap3A_1656 = vector.shape_cast %mul3A_1652 : vector<16xi32> to vector<16xi32>
    tpu.vector_store %arg18[%swap3A_1653], %swap3A_1656 {strides = array<i32>} : memref<32xi32, #tpu.memory_space<vmem>>, vector<16xi32>,
    %swap3A_1657 = arith.constant 16 : index
    %swap3A_1658 = tpu.vector_load %arg18[%swap3A_1657] {strides = array<i32>} : memref<32xi32, #tpu.memory_space<vmem>>, vector<16xi32>,
    %swap3A_1659 = vector.shape_cast %swap3A_1658 : vector<16xi32> to vector<16xi32>
    %swap3A_1660 = vector.shape_cast %mul3A_1652 : vector<16xi32> to vector<16xi32>
    tpu.vector_store %arg18[%swap3A_1657], %swap3A_1660 {strides = array<i32>} : memref<32xi32, #tpu.memory_space<vmem>>, vector<16xi32>,
    %get3A_1661 = arith.constant 8 : index
    %get3A_1662 = tpu.vector_load %arg18[%get3A_1661] {strides = array<i32>} : memref<32xi32, #tpu.memory_space<vmem>>, vector<16xi32>,
    %get3A_1663 = vector.shape_cast %get3A_1662 : vector<16xi32> to vector<16xi32>
    %select_n3A_1664 = arith.select %lt3A_4, %mul3A_1652, %get3A_1663 : vector<16xi1>, vector<16xi32>
    %select_n3A_1665 = arith.select %lt3A_4, %get3A_1663, %mul3A_1652 : vector<16xi1>, vector<16xi32>
    %shift_right_arithmetic3A_1666 = arith.constant 3 : i32
    %shift_right_arithmetic3A_1667 = vector.broadcast %shift_right_arithmetic3A_1666 : i32 to vector<16xi32>
    %shift_right_arithmetic3A_1668 = arith.shrsi %iota3A, %shift_right_arithmetic3A_1667 : vector<16xi32>
    %add3A_1669 = arith.constant 0 : i32
    %add3A_1670 = vector.broadcast %add3A_1669 : i32 to vector<16xi32>
    %add3A_1671 = arith.addi %add3A_1670, %shift_right_arithmetic3A_1668 : vector<16xi32>
    %and3A_1672 = arith.constant 7 : i32
    %and3A_1673 = vector.broadcast %and3A_1672 : i32 to vector<16xi32>
    %and3A_1674 = arith.andi %add3A_1671, %and3A_1673 : vector<16xi32>
    %add3A_1675 = arith.addi %select_n3A_1664, %and3A_1674 : vector<16xi32>
    %swap3A_1676 = arith.constant 0 : index
    %swap3A_1677 = tpu.vector_load %arg17[%swap3A_1676] {strides = array<i32>} : memref<128xi32, #tpu.memory_space<vmem>>, vector<16xi32>,
    %swap3A_1678 = vector.shape_cast %swap3A_1677 : vector<16xi32> to vector<16xi32>
    %swap3A_1679 = vector.shape_cast %add3A_1675 : vector<16xi32> to vector<16xi32>
    tpu.vector_store %arg17[%swap3A_1676], %swap3A_1679 {strides = array<i32>} : memref<128xi32, #tpu.memory_space<vmem>>, vector<16xi32>,
    %shift_right_arithmetic3A_1680 = arith.constant 3 : i32
    %shift_right_arithmetic3A_1681 = vector.broadcast %shift_right_arithmetic3A_1680 : i32 to vector<16xi32>
    %shift_right_arithmetic3A_1682 = arith.shrsi %iota3A, %shift_right_arithmetic3A_1681 : vector<16xi32>
    %add3A_1683 = arith.constant 2 : i32
    %add3A_1684 = vector.broadcast %add3A_1683 : i32 to vector<16xi32>
    %add3A_1685 = arith.addi %add3A_1684, %shift_right_arithmetic3A_1682 : vector<16xi32>
    %and3A_1686 = arith.constant 7 : i32
    %and3A_1687 = vector.broadcast %and3A_1686 : i32 to vector<16xi32>
    %and3A_1688 = arith.andi %add3A_1685, %and3A_1687 : vector<16xi32>
    %add3A_1689 = arith.addi %select_n3A_1664, %and3A_1688 : vector<16xi32>
    %swap3A_1690 = arith.constant 16 : index
    %swap3A_1691 = tpu.vector_load %arg17[%swap3A_1690] {strides = array<i32>} : memref<128xi32, #tpu.memory_space<vmem>>, vector<16xi32>,
    %swap3A_1692 = vector.shape_cast %swap3A_1691 : vector<16xi32> to vector<16xi32>
    %swap3A_1693 = vector.shape_cast %add3A_1689 : vector<16xi32> to vector<16xi32>
    tpu.vector_store %arg17[%swap3A_1690], %swap3A_1693 {strides = array<i32>} : memref<128xi32, #tpu.memory_space<vmem>>, vector<16xi32>,
    %shift_right_arithmetic3A_1694 = arith.constant 3 : i32
    %shift_right_arithmetic3A_1695 = vector.broadcast %shift_right_arithmetic3A_1694 : i32 to vector<16xi32>
    %shift_right_arithmetic3A_1696 = arith.shrsi %iota3A, %shift_right_arithmetic3A_1695 : vector<16xi32>
    %add3A_1697 = arith.constant 4 : i32
    %add3A_1698 = vector.broadcast %add3A_1697 : i32 to vector<16xi32>
    %add3A_1699 = arith.addi %add3A_1698, %shift_right_arithmetic3A_1696 : vector<16xi32>
    %and3A_1700 = arith.constant 7 : i32
    %and3A_1701 = vector.broadcast %and3A_1700 : i32 to vector<16xi32>
    %and3A_1702 = arith.andi %add3A_1699, %and3A_1701 : vector<16xi32>
    %add3A_1703 = arith.addi %select_n3A_1664, %and3A_1702 : vector<16xi32>
    %swap3A_1704 = arith.constant 32 : index
    %swap3A_1705 = tpu.vector_load %arg17[%swap3A_1704] {strides = array<i32>} : memref<128xi32, #tpu.memory_space<vmem>>, vector<16xi32>,
    %swap3A_1706 = vector.shape_cast %swap3A_1705 : vector<16xi32> to vector<16xi32>
    %swap3A_1707 = vector.shape_cast %add3A_1703 : vector<16xi32> to vector<16xi32>
    tpu.vector_store %arg17[%swap3A_1704], %swap3A_1707 {strides = array<i32>} : memref<128xi32, #tpu.memory_space<vmem>>, vector<16xi32>,
    %shift_right_arithmetic3A_1708 = arith.constant 3 : i32
    %shift_right_arithmetic3A_1709 = vector.broadcast %shift_right_arithmetic3A_1708 : i32 to vector<16xi32>
    %shift_right_arithmetic3A_1710 = arith.shrsi %iota3A, %shift_right_arithmetic3A_1709 : vector<16xi32>
    %add3A_1711 = arith.constant 6 : i32
    %add3A_1712 = vector.broadcast %add3A_1711 : i32 to vector<16xi32>
    %add3A_1713 = arith.addi %add3A_1712, %shift_right_arithmetic3A_1710 : vector<16xi32>
    %and3A_1714 = arith.constant 7 : i32
    %and3A_1715 = vector.broadcast %and3A_1714 : i32 to vector<16xi32>
    %and3A_1716 = arith.andi %add3A_1713, %and3A_1715 : vector<16xi32>
    %add3A_1717 = arith.addi %select_n3A_1664, %and3A_1716 : vector<16xi32>
    %swap3A_1718 = arith.constant 48 : index
    %swap3A_1719 = tpu.vector_load %arg17[%swap3A_1718] {strides = array<i32>} : memref<128xi32, #tpu.memory_space<vmem>>, vector<16xi32>,
    %swap3A_1720 = vector.shape_cast %swap3A_1719 : vector<16xi32> to vector<16xi32>
    %swap3A_1721 = vector.shape_cast %add3A_1717 : vector<16xi32> to vector<16xi32>
    tpu.vector_store %arg17[%swap3A_1718], %swap3A_1721 {strides = array<i32>} : memref<128xi32, #tpu.memory_space<vmem>>, vector<16xi32>,
    %shift_right_arithmetic3A_1722 = arith.constant 3 : i32
    %shift_right_arithmetic3A_1723 = vector.broadcast %shift_right_arithmetic3A_1722 : i32 to vector<16xi32>
    %shift_right_arithmetic3A_1724 = arith.shrsi %iota3A, %shift_right_arithmetic3A_1723 : vector<16xi32>
    %add3A_1725 = arith.constant 8 : i32
    %add3A_1726 = vector.broadcast %add3A_1725 : i32 to vector<16xi32>
    %add3A_1727 = arith.addi %add3A_1726, %shift_right_arithmetic3A_1724 : vector<16xi32>
    %and3A_1728 = arith.constant 7 : i32
    %and3A_1729 = vector.broadcast %and3A_1728 : i32 to vector<16xi32>
    %and3A_1730 = arith.andi %add3A_1727, %and3A_1729 : vector<16xi32>
    %add3A_1731 = arith.addi %select_n3A_1665, %and3A_1730 : vector<16xi32>
    %swap3A_1732 = arith.constant 64 : index
    %swap3A_1733 = tpu.vector_load %arg17[%swap3A_1732] {strides = array<i32>} : memref<128xi32, #tpu.memory_space<vmem>>, vector<16xi32>,
    %swap3A_1734 = vector.shape_cast %swap3A_1733 : vector<16xi32> to vector<16xi32>
    %swap3A_1735 = vector.shape_cast %add3A_1731 : vector<16xi32> to vector<16xi32>
    tpu.vector_store %arg17[%swap3A_1732], %swap3A_1735 {strides = array<i32>} : memref<128xi32, #tpu.memory_space<vmem>>, vector<16xi32>,
    %shift_right_arithmetic3A_1736 = arith.constant 3 : i32
    %shift_right_arithmetic3A_1737 = vector.broadcast %shift_right_arithmetic3A_1736 : i32 to vector<16xi32>
    %shift_right_arithmetic3A_1738 = arith.shrsi %iota3A, %shift_right_arithmetic3A_1737 : vector<16xi32>
    %add3A_1739 = arith.constant 10 : i32
    %add3A_1740 = vector.broadcast %add3A_1739 : i32 to vector<16xi32>
    %add3A_1741 = arith.addi %add3A_1740, %shift_right_arithmetic3A_1738 : vector<16xi32>
    %and3A_1742 = arith.constant 7 : i32
    %and3A_1743 = vector.broadcast %and3A_1742 : i32 to vector<16xi32>
    %and3A_1744 = arith.andi %add3A_1741, %and3A_1743 : vector<16xi32>
    %add3A_1745 = arith.addi %select_n3A_1665, %and3A_1744 : vector<16xi32>
    %swap3A_1746 = arith.constant 80 : index
    %swap3A_1747 = tpu.vector_load %arg17[%swap3A_1746] {strides = array<i32>} : memref<128xi32, #tpu.memory_space<vmem>>, vector<16xi32>,
    %swap3A_1748 = vector.shape_cast %swap3A_1747 : vector<16xi32> to vector<16xi32>
    %swap3A_1749 = vector.shape_cast %add3A_1745 : vector<16xi32> to vector<16xi32>
    tpu.vector_store %arg17[%swap3A_1746], %swap3A_1749 {strides = array<i32>} : memref<128xi32, #tpu.memory_space<vmem>>, vector<16xi32>,
    %shift_right_arithmetic3A_1750 = arith.constant 3 : i32
    %shift_right_arithmetic3A_1751 = vector.broadcast %shift_right_arithmetic3A_1750 : i32 to vector<16xi32>
    %shift_right_arithmetic3A_1752 = arith.shrsi %iota3A, %shift_right_arithmetic3A_1751 : vector<16xi32>
    %add3A_1753 = arith.constant 12 : i32
    %add3A_1754 = vector.broadcast %add3A_1753 : i32 to vector<16xi32>
    %add3A_1755 = arith.addi %add3A_1754, %shift_right_arithmetic3A_1752 : vector<16xi32>
    %and3A_1756 = arith.constant 7 : i32
    %and3A_1757 = vector.broadcast %and3A_1756 : i32 to vector<16xi32>
    %and3A_1758 = arith.andi %add3A_1755, %and3A_1757 : vector<16xi32>
    %add3A_1759 = arith.addi %select_n3A_1665, %and3A_1758 : vector<16xi32>
    %swap3A_1760 = arith.constant 96 : index
    %swap3A_1761 = tpu.vector_load %arg17[%swap3A_1760] {strides = array<i32>} : memref<128xi32, #tpu.memory_space<vmem>>, vector<16xi32>,
    %swap3A_1762 = vector.shape_cast %swap3A_1761 : vector<16xi32> to vector<16xi32>
    %swap3A_1763 = vector.shape_cast %add3A_1759 : vector<16xi32> to vector<16xi32>
    tpu.vector_store %arg17[%swap3A_1760], %swap3A_1763 {strides = array<i32>} : memref<128xi32, #tpu.memory_space<vmem>>, vector<16xi32>,
    %shift_right_arithmetic3A_1764 = arith.constant 3 : i32
    %shift_right_arithmetic3A_1765 = vector.broadcast %shift_right_arithmetic3A_1764 : i32 to vector<16xi32>
    %shift_right_arithmetic3A_1766 = arith.shrsi %iota3A, %shift_right_arithmetic3A_1765 : vector<16xi32>
    %add3A_1767 = arith.constant 14 : i32
    %add3A_1768 = vector.broadcast %add3A_1767 : i32 to vector<16xi32>
    %add3A_1769 = arith.addi %add3A_1768, %shift_right_arithmetic3A_1766 : vector<16xi32>
    %and3A_1770 = arith.constant 7 : i32
    %and3A_1771 = vector.broadcast %and3A_1770 : i32 to vector<16xi32>
    %and3A_1772 = arith.andi %add3A_1769, %and3A_1771 : vector<16xi32>
    %add3A_1773 = arith.addi %select_n3A_1665, %and3A_1772 : vector<16xi32>
    %swap3A_1774 = arith.constant 112 : index
    %swap3A_1775 = tpu.vector_load %arg17[%swap3A_1774] {strides = array<i32>} : memref<128xi32, #tpu.memory_space<vmem>>, vector<16xi32>,
    %swap3A_1776 = vector.shape_cast %swap3A_1775 : vector<16xi32> to vector<16xi32>
    %swap3A_1777 = vector.shape_cast %add3A_1773 : vector<16xi32> to vector<16xi32>
    tpu.vector_store %arg17[%swap3A_1774], %swap3A_1777 {strides = array<i32>} : memref<128xi32, #tpu.memory_space<vmem>>, vector<16xi32>,
    %dma_start3A_1778 = arith.constant 0 : i32
    %dma_start3A_1779 = arith.constant 0 : i32
    %dma_start3A_1780 = tpu.memref_slice %arg11[%dma_start3A_1778, %dma_start3A_1779] : memref<128x128xf32, #tpu.memory_space<vmem>> -> memref<128x128xf32, #tpu.memory_space<vmem>>
    %dma_start3A_1781 = arith.constant 0 : i32
    %dma_start3A_1782 = tpu.memref_slice %arg17[%dma_start3A_1781] : memref<128xi32, #tpu.memory_space<vmem>> -> memref<128xi32, #tpu.memory_space<vmem>>
    %dma_start3A_1783 = arith.constant 0 : i32
    %dma_start3A_1784 = arith.constant 0 : i32
    %dma_start3A_1785 = tpu.memref_slice %arg2[%dma_start3A_1783, %dma_start3A_1784] : memref<32776x128xf32, #tpu.memory_space<hbm>> -> memref<32776x128xf32, #tpu.memory_space<hbm>>
    tpu.enqueue_indirect_dma source(%dma_start3A_1785 : memref<32776x128xf32, #tpu.memory_space<hbm>>) target(%dma_start3A_1780 : memref<128x128xf32, #tpu.memory_space<vmem>>) offsets(%dma_start3A_1782 : memref<128xi32, #tpu.memory_space<vmem>>) semaphore(%arg24 : memref<!tpu.dma_semaphore, #tpu.memory_space<semaphore_mem>>)
    %dma_wait3A_1786 = arith.constant 0 : i32
    %dma_wait3A_1787 = arith.constant 0 : i32
    %dma_wait3A_1788 = tpu.memref_slice %arg6[%dma_wait3A_1786, %dma_wait3A_1787] : memref<128x128xf32, #tpu.memory_space<vmem>> -> memref<128x128xf32, #tpu.memory_space<vmem>>
    %dma_wait3A_1789 = arith.constant 0 : i32
    %dma_wait3A_1790 = tpu.memref_slice %arg12[%dma_wait3A_1789] : memref<128xi32, #tpu.memory_space<vmem>> -> memref<128xi32, #tpu.memory_space<vmem>>
    %dma_wait3A_1791 = arith.constant 0 : i32
    %dma_wait3A_1792 = arith.constant 0 : i32
    %dma_wait3A_1793 = tpu.memref_slice %arg2[%dma_wait3A_1791, %dma_wait3A_1792] : memref<32776x128xf32, #tpu.memory_space<hbm>> -> memref<32776x128xf32, #tpu.memory_space<hbm>>
    tpu.wait_indirect_dma semaphore(%arg19 : memref<!tpu.dma_semaphore, #tpu.memory_space<semaphore_mem>>) src(%dma_wait3A_1793 : memref<32776x128xf32, #tpu.memory_space<hbm>>) dst(%dma_wait3A_1788 : memref<128x128xf32, #tpu.memory_space<vmem>>)
    %mul3A_1794 = arith.constant 8 : i32
    %mul3A_1795 = arith.muli %mul3A_2, %mul3A_1794 : i32
    %add3A_1796 = arith.constant 768 : i32
    %add3A_1797 = arith.addi %mul3A_1795, %add3A_1796 : i32
    %dma_start3A_1798 = arith.constant 0 : i32
    %dma_start3A_1799 = tpu.memref_slice %arg4[%add3A_1797, %dma_start3A_1798] : memref<131072x128xf32, #tpu.memory_space<hbm>> -> memref<128x128xf32, #tpu.memory_space<hbm>>
    %dma_start3A_1800 = arith.constant 0 : i32
    %dma_start3A_1801 = tpu.memref_slice %arg4[%add3A_1797, %dma_start3A_1800] : memref<131072x128xf32, #tpu.memory_space<hbm>> -> memref<128x128xf32, #tpu.memory_space<hbm>>
    tpu.enqueue_dma source(%arg6 : memref<128x128xf32, #tpu.memory_space<vmem>>) target(%dma_start3A_1801 : memref<128x128xf32, #tpu.memory_space<hbm>>) target_semaphore(%arg25 : memref<!tpu.dma_semaphore, #tpu.memory_space<semaphore_mem>>)
    %dma_wait3A_1802 = arith.constant 0 : i32
    %dma_wait3A_1803 = tpu.memref_slice %arg4[%add3A_1797, %dma_wait3A_1802] : memref<131072x128xf32, #tpu.memory_space<hbm>> -> memref<128x128xf32, #tpu.memory_space<hbm>>
    %dma_wait3A_1804 = arith.constant 0 : i32
    %dma_wait3A_1805 = tpu.memref_slice %arg4[%add3A_1797, %dma_wait3A_1804] : memref<131072x128xf32, #tpu.memory_space<hbm>> -> memref<128x128xf32, #tpu.memory_space<hbm>>
    tpu.wait_dma2 semaphore(%arg25 : memref<!tpu.dma_semaphore, #tpu.memory_space<semaphore_mem>>) src(%arg6 : memref<128x128xf32, #tpu.memory_space<vmem>>) dst(%dma_wait3A_1805 : memref<128x128xf32, #tpu.memory_space<hbm>>)
    %get3A_1806 = arith.constant 192 : index
    %get3A_1807 = tpu.vector_load %arg5[%get3A_1806] {strides = array<i32>} : memref<512xi32, #tpu.memory_space<vmem>>, vector<16xi32>,
    %get3A_1808 = vector.shape_cast %get3A_1807 : vector<16xi32> to vector<16xi32>
    %mul3A_1809 = arith.constant 8 : i32
    %mul3A_1810 = vector.broadcast %mul3A_1809 : i32 to vector<16xi32>
    %mul3A_1811 = arith.muli %get3A_1808, %mul3A_1810 : vector<16xi32>
    %swap3A_1812 = arith.constant 0 : index
    %swap3A_1813 = tpu.vector_load %arg18[%swap3A_1812] {strides = array<i32>} : memref<32xi32, #tpu.memory_space<vmem>>, vector<16xi32>,
    %swap3A_1814 = vector.shape_cast %swap3A_1813 : vector<16xi32> to vector<16xi32>
    %swap3A_1815 = vector.shape_cast %mul3A_1811 : vector<16xi32> to vector<16xi32>
    tpu.vector_store %arg18[%swap3A_1812], %swap3A_1815 {strides = array<i32>} : memref<32xi32, #tpu.memory_space<vmem>>, vector<16xi32>,
    %swap3A_1816 = arith.constant 16 : index
    %swap3A_1817 = tpu.vector_load %arg18[%swap3A_1816] {strides = array<i32>} : memref<32xi32, #tpu.memory_space<vmem>>, vector<16xi32>,
    %swap3A_1818 = vector.shape_cast %swap3A_1817 : vector<16xi32> to vector<16xi32>
    %swap3A_1819 = vector.shape_cast %mul3A_1811 : vector<16xi32> to vector<16xi32>
    tpu.vector_store %arg18[%swap3A_1816], %swap3A_1819 {strides = array<i32>} : memref<32xi32, #tpu.memory_space<vmem>>, vector<16xi32>,
    %get3A_1820 = arith.constant 8 : index
    %get3A_1821 = tpu.vector_load %arg18[%get3A_1820] {strides = array<i32>} : memref<32xi32, #tpu.memory_space<vmem>>, vector<16xi32>,
    %get3A_1822 = vector.shape_cast %get3A_1821 : vector<16xi32> to vector<16xi32>
    %select_n3A_1823 = arith.select %lt3A_4, %mul3A_1811, %get3A_1822 : vector<16xi1>, vector<16xi32>
    %select_n3A_1824 = arith.select %lt3A_4, %get3A_1822, %mul3A_1811 : vector<16xi1>, vector<16xi32>
    %shift_right_arithmetic3A_1825 = arith.constant 3 : i32
    %shift_right_arithmetic3A_1826 = vector.broadcast %shift_right_arithmetic3A_1825 : i32 to vector<16xi32>
    %shift_right_arithmetic3A_1827 = arith.shrsi %iota3A, %shift_right_arithmetic3A_1826 : vector<16xi32>
    %add3A_1828 = arith.constant 0 : i32
    %add3A_1829 = vector.broadcast %add3A_1828 : i32 to vector<16xi32>
    %add3A_1830 = arith.addi %add3A_1829, %shift_right_arithmetic3A_1827 : vector<16xi32>
    %and3A_1831 = arith.constant 7 : i32
    %and3A_1832 = vector.broadcast %and3A_1831 : i32 to vector<16xi32>
    %and3A_1833 = arith.andi %add3A_1830, %and3A_1832 : vector<16xi32>
    %add3A_1834 = arith.addi %select_n3A_1823, %and3A_1833 : vector<16xi32>
    %swap3A_1835 = arith.constant 0 : index
    %swap3A_1836 = tpu.vector_load %arg12[%swap3A_1835] {strides = array<i32>} : memref<128xi32, #tpu.memory_space<vmem>>, vector<16xi32>,
    %swap3A_1837 = vector.shape_cast %swap3A_1836 : vector<16xi32> to vector<16xi32>
    %swap3A_1838 = vector.shape_cast %add3A_1834 : vector<16xi32> to vector<16xi32>
    tpu.vector_store %arg12[%swap3A_1835], %swap3A_1838 {strides = array<i32>} : memref<128xi32, #tpu.memory_space<vmem>>, vector<16xi32>,
    %shift_right_arithmetic3A_1839 = arith.constant 3 : i32
    %shift_right_arithmetic3A_1840 = vector.broadcast %shift_right_arithmetic3A_1839 : i32 to vector<16xi32>
    %shift_right_arithmetic3A_1841 = arith.shrsi %iota3A, %shift_right_arithmetic3A_1840 : vector<16xi32>
    %add3A_1842 = arith.constant 2 : i32
    %add3A_1843 = vector.broadcast %add3A_1842 : i32 to vector<16xi32>
    %add3A_1844 = arith.addi %add3A_1843, %shift_right_arithmetic3A_1841 : vector<16xi32>
    %and3A_1845 = arith.constant 7 : i32
    %and3A_1846 = vector.broadcast %and3A_1845 : i32 to vector<16xi32>
    %and3A_1847 = arith.andi %add3A_1844, %and3A_1846 : vector<16xi32>
    %add3A_1848 = arith.addi %select_n3A_1823, %and3A_1847 : vector<16xi32>
    %swap3A_1849 = arith.constant 16 : index
    %swap3A_1850 = tpu.vector_load %arg12[%swap3A_1849] {strides = array<i32>} : memref<128xi32, #tpu.memory_space<vmem>>, vector<16xi32>,
    %swap3A_1851 = vector.shape_cast %swap3A_1850 : vector<16xi32> to vector<16xi32>
    %swap3A_1852 = vector.shape_cast %add3A_1848 : vector<16xi32> to vector<16xi32>
    tpu.vector_store %arg12[%swap3A_1849], %swap3A_1852 {strides = array<i32>} : memref<128xi32, #tpu.memory_space<vmem>>, vector<16xi32>,
    %shift_right_arithmetic3A_1853 = arith.constant 3 : i32
    %shift_right_arithmetic3A_1854 = vector.broadcast %shift_right_arithmetic3A_1853 : i32 to vector<16xi32>
    %shift_right_arithmetic3A_1855 = arith.shrsi %iota3A, %shift_right_arithmetic3A_1854 : vector<16xi32>
    %add3A_1856 = arith.constant 4 : i32
    %add3A_1857 = vector.broadcast %add3A_1856 : i32 to vector<16xi32>
    %add3A_1858 = arith.addi %add3A_1857, %shift_right_arithmetic3A_1855 : vector<16xi32>
    %and3A_1859 = arith.constant 7 : i32
    %and3A_1860 = vector.broadcast %and3A_1859 : i32 to vector<16xi32>
    %and3A_1861 = arith.andi %add3A_1858, %and3A_1860 : vector<16xi32>
    %add3A_1862 = arith.addi %select_n3A_1823, %and3A_1861 : vector<16xi32>
    %swap3A_1863 = arith.constant 32 : index
    %swap3A_1864 = tpu.vector_load %arg12[%swap3A_1863] {strides = array<i32>} : memref<128xi32, #tpu.memory_space<vmem>>, vector<16xi32>,
    %swap3A_1865 = vector.shape_cast %swap3A_1864 : vector<16xi32> to vector<16xi32>
    %swap3A_1866 = vector.shape_cast %add3A_1862 : vector<16xi32> to vector<16xi32>
    tpu.vector_store %arg12[%swap3A_1863], %swap3A_1866 {strides = array<i32>} : memref<128xi32, #tpu.memory_space<vmem>>, vector<16xi32>,
    %shift_right_arithmetic3A_1867 = arith.constant 3 : i32
    %shift_right_arithmetic3A_1868 = vector.broadcast %shift_right_arithmetic3A_1867 : i32 to vector<16xi32>
    %shift_right_arithmetic3A_1869 = arith.shrsi %iota3A, %shift_right_arithmetic3A_1868 : vector<16xi32>
    %add3A_1870 = arith.constant 6 : i32
    %add3A_1871 = vector.broadcast %add3A_1870 : i32 to vector<16xi32>
    %add3A_1872 = arith.addi %add3A_1871, %shift_right_arithmetic3A_1869 : vector<16xi32>
    %and3A_1873 = arith.constant 7 : i32
    %and3A_1874 = vector.broadcast %and3A_1873 : i32 to vector<16xi32>
    %and3A_1875 = arith.andi %add3A_1872, %and3A_1874 : vector<16xi32>
    %add3A_1876 = arith.addi %select_n3A_1823, %and3A_1875 : vector<16xi32>
    %swap3A_1877 = arith.constant 48 : index
    %swap3A_1878 = tpu.vector_load %arg12[%swap3A_1877] {strides = array<i32>} : memref<128xi32, #tpu.memory_space<vmem>>, vector<16xi32>,
    %swap3A_1879 = vector.shape_cast %swap3A_1878 : vector<16xi32> to vector<16xi32>
    %swap3A_1880 = vector.shape_cast %add3A_1876 : vector<16xi32> to vector<16xi32>
    tpu.vector_store %arg12[%swap3A_1877], %swap3A_1880 {strides = array<i32>} : memref<128xi32, #tpu.memory_space<vmem>>, vector<16xi32>,
    %shift_right_arithmetic3A_1881 = arith.constant 3 : i32
    %shift_right_arithmetic3A_1882 = vector.broadcast %shift_right_arithmetic3A_1881 : i32 to vector<16xi32>
    %shift_right_arithmetic3A_1883 = arith.shrsi %iota3A, %shift_right_arithmetic3A_1882 : vector<16xi32>
    %add3A_1884 = arith.constant 8 : i32
    %add3A_1885 = vector.broadcast %add3A_1884 : i32 to vector<16xi32>
    %add3A_1886 = arith.addi %add3A_1885, %shift_right_arithmetic3A_1883 : vector<16xi32>
    %and3A_1887 = arith.constant 7 : i32
    %and3A_1888 = vector.broadcast %and3A_1887 : i32 to vector<16xi32>
    %and3A_1889 = arith.andi %add3A_1886, %and3A_1888 : vector<16xi32>
    %add3A_1890 = arith.addi %select_n3A_1824, %and3A_1889 : vector<16xi32>
    %swap3A_1891 = arith.constant 64 : index
    %swap3A_1892 = tpu.vector_load %arg12[%swap3A_1891] {strides = array<i32>} : memref<128xi32, #tpu.memory_space<vmem>>, vector<16xi32>,
    %swap3A_1893 = vector.shape_cast %swap3A_1892 : vector<16xi32> to vector<16xi32>
    %swap3A_1894 = vector.shape_cast %add3A_1890 : vector<16xi32> to vector<16xi32>
    tpu.vector_store %arg12[%swap3A_1891], %swap3A_1894 {strides = array<i32>} : memref<128xi32, #tpu.memory_space<vmem>>, vector<16xi32>,
    %shift_right_arithmetic3A_1895 = arith.constant 3 : i32
    %shift_right_arithmetic3A_1896 = vector.broadcast %shift_right_arithmetic3A_1895 : i32 to vector<16xi32>
    %shift_right_arithmetic3A_1897 = arith.shrsi %iota3A, %shift_right_arithmetic3A_1896 : vector<16xi32>
    %add3A_1898 = arith.constant 10 : i32
    %add3A_1899 = vector.broadcast %add3A_1898 : i32 to vector<16xi32>
    %add3A_1900 = arith.addi %add3A_1899, %shift_right_arithmetic3A_1897 : vector<16xi32>
    %and3A_1901 = arith.constant 7 : i32
    %and3A_1902 = vector.broadcast %and3A_1901 : i32 to vector<16xi32>
    %and3A_1903 = arith.andi %add3A_1900, %and3A_1902 : vector<16xi32>
    %add3A_1904 = arith.addi %select_n3A_1824, %and3A_1903 : vector<16xi32>
    %swap3A_1905 = arith.constant 80 : index
    %swap3A_1906 = tpu.vector_load %arg12[%swap3A_1905] {strides = array<i32>} : memref<128xi32, #tpu.memory_space<vmem>>, vector<16xi32>,
    %swap3A_1907 = vector.shape_cast %swap3A_1906 : vector<16xi32> to vector<16xi32>
    %swap3A_1908 = vector.shape_cast %add3A_1904 : vector<16xi32> to vector<16xi32>
    tpu.vector_store %arg12[%swap3A_1905], %swap3A_1908 {strides = array<i32>} : memref<128xi32, #tpu.memory_space<vmem>>, vector<16xi32>,
    %shift_right_arithmetic3A_1909 = arith.constant 3 : i32
    %shift_right_arithmetic3A_1910 = vector.broadcast %shift_right_arithmetic3A_1909 : i32 to vector<16xi32>
    %shift_right_arithmetic3A_1911 = arith.shrsi %iota3A, %shift_right_arithmetic3A_1910 : vector<16xi32>
    %add3A_1912 = arith.constant 12 : i32
    %add3A_1913 = vector.broadcast %add3A_1912 : i32 to vector<16xi32>
    %add3A_1914 = arith.addi %add3A_1913, %shift_right_arithmetic3A_1911 : vector<16xi32>
    %and3A_1915 = arith.constant 7 : i32
    %and3A_1916 = vector.broadcast %and3A_1915 : i32 to vector<16xi32>
    %and3A_1917 = arith.andi %add3A_1914, %and3A_1916 : vector<16xi32>
    %add3A_1918 = arith.addi %select_n3A_1824, %and3A_1917 : vector<16xi32>
    %swap3A_1919 = arith.constant 96 : index
    %swap3A_1920 = tpu.vector_load %arg12[%swap3A_1919] {strides = array<i32>} : memref<128xi32, #tpu.memory_space<vmem>>, vector<16xi32>,
    %swap3A_1921 = vector.shape_cast %swap3A_1920 : vector<16xi32> to vector<16xi32>
    %swap3A_1922 = vector.shape_cast %add3A_1918 : vector<16xi32> to vector<16xi32>
    tpu.vector_store %arg12[%swap3A_1919], %swap3A_1922 {strides = array<i32>} : memref<128xi32, #tpu.memory_space<vmem>>, vector<16xi32>,
    %shift_right_arithmetic3A_1923 = arith.constant 3 : i32
    %shift_right_arithmetic3A_1924 = vector.broadcast %shift_right_arithmetic3A_1923 : i32 to vector<16xi32>
    %shift_right_arithmetic3A_1925 = arith.shrsi %iota3A, %shift_right_arithmetic3A_1924 : vector<16xi32>
    %add3A_1926 = arith.constant 14 : i32
    %add3A_1927 = vector.broadcast %add3A_1926 : i32 to vector<16xi32>
    %add3A_1928 = arith.addi %add3A_1927, %shift_right_arithmetic3A_1925 : vector<16xi32>
    %and3A_1929 = arith.constant 7 : i32
    %and3A_1930 = vector.broadcast %and3A_1929 : i32 to vector<16xi32>
    %and3A_1931 = arith.andi %add3A_1928, %and3A_1930 : vector<16xi32>
    %add3A_1932 = arith.addi %select_n3A_1824, %and3A_1931 : vector<16xi32>
    %swap3A_1933 = arith.constant 112 : index
    %swap3A_1934 = tpu.vector_load %arg12[%swap3A_1933] {strides = array<i32>} : memref<128xi32, #tpu.memory_space<vmem>>, vector<16xi32>,
    %swap3A_1935 = vector.shape_cast %swap3A_1934 : vector<16xi32> to vector<16xi32>
    %swap3A_1936 = vector.shape_cast %add3A_1932 : vector<16xi32> to vector<16xi32>
    tpu.vector_store %arg12[%swap3A_1933], %swap3A_1936 {strides = array<i32>} : memref<128xi32, #tpu.memory_space<vmem>>, vector<16xi32>,
    %dma_start3A_1937 = arith.constant 0 : i32
    %dma_start3A_1938 = arith.constant 0 : i32
    %dma_start3A_1939 = tpu.memref_slice %arg6[%dma_start3A_1937, %dma_start3A_1938] : memref<128x128xf32, #tpu.memory_space<vmem>> -> memref<128x128xf32, #tpu.memory_space<vmem>>
    %dma_start3A_1940 = arith.constant 0 : i32
    %dma_start3A_1941 = tpu.memref_slice %arg12[%dma_start3A_1940] : memref<128xi32, #tpu.memory_space<vmem>> -> memref<128xi32, #tpu.memory_space<vmem>>
    %dma_start3A_1942 = arith.constant 0 : i32
    %dma_start3A_1943 = arith.constant 0 : i32
    %dma_start3A_1944 = tpu.memref_slice %arg2[%dma_start3A_1942, %dma_start3A_1943] : memref<32776x128xf32, #tpu.memory_space<hbm>> -> memref<32776x128xf32, #tpu.memory_space<hbm>>
    tpu.enqueue_indirect_dma source(%dma_start3A_1944 : memref<32776x128xf32, #tpu.memory_space<hbm>>) target(%dma_start3A_1939 : memref<128x128xf32, #tpu.memory_space<vmem>>) offsets(%dma_start3A_1941 : memref<128xi32, #tpu.memory_space<vmem>>) semaphore(%arg19 : memref<!tpu.dma_semaphore, #tpu.memory_space<semaphore_mem>>)
    %dma_wait3A_1945 = arith.constant 0 : i32
    %dma_wait3A_1946 = arith.constant 0 : i32
    %dma_wait3A_1947 = tpu.memref_slice %arg7[%dma_wait3A_1945, %dma_wait3A_1946] : memref<128x128xf32, #tpu.memory_space<vmem>> -> memref<128x128xf32, #tpu.memory_space<vmem>>
    %dma_wait3A_1948 = arith.constant 0 : i32
    %dma_wait3A_1949 = tpu.memref_slice %arg13[%dma_wait3A_1948] : memref<128xi32, #tpu.memory_space<vmem>> -> memref<128xi32, #tpu.memory_space<vmem>>
    %dma_wait3A_1950 = arith.constant 0 : i32
    %dma_wait3A_1951 = arith.constant 0 : i32
    %dma_wait3A_1952 = tpu.memref_slice %arg2[%dma_wait3A_1950, %dma_wait3A_1951] : memref<32776x128xf32, #tpu.memory_space<hbm>> -> memref<32776x128xf32, #tpu.memory_space<hbm>>
    tpu.wait_indirect_dma semaphore(%arg20 : memref<!tpu.dma_semaphore, #tpu.memory_space<semaphore_mem>>) src(%dma_wait3A_1952 : memref<32776x128xf32, #tpu.memory_space<hbm>>) dst(%dma_wait3A_1947 : memref<128x128xf32, #tpu.memory_space<vmem>>)
    %mul3A_1953 = arith.constant 8 : i32
    %mul3A_1954 = arith.muli %mul3A_2, %mul3A_1953 : i32
    %add3A_1955 = arith.constant 896 : i32
    %add3A_1956 = arith.addi %mul3A_1954, %add3A_1955 : i32
    %dma_start3A_1957 = arith.constant 0 : i32
    %dma_start3A_1958 = tpu.memref_slice %arg4[%add3A_1956, %dma_start3A_1957] : memref<131072x128xf32, #tpu.memory_space<hbm>> -> memref<128x128xf32, #tpu.memory_space<hbm>>
    %dma_start3A_1959 = arith.constant 0 : i32
    %dma_start3A_1960 = tpu.memref_slice %arg4[%add3A_1956, %dma_start3A_1959] : memref<131072x128xf32, #tpu.memory_space<hbm>> -> memref<128x128xf32, #tpu.memory_space<hbm>>
    tpu.enqueue_dma source(%arg7 : memref<128x128xf32, #tpu.memory_space<vmem>>) target(%dma_start3A_1960 : memref<128x128xf32, #tpu.memory_space<hbm>>) target_semaphore(%arg26 : memref<!tpu.dma_semaphore, #tpu.memory_space<semaphore_mem>>)
    %dma_wait3A_1961 = arith.constant 0 : i32
    %dma_wait3A_1962 = tpu.memref_slice %arg4[%add3A_1956, %dma_wait3A_1961] : memref<131072x128xf32, #tpu.memory_space<hbm>> -> memref<128x128xf32, #tpu.memory_space<hbm>>
    %dma_wait3A_1963 = arith.constant 0 : i32
    %dma_wait3A_1964 = tpu.memref_slice %arg4[%add3A_1956, %dma_wait3A_1963] : memref<131072x128xf32, #tpu.memory_space<hbm>> -> memref<128x128xf32, #tpu.memory_space<hbm>>
    tpu.wait_dma2 semaphore(%arg26 : memref<!tpu.dma_semaphore, #tpu.memory_space<semaphore_mem>>) src(%arg7 : memref<128x128xf32, #tpu.memory_space<vmem>>) dst(%dma_wait3A_1964 : memref<128x128xf32, #tpu.memory_space<hbm>>)
    %get3A_1965 = arith.constant 208 : index
    %get3A_1966 = tpu.vector_load %arg5[%get3A_1965] {strides = array<i32>} : memref<512xi32, #tpu.memory_space<vmem>>, vector<16xi32>,
    %get3A_1967 = vector.shape_cast %get3A_1966 : vector<16xi32> to vector<16xi32>
    %mul3A_1968 = arith.constant 8 : i32
    %mul3A_1969 = vector.broadcast %mul3A_1968 : i32 to vector<16xi32>
    %mul3A_1970 = arith.muli %get3A_1967, %mul3A_1969 : vector<16xi32>
    %swap3A_1971 = arith.constant 0 : index
    %swap3A_1972 = tpu.vector_load %arg18[%swap3A_1971] {strides = array<i32>} : memref<32xi32, #tpu.memory_space<vmem>>, vector<16xi32>,
    %swap3A_1973 = vector.shape_cast %swap3A_1972 : vector<16xi32> to vector<16xi32>
    %swap3A_1974 = vector.shape_cast %mul3A_1970 : vector<16xi32> to vector<16xi32>
    tpu.vector_store %arg18[%swap3A_1971], %swap3A_1974 {strides = array<i32>} : memref<32xi32, #tpu.memory_space<vmem>>, vector<16xi32>,
    %swap3A_1975 = arith.constant 16 : index
    %swap3A_1976 = tpu.vector_load %arg18[%swap3A_1975] {strides = array<i32>} : memref<32xi32, #tpu.memory_space<vmem>>, vector<16xi32>,
    %swap3A_1977 = vector.shape_cast %swap3A_1976 : vector<16xi32> to vector<16xi32>
    %swap3A_1978 = vector.shape_cast %mul3A_1970 : vector<16xi32> to vector<16xi32>
    tpu.vector_store %arg18[%swap3A_1975], %swap3A_1978 {strides = array<i32>} : memref<32xi32, #tpu.memory_space<vmem>>, vector<16xi32>,
    %get3A_1979 = arith.constant 8 : index
    %get3A_1980 = tpu.vector_load %arg18[%get3A_1979] {strides = array<i32>} : memref<32xi32, #tpu.memory_space<vmem>>, vector<16xi32>,
    %get3A_1981 = vector.shape_cast %get3A_1980 : vector<16xi32> to vector<16xi32>
    %select_n3A_1982 = arith.select %lt3A_4, %mul3A_1970, %get3A_1981 : vector<16xi1>, vector<16xi32>
    %select_n3A_1983 = arith.select %lt3A_4, %get3A_1981, %mul3A_1970 : vector<16xi1>, vector<16xi32>
    %shift_right_arithmetic3A_1984 = arith.constant 3 : i32
    %shift_right_arithmetic3A_1985 = vector.broadcast %shift_right_arithmetic3A_1984 : i32 to vector<16xi32>
    %shift_right_arithmetic3A_1986 = arith.shrsi %iota3A, %shift_right_arithmetic3A_1985 : vector<16xi32>
    %add3A_1987 = arith.constant 0 : i32
    %add3A_1988 = vector.broadcast %add3A_1987 : i32 to vector<16xi32>
    %add3A_1989 = arith.addi %add3A_1988, %shift_right_arithmetic3A_1986 : vector<16xi32>
    %and3A_1990 = arith.constant 7 : i32
    %and3A_1991 = vector.broadcast %and3A_1990 : i32 to vector<16xi32>
    %and3A_1992 = arith.andi %add3A_1989, %and3A_1991 : vector<16xi32>
    %add3A_1993 = arith.addi %select_n3A_1982, %and3A_1992 : vector<16xi32>
    %swap3A_1994 = arith.constant 0 : index
    %swap3A_1995 = tpu.vector_load %arg13[%swap3A_1994] {strides = array<i32>} : memref<128xi32, #tpu.memory_space<vmem>>, vector<16xi32>,
    %swap3A_1996 = vector.shape_cast %swap3A_1995 : vector<16xi32> to vector<16xi32>
    %swap3A_1997 = vector.shape_cast %add3A_1993 : vector<16xi32> to vector<16xi32>
    tpu.vector_store %arg13[%swap3A_1994], %swap3A_1997 {strides = array<i32>} : memref<128xi32, #tpu.memory_space<vmem>>, vector<16xi32>,
    %shift_right_arithmetic3A_1998 = arith.constant 3 : i32
    %shift_right_arithmetic3A_1999 = vector.broadcast %shift_right_arithmetic3A_1998 : i32 to vector<16xi32>
    %shift_right_arithmetic3A_2000 = arith.shrsi %iota3A, %shift_right_arithmetic3A_1999 : vector<16xi32>
    %add3A_2001 = arith.constant 2 : i32
    %add3A_2002 = vector.broadcast %add3A_2001 : i32 to vector<16xi32>
    %add3A_2003 = arith.addi %add3A_2002, %shift_right_arithmetic3A_2000 : vector<16xi32>
    %and3A_2004 = arith.constant 7 : i32
    %and3A_2005 = vector.broadcast %and3A_2004 : i32 to vector<16xi32>
    %and3A_2006 = arith.andi %add3A_2003, %and3A_2005 : vector<16xi32>
    %add3A_2007 = arith.addi %select_n3A_1982, %and3A_2006 : vector<16xi32>
    %swap3A_2008 = arith.constant 16 : index
    %swap3A_2009 = tpu.vector_load %arg13[%swap3A_2008] {strides = array<i32>} : memref<128xi32, #tpu.memory_space<vmem>>, vector<16xi32>,
    %swap3A_2010 = vector.shape_cast %swap3A_2009 : vector<16xi32> to vector<16xi32>
    %swap3A_2011 = vector.shape_cast %add3A_2007 : vector<16xi32> to vector<16xi32>
    tpu.vector_store %arg13[%swap3A_2008], %swap3A_2011 {strides = array<i32>} : memref<128xi32, #tpu.memory_space<vmem>>, vector<16xi32>,
    %shift_right_arithmetic3A_2012 = arith.constant 3 : i32
    %shift_right_arithmetic3A_2013 = vector.broadcast %shift_right_arithmetic3A_2012 : i32 to vector<16xi32>
    %shift_right_arithmetic3A_2014 = arith.shrsi %iota3A, %shift_right_arithmetic3A_2013 : vector<16xi32>
    %add3A_2015 = arith.constant 4 : i32
    %add3A_2016 = vector.broadcast %add3A_2015 : i32 to vector<16xi32>
    %add3A_2017 = arith.addi %add3A_2016, %shift_right_arithmetic3A_2014 : vector<16xi32>
    %and3A_2018 = arith.constant 7 : i32
    %and3A_2019 = vector.broadcast %and3A_2018 : i32 to vector<16xi32>
    %and3A_2020 = arith.andi %add3A_2017, %and3A_2019 : vector<16xi32>
    %add3A_2021 = arith.addi %select_n3A_1982, %and3A_2020 : vector<16xi32>
    %swap3A_2022 = arith.constant 32 : index
    %swap3A_2023 = tpu.vector_load %arg13[%swap3A_2022] {strides = array<i32>} : memref<128xi32, #tpu.memory_space<vmem>>, vector<16xi32>,
    %swap3A_2024 = vector.shape_cast %swap3A_2023 : vector<16xi32> to vector<16xi32>
    %swap3A_2025 = vector.shape_cast %add3A_2021 : vector<16xi32> to vector<16xi32>
    tpu.vector_store %arg13[%swap3A_2022], %swap3A_2025 {strides = array<i32>} : memref<128xi32, #tpu.memory_space<vmem>>, vector<16xi32>,
    %shift_right_arithmetic3A_2026 = arith.constant 3 : i32
    %shift_right_arithmetic3A_2027 = vector.broadcast %shift_right_arithmetic3A_2026 : i32 to vector<16xi32>
    %shift_right_arithmetic3A_2028 = arith.shrsi %iota3A, %shift_right_arithmetic3A_2027 : vector<16xi32>
    %add3A_2029 = arith.constant 6 : i32
    %add3A_2030 = vector.broadcast %add3A_2029 : i32 to vector<16xi32>
    %add3A_2031 = arith.addi %add3A_2030, %shift_right_arithmetic3A_2028 : vector<16xi32>
    %and3A_2032 = arith.constant 7 : i32
    %and3A_2033 = vector.broadcast %and3A_2032 : i32 to vector<16xi32>
    %and3A_2034 = arith.andi %add3A_2031, %and3A_2033 : vector<16xi32>
    %add3A_2035 = arith.addi %select_n3A_1982, %and3A_2034 : vector<16xi32>
    %swap3A_2036 = arith.constant 48 : index
    %swap3A_2037 = tpu.vector_load %arg13[%swap3A_2036] {strides = array<i32>} : memref<128xi32, #tpu.memory_space<vmem>>, vector<16xi32>,
    %swap3A_2038 = vector.shape_cast %swap3A_2037 : vector<16xi32> to vector<16xi32>
    %swap3A_2039 = vector.shape_cast %add3A_2035 : vector<16xi32> to vector<16xi32>
    tpu.vector_store %arg13[%swap3A_2036], %swap3A_2039 {strides = array<i32>} : memref<128xi32, #tpu.memory_space<vmem>>, vector<16xi32>,
    %shift_right_arithmetic3A_2040 = arith.constant 3 : i32
    %shift_right_arithmetic3A_2041 = vector.broadcast %shift_right_arithmetic3A_2040 : i32 to vector<16xi32>
    %shift_right_arithmetic3A_2042 = arith.shrsi %iota3A, %shift_right_arithmetic3A_2041 : vector<16xi32>
    %add3A_2043 = arith.constant 8 : i32
    %add3A_2044 = vector.broadcast %add3A_2043 : i32 to vector<16xi32>
    %add3A_2045 = arith.addi %add3A_2044, %shift_right_arithmetic3A_2042 : vector<16xi32>
    %and3A_2046 = arith.constant 7 : i32
    %and3A_2047 = vector.broadcast %and3A_2046 : i32 to vector<16xi32>
    %and3A_2048 = arith.andi %add3A_2045, %and3A_2047 : vector<16xi32>
    %add3A_2049 = arith.addi %select_n3A_1983, %and3A_2048 : vector<16xi32>
    %swap3A_2050 = arith.constant 64 : index
    %swap3A_2051 = tpu.vector_load %arg13[%swap3A_2050] {strides = array<i32>} : memref<128xi32, #tpu.memory_space<vmem>>, vector<16xi32>,
    %swap3A_2052 = vector.shape_cast %swap3A_2051 : vector<16xi32> to vector<16xi32>
    %swap3A_2053 = vector.shape_cast %add3A_2049 : vector<16xi32> to vector<16xi32>
    tpu.vector_store %arg13[%swap3A_2050], %swap3A_2053 {strides = array<i32>} : memref<128xi32, #tpu.memory_space<vmem>>, vector<16xi32>,
    %shift_right_arithmetic3A_2054 = arith.constant 3 : i32
    %shift_right_arithmetic3A_2055 = vector.broadcast %shift_right_arithmetic3A_2054 : i32 to vector<16xi32>
    %shift_right_arithmetic3A_2056 = arith.shrsi %iota3A, %shift_right_arithmetic3A_2055 : vector<16xi32>
    %add3A_2057 = arith.constant 10 : i32
    %add3A_2058 = vector.broadcast %add3A_2057 : i32 to vector<16xi32>
    %add3A_2059 = arith.addi %add3A_2058, %shift_right_arithmetic3A_2056 : vector<16xi32>
    %and3A_2060 = arith.constant 7 : i32
    %and3A_2061 = vector.broadcast %and3A_2060 : i32 to vector<16xi32>
    %and3A_2062 = arith.andi %add3A_2059, %and3A_2061 : vector<16xi32>
    %add3A_2063 = arith.addi %select_n3A_1983, %and3A_2062 : vector<16xi32>
    %swap3A_2064 = arith.constant 80 : index
    %swap3A_2065 = tpu.vector_load %arg13[%swap3A_2064] {strides = array<i32>} : memref<128xi32, #tpu.memory_space<vmem>>, vector<16xi32>,
    %swap3A_2066 = vector.shape_cast %swap3A_2065 : vector<16xi32> to vector<16xi32>
    %swap3A_2067 = vector.shape_cast %add3A_2063 : vector<16xi32> to vector<16xi32>
    tpu.vector_store %arg13[%swap3A_2064], %swap3A_2067 {strides = array<i32>} : memref<128xi32, #tpu.memory_space<vmem>>, vector<16xi32>,
    %shift_right_arithmetic3A_2068 = arith.constant 3 : i32
    %shift_right_arithmetic3A_2069 = vector.broadcast %shift_right_arithmetic3A_2068 : i32 to vector<16xi32>
    %shift_right_arithmetic3A_2070 = arith.shrsi %iota3A, %shift_right_arithmetic3A_2069 : vector<16xi32>
    %add3A_2071 = arith.constant 12 : i32
    %add3A_2072 = vector.broadcast %add3A_2071 : i32 to vector<16xi32>
    %add3A_2073 = arith.addi %add3A_2072, %shift_right_arithmetic3A_2070 : vector<16xi32>
    %and3A_2074 = arith.constant 7 : i32
    %and3A_2075 = vector.broadcast %and3A_2074 : i32 to vector<16xi32>
    %and3A_2076 = arith.andi %add3A_2073, %and3A_2075 : vector<16xi32>
    %add3A_2077 = arith.addi %select_n3A_1983, %and3A_2076 : vector<16xi32>
    %swap3A_2078 = arith.constant 96 : index
    %swap3A_2079 = tpu.vector_load %arg13[%swap3A_2078] {strides = array<i32>} : memref<128xi32, #tpu.memory_space<vmem>>, vector<16xi32>,
    %swap3A_2080 = vector.shape_cast %swap3A_2079 : vector<16xi32> to vector<16xi32>
    %swap3A_2081 = vector.shape_cast %add3A_2077 : vector<16xi32> to vector<16xi32>
    tpu.vector_store %arg13[%swap3A_2078], %swap3A_2081 {strides = array<i32>} : memref<128xi32, #tpu.memory_space<vmem>>, vector<16xi32>,
    %shift_right_arithmetic3A_2082 = arith.constant 3 : i32
    %shift_right_arithmetic3A_2083 = vector.broadcast %shift_right_arithmetic3A_2082 : i32 to vector<16xi32>
    %shift_right_arithmetic3A_2084 = arith.shrsi %iota3A, %shift_right_arithmetic3A_2083 : vector<16xi32>
    %add3A_2085 = arith.constant 14 : i32
    %add3A_2086 = vector.broadcast %add3A_2085 : i32 to vector<16xi32>
    %add3A_2087 = arith.addi %add3A_2086, %shift_right_arithmetic3A_2084 : vector<16xi32>
    %and3A_2088 = arith.constant 7 : i32
    %and3A_2089 = vector.broadcast %and3A_2088 : i32 to vector<16xi32>
    %and3A_2090 = arith.andi %add3A_2087, %and3A_2089 : vector<16xi32>
    %add3A_2091 = arith.addi %select_n3A_1983, %and3A_2090 : vector<16xi32>
    %swap3A_2092 = arith.constant 112 : index
    %swap3A_2093 = tpu.vector_load %arg13[%swap3A_2092] {strides = array<i32>} : memref<128xi32, #tpu.memory_space<vmem>>, vector<16xi32>,
    %swap3A_2094 = vector.shape_cast %swap3A_2093 : vector<16xi32> to vector<16xi32>
    %swap3A_2095 = vector.shape_cast %add3A_2091 : vector<16xi32> to vector<16xi32>
    tpu.vector_store %arg13[%swap3A_2092], %swap3A_2095 {strides = array<i32>} : memref<128xi32, #tpu.memory_space<vmem>>, vector<16xi32>,
    %dma_start3A_2096 = arith.constant 0 : i32
    %dma_start3A_2097 = arith.constant 0 : i32
    %dma_start3A_2098 = tpu.memref_slice %arg7[%dma_start3A_2096, %dma_start3A_2097] : memref<128x128xf32, #tpu.memory_space<vmem>> -> memref<128x128xf32, #tpu.memory_space<vmem>>
    %dma_start3A_2099 = arith.constant 0 : i32
    %dma_start3A_2100 = tpu.memref_slice %arg13[%dma_start3A_2099] : memref<128xi32, #tpu.memory_space<vmem>> -> memref<128xi32, #tpu.memory_space<vmem>>
    %dma_start3A_2101 = arith.constant 0 : i32
    %dma_start3A_2102 = arith.constant 0 : i32
    %dma_start3A_2103 = tpu.memref_slice %arg2[%dma_start3A_2101, %dma_start3A_2102] : memref<32776x128xf32, #tpu.memory_space<hbm>> -> memref<32776x128xf32, #tpu.memory_space<hbm>>
    tpu.enqueue_indirect_dma source(%dma_start3A_2103 : memref<32776x128xf32, #tpu.memory_space<hbm>>) target(%dma_start3A_2098 : memref<128x128xf32, #tpu.memory_space<vmem>>) offsets(%dma_start3A_2100 : memref<128xi32, #tpu.memory_space<vmem>>) semaphore(%arg20 : memref<!tpu.dma_semaphore, #tpu.memory_space<semaphore_mem>>)
    %dma_wait3A_2104 = arith.constant 0 : i32
    %dma_wait3A_2105 = arith.constant 0 : i32
    %dma_wait3A_2106 = tpu.memref_slice %arg8[%dma_wait3A_2104, %dma_wait3A_2105] : memref<128x128xf32, #tpu.memory_space<vmem>> -> memref<128x128xf32, #tpu.memory_space<vmem>>
    %dma_wait3A_2107 = arith.constant 0 : i32
    %dma_wait3A_2108 = tpu.memref_slice %arg14[%dma_wait3A_2107] : memref<128xi32, #tpu.memory_space<vmem>> -> memref<128xi32, #tpu.memory_space<vmem>>
    %dma_wait3A_2109 = arith.constant 0 : i32
    %dma_wait3A_2110 = arith.constant 0 : i32
    %dma_wait3A_2111 = tpu.memref_slice %arg2[%dma_wait3A_2109, %dma_wait3A_2110] : memref<32776x128xf32, #tpu.memory_space<hbm>> -> memref<32776x128xf32, #tpu.memory_space<hbm>>
    tpu.wait_indirect_dma semaphore(%arg21 : memref<!tpu.dma_semaphore, #tpu.memory_space<semaphore_mem>>) src(%dma_wait3A_2111 : memref<32776x128xf32, #tpu.memory_space<hbm>>) dst(%dma_wait3A_2106 : memref<128x128xf32, #tpu.memory_space<vmem>>)
    %mul3A_2112 = arith.constant 8 : i32
    %mul3A_2113 = arith.muli %mul3A_2, %mul3A_2112 : i32
    %add3A_2114 = arith.constant 1024 : i32
    %add3A_2115 = arith.addi %mul3A_2113, %add3A_2114 : i32
    %dma_start3A_2116 = arith.constant 0 : i32
    %dma_start3A_2117 = tpu.memref_slice %arg4[%add3A_2115, %dma_start3A_2116] : memref<131072x128xf32, #tpu.memory_space<hbm>> -> memref<128x128xf32, #tpu.memory_space<hbm>>
    %dma_start3A_2118 = arith.constant 0 : i32
    %dma_start3A_2119 = tpu.memref_slice %arg4[%add3A_2115, %dma_start3A_2118] : memref<131072x128xf32, #tpu.memory_space<hbm>> -> memref<128x128xf32, #tpu.memory_space<hbm>>
    tpu.enqueue_dma source(%arg8 : memref<128x128xf32, #tpu.memory_space<vmem>>) target(%dma_start3A_2119 : memref<128x128xf32, #tpu.memory_space<hbm>>) target_semaphore(%arg27 : memref<!tpu.dma_semaphore, #tpu.memory_space<semaphore_mem>>)
    %dma_wait3A_2120 = arith.constant 0 : i32
    %dma_wait3A_2121 = tpu.memref_slice %arg4[%add3A_2115, %dma_wait3A_2120] : memref<131072x128xf32, #tpu.memory_space<hbm>> -> memref<128x128xf32, #tpu.memory_space<hbm>>
    %dma_wait3A_2122 = arith.constant 0 : i32
    %dma_wait3A_2123 = tpu.memref_slice %arg4[%add3A_2115, %dma_wait3A_2122] : memref<131072x128xf32, #tpu.memory_space<hbm>> -> memref<128x128xf32, #tpu.memory_space<hbm>>
    tpu.wait_dma2 semaphore(%arg27 : memref<!tpu.dma_semaphore, #tpu.memory_space<semaphore_mem>>) src(%arg8 : memref<128x128xf32, #tpu.memory_space<vmem>>) dst(%dma_wait3A_2123 : memref<128x128xf32, #tpu.memory_space<hbm>>)
    %get3A_2124 = arith.constant 224 : index
    %get3A_2125 = tpu.vector_load %arg5[%get3A_2124] {strides = array<i32>} : memref<512xi32, #tpu.memory_space<vmem>>, vector<16xi32>,
    %get3A_2126 = vector.shape_cast %get3A_2125 : vector<16xi32> to vector<16xi32>
    %mul3A_2127 = arith.constant 8 : i32
    %mul3A_2128 = vector.broadcast %mul3A_2127 : i32 to vector<16xi32>
    %mul3A_2129 = arith.muli %get3A_2126, %mul3A_2128 : vector<16xi32>
    %swap3A_2130 = arith.constant 0 : index
    %swap3A_2131 = tpu.vector_load %arg18[%swap3A_2130] {strides = array<i32>} : memref<32xi32, #tpu.memory_space<vmem>>, vector<16xi32>,
    %swap3A_2132 = vector.shape_cast %swap3A_2131 : vector<16xi32> to vector<16xi32>
    %swap3A_2133 = vector.shape_cast %mul3A_2129 : vector<16xi32> to vector<16xi32>
    tpu.vector_store %arg18[%swap3A_2130], %swap3A_2133 {strides = array<i32>} : memref<32xi32, #tpu.memory_space<vmem>>, vector<16xi32>,
    %swap3A_2134 = arith.constant 16 : index
    %swap3A_2135 = tpu.vector_load %arg18[%swap3A_2134] {strides = array<i32>} : memref<32xi32, #tpu.memory_space<vmem>>, vector<16xi32>,
    %swap3A_2136 = vector.shape_cast %swap3A_2135 : vector<16xi32> to vector<16xi32>
    %swap3A_2137 = vector.shape_cast %mul3A_2129 : vector<16xi32> to vector<16xi32>
    tpu.vector_store %arg18[%swap3A_2134], %swap3A_2137 {strides = array<i32>} : memref<32xi32, #tpu.memory_space<vmem>>, vector<16xi32>,
    %get3A_2138 = arith.constant 8 : index
    %get3A_2139 = tpu.vector_load %arg18[%get3A_2138] {strides = array<i32>} : memref<32xi32, #tpu.memory_space<vmem>>, vector<16xi32>,
    %get3A_2140 = vector.shape_cast %get3A_2139 : vector<16xi32> to vector<16xi32>
    %select_n3A_2141 = arith.select %lt3A_4, %mul3A_2129, %get3A_2140 : vector<16xi1>, vector<16xi32>
    %select_n3A_2142 = arith.select %lt3A_4, %get3A_2140, %mul3A_2129 : vector<16xi1>, vector<16xi32>
    %shift_right_arithmetic3A_2143 = arith.constant 3 : i32
    %shift_right_arithmetic3A_2144 = vector.broadcast %shift_right_arithmetic3A_2143 : i32 to vector<16xi32>
    %shift_right_arithmetic3A_2145 = arith.shrsi %iota3A, %shift_right_arithmetic3A_2144 : vector<16xi32>
    %add3A_2146 = arith.constant 0 : i32
    %add3A_2147 = vector.broadcast %add3A_2146 : i32 to vector<16xi32>
    %add3A_2148 = arith.addi %add3A_2147, %shift_right_arithmetic3A_2145 : vector<16xi32>
    %and3A_2149 = arith.constant 7 : i32
    %and3A_2150 = vector.broadcast %and3A_2149 : i32 to vector<16xi32>
    %and3A_2151 = arith.andi %add3A_2148, %and3A_2150 : vector<16xi32>
    %add3A_2152 = arith.addi %select_n3A_2141, %and3A_2151 : vector<16xi32>
    %swap3A_2153 = arith.constant 0 : index
    %swap3A_2154 = tpu.vector_load %arg14[%swap3A_2153] {strides = array<i32>} : memref<128xi32, #tpu.memory_space<vmem>>, vector<16xi32>,
    %swap3A_2155 = vector.shape_cast %swap3A_2154 : vector<16xi32> to vector<16xi32>
    %swap3A_2156 = vector.shape_cast %add3A_2152 : vector<16xi32> to vector<16xi32>
    tpu.vector_store %arg14[%swap3A_2153], %swap3A_2156 {strides = array<i32>} : memref<128xi32, #tpu.memory_space<vmem>>, vector<16xi32>,
    %shift_right_arithmetic3A_2157 = arith.constant 3 : i32
    %shift_right_arithmetic3A_2158 = vector.broadcast %shift_right_arithmetic3A_2157 : i32 to vector<16xi32>
    %shift_right_arithmetic3A_2159 = arith.shrsi %iota3A, %shift_right_arithmetic3A_2158 : vector<16xi32>
    %add3A_2160 = arith.constant 2 : i32
    %add3A_2161 = vector.broadcast %add3A_2160 : i32 to vector<16xi32>
    %add3A_2162 = arith.addi %add3A_2161, %shift_right_arithmetic3A_2159 : vector<16xi32>
    %and3A_2163 = arith.constant 7 : i32
    %and3A_2164 = vector.broadcast %and3A_2163 : i32 to vector<16xi32>
    %and3A_2165 = arith.andi %add3A_2162, %and3A_2164 : vector<16xi32>
    %add3A_2166 = arith.addi %select_n3A_2141, %and3A_2165 : vector<16xi32>
    %swap3A_2167 = arith.constant 16 : index
    %swap3A_2168 = tpu.vector_load %arg14[%swap3A_2167] {strides = array<i32>} : memref<128xi32, #tpu.memory_space<vmem>>, vector<16xi32>,
    %swap3A_2169 = vector.shape_cast %swap3A_2168 : vector<16xi32> to vector<16xi32>
    %swap3A_2170 = vector.shape_cast %add3A_2166 : vector<16xi32> to vector<16xi32>
    tpu.vector_store %arg14[%swap3A_2167], %swap3A_2170 {strides = array<i32>} : memref<128xi32, #tpu.memory_space<vmem>>, vector<16xi32>,
    %shift_right_arithmetic3A_2171 = arith.constant 3 : i32
    %shift_right_arithmetic3A_2172 = vector.broadcast %shift_right_arithmetic3A_2171 : i32 to vector<16xi32>
    %shift_right_arithmetic3A_2173 = arith.shrsi %iota3A, %shift_right_arithmetic3A_2172 : vector<16xi32>
    %add3A_2174 = arith.constant 4 : i32
    %add3A_2175 = vector.broadcast %add3A_2174 : i32 to vector<16xi32>
    %add3A_2176 = arith.addi %add3A_2175, %shift_right_arithmetic3A_2173 : vector<16xi32>
    %and3A_2177 = arith.constant 7 : i32
    %and3A_2178 = vector.broadcast %and3A_2177 : i32 to vector<16xi32>
    %and3A_2179 = arith.andi %add3A_2176, %and3A_2178 : vector<16xi32>
    %add3A_2180 = arith.addi %select_n3A_2141, %and3A_2179 : vector<16xi32>
    %swap3A_2181 = arith.constant 32 : index
    %swap3A_2182 = tpu.vector_load %arg14[%swap3A_2181] {strides = array<i32>} : memref<128xi32, #tpu.memory_space<vmem>>, vector<16xi32>,
    %swap3A_2183 = vector.shape_cast %swap3A_2182 : vector<16xi32> to vector<16xi32>
    %swap3A_2184 = vector.shape_cast %add3A_2180 : vector<16xi32> to vector<16xi32>
    tpu.vector_store %arg14[%swap3A_2181], %swap3A_2184 {strides = array<i32>} : memref<128xi32, #tpu.memory_space<vmem>>, vector<16xi32>,
    %shift_right_arithmetic3A_2185 = arith.constant 3 : i32
    %shift_right_arithmetic3A_2186 = vector.broadcast %shift_right_arithmetic3A_2185 : i32 to vector<16xi32>
    %shift_right_arithmetic3A_2187 = arith.shrsi %iota3A, %shift_right_arithmetic3A_2186 : vector<16xi32>
    %add3A_2188 = arith.constant 6 : i32
    %add3A_2189 = vector.broadcast %add3A_2188 : i32 to vector<16xi32>
    %add3A_2190 = arith.addi %add3A_2189, %shift_right_arithmetic3A_2187 : vector<16xi32>
    %and3A_2191 = arith.constant 7 : i32
    %and3A_2192 = vector.broadcast %and3A_2191 : i32 to vector<16xi32>
    %and3A_2193 = arith.andi %add3A_2190, %and3A_2192 : vector<16xi32>
    %add3A_2194 = arith.addi %select_n3A_2141, %and3A_2193 : vector<16xi32>
    %swap3A_2195 = arith.constant 48 : index
    %swap3A_2196 = tpu.vector_load %arg14[%swap3A_2195] {strides = array<i32>} : memref<128xi32, #tpu.memory_space<vmem>>, vector<16xi32>,
    %swap3A_2197 = vector.shape_cast %swap3A_2196 : vector<16xi32> to vector<16xi32>
    %swap3A_2198 = vector.shape_cast %add3A_2194 : vector<16xi32> to vector<16xi32>
    tpu.vector_store %arg14[%swap3A_2195], %swap3A_2198 {strides = array<i32>} : memref<128xi32, #tpu.memory_space<vmem>>, vector<16xi32>,
    %shift_right_arithmetic3A_2199 = arith.constant 3 : i32
    %shift_right_arithmetic3A_2200 = vector.broadcast %shift_right_arithmetic3A_2199 : i32 to vector<16xi32>
    %shift_right_arithmetic3A_2201 = arith.shrsi %iota3A, %shift_right_arithmetic3A_2200 : vector<16xi32>
    %add3A_2202 = arith.constant 8 : i32
    %add3A_2203 = vector.broadcast %add3A_2202 : i32 to vector<16xi32>
    %add3A_2204 = arith.addi %add3A_2203, %shift_right_arithmetic3A_2201 : vector<16xi32>
    %and3A_2205 = arith.constant 7 : i32
    %and3A_2206 = vector.broadcast %and3A_2205 : i32 to vector<16xi32>
    %and3A_2207 = arith.andi %add3A_2204, %and3A_2206 : vector<16xi32>
    %add3A_2208 = arith.addi %select_n3A_2142, %and3A_2207 : vector<16xi32>
    %swap3A_2209 = arith.constant 64 : index
    %swap3A_2210 = tpu.vector_load %arg14[%swap3A_2209] {strides = array<i32>} : memref<128xi32, #tpu.memory_space<vmem>>, vector<16xi32>,
    %swap3A_2211 = vector.shape_cast %swap3A_2210 : vector<16xi32> to vector<16xi32>
    %swap3A_2212 = vector.shape_cast %add3A_2208 : vector<16xi32> to vector<16xi32>
    tpu.vector_store %arg14[%swap3A_2209], %swap3A_2212 {strides = array<i32>} : memref<128xi32, #tpu.memory_space<vmem>>, vector<16xi32>,
    %shift_right_arithmetic3A_2213 = arith.constant 3 : i32
    %shift_right_arithmetic3A_2214 = vector.broadcast %shift_right_arithmetic3A_2213 : i32 to vector<16xi32>
    %shift_right_arithmetic3A_2215 = arith.shrsi %iota3A, %shift_right_arithmetic3A_2214 : vector<16xi32>
    %add3A_2216 = arith.constant 10 : i32
    %add3A_2217 = vector.broadcast %add3A_2216 : i32 to vector<16xi32>
    %add3A_2218 = arith.addi %add3A_2217, %shift_right_arithmetic3A_2215 : vector<16xi32>
    %and3A_2219 = arith.constant 7 : i32
    %and3A_2220 = vector.broadcast %and3A_2219 : i32 to vector<16xi32>
    %and3A_2221 = arith.andi %add3A_2218, %and3A_2220 : vector<16xi32>
    %add3A_2222 = arith.addi %select_n3A_2142, %and3A_2221 : vector<16xi32>
    %swap3A_2223 = arith.constant 80 : index
    %swap3A_2224 = tpu.vector_load %arg14[%swap3A_2223] {strides = array<i32>} : memref<128xi32, #tpu.memory_space<vmem>>, vector<16xi32>,
    %swap3A_2225 = vector.shape_cast %swap3A_2224 : vector<16xi32> to vector<16xi32>
    %swap3A_2226 = vector.shape_cast %add3A_2222 : vector<16xi32> to vector<16xi32>
    tpu.vector_store %arg14[%swap3A_2223], %swap3A_2226 {strides = array<i32>} : memref<128xi32, #tpu.memory_space<vmem>>, vector<16xi32>,
    %shift_right_arithmetic3A_2227 = arith.constant 3 : i32
    %shift_right_arithmetic3A_2228 = vector.broadcast %shift_right_arithmetic3A_2227 : i32 to vector<16xi32>
    %shift_right_arithmetic3A_2229 = arith.shrsi %iota3A, %shift_right_arithmetic3A_2228 : vector<16xi32>
    %add3A_2230 = arith.constant 12 : i32
    %add3A_2231 = vector.broadcast %add3A_2230 : i32 to vector<16xi32>
    %add3A_2232 = arith.addi %add3A_2231, %shift_right_arithmetic3A_2229 : vector<16xi32>
    %and3A_2233 = arith.constant 7 : i32
    %and3A_2234 = vector.broadcast %and3A_2233 : i32 to vector<16xi32>
    %and3A_2235 = arith.andi %add3A_2232, %and3A_2234 : vector<16xi32>
    %add3A_2236 = arith.addi %select_n3A_2142, %and3A_2235 : vector<16xi32>
    %swap3A_2237 = arith.constant 96 : index
    %swap3A_2238 = tpu.vector_load %arg14[%swap3A_2237] {strides = array<i32>} : memref<128xi32, #tpu.memory_space<vmem>>, vector<16xi32>,
    %swap3A_2239 = vector.shape_cast %swap3A_2238 : vector<16xi32> to vector<16xi32>
    %swap3A_2240 = vector.shape_cast %add3A_2236 : vector<16xi32> to vector<16xi32>
    tpu.vector_store %arg14[%swap3A_2237], %swap3A_2240 {strides = array<i32>} : memref<128xi32, #tpu.memory_space<vmem>>, vector<16xi32>,
    %shift_right_arithmetic3A_2241 = arith.constant 3 : i32
    %shift_right_arithmetic3A_2242 = vector.broadcast %shift_right_arithmetic3A_2241 : i32 to vector<16xi32>
    %shift_right_arithmetic3A_2243 = arith.shrsi %iota3A, %shift_right_arithmetic3A_2242 : vector<16xi32>
    %add3A_2244 = arith.constant 14 : i32
    %add3A_2245 = vector.broadcast %add3A_2244 : i32 to vector<16xi32>
    %add3A_2246 = arith.addi %add3A_2245, %shift_right_arithmetic3A_2243 : vector<16xi32>
    %and3A_2247 = arith.constant 7 : i32
    %and3A_2248 = vector.broadcast %and3A_2247 : i32 to vector<16xi32>
    %and3A_2249 = arith.andi %add3A_2246, %and3A_2248 : vector<16xi32>
    %add3A_2250 = arith.addi %select_n3A_2142, %and3A_2249 : vector<16xi32>
    %swap3A_2251 = arith.constant 112 : index
    %swap3A_2252 = tpu.vector_load %arg14[%swap3A_2251] {strides = array<i32>} : memref<128xi32, #tpu.memory_space<vmem>>, vector<16xi32>,
    %swap3A_2253 = vector.shape_cast %swap3A_2252 : vector<16xi32> to vector<16xi32>
    %swap3A_2254 = vector.shape_cast %add3A_2250 : vector<16xi32> to vector<16xi32>
    tpu.vector_store %arg14[%swap3A_2251], %swap3A_2254 {strides = array<i32>} : memref<128xi32, #tpu.memory_space<vmem>>, vector<16xi32>,
    %dma_start3A_2255 = arith.constant 0 : i32
    %dma_start3A_2256 = arith.constant 0 : i32
    %dma_start3A_2257 = tpu.memref_slice %arg8[%dma_start3A_2255, %dma_start3A_2256] : memref<128x128xf32, #tpu.memory_space<vmem>> -> memref<128x128xf32, #tpu.memory_space<vmem>>
    %dma_start3A_2258 = arith.constant 0 : i32
    %dma_start3A_2259 = tpu.memref_slice %arg14[%dma_start3A_2258] : memref<128xi32, #tpu.memory_space<vmem>> -> memref<128xi32, #tpu.memory_space<vmem>>
    %dma_start3A_2260 = arith.constant 0 : i32
    %dma_start3A_2261 = arith.constant 0 : i32
    %dma_start3A_2262 = tpu.memref_slice %arg2[%dma_start3A_2260, %dma_start3A_2261] : memref<32776x128xf32, #tpu.memory_space<hbm>> -> memref<32776x128xf32, #tpu.memory_space<hbm>>
    tpu.enqueue_indirect_dma source(%dma_start3A_2262 : memref<32776x128xf32, #tpu.memory_space<hbm>>) target(%dma_start3A_2257 : memref<128x128xf32, #tpu.memory_space<vmem>>) offsets(%dma_start3A_2259 : memref<128xi32, #tpu.memory_space<vmem>>) semaphore(%arg21 : memref<!tpu.dma_semaphore, #tpu.memory_space<semaphore_mem>>)
    %dma_wait3A_2263 = arith.constant 0 : i32
    %dma_wait3A_2264 = arith.constant 0 : i32
    %dma_wait3A_2265 = tpu.memref_slice %arg9[%dma_wait3A_2263, %dma_wait3A_2264] : memref<128x128xf32, #tpu.memory_space<vmem>> -> memref<128x128xf32, #tpu.memory_space<vmem>>
    %dma_wait3A_2266 = arith.constant 0 : i32
    %dma_wait3A_2267 = tpu.memref_slice %arg15[%dma_wait3A_2266] : memref<128xi32, #tpu.memory_space<vmem>> -> memref<128xi32, #tpu.memory_space<vmem>>
    %dma_wait3A_2268 = arith.constant 0 : i32
    %dma_wait3A_2269 = arith.constant 0 : i32
    %dma_wait3A_2270 = tpu.memref_slice %arg2[%dma_wait3A_2268, %dma_wait3A_2269] : memref<32776x128xf32, #tpu.memory_space<hbm>> -> memref<32776x128xf32, #tpu.memory_space<hbm>>
    tpu.wait_indirect_dma semaphore(%arg22 : memref<!tpu.dma_semaphore, #tpu.memory_space<semaphore_mem>>) src(%dma_wait3A_2270 : memref<32776x128xf32, #tpu.memory_space<hbm>>) dst(%dma_wait3A_2265 : memref<128x128xf32, #tpu.memory_space<vmem>>)
    %mul3A_2271 = arith.constant 8 : i32
    %mul3A_2272 = arith.muli %mul3A_2, %mul3A_2271 : i32
    %add3A_2273 = arith.constant 1152 : i32
    %add3A_2274 = arith.addi %mul3A_2272, %add3A_2273 : i32
    %dma_start3A_2275 = arith.constant 0 : i32
    %dma_start3A_2276 = tpu.memref_slice %arg4[%add3A_2274, %dma_start3A_2275] : memref<131072x128xf32, #tpu.memory_space<hbm>> -> memref<128x128xf32, #tpu.memory_space<hbm>>
    %dma_start3A_2277 = arith.constant 0 : i32
    %dma_start3A_2278 = tpu.memref_slice %arg4[%add3A_2274, %dma_start3A_2277] : memref<131072x128xf32, #tpu.memory_space<hbm>> -> memref<128x128xf32, #tpu.memory_space<hbm>>
    tpu.enqueue_dma source(%arg9 : memref<128x128xf32, #tpu.memory_space<vmem>>) target(%dma_start3A_2278 : memref<128x128xf32, #tpu.memory_space<hbm>>) target_semaphore(%arg28 : memref<!tpu.dma_semaphore, #tpu.memory_space<semaphore_mem>>)
    %dma_wait3A_2279 = arith.constant 0 : i32
    %dma_wait3A_2280 = tpu.memref_slice %arg4[%add3A_2274, %dma_wait3A_2279] : memref<131072x128xf32, #tpu.memory_space<hbm>> -> memref<128x128xf32, #tpu.memory_space<hbm>>
    %dma_wait3A_2281 = arith.constant 0 : i32
    %dma_wait3A_2282 = tpu.memref_slice %arg4[%add3A_2274, %dma_wait3A_2281] : memref<131072x128xf32, #tpu.memory_space<hbm>> -> memref<128x128xf32, #tpu.memory_space<hbm>>
    tpu.wait_dma2 semaphore(%arg28 : memref<!tpu.dma_semaphore, #tpu.memory_space<semaphore_mem>>) src(%arg9 : memref<128x128xf32, #tpu.memory_space<vmem>>) dst(%dma_wait3A_2282 : memref<128x128xf32, #tpu.memory_space<hbm>>)
    %get3A_2283 = arith.constant 240 : index
    %get3A_2284 = tpu.vector_load %arg5[%get3A_2283] {strides = array<i32>} : memref<512xi32, #tpu.memory_space<vmem>>, vector<16xi32>,
    %get3A_2285 = vector.shape_cast %get3A_2284 : vector<16xi32> to vector<16xi32>
    %mul3A_2286 = arith.constant 8 : i32
    %mul3A_2287 = vector.broadcast %mul3A_2286 : i32 to vector<16xi32>
    %mul3A_2288 = arith.muli %get3A_2285, %mul3A_2287 : vector<16xi32>
    %swap3A_2289 = arith.constant 0 : index
    %swap3A_2290 = tpu.vector_load %arg18[%swap3A_2289] {strides = array<i32>} : memref<32xi32, #tpu.memory_space<vmem>>, vector<16xi32>,
    %swap3A_2291 = vector.shape_cast %swap3A_2290 : vector<16xi32> to vector<16xi32>
    %swap3A_2292 = vector.shape_cast %mul3A_2288 : vector<16xi32> to vector<16xi32>
    tpu.vector_store %arg18[%swap3A_2289], %swap3A_2292 {strides = array<i32>} : memref<32xi32, #tpu.memory_space<vmem>>, vector<16xi32>,
    %swap3A_2293 = arith.constant 16 : index
    %swap3A_2294 = tpu.vector_load %arg18[%swap3A_2293] {strides = array<i32>} : memref<32xi32, #tpu.memory_space<vmem>>, vector<16xi32>,
    %swap3A_2295 = vector.shape_cast %swap3A_2294 : vector<16xi32> to vector<16xi32>
    %swap3A_2296 = vector.shape_cast %mul3A_2288 : vector<16xi32> to vector<16xi32>
    tpu.vector_store %arg18[%swap3A_2293], %swap3A_2296 {strides = array<i32>} : memref<32xi32, #tpu.memory_space<vmem>>, vector<16xi32>,
    %get3A_2297 = arith.constant 8 : index
    %get3A_2298 = tpu.vector_load %arg18[%get3A_2297] {strides = array<i32>} : memref<32xi32, #tpu.memory_space<vmem>>, vector<16xi32>,
    %get3A_2299 = vector.shape_cast %get3A_2298 : vector<16xi32> to vector<16xi32>
    %select_n3A_2300 = arith.select %lt3A_4, %mul3A_2288, %get3A_2299 : vector<16xi1>, vector<16xi32>
    %select_n3A_2301 = arith.select %lt3A_4, %get3A_2299, %mul3A_2288 : vector<16xi1>, vector<16xi32>
    %shift_right_arithmetic3A_2302 = arith.constant 3 : i32
    %shift_right_arithmetic3A_2303 = vector.broadcast %shift_right_arithmetic3A_2302 : i32 to vector<16xi32>
    %shift_right_arithmetic3A_2304 = arith.shrsi %iota3A, %shift_right_arithmetic3A_2303 : vector<16xi32>
    %add3A_2305 = arith.constant 0 : i32
    %add3A_2306 = vector.broadcast %add3A_2305 : i32 to vector<16xi32>
    %add3A_2307 = arith.addi %add3A_2306, %shift_right_arithmetic3A_2304 : vector<16xi32>
    %and3A_2308 = arith.constant 7 : i32
    %and3A_2309 = vector.broadcast %and3A_2308 : i32 to vector<16xi32>
    %and3A_2310 = arith.andi %add3A_2307, %and3A_2309 : vector<16xi32>
    %add3A_2311 = arith.addi %select_n3A_2300, %and3A_2310 : vector<16xi32>
    %swap3A_2312 = arith.constant 0 : index
    %swap3A_2313 = tpu.vector_load %arg15[%swap3A_2312] {strides = array<i32>} : memref<128xi32, #tpu.memory_space<vmem>>, vector<16xi32>,
    %swap3A_2314 = vector.shape_cast %swap3A_2313 : vector<16xi32> to vector<16xi32>
    %swap3A_2315 = vector.shape_cast %add3A_2311 : vector<16xi32> to vector<16xi32>
    tpu.vector_store %arg15[%swap3A_2312], %swap3A_2315 {strides = array<i32>} : memref<128xi32, #tpu.memory_space<vmem>>, vector<16xi32>,
    %shift_right_arithmetic3A_2316 = arith.constant 3 : i32
    %shift_right_arithmetic3A_2317 = vector.broadcast %shift_right_arithmetic3A_2316 : i32 to vector<16xi32>
    %shift_right_arithmetic3A_2318 = arith.shrsi %iota3A, %shift_right_arithmetic3A_2317 : vector<16xi32>
    %add3A_2319 = arith.constant 2 : i32
    %add3A_2320 = vector.broadcast %add3A_2319 : i32 to vector<16xi32>
    %add3A_2321 = arith.addi %add3A_2320, %shift_right_arithmetic3A_2318 : vector<16xi32>
    %and3A_2322 = arith.constant 7 : i32
    %and3A_2323 = vector.broadcast %and3A_2322 : i32 to vector<16xi32>
    %and3A_2324 = arith.andi %add3A_2321, %and3A_2323 : vector<16xi32>
    %add3A_2325 = arith.addi %select_n3A_2300, %and3A_2324 : vector<16xi32>
    %swap3A_2326 = arith.constant 16 : index
    %swap3A_2327 = tpu.vector_load %arg15[%swap3A_2326] {strides = array<i32>} : memref<128xi32, #tpu.memory_space<vmem>>, vector<16xi32>,
    %swap3A_2328 = vector.shape_cast %swap3A_2327 : vector<16xi32> to vector<16xi32>
    %swap3A_2329 = vector.shape_cast %add3A_2325 : vector<16xi32> to vector<16xi32>
    tpu.vector_store %arg15[%swap3A_2326], %swap3A_2329 {strides = array<i32>} : memref<128xi32, #tpu.memory_space<vmem>>, vector<16xi32>,
    %shift_right_arithmetic3A_2330 = arith.constant 3 : i32
    %shift_right_arithmetic3A_2331 = vector.broadcast %shift_right_arithmetic3A_2330 : i32 to vector<16xi32>
    %shift_right_arithmetic3A_2332 = arith.shrsi %iota3A, %shift_right_arithmetic3A_2331 : vector<16xi32>
    %add3A_2333 = arith.constant 4 : i32
    %add3A_2334 = vector.broadcast %add3A_2333 : i32 to vector<16xi32>
    %add3A_2335 = arith.addi %add3A_2334, %shift_right_arithmetic3A_2332 : vector<16xi32>
    %and3A_2336 = arith.constant 7 : i32
    %and3A_2337 = vector.broadcast %and3A_2336 : i32 to vector<16xi32>
    %and3A_2338 = arith.andi %add3A_2335, %and3A_2337 : vector<16xi32>
    %add3A_2339 = arith.addi %select_n3A_2300, %and3A_2338 : vector<16xi32>
    %swap3A_2340 = arith.constant 32 : index
    %swap3A_2341 = tpu.vector_load %arg15[%swap3A_2340] {strides = array<i32>} : memref<128xi32, #tpu.memory_space<vmem>>, vector<16xi32>,
    %swap3A_2342 = vector.shape_cast %swap3A_2341 : vector<16xi32> to vector<16xi32>
    %swap3A_2343 = vector.shape_cast %add3A_2339 : vector<16xi32> to vector<16xi32>
    tpu.vector_store %arg15[%swap3A_2340], %swap3A_2343 {strides = array<i32>} : memref<128xi32, #tpu.memory_space<vmem>>, vector<16xi32>,
    %shift_right_arithmetic3A_2344 = arith.constant 3 : i32
    %shift_right_arithmetic3A_2345 = vector.broadcast %shift_right_arithmetic3A_2344 : i32 to vector<16xi32>
    %shift_right_arithmetic3A_2346 = arith.shrsi %iota3A, %shift_right_arithmetic3A_2345 : vector<16xi32>
    %add3A_2347 = arith.constant 6 : i32
    %add3A_2348 = vector.broadcast %add3A_2347 : i32 to vector<16xi32>
    %add3A_2349 = arith.addi %add3A_2348, %shift_right_arithmetic3A_2346 : vector<16xi32>
    %and3A_2350 = arith.constant 7 : i32
    %and3A_2351 = vector.broadcast %and3A_2350 : i32 to vector<16xi32>
    %and3A_2352 = arith.andi %add3A_2349, %and3A_2351 : vector<16xi32>
    %add3A_2353 = arith.addi %select_n3A_2300, %and3A_2352 : vector<16xi32>
    %swap3A_2354 = arith.constant 48 : index
    %swap3A_2355 = tpu.vector_load %arg15[%swap3A_2354] {strides = array<i32>} : memref<128xi32, #tpu.memory_space<vmem>>, vector<16xi32>,
    %swap3A_2356 = vector.shape_cast %swap3A_2355 : vector<16xi32> to vector<16xi32>
    %swap3A_2357 = vector.shape_cast %add3A_2353 : vector<16xi32> to vector<16xi32>
    tpu.vector_store %arg15[%swap3A_2354], %swap3A_2357 {strides = array<i32>} : memref<128xi32, #tpu.memory_space<vmem>>, vector<16xi32>,
    %shift_right_arithmetic3A_2358 = arith.constant 3 : i32
    %shift_right_arithmetic3A_2359 = vector.broadcast %shift_right_arithmetic3A_2358 : i32 to vector<16xi32>
    %shift_right_arithmetic3A_2360 = arith.shrsi %iota3A, %shift_right_arithmetic3A_2359 : vector<16xi32>
    %add3A_2361 = arith.constant 8 : i32
    %add3A_2362 = vector.broadcast %add3A_2361 : i32 to vector<16xi32>
    %add3A_2363 = arith.addi %add3A_2362, %shift_right_arithmetic3A_2360 : vector<16xi32>
    %and3A_2364 = arith.constant 7 : i32
    %and3A_2365 = vector.broadcast %and3A_2364 : i32 to vector<16xi32>
    %and3A_2366 = arith.andi %add3A_2363, %and3A_2365 : vector<16xi32>
    %add3A_2367 = arith.addi %select_n3A_2301, %and3A_2366 : vector<16xi32>
    %swap3A_2368 = arith.constant 64 : index
    %swap3A_2369 = tpu.vector_load %arg15[%swap3A_2368] {strides = array<i32>} : memref<128xi32, #tpu.memory_space<vmem>>, vector<16xi32>,
    %swap3A_2370 = vector.shape_cast %swap3A_2369 : vector<16xi32> to vector<16xi32>
    %swap3A_2371 = vector.shape_cast %add3A_2367 : vector<16xi32> to vector<16xi32>
    tpu.vector_store %arg15[%swap3A_2368], %swap3A_2371 {strides = array<i32>} : memref<128xi32, #tpu.memory_space<vmem>>, vector<16xi32>,
    %shift_right_arithmetic3A_2372 = arith.constant 3 : i32
    %shift_right_arithmetic3A_2373 = vector.broadcast %shift_right_arithmetic3A_2372 : i32 to vector<16xi32>
    %shift_right_arithmetic3A_2374 = arith.shrsi %iota3A, %shift_right_arithmetic3A_2373 : vector<16xi32>
    %add3A_2375 = arith.constant 10 : i32
    %add3A_2376 = vector.broadcast %add3A_2375 : i32 to vector<16xi32>
    %add3A_2377 = arith.addi %add3A_2376, %shift_right_arithmetic3A_2374 : vector<16xi32>
    %and3A_2378 = arith.constant 7 : i32
    %and3A_2379 = vector.broadcast %and3A_2378 : i32 to vector<16xi32>
    %and3A_2380 = arith.andi %add3A_2377, %and3A_2379 : vector<16xi32>
    %add3A_2381 = arith.addi %select_n3A_2301, %and3A_2380 : vector<16xi32>
    %swap3A_2382 = arith.constant 80 : index
    %swap3A_2383 = tpu.vector_load %arg15[%swap3A_2382] {strides = array<i32>} : memref<128xi32, #tpu.memory_space<vmem>>, vector<16xi32>,
    %swap3A_2384 = vector.shape_cast %swap3A_2383 : vector<16xi32> to vector<16xi32>
    %swap3A_2385 = vector.shape_cast %add3A_2381 : vector<16xi32> to vector<16xi32>
    tpu.vector_store %arg15[%swap3A_2382], %swap3A_2385 {strides = array<i32>} : memref<128xi32, #tpu.memory_space<vmem>>, vector<16xi32>,
    %shift_right_arithmetic3A_2386 = arith.constant 3 : i32
    %shift_right_arithmetic3A_2387 = vector.broadcast %shift_right_arithmetic3A_2386 : i32 to vector<16xi32>
    %shift_right_arithmetic3A_2388 = arith.shrsi %iota3A, %shift_right_arithmetic3A_2387 : vector<16xi32>
    %add3A_2389 = arith.constant 12 : i32
    %add3A_2390 = vector.broadcast %add3A_2389 : i32 to vector<16xi32>
    %add3A_2391 = arith.addi %add3A_2390, %shift_right_arithmetic3A_2388 : vector<16xi32>
    %and3A_2392 = arith.constant 7 : i32
    %and3A_2393 = vector.broadcast %and3A_2392 : i32 to vector<16xi32>
    %and3A_2394 = arith.andi %add3A_2391, %and3A_2393 : vector<16xi32>
    %add3A_2395 = arith.addi %select_n3A_2301, %and3A_2394 : vector<16xi32>
    %swap3A_2396 = arith.constant 96 : index
    %swap3A_2397 = tpu.vector_load %arg15[%swap3A_2396] {strides = array<i32>} : memref<128xi32, #tpu.memory_space<vmem>>, vector<16xi32>,
    %swap3A_2398 = vector.shape_cast %swap3A_2397 : vector<16xi32> to vector<16xi32>
    %swap3A_2399 = vector.shape_cast %add3A_2395 : vector<16xi32> to vector<16xi32>
    tpu.vector_store %arg15[%swap3A_2396], %swap3A_2399 {strides = array<i32>} : memref<128xi32, #tpu.memory_space<vmem>>, vector<16xi32>,
    %shift_right_arithmetic3A_2400 = arith.constant 3 : i32
    %shift_right_arithmetic3A_2401 = vector.broadcast %shift_right_arithmetic3A_2400 : i32 to vector<16xi32>
    %shift_right_arithmetic3A_2402 = arith.shrsi %iota3A, %shift_right_arithmetic3A_2401 : vector<16xi32>
    %add3A_2403 = arith.constant 14 : i32
    %add3A_2404 = vector.broadcast %add3A_2403 : i32 to vector<16xi32>
    %add3A_2405 = arith.addi %add3A_2404, %shift_right_arithmetic3A_2402 : vector<16xi32>
    %and3A_2406 = arith.constant 7 : i32
    %and3A_2407 = vector.broadcast %and3A_2406 : i32 to vector<16xi32>
    %and3A_2408 = arith.andi %add3A_2405, %and3A_2407 : vector<16xi32>
    %add3A_2409 = arith.addi %select_n3A_2301, %and3A_2408 : vector<16xi32>
    %swap3A_2410 = arith.constant 112 : index
    %swap3A_2411 = tpu.vector_load %arg15[%swap3A_2410] {strides = array<i32>} : memref<128xi32, #tpu.memory_space<vmem>>, vector<16xi32>,
    %swap3A_2412 = vector.shape_cast %swap3A_2411 : vector<16xi32> to vector<16xi32>
    %swap3A_2413 = vector.shape_cast %add3A_2409 : vector<16xi32> to vector<16xi32>
    tpu.vector_store %arg15[%swap3A_2410], %swap3A_2413 {strides = array<i32>} : memref<128xi32, #tpu.memory_space<vmem>>, vector<16xi32>,
    %dma_start3A_2414 = arith.constant 0 : i32
    %dma_start3A_2415 = arith.constant 0 : i32
    %dma_start3A_2416 = tpu.memref_slice %arg9[%dma_start3A_2414, %dma_start3A_2415] : memref<128x128xf32, #tpu.memory_space<vmem>> -> memref<128x128xf32, #tpu.memory_space<vmem>>
    %dma_start3A_2417 = arith.constant 0 : i32
    %dma_start3A_2418 = tpu.memref_slice %arg15[%dma_start3A_2417] : memref<128xi32, #tpu.memory_space<vmem>> -> memref<128xi32, #tpu.memory_space<vmem>>
    %dma_start3A_2419 = arith.constant 0 : i32
    %dma_start3A_2420 = arith.constant 0 : i32
    %dma_start3A_2421 = tpu.memref_slice %arg2[%dma_start3A_2419, %dma_start3A_2420] : memref<32776x128xf32, #tpu.memory_space<hbm>> -> memref<32776x128xf32, #tpu.memory_space<hbm>>
    tpu.enqueue_indirect_dma source(%dma_start3A_2421 : memref<32776x128xf32, #tpu.memory_space<hbm>>) target(%dma_start3A_2416 : memref<128x128xf32, #tpu.memory_space<vmem>>) offsets(%dma_start3A_2418 : memref<128xi32, #tpu.memory_space<vmem>>) semaphore(%arg22 : memref<!tpu.dma_semaphore, #tpu.memory_space<semaphore_mem>>)
    %dma_wait3A_2422 = arith.constant 0 : i32
    %dma_wait3A_2423 = arith.constant 0 : i32
    %dma_wait3A_2424 = tpu.memref_slice %arg10[%dma_wait3A_2422, %dma_wait3A_2423] : memref<128x128xf32, #tpu.memory_space<vmem>> -> memref<128x128xf32, #tpu.memory_space<vmem>>
    %dma_wait3A_2425 = arith.constant 0 : i32
    %dma_wait3A_2426 = tpu.memref_slice %arg16[%dma_wait3A_2425] : memref<128xi32, #tpu.memory_space<vmem>> -> memref<128xi32, #tpu.memory_space<vmem>>
    %dma_wait3A_2427 = arith.constant 0 : i32
    %dma_wait3A_2428 = arith.constant 0 : i32
    %dma_wait3A_2429 = tpu.memref_slice %arg2[%dma_wait3A_2427, %dma_wait3A_2428] : memref<32776x128xf32, #tpu.memory_space<hbm>> -> memref<32776x128xf32, #tpu.memory_space<hbm>>
    tpu.wait_indirect_dma semaphore(%arg23 : memref<!tpu.dma_semaphore, #tpu.memory_space<semaphore_mem>>) src(%dma_wait3A_2429 : memref<32776x128xf32, #tpu.memory_space<hbm>>) dst(%dma_wait3A_2424 : memref<128x128xf32, #tpu.memory_space<vmem>>)
    %mul3A_2430 = arith.constant 8 : i32
    %mul3A_2431 = arith.muli %mul3A_2, %mul3A_2430 : i32
    %add3A_2432 = arith.constant 1280 : i32
    %add3A_2433 = arith.addi %mul3A_2431, %add3A_2432 : i32
    %dma_start3A_2434 = arith.constant 0 : i32
    %dma_start3A_2435 = tpu.memref_slice %arg4[%add3A_2433, %dma_start3A_2434] : memref<131072x128xf32, #tpu.memory_space<hbm>> -> memref<128x128xf32, #tpu.memory_space<hbm>>
    %dma_start3A_2436 = arith.constant 0 : i32
    %dma_start3A_2437 = tpu.memref_slice %arg4[%add3A_2433, %dma_start3A_2436] : memref<131072x128xf32, #tpu.memory_space<hbm>> -> memref<128x128xf32, #tpu.memory_space<hbm>>
    tpu.enqueue_dma source(%arg10 : memref<128x128xf32, #tpu.memory_space<vmem>>) target(%dma_start3A_2437 : memref<128x128xf32, #tpu.memory_space<hbm>>) target_semaphore(%arg29 : memref<!tpu.dma_semaphore, #tpu.memory_space<semaphore_mem>>)
    %dma_wait3A_2438 = arith.constant 0 : i32
    %dma_wait3A_2439 = tpu.memref_slice %arg4[%add3A_2433, %dma_wait3A_2438] : memref<131072x128xf32, #tpu.memory_space<hbm>> -> memref<128x128xf32, #tpu.memory_space<hbm>>
    %dma_wait3A_2440 = arith.constant 0 : i32
    %dma_wait3A_2441 = tpu.memref_slice %arg4[%add3A_2433, %dma_wait3A_2440] : memref<131072x128xf32, #tpu.memory_space<hbm>> -> memref<128x128xf32, #tpu.memory_space<hbm>>
    tpu.wait_dma2 semaphore(%arg29 : memref<!tpu.dma_semaphore, #tpu.memory_space<semaphore_mem>>) src(%arg10 : memref<128x128xf32, #tpu.memory_space<vmem>>) dst(%dma_wait3A_2441 : memref<128x128xf32, #tpu.memory_space<hbm>>)
    %get3A_2442 = arith.constant 256 : index
    %get3A_2443 = tpu.vector_load %arg5[%get3A_2442] {strides = array<i32>} : memref<512xi32, #tpu.memory_space<vmem>>, vector<16xi32>,
    %get3A_2444 = vector.shape_cast %get3A_2443 : vector<16xi32> to vector<16xi32>
    %mul3A_2445 = arith.constant 8 : i32
    %mul3A_2446 = vector.broadcast %mul3A_2445 : i32 to vector<16xi32>
    %mul3A_2447 = arith.muli %get3A_2444, %mul3A_2446 : vector<16xi32>
    %swap3A_2448 = arith.constant 0 : index
    %swap3A_2449 = tpu.vector_load %arg18[%swap3A_2448] {strides = array<i32>} : memref<32xi32, #tpu.memory_space<vmem>>, vector<16xi32>,
    %swap3A_2450 = vector.shape_cast %swap3A_2449 : vector<16xi32> to vector<16xi32>
    %swap3A_2451 = vector.shape_cast %mul3A_2447 : vector<16xi32> to vector<16xi32>
    tpu.vector_store %arg18[%swap3A_2448], %swap3A_2451 {strides = array<i32>} : memref<32xi32, #tpu.memory_space<vmem>>, vector<16xi32>,
    %swap3A_2452 = arith.constant 16 : index
    %swap3A_2453 = tpu.vector_load %arg18[%swap3A_2452] {strides = array<i32>} : memref<32xi32, #tpu.memory_space<vmem>>, vector<16xi32>,
    %swap3A_2454 = vector.shape_cast %swap3A_2453 : vector<16xi32> to vector<16xi32>
    %swap3A_2455 = vector.shape_cast %mul3A_2447 : vector<16xi32> to vector<16xi32>
    tpu.vector_store %arg18[%swap3A_2452], %swap3A_2455 {strides = array<i32>} : memref<32xi32, #tpu.memory_space<vmem>>, vector<16xi32>,
    %get3A_2456 = arith.constant 8 : index
    %get3A_2457 = tpu.vector_load %arg18[%get3A_2456] {strides = array<i32>} : memref<32xi32, #tpu.memory_space<vmem>>, vector<16xi32>,
    %get3A_2458 = vector.shape_cast %get3A_2457 : vector<16xi32> to vector<16xi32>
    %select_n3A_2459 = arith.select %lt3A_4, %mul3A_2447, %get3A_2458 : vector<16xi1>, vector<16xi32>
    %select_n3A_2460 = arith.select %lt3A_4, %get3A_2458, %mul3A_2447 : vector<16xi1>, vector<16xi32>
    %shift_right_arithmetic3A_2461 = arith.constant 3 : i32
    %shift_right_arithmetic3A_2462 = vector.broadcast %shift_right_arithmetic3A_2461 : i32 to vector<16xi32>
    %shift_right_arithmetic3A_2463 = arith.shrsi %iota3A, %shift_right_arithmetic3A_2462 : vector<16xi32>
    %add3A_2464 = arith.constant 0 : i32
    %add3A_2465 = vector.broadcast %add3A_2464 : i32 to vector<16xi32>
    %add3A_2466 = arith.addi %add3A_2465, %shift_right_arithmetic3A_2463 : vector<16xi32>
    %and3A_2467 = arith.constant 7 : i32
    %and3A_2468 = vector.broadcast %and3A_2467 : i32 to vector<16xi32>
    %and3A_2469 = arith.andi %add3A_2466, %and3A_2468 : vector<16xi32>
    %add3A_2470 = arith.addi %select_n3A_2459, %and3A_2469 : vector<16xi32>
    %swap3A_2471 = arith.constant 0 : index
    %swap3A_2472 = tpu.vector_load %arg16[%swap3A_2471] {strides = array<i32>} : memref<128xi32, #tpu.memory_space<vmem>>, vector<16xi32>,
    %swap3A_2473 = vector.shape_cast %swap3A_2472 : vector<16xi32> to vector<16xi32>
    %swap3A_2474 = vector.shape_cast %add3A_2470 : vector<16xi32> to vector<16xi32>
    tpu.vector_store %arg16[%swap3A_2471], %swap3A_2474 {strides = array<i32>} : memref<128xi32, #tpu.memory_space<vmem>>, vector<16xi32>,
    %shift_right_arithmetic3A_2475 = arith.constant 3 : i32
    %shift_right_arithmetic3A_2476 = vector.broadcast %shift_right_arithmetic3A_2475 : i32 to vector<16xi32>
    %shift_right_arithmetic3A_2477 = arith.shrsi %iota3A, %shift_right_arithmetic3A_2476 : vector<16xi32>
    %add3A_2478 = arith.constant 2 : i32
    %add3A_2479 = vector.broadcast %add3A_2478 : i32 to vector<16xi32>
    %add3A_2480 = arith.addi %add3A_2479, %shift_right_arithmetic3A_2477 : vector<16xi32>
    %and3A_2481 = arith.constant 7 : i32
    %and3A_2482 = vector.broadcast %and3A_2481 : i32 to vector<16xi32>
    %and3A_2483 = arith.andi %add3A_2480, %and3A_2482 : vector<16xi32>
    %add3A_2484 = arith.addi %select_n3A_2459, %and3A_2483 : vector<16xi32>
    %swap3A_2485 = arith.constant 16 : index
    %swap3A_2486 = tpu.vector_load %arg16[%swap3A_2485] {strides = array<i32>} : memref<128xi32, #tpu.memory_space<vmem>>, vector<16xi32>,
    %swap3A_2487 = vector.shape_cast %swap3A_2486 : vector<16xi32> to vector<16xi32>
    %swap3A_2488 = vector.shape_cast %add3A_2484 : vector<16xi32> to vector<16xi32>
    tpu.vector_store %arg16[%swap3A_2485], %swap3A_2488 {strides = array<i32>} : memref<128xi32, #tpu.memory_space<vmem>>, vector<16xi32>,
    %shift_right_arithmetic3A_2489 = arith.constant 3 : i32
    %shift_right_arithmetic3A_2490 = vector.broadcast %shift_right_arithmetic3A_2489 : i32 to vector<16xi32>
    %shift_right_arithmetic3A_2491 = arith.shrsi %iota3A, %shift_right_arithmetic3A_2490 : vector<16xi32>
    %add3A_2492 = arith.constant 4 : i32
    %add3A_2493 = vector.broadcast %add3A_2492 : i32 to vector<16xi32>
    %add3A_2494 = arith.addi %add3A_2493, %shift_right_arithmetic3A_2491 : vector<16xi32>
    %and3A_2495 = arith.constant 7 : i32
    %and3A_2496 = vector.broadcast %and3A_2495 : i32 to vector<16xi32>
    %and3A_2497 = arith.andi %add3A_2494, %and3A_2496 : vector<16xi32>
    %add3A_2498 = arith.addi %select_n3A_2459, %and3A_2497 : vector<16xi32>
    %swap3A_2499 = arith.constant 32 : index
    %swap3A_2500 = tpu.vector_load %arg16[%swap3A_2499] {strides = array<i32>} : memref<128xi32, #tpu.memory_space<vmem>>, vector<16xi32>,
    %swap3A_2501 = vector.shape_cast %swap3A_2500 : vector<16xi32> to vector<16xi32>
    %swap3A_2502 = vector.shape_cast %add3A_2498 : vector<16xi32> to vector<16xi32>
    tpu.vector_store %arg16[%swap3A_2499], %swap3A_2502 {strides = array<i32>} : memref<128xi32, #tpu.memory_space<vmem>>, vector<16xi32>,
    %shift_right_arithmetic3A_2503 = arith.constant 3 : i32
    %shift_right_arithmetic3A_2504 = vector.broadcast %shift_right_arithmetic3A_2503 : i32 to vector<16xi32>
    %shift_right_arithmetic3A_2505 = arith.shrsi %iota3A, %shift_right_arithmetic3A_2504 : vector<16xi32>
    %add3A_2506 = arith.constant 6 : i32
    %add3A_2507 = vector.broadcast %add3A_2506 : i32 to vector<16xi32>
    %add3A_2508 = arith.addi %add3A_2507, %shift_right_arithmetic3A_2505 : vector<16xi32>
    %and3A_2509 = arith.constant 7 : i32
    %and3A_2510 = vector.broadcast %and3A_2509 : i32 to vector<16xi32>
    %and3A_2511 = arith.andi %add3A_2508, %and3A_2510 : vector<16xi32>
    %add3A_2512 = arith.addi %select_n3A_2459, %and3A_2511 : vector<16xi32>
    %swap3A_2513 = arith.constant 48 : index
    %swap3A_2514 = tpu.vector_load %arg16[%swap3A_2513] {strides = array<i32>} : memref<128xi32, #tpu.memory_space<vmem>>, vector<16xi32>,
    %swap3A_2515 = vector.shape_cast %swap3A_2514 : vector<16xi32> to vector<16xi32>
    %swap3A_2516 = vector.shape_cast %add3A_2512 : vector<16xi32> to vector<16xi32>
    tpu.vector_store %arg16[%swap3A_2513], %swap3A_2516 {strides = array<i32>} : memref<128xi32, #tpu.memory_space<vmem>>, vector<16xi32>,
    %shift_right_arithmetic3A_2517 = arith.constant 3 : i32
    %shift_right_arithmetic3A_2518 = vector.broadcast %shift_right_arithmetic3A_2517 : i32 to vector<16xi32>
    %shift_right_arithmetic3A_2519 = arith.shrsi %iota3A, %shift_right_arithmetic3A_2518 : vector<16xi32>
    %add3A_2520 = arith.constant 8 : i32
    %add3A_2521 = vector.broadcast %add3A_2520 : i32 to vector<16xi32>
    %add3A_2522 = arith.addi %add3A_2521, %shift_right_arithmetic3A_2519 : vector<16xi32>
    %and3A_2523 = arith.constant 7 : i32
    %and3A_2524 = vector.broadcast %and3A_2523 : i32 to vector<16xi32>
    %and3A_2525 = arith.andi %add3A_2522, %and3A_2524 : vector<16xi32>
    %add3A_2526 = arith.addi %select_n3A_2460, %and3A_2525 : vector<16xi32>
    %swap3A_2527 = arith.constant 64 : index
    %swap3A_2528 = tpu.vector_load %arg16[%swap3A_2527] {strides = array<i32>} : memref<128xi32, #tpu.memory_space<vmem>>, vector<16xi32>,
    %swap3A_2529 = vector.shape_cast %swap3A_2528 : vector<16xi32> to vector<16xi32>
    %swap3A_2530 = vector.shape_cast %add3A_2526 : vector<16xi32> to vector<16xi32>
    tpu.vector_store %arg16[%swap3A_2527], %swap3A_2530 {strides = array<i32>} : memref<128xi32, #tpu.memory_space<vmem>>, vector<16xi32>,
    %shift_right_arithmetic3A_2531 = arith.constant 3 : i32
    %shift_right_arithmetic3A_2532 = vector.broadcast %shift_right_arithmetic3A_2531 : i32 to vector<16xi32>
    %shift_right_arithmetic3A_2533 = arith.shrsi %iota3A, %shift_right_arithmetic3A_2532 : vector<16xi32>
    %add3A_2534 = arith.constant 10 : i32
    %add3A_2535 = vector.broadcast %add3A_2534 : i32 to vector<16xi32>
    %add3A_2536 = arith.addi %add3A_2535, %shift_right_arithmetic3A_2533 : vector<16xi32>
    %and3A_2537 = arith.constant 7 : i32
    %and3A_2538 = vector.broadcast %and3A_2537 : i32 to vector<16xi32>
    %and3A_2539 = arith.andi %add3A_2536, %and3A_2538 : vector<16xi32>
    %add3A_2540 = arith.addi %select_n3A_2460, %and3A_2539 : vector<16xi32>
    %swap3A_2541 = arith.constant 80 : index
    %swap3A_2542 = tpu.vector_load %arg16[%swap3A_2541] {strides = array<i32>} : memref<128xi32, #tpu.memory_space<vmem>>, vector<16xi32>,
    %swap3A_2543 = vector.shape_cast %swap3A_2542 : vector<16xi32> to vector<16xi32>
    %swap3A_2544 = vector.shape_cast %add3A_2540 : vector<16xi32> to vector<16xi32>
    tpu.vector_store %arg16[%swap3A_2541], %swap3A_2544 {strides = array<i32>} : memref<128xi32, #tpu.memory_space<vmem>>, vector<16xi32>,
    %shift_right_arithmetic3A_2545 = arith.constant 3 : i32
    %shift_right_arithmetic3A_2546 = vector.broadcast %shift_right_arithmetic3A_2545 : i32 to vector<16xi32>
    %shift_right_arithmetic3A_2547 = arith.shrsi %iota3A, %shift_right_arithmetic3A_2546 : vector<16xi32>
    %add3A_2548 = arith.constant 12 : i32
    %add3A_2549 = vector.broadcast %add3A_2548 : i32 to vector<16xi32>
    %add3A_2550 = arith.addi %add3A_2549, %shift_right_arithmetic3A_2547 : vector<16xi32>
    %and3A_2551 = arith.constant 7 : i32
    %and3A_2552 = vector.broadcast %and3A_2551 : i32 to vector<16xi32>
    %and3A_2553 = arith.andi %add3A_2550, %and3A_2552 : vector<16xi32>
    %add3A_2554 = arith.addi %select_n3A_2460, %and3A_2553 : vector<16xi32>
    %swap3A_2555 = arith.constant 96 : index
    %swap3A_2556 = tpu.vector_load %arg16[%swap3A_2555] {strides = array<i32>} : memref<128xi32, #tpu.memory_space<vmem>>, vector<16xi32>,
    %swap3A_2557 = vector.shape_cast %swap3A_2556 : vector<16xi32> to vector<16xi32>
    %swap3A_2558 = vector.shape_cast %add3A_2554 : vector<16xi32> to vector<16xi32>
    tpu.vector_store %arg16[%swap3A_2555], %swap3A_2558 {strides = array<i32>} : memref<128xi32, #tpu.memory_space<vmem>>, vector<16xi32>,
    %shift_right_arithmetic3A_2559 = arith.constant 3 : i32
    %shift_right_arithmetic3A_2560 = vector.broadcast %shift_right_arithmetic3A_2559 : i32 to vector<16xi32>
    %shift_right_arithmetic3A_2561 = arith.shrsi %iota3A, %shift_right_arithmetic3A_2560 : vector<16xi32>
    %add3A_2562 = arith.constant 14 : i32
    %add3A_2563 = vector.broadcast %add3A_2562 : i32 to vector<16xi32>
    %add3A_2564 = arith.addi %add3A_2563, %shift_right_arithmetic3A_2561 : vector<16xi32>
    %and3A_2565 = arith.constant 7 : i32
    %and3A_2566 = vector.broadcast %and3A_2565 : i32 to vector<16xi32>
    %and3A_2567 = arith.andi %add3A_2564, %and3A_2566 : vector<16xi32>
    %add3A_2568 = arith.addi %select_n3A_2460, %and3A_2567 : vector<16xi32>
    %swap3A_2569 = arith.constant 112 : index
    %swap3A_2570 = tpu.vector_load %arg16[%swap3A_2569] {strides = array<i32>} : memref<128xi32, #tpu.memory_space<vmem>>, vector<16xi32>,
    %swap3A_2571 = vector.shape_cast %swap3A_2570 : vector<16xi32> to vector<16xi32>
    %swap3A_2572 = vector.shape_cast %add3A_2568 : vector<16xi32> to vector<16xi32>
    tpu.vector_store %arg16[%swap3A_2569], %swap3A_2572 {strides = array<i32>} : memref<128xi32, #tpu.memory_space<vmem>>, vector<16xi32>,
    %dma_start3A_2573 = arith.constant 0 : i32
    %dma_start3A_2574 = arith.constant 0 : i32
    %dma_start3A_2575 = tpu.memref_slice %arg10[%dma_start3A_2573, %dma_start3A_2574] : memref<128x128xf32, #tpu.memory_space<vmem>> -> memref<128x128xf32, #tpu.memory_space<vmem>>
    %dma_start3A_2576 = arith.constant 0 : i32
    %dma_start3A_2577 = tpu.memref_slice %arg16[%dma_start3A_2576] : memref<128xi32, #tpu.memory_space<vmem>> -> memref<128xi32, #tpu.memory_space<vmem>>
    %dma_start3A_2578 = arith.constant 0 : i32
    %dma_start3A_2579 = arith.constant 0 : i32
    %dma_start3A_2580 = tpu.memref_slice %arg2[%dma_start3A_2578, %dma_start3A_2579] : memref<32776x128xf32, #tpu.memory_space<hbm>> -> memref<32776x128xf32, #tpu.memory_space<hbm>>
    tpu.enqueue_indirect_dma source(%dma_start3A_2580 : memref<32776x128xf32, #tpu.memory_space<hbm>>) target(%dma_start3A_2575 : memref<128x128xf32, #tpu.memory_space<vmem>>) offsets(%dma_start3A_2577 : memref<128xi32, #tpu.memory_space<vmem>>) semaphore(%arg23 : memref<!tpu.dma_semaphore, #tpu.memory_space<semaphore_mem>>)
    %dma_wait3A_2581 = arith.constant 0 : i32
    %dma_wait3A_2582 = arith.constant 0 : i32
    %dma_wait3A_2583 = tpu.memref_slice %arg11[%dma_wait3A_2581, %dma_wait3A_2582] : memref<128x128xf32, #tpu.memory_space<vmem>> -> memref<128x128xf32, #tpu.memory_space<vmem>>
    %dma_wait3A_2584 = arith.constant 0 : i32
    %dma_wait3A_2585 = tpu.memref_slice %arg17[%dma_wait3A_2584] : memref<128xi32, #tpu.memory_space<vmem>> -> memref<128xi32, #tpu.memory_space<vmem>>
    %dma_wait3A_2586 = arith.constant 0 : i32
    %dma_wait3A_2587 = arith.constant 0 : i32
    %dma_wait3A_2588 = tpu.memref_slice %arg2[%dma_wait3A_2586, %dma_wait3A_2587] : memref<32776x128xf32, #tpu.memory_space<hbm>> -> memref<32776x128xf32, #tpu.memory_space<hbm>>
    tpu.wait_indirect_dma semaphore(%arg24 : memref<!tpu.dma_semaphore, #tpu.memory_space<semaphore_mem>>) src(%dma_wait3A_2588 : memref<32776x128xf32, #tpu.memory_space<hbm>>) dst(%dma_wait3A_2583 : memref<128x128xf32, #tpu.memory_space<vmem>>)
    %mul3A_2589 = arith.constant 8 : i32
    %mul3A_2590 = arith.muli %mul3A_2, %mul3A_2589 : i32
    %add3A_2591 = arith.constant 1408 : i32
    %add3A_2592 = arith.addi %mul3A_2590, %add3A_2591 : i32
    %dma_start3A_2593 = arith.constant 0 : i32
    %dma_start3A_2594 = tpu.memref_slice %arg4[%add3A_2592, %dma_start3A_2593] : memref<131072x128xf32, #tpu.memory_space<hbm>> -> memref<128x128xf32, #tpu.memory_space<hbm>>
    %dma_start3A_2595 = arith.constant 0 : i32
    %dma_start3A_2596 = tpu.memref_slice %arg4[%add3A_2592, %dma_start3A_2595] : memref<131072x128xf32, #tpu.memory_space<hbm>> -> memref<128x128xf32, #tpu.memory_space<hbm>>
    tpu.enqueue_dma source(%arg11 : memref<128x128xf32, #tpu.memory_space<vmem>>) target(%dma_start3A_2596 : memref<128x128xf32, #tpu.memory_space<hbm>>) target_semaphore(%arg30 : memref<!tpu.dma_semaphore, #tpu.memory_space<semaphore_mem>>)
    %dma_wait3A_2597 = arith.constant 0 : i32
    %dma_wait3A_2598 = tpu.memref_slice %arg4[%add3A_2592, %dma_wait3A_2597] : memref<131072x128xf32, #tpu.memory_space<hbm>> -> memref<128x128xf32, #tpu.memory_space<hbm>>
    %dma_wait3A_2599 = arith.constant 0 : i32
    %dma_wait3A_2600 = tpu.memref_slice %arg4[%add3A_2592, %dma_wait3A_2599] : memref<131072x128xf32, #tpu.memory_space<hbm>> -> memref<128x128xf32, #tpu.memory_space<hbm>>
    tpu.wait_dma2 semaphore(%arg30 : memref<!tpu.dma_semaphore, #tpu.memory_space<semaphore_mem>>) src(%arg11 : memref<128x128xf32, #tpu.memory_space<vmem>>) dst(%dma_wait3A_2600 : memref<128x128xf32, #tpu.memory_space<hbm>>)
    %get3A_2601 = arith.constant 272 : index
    %get3A_2602 = tpu.vector_load %arg5[%get3A_2601] {strides = array<i32>} : memref<512xi32, #tpu.memory_space<vmem>>, vector<16xi32>,
    %get3A_2603 = vector.shape_cast %get3A_2602 : vector<16xi32> to vector<16xi32>
    %mul3A_2604 = arith.constant 8 : i32
    %mul3A_2605 = vector.broadcast %mul3A_2604 : i32 to vector<16xi32>
    %mul3A_2606 = arith.muli %get3A_2603, %mul3A_2605 : vector<16xi32>
    %swap3A_2607 = arith.constant 0 : index
    %swap3A_2608 = tpu.vector_load %arg18[%swap3A_2607] {strides = array<i32>} : memref<32xi32, #tpu.memory_space<vmem>>, vector<16xi32>,
    %swap3A_2609 = vector.shape_cast %swap3A_2608 : vector<16xi32> to vector<16xi32>
    %swap3A_2610 = vector.shape_cast %mul3A_2606 : vector<16xi32> to vector<16xi32>
    tpu.vector_store %arg18[%swap3A_2607], %swap3A_2610 {strides = array<i32>} : memref<32xi32, #tpu.memory_space<vmem>>, vector<16xi32>,
    %swap3A_2611 = arith.constant 16 : index
    %swap3A_2612 = tpu.vector_load %arg18[%swap3A_2611] {strides = array<i32>} : memref<32xi32, #tpu.memory_space<vmem>>, vector<16xi32>,
    %swap3A_2613 = vector.shape_cast %swap3A_2612 : vector<16xi32> to vector<16xi32>
    %swap3A_2614 = vector.shape_cast %mul3A_2606 : vector<16xi32> to vector<16xi32>
    tpu.vector_store %arg18[%swap3A_2611], %swap3A_2614 {strides = array<i32>} : memref<32xi32, #tpu.memory_space<vmem>>, vector<16xi32>,
    %get3A_2615 = arith.constant 8 : index
    %get3A_2616 = tpu.vector_load %arg18[%get3A_2615] {strides = array<i32>} : memref<32xi32, #tpu.memory_space<vmem>>, vector<16xi32>,
    %get3A_2617 = vector.shape_cast %get3A_2616 : vector<16xi32> to vector<16xi32>
    %select_n3A_2618 = arith.select %lt3A_4, %mul3A_2606, %get3A_2617 : vector<16xi1>, vector<16xi32>
    %select_n3A_2619 = arith.select %lt3A_4, %get3A_2617, %mul3A_2606 : vector<16xi1>, vector<16xi32>
    %shift_right_arithmetic3A_2620 = arith.constant 3 : i32
    %shift_right_arithmetic3A_2621 = vector.broadcast %shift_right_arithmetic3A_2620 : i32 to vector<16xi32>
    %shift_right_arithmetic3A_2622 = arith.shrsi %iota3A, %shift_right_arithmetic3A_2621 : vector<16xi32>
    %add3A_2623 = arith.constant 0 : i32
    %add3A_2624 = vector.broadcast %add3A_2623 : i32 to vector<16xi32>
    %add3A_2625 = arith.addi %add3A_2624, %shift_right_arithmetic3A_2622 : vector<16xi32>
    %and3A_2626 = arith.constant 7 : i32
    %and3A_2627 = vector.broadcast %and3A_2626 : i32 to vector<16xi32>
    %and3A_2628 = arith.andi %add3A_2625, %and3A_2627 : vector<16xi32>
    %add3A_2629 = arith.addi %select_n3A_2618, %and3A_2628 : vector<16xi32>
    %swap3A_2630 = arith.constant 0 : index
    %swap3A_2631 = tpu.vector_load %arg17[%swap3A_2630] {strides = array<i32>} : memref<128xi32, #tpu.memory_space<vmem>>, vector<16xi32>,
    %swap3A_2632 = vector.shape_cast %swap3A_2631 : vector<16xi32> to vector<16xi32>
    %swap3A_2633 = vector.shape_cast %add3A_2629 : vector<16xi32> to vector<16xi32>
    tpu.vector_store %arg17[%swap3A_2630], %swap3A_2633 {strides = array<i32>} : memref<128xi32, #tpu.memory_space<vmem>>, vector<16xi32>,
    %shift_right_arithmetic3A_2634 = arith.constant 3 : i32
    %shift_right_arithmetic3A_2635 = vector.broadcast %shift_right_arithmetic3A_2634 : i32 to vector<16xi32>
    %shift_right_arithmetic3A_2636 = arith.shrsi %iota3A, %shift_right_arithmetic3A_2635 : vector<16xi32>
    %add3A_2637 = arith.constant 2 : i32
    %add3A_2638 = vector.broadcast %add3A_2637 : i32 to vector<16xi32>
    %add3A_2639 = arith.addi %add3A_2638, %shift_right_arithmetic3A_2636 : vector<16xi32>
    %and3A_2640 = arith.constant 7 : i32
    %and3A_2641 = vector.broadcast %and3A_2640 : i32 to vector<16xi32>
    %and3A_2642 = arith.andi %add3A_2639, %and3A_2641 : vector<16xi32>
    %add3A_2643 = arith.addi %select_n3A_2618, %and3A_2642 : vector<16xi32>
    %swap3A_2644 = arith.constant 16 : index
    %swap3A_2645 = tpu.vector_load %arg17[%swap3A_2644] {strides = array<i32>} : memref<128xi32, #tpu.memory_space<vmem>>, vector<16xi32>,
    %swap3A_2646 = vector.shape_cast %swap3A_2645 : vector<16xi32> to vector<16xi32>
    %swap3A_2647 = vector.shape_cast %add3A_2643 : vector<16xi32> to vector<16xi32>
    tpu.vector_store %arg17[%swap3A_2644], %swap3A_2647 {strides = array<i32>} : memref<128xi32, #tpu.memory_space<vmem>>, vector<16xi32>,
    %shift_right_arithmetic3A_2648 = arith.constant 3 : i32
    %shift_right_arithmetic3A_2649 = vector.broadcast %shift_right_arithmetic3A_2648 : i32 to vector<16xi32>
    %shift_right_arithmetic3A_2650 = arith.shrsi %iota3A, %shift_right_arithmetic3A_2649 : vector<16xi32>
    %add3A_2651 = arith.constant 4 : i32
    %add3A_2652 = vector.broadcast %add3A_2651 : i32 to vector<16xi32>
    %add3A_2653 = arith.addi %add3A_2652, %shift_right_arithmetic3A_2650 : vector<16xi32>
    %and3A_2654 = arith.constant 7 : i32
    %and3A_2655 = vector.broadcast %and3A_2654 : i32 to vector<16xi32>
    %and3A_2656 = arith.andi %add3A_2653, %and3A_2655 : vector<16xi32>
    %add3A_2657 = arith.addi %select_n3A_2618, %and3A_2656 : vector<16xi32>
    %swap3A_2658 = arith.constant 32 : index
    %swap3A_2659 = tpu.vector_load %arg17[%swap3A_2658] {strides = array<i32>} : memref<128xi32, #tpu.memory_space<vmem>>, vector<16xi32>,
    %swap3A_2660 = vector.shape_cast %swap3A_2659 : vector<16xi32> to vector<16xi32>
    %swap3A_2661 = vector.shape_cast %add3A_2657 : vector<16xi32> to vector<16xi32>
    tpu.vector_store %arg17[%swap3A_2658], %swap3A_2661 {strides = array<i32>} : memref<128xi32, #tpu.memory_space<vmem>>, vector<16xi32>,
    %shift_right_arithmetic3A_2662 = arith.constant 3 : i32
    %shift_right_arithmetic3A_2663 = vector.broadcast %shift_right_arithmetic3A_2662 : i32 to vector<16xi32>
    %shift_right_arithmetic3A_2664 = arith.shrsi %iota3A, %shift_right_arithmetic3A_2663 : vector<16xi32>
    %add3A_2665 = arith.constant 6 : i32
    %add3A_2666 = vector.broadcast %add3A_2665 : i32 to vector<16xi32>
    %add3A_2667 = arith.addi %add3A_2666, %shift_right_arithmetic3A_2664 : vector<16xi32>
    %and3A_2668 = arith.constant 7 : i32
    %and3A_2669 = vector.broadcast %and3A_2668 : i32 to vector<16xi32>
    %and3A_2670 = arith.andi %add3A_2667, %and3A_2669 : vector<16xi32>
    %add3A_2671 = arith.addi %select_n3A_2618, %and3A_2670 : vector<16xi32>
    %swap3A_2672 = arith.constant 48 : index
    %swap3A_2673 = tpu.vector_load %arg17[%swap3A_2672] {strides = array<i32>} : memref<128xi32, #tpu.memory_space<vmem>>, vector<16xi32>,
    %swap3A_2674 = vector.shape_cast %swap3A_2673 : vector<16xi32> to vector<16xi32>
    %swap3A_2675 = vector.shape_cast %add3A_2671 : vector<16xi32> to vector<16xi32>
    tpu.vector_store %arg17[%swap3A_2672], %swap3A_2675 {strides = array<i32>} : memref<128xi32, #tpu.memory_space<vmem>>, vector<16xi32>,
    %shift_right_arithmetic3A_2676 = arith.constant 3 : i32
    %shift_right_arithmetic3A_2677 = vector.broadcast %shift_right_arithmetic3A_2676 : i32 to vector<16xi32>
    %shift_right_arithmetic3A_2678 = arith.shrsi %iota3A, %shift_right_arithmetic3A_2677 : vector<16xi32>
    %add3A_2679 = arith.constant 8 : i32
    %add3A_2680 = vector.broadcast %add3A_2679 : i32 to vector<16xi32>
    %add3A_2681 = arith.addi %add3A_2680, %shift_right_arithmetic3A_2678 : vector<16xi32>
    %and3A_2682 = arith.constant 7 : i32
    %and3A_2683 = vector.broadcast %and3A_2682 : i32 to vector<16xi32>
    %and3A_2684 = arith.andi %add3A_2681, %and3A_2683 : vector<16xi32>
    %add3A_2685 = arith.addi %select_n3A_2619, %and3A_2684 : vector<16xi32>
    %swap3A_2686 = arith.constant 64 : index
    %swap3A_2687 = tpu.vector_load %arg17[%swap3A_2686] {strides = array<i32>} : memref<128xi32, #tpu.memory_space<vmem>>, vector<16xi32>,
    %swap3A_2688 = vector.shape_cast %swap3A_2687 : vector<16xi32> to vector<16xi32>
    %swap3A_2689 = vector.shape_cast %add3A_2685 : vector<16xi32> to vector<16xi32>
    tpu.vector_store %arg17[%swap3A_2686], %swap3A_2689 {strides = array<i32>} : memref<128xi32, #tpu.memory_space<vmem>>, vector<16xi32>,
    %shift_right_arithmetic3A_2690 = arith.constant 3 : i32
    %shift_right_arithmetic3A_2691 = vector.broadcast %shift_right_arithmetic3A_2690 : i32 to vector<16xi32>
    %shift_right_arithmetic3A_2692 = arith.shrsi %iota3A, %shift_right_arithmetic3A_2691 : vector<16xi32>
    %add3A_2693 = arith.constant 10 : i32
    %add3A_2694 = vector.broadcast %add3A_2693 : i32 to vector<16xi32>
    %add3A_2695 = arith.addi %add3A_2694, %shift_right_arithmetic3A_2692 : vector<16xi32>
    %and3A_2696 = arith.constant 7 : i32
    %and3A_2697 = vector.broadcast %and3A_2696 : i32 to vector<16xi32>
    %and3A_2698 = arith.andi %add3A_2695, %and3A_2697 : vector<16xi32>
    %add3A_2699 = arith.addi %select_n3A_2619, %and3A_2698 : vector<16xi32>
    %swap3A_2700 = arith.constant 80 : index
    %swap3A_2701 = tpu.vector_load %arg17[%swap3A_2700] {strides = array<i32>} : memref<128xi32, #tpu.memory_space<vmem>>, vector<16xi32>,
    %swap3A_2702 = vector.shape_cast %swap3A_2701 : vector<16xi32> to vector<16xi32>
    %swap3A_2703 = vector.shape_cast %add3A_2699 : vector<16xi32> to vector<16xi32>
    tpu.vector_store %arg17[%swap3A_2700], %swap3A_2703 {strides = array<i32>} : memref<128xi32, #tpu.memory_space<vmem>>, vector<16xi32>,
    %shift_right_arithmetic3A_2704 = arith.constant 3 : i32
    %shift_right_arithmetic3A_2705 = vector.broadcast %shift_right_arithmetic3A_2704 : i32 to vector<16xi32>
    %shift_right_arithmetic3A_2706 = arith.shrsi %iota3A, %shift_right_arithmetic3A_2705 : vector<16xi32>
    %add3A_2707 = arith.constant 12 : i32
    %add3A_2708 = vector.broadcast %add3A_2707 : i32 to vector<16xi32>
    %add3A_2709 = arith.addi %add3A_2708, %shift_right_arithmetic3A_2706 : vector<16xi32>
    %and3A_2710 = arith.constant 7 : i32
    %and3A_2711 = vector.broadcast %and3A_2710 : i32 to vector<16xi32>
    %and3A_2712 = arith.andi %add3A_2709, %and3A_2711 : vector<16xi32>
    %add3A_2713 = arith.addi %select_n3A_2619, %and3A_2712 : vector<16xi32>
    %swap3A_2714 = arith.constant 96 : index
    %swap3A_2715 = tpu.vector_load %arg17[%swap3A_2714] {strides = array<i32>} : memref<128xi32, #tpu.memory_space<vmem>>, vector<16xi32>,
    %swap3A_2716 = vector.shape_cast %swap3A_2715 : vector<16xi32> to vector<16xi32>
    %swap3A_2717 = vector.shape_cast %add3A_2713 : vector<16xi32> to vector<16xi32>
    tpu.vector_store %arg17[%swap3A_2714], %swap3A_2717 {strides = array<i32>} : memref<128xi32, #tpu.memory_space<vmem>>, vector<16xi32>,
    %shift_right_arithmetic3A_2718 = arith.constant 3 : i32
    %shift_right_arithmetic3A_2719 = vector.broadcast %shift_right_arithmetic3A_2718 : i32 to vector<16xi32>
    %shift_right_arithmetic3A_2720 = arith.shrsi %iota3A, %shift_right_arithmetic3A_2719 : vector<16xi32>
    %add3A_2721 = arith.constant 14 : i32
    %add3A_2722 = vector.broadcast %add3A_2721 : i32 to vector<16xi32>
    %add3A_2723 = arith.addi %add3A_2722, %shift_right_arithmetic3A_2720 : vector<16xi32>
    %and3A_2724 = arith.constant 7 : i32
    %and3A_2725 = vector.broadcast %and3A_2724 : i32 to vector<16xi32>
    %and3A_2726 = arith.andi %add3A_2723, %and3A_2725 : vector<16xi32>
    %add3A_2727 = arith.addi %select_n3A_2619, %and3A_2726 : vector<16xi32>
    %swap3A_2728 = arith.constant 112 : index
    %swap3A_2729 = tpu.vector_load %arg17[%swap3A_2728] {strides = array<i32>} : memref<128xi32, #tpu.memory_space<vmem>>, vector<16xi32>,
    %swap3A_2730 = vector.shape_cast %swap3A_2729 : vector<16xi32> to vector<16xi32>
    %swap3A_2731 = vector.shape_cast %add3A_2727 : vector<16xi32> to vector<16xi32>
    tpu.vector_store %arg17[%swap3A_2728], %swap3A_2731 {strides = array<i32>} : memref<128xi32, #tpu.memory_space<vmem>>, vector<16xi32>,
    %dma_start3A_2732 = arith.constant 0 : i32
    %dma_start3A_2733 = arith.constant 0 : i32
    %dma_start3A_2734 = tpu.memref_slice %arg11[%dma_start3A_2732, %dma_start3A_2733] : memref<128x128xf32, #tpu.memory_space<vmem>> -> memref<128x128xf32, #tpu.memory_space<vmem>>
    %dma_start3A_2735 = arith.constant 0 : i32
    %dma_start3A_2736 = tpu.memref_slice %arg17[%dma_start3A_2735] : memref<128xi32, #tpu.memory_space<vmem>> -> memref<128xi32, #tpu.memory_space<vmem>>
    %dma_start3A_2737 = arith.constant 0 : i32
    %dma_start3A_2738 = arith.constant 0 : i32
    %dma_start3A_2739 = tpu.memref_slice %arg2[%dma_start3A_2737, %dma_start3A_2738] : memref<32776x128xf32, #tpu.memory_space<hbm>> -> memref<32776x128xf32, #tpu.memory_space<hbm>>
    tpu.enqueue_indirect_dma source(%dma_start3A_2739 : memref<32776x128xf32, #tpu.memory_space<hbm>>) target(%dma_start3A_2734 : memref<128x128xf32, #tpu.memory_space<vmem>>) offsets(%dma_start3A_2736 : memref<128xi32, #tpu.memory_space<vmem>>) semaphore(%arg24 : memref<!tpu.dma_semaphore, #tpu.memory_space<semaphore_mem>>)
    %dma_wait3A_2740 = arith.constant 0 : i32
    %dma_wait3A_2741 = arith.constant 0 : i32
    %dma_wait3A_2742 = tpu.memref_slice %arg6[%dma_wait3A_2740, %dma_wait3A_2741] : memref<128x128xf32, #tpu.memory_space<vmem>> -> memref<128x128xf32, #tpu.memory_space<vmem>>
    %dma_wait3A_2743 = arith.constant 0 : i32
    %dma_wait3A_2744 = tpu.memref_slice %arg12[%dma_wait3A_2743] : memref<128xi32, #tpu.memory_space<vmem>> -> memref<128xi32, #tpu.memory_space<vmem>>
    %dma_wait3A_2745 = arith.constant 0 : i32
    %dma_wait3A_2746 = arith.constant 0 : i32
    %dma_wait3A_2747 = tpu.memref_slice %arg2[%dma_wait3A_2745, %dma_wait3A_2746] : memref<32776x128xf32, #tpu.memory_space<hbm>> -> memref<32776x128xf32, #tpu.memory_space<hbm>>
    tpu.wait_indirect_dma semaphore(%arg19 : memref<!tpu.dma_semaphore, #tpu.memory_space<semaphore_mem>>) src(%dma_wait3A_2747 : memref<32776x128xf32, #tpu.memory_space<hbm>>) dst(%dma_wait3A_2742 : memref<128x128xf32, #tpu.memory_space<vmem>>)
    %mul3A_2748 = arith.constant 8 : i32
    %mul3A_2749 = arith.muli %mul3A_2, %mul3A_2748 : i32
    %add3A_2750 = arith.constant 1536 : i32
    %add3A_2751 = arith.addi %mul3A_2749, %add3A_2750 : i32
    %dma_start3A_2752 = arith.constant 0 : i32
    %dma_start3A_2753 = tpu.memref_slice %arg4[%add3A_2751, %dma_start3A_2752] : memref<131072x128xf32, #tpu.memory_space<hbm>> -> memref<128x128xf32, #tpu.memory_space<hbm>>
    %dma_start3A_2754 = arith.constant 0 : i32
    %dma_start3A_2755 = tpu.memref_slice %arg4[%add3A_2751, %dma_start3A_2754] : memref<131072x128xf32, #tpu.memory_space<hbm>> -> memref<128x128xf32, #tpu.memory_space<hbm>>
    tpu.enqueue_dma source(%arg6 : memref<128x128xf32, #tpu.memory_space<vmem>>) target(%dma_start3A_2755 : memref<128x128xf32, #tpu.memory_space<hbm>>) target_semaphore(%arg25 : memref<!tpu.dma_semaphore, #tpu.memory_space<semaphore_mem>>)
    %dma_wait3A_2756 = arith.constant 0 : i32
    %dma_wait3A_2757 = tpu.memref_slice %arg4[%add3A_2751, %dma_wait3A_2756] : memref<131072x128xf32, #tpu.memory_space<hbm>> -> memref<128x128xf32, #tpu.memory_space<hbm>>
    %dma_wait3A_2758 = arith.constant 0 : i32
    %dma_wait3A_2759 = tpu.memref_slice %arg4[%add3A_2751, %dma_wait3A_2758] : memref<131072x128xf32, #tpu.memory_space<hbm>> -> memref<128x128xf32, #tpu.memory_space<hbm>>
    tpu.wait_dma2 semaphore(%arg25 : memref<!tpu.dma_semaphore, #tpu.memory_space<semaphore_mem>>) src(%arg6 : memref<128x128xf32, #tpu.memory_space<vmem>>) dst(%dma_wait3A_2759 : memref<128x128xf32, #tpu.memory_space<hbm>>)
    %get3A_2760 = arith.constant 288 : index
    %get3A_2761 = tpu.vector_load %arg5[%get3A_2760] {strides = array<i32>} : memref<512xi32, #tpu.memory_space<vmem>>, vector<16xi32>,
    %get3A_2762 = vector.shape_cast %get3A_2761 : vector<16xi32> to vector<16xi32>
    %mul3A_2763 = arith.constant 8 : i32
    %mul3A_2764 = vector.broadcast %mul3A_2763 : i32 to vector<16xi32>
    %mul3A_2765 = arith.muli %get3A_2762, %mul3A_2764 : vector<16xi32>
    %swap3A_2766 = arith.constant 0 : index
    %swap3A_2767 = tpu.vector_load %arg18[%swap3A_2766] {strides = array<i32>} : memref<32xi32, #tpu.memory_space<vmem>>, vector<16xi32>,
    %swap3A_2768 = vector.shape_cast %swap3A_2767 : vector<16xi32> to vector<16xi32>
    %swap3A_2769 = vector.shape_cast %mul3A_2765 : vector<16xi32> to vector<16xi32>
    tpu.vector_store %arg18[%swap3A_2766], %swap3A_2769 {strides = array<i32>} : memref<32xi32, #tpu.memory_space<vmem>>, vector<16xi32>,
    %swap3A_2770 = arith.constant 16 : index
    %swap3A_2771 = tpu.vector_load %arg18[%swap3A_2770] {strides = array<i32>} : memref<32xi32, #tpu.memory_space<vmem>>, vector<16xi32>,
    %swap3A_2772 = vector.shape_cast %swap3A_2771 : vector<16xi32> to vector<16xi32>
    %swap3A_2773 = vector.shape_cast %mul3A_2765 : vector<16xi32> to vector<16xi32>
    tpu.vector_store %arg18[%swap3A_2770], %swap3A_2773 {strides = array<i32>} : memref<32xi32, #tpu.memory_space<vmem>>, vector<16xi32>,
    %get3A_2774 = arith.constant 8 : index
    %get3A_2775 = tpu.vector_load %arg18[%get3A_2774] {strides = array<i32>} : memref<32xi32, #tpu.memory_space<vmem>>, vector<16xi32>,
    %get3A_2776 = vector.shape_cast %get3A_2775 : vector<16xi32> to vector<16xi32>
    %select_n3A_2777 = arith.select %lt3A_4, %mul3A_2765, %get3A_2776 : vector<16xi1>, vector<16xi32>
    %select_n3A_2778 = arith.select %lt3A_4, %get3A_2776, %mul3A_2765 : vector<16xi1>, vector<16xi32>
    %shift_right_arithmetic3A_2779 = arith.constant 3 : i32
    %shift_right_arithmetic3A_2780 = vector.broadcast %shift_right_arithmetic3A_2779 : i32 to vector<16xi32>
    %shift_right_arithmetic3A_2781 = arith.shrsi %iota3A, %shift_right_arithmetic3A_2780 : vector<16xi32>
    %add3A_2782 = arith.constant 0 : i32
    %add3A_2783 = vector.broadcast %add3A_2782 : i32 to vector<16xi32>
    %add3A_2784 = arith.addi %add3A_2783, %shift_right_arithmetic3A_2781 : vector<16xi32>
    %and3A_2785 = arith.constant 7 : i32
    %and3A_2786 = vector.broadcast %and3A_2785 : i32 to vector<16xi32>
    %and3A_2787 = arith.andi %add3A_2784, %and3A_2786 : vector<16xi32>
    %add3A_2788 = arith.addi %select_n3A_2777, %and3A_2787 : vector<16xi32>
    %swap3A_2789 = arith.constant 0 : index
    %swap3A_2790 = tpu.vector_load %arg12[%swap3A_2789] {strides = array<i32>} : memref<128xi32, #tpu.memory_space<vmem>>, vector<16xi32>,
    %swap3A_2791 = vector.shape_cast %swap3A_2790 : vector<16xi32> to vector<16xi32>
    %swap3A_2792 = vector.shape_cast %add3A_2788 : vector<16xi32> to vector<16xi32>
    tpu.vector_store %arg12[%swap3A_2789], %swap3A_2792 {strides = array<i32>} : memref<128xi32, #tpu.memory_space<vmem>>, vector<16xi32>,
    %shift_right_arithmetic3A_2793 = arith.constant 3 : i32
    %shift_right_arithmetic3A_2794 = vector.broadcast %shift_right_arithmetic3A_2793 : i32 to vector<16xi32>
    %shift_right_arithmetic3A_2795 = arith.shrsi %iota3A, %shift_right_arithmetic3A_2794 : vector<16xi32>
    %add3A_2796 = arith.constant 2 : i32
    %add3A_2797 = vector.broadcast %add3A_2796 : i32 to vector<16xi32>
    %add3A_2798 = arith.addi %add3A_2797, %shift_right_arithmetic3A_2795 : vector<16xi32>
    %and3A_2799 = arith.constant 7 : i32
    %and3A_2800 = vector.broadcast %and3A_2799 : i32 to vector<16xi32>
    %and3A_2801 = arith.andi %add3A_2798, %and3A_2800 : vector<16xi32>
    %add3A_2802 = arith.addi %select_n3A_2777, %and3A_2801 : vector<16xi32>
    %swap3A_2803 = arith.constant 16 : index
    %swap3A_2804 = tpu.vector_load %arg12[%swap3A_2803] {strides = array<i32>} : memref<128xi32, #tpu.memory_space<vmem>>, vector<16xi32>,
    %swap3A_2805 = vector.shape_cast %swap3A_2804 : vector<16xi32> to vector<16xi32>
    %swap3A_2806 = vector.shape_cast %add3A_2802 : vector<16xi32> to vector<16xi32>
    tpu.vector_store %arg12[%swap3A_2803], %swap3A_2806 {strides = array<i32>} : memref<128xi32, #tpu.memory_space<vmem>>, vector<16xi32>,
    %shift_right_arithmetic3A_2807 = arith.constant 3 : i32
    %shift_right_arithmetic3A_2808 = vector.broadcast %shift_right_arithmetic3A_2807 : i32 to vector<16xi32>
    %shift_right_arithmetic3A_2809 = arith.shrsi %iota3A, %shift_right_arithmetic3A_2808 : vector<16xi32>
    %add3A_2810 = arith.constant 4 : i32
    %add3A_2811 = vector.broadcast %add3A_2810 : i32 to vector<16xi32>
    %add3A_2812 = arith.addi %add3A_2811, %shift_right_arithmetic3A_2809 : vector<16xi32>
    %and3A_2813 = arith.constant 7 : i32
    %and3A_2814 = vector.broadcast %and3A_2813 : i32 to vector<16xi32>
    %and3A_2815 = arith.andi %add3A_2812, %and3A_2814 : vector<16xi32>
    %add3A_2816 = arith.addi %select_n3A_2777, %and3A_2815 : vector<16xi32>
    %swap3A_2817 = arith.constant 32 : index
    %swap3A_2818 = tpu.vector_load %arg12[%swap3A_2817] {strides = array<i32>} : memref<128xi32, #tpu.memory_space<vmem>>, vector<16xi32>,
    %swap3A_2819 = vector.shape_cast %swap3A_2818 : vector<16xi32> to vector<16xi32>
    %swap3A_2820 = vector.shape_cast %add3A_2816 : vector<16xi32> to vector<16xi32>
    tpu.vector_store %arg12[%swap3A_2817], %swap3A_2820 {strides = array<i32>} : memref<128xi32, #tpu.memory_space<vmem>>, vector<16xi32>,
    %shift_right_arithmetic3A_2821 = arith.constant 3 : i32
    %shift_right_arithmetic3A_2822 = vector.broadcast %shift_right_arithmetic3A_2821 : i32 to vector<16xi32>
    %shift_right_arithmetic3A_2823 = arith.shrsi %iota3A, %shift_right_arithmetic3A_2822 : vector<16xi32>
    %add3A_2824 = arith.constant 6 : i32
    %add3A_2825 = vector.broadcast %add3A_2824 : i32 to vector<16xi32>
    %add3A_2826 = arith.addi %add3A_2825, %shift_right_arithmetic3A_2823 : vector<16xi32>
    %and3A_2827 = arith.constant 7 : i32
    %and3A_2828 = vector.broadcast %and3A_2827 : i32 to vector<16xi32>
    %and3A_2829 = arith.andi %add3A_2826, %and3A_2828 : vector<16xi32>
    %add3A_2830 = arith.addi %select_n3A_2777, %and3A_2829 : vector<16xi32>
    %swap3A_2831 = arith.constant 48 : index
    %swap3A_2832 = tpu.vector_load %arg12[%swap3A_2831] {strides = array<i32>} : memref<128xi32, #tpu.memory_space<vmem>>, vector<16xi32>,
    %swap3A_2833 = vector.shape_cast %swap3A_2832 : vector<16xi32> to vector<16xi32>
    %swap3A_2834 = vector.shape_cast %add3A_2830 : vector<16xi32> to vector<16xi32>
    tpu.vector_store %arg12[%swap3A_2831], %swap3A_2834 {strides = array<i32>} : memref<128xi32, #tpu.memory_space<vmem>>, vector<16xi32>,
    %shift_right_arithmetic3A_2835 = arith.constant 3 : i32
    %shift_right_arithmetic3A_2836 = vector.broadcast %shift_right_arithmetic3A_2835 : i32 to vector<16xi32>
    %shift_right_arithmetic3A_2837 = arith.shrsi %iota3A, %shift_right_arithmetic3A_2836 : vector<16xi32>
    %add3A_2838 = arith.constant 8 : i32
    %add3A_2839 = vector.broadcast %add3A_2838 : i32 to vector<16xi32>
    %add3A_2840 = arith.addi %add3A_2839, %shift_right_arithmetic3A_2837 : vector<16xi32>
    %and3A_2841 = arith.constant 7 : i32
    %and3A_2842 = vector.broadcast %and3A_2841 : i32 to vector<16xi32>
    %and3A_2843 = arith.andi %add3A_2840, %and3A_2842 : vector<16xi32>
    %add3A_2844 = arith.addi %select_n3A_2778, %and3A_2843 : vector<16xi32>
    %swap3A_2845 = arith.constant 64 : index
    %swap3A_2846 = tpu.vector_load %arg12[%swap3A_2845] {strides = array<i32>} : memref<128xi32, #tpu.memory_space<vmem>>, vector<16xi32>,
    %swap3A_2847 = vector.shape_cast %swap3A_2846 : vector<16xi32> to vector<16xi32>
    %swap3A_2848 = vector.shape_cast %add3A_2844 : vector<16xi32> to vector<16xi32>
    tpu.vector_store %arg12[%swap3A_2845], %swap3A_2848 {strides = array<i32>} : memref<128xi32, #tpu.memory_space<vmem>>, vector<16xi32>,
    %shift_right_arithmetic3A_2849 = arith.constant 3 : i32
    %shift_right_arithmetic3A_2850 = vector.broadcast %shift_right_arithmetic3A_2849 : i32 to vector<16xi32>
    %shift_right_arithmetic3A_2851 = arith.shrsi %iota3A, %shift_right_arithmetic3A_2850 : vector<16xi32>
    %add3A_2852 = arith.constant 10 : i32
    %add3A_2853 = vector.broadcast %add3A_2852 : i32 to vector<16xi32>
    %add3A_2854 = arith.addi %add3A_2853, %shift_right_arithmetic3A_2851 : vector<16xi32>
    %and3A_2855 = arith.constant 7 : i32
    %and3A_2856 = vector.broadcast %and3A_2855 : i32 to vector<16xi32>
    %and3A_2857 = arith.andi %add3A_2854, %and3A_2856 : vector<16xi32>
    %add3A_2858 = arith.addi %select_n3A_2778, %and3A_2857 : vector<16xi32>
    %swap3A_2859 = arith.constant 80 : index
    %swap3A_2860 = tpu.vector_load %arg12[%swap3A_2859] {strides = array<i32>} : memref<128xi32, #tpu.memory_space<vmem>>, vector<16xi32>,
    %swap3A_2861 = vector.shape_cast %swap3A_2860 : vector<16xi32> to vector<16xi32>
    %swap3A_2862 = vector.shape_cast %add3A_2858 : vector<16xi32> to vector<16xi32>
    tpu.vector_store %arg12[%swap3A_2859], %swap3A_2862 {strides = array<i32>} : memref<128xi32, #tpu.memory_space<vmem>>, vector<16xi32>,
    %shift_right_arithmetic3A_2863 = arith.constant 3 : i32
    %shift_right_arithmetic3A_2864 = vector.broadcast %shift_right_arithmetic3A_2863 : i32 to vector<16xi32>
    %shift_right_arithmetic3A_2865 = arith.shrsi %iota3A, %shift_right_arithmetic3A_2864 : vector<16xi32>
    %add3A_2866 = arith.constant 12 : i32
    %add3A_2867 = vector.broadcast %add3A_2866 : i32 to vector<16xi32>
    %add3A_2868 = arith.addi %add3A_2867, %shift_right_arithmetic3A_2865 : vector<16xi32>
    %and3A_2869 = arith.constant 7 : i32
    %and3A_2870 = vector.broadcast %and3A_2869 : i32 to vector<16xi32>
    %and3A_2871 = arith.andi %add3A_2868, %and3A_2870 : vector<16xi32>
    %add3A_2872 = arith.addi %select_n3A_2778, %and3A_2871 : vector<16xi32>
    %swap3A_2873 = arith.constant 96 : index
    %swap3A_2874 = tpu.vector_load %arg12[%swap3A_2873] {strides = array<i32>} : memref<128xi32, #tpu.memory_space<vmem>>, vector<16xi32>,
    %swap3A_2875 = vector.shape_cast %swap3A_2874 : vector<16xi32> to vector<16xi32>
    %swap3A_2876 = vector.shape_cast %add3A_2872 : vector<16xi32> to vector<16xi32>
    tpu.vector_store %arg12[%swap3A_2873], %swap3A_2876 {strides = array<i32>} : memref<128xi32, #tpu.memory_space<vmem>>, vector<16xi32>,
    %shift_right_arithmetic3A_2877 = arith.constant 3 : i32
    %shift_right_arithmetic3A_2878 = vector.broadcast %shift_right_arithmetic3A_2877 : i32 to vector<16xi32>
    %shift_right_arithmetic3A_2879 = arith.shrsi %iota3A, %shift_right_arithmetic3A_2878 : vector<16xi32>
    %add3A_2880 = arith.constant 14 : i32
    %add3A_2881 = vector.broadcast %add3A_2880 : i32 to vector<16xi32>
    %add3A_2882 = arith.addi %add3A_2881, %shift_right_arithmetic3A_2879 : vector<16xi32>
    %and3A_2883 = arith.constant 7 : i32
    %and3A_2884 = vector.broadcast %and3A_2883 : i32 to vector<16xi32>
    %and3A_2885 = arith.andi %add3A_2882, %and3A_2884 : vector<16xi32>
    %add3A_2886 = arith.addi %select_n3A_2778, %and3A_2885 : vector<16xi32>
    %swap3A_2887 = arith.constant 112 : index
    %swap3A_2888 = tpu.vector_load %arg12[%swap3A_2887] {strides = array<i32>} : memref<128xi32, #tpu.memory_space<vmem>>, vector<16xi32>,
    %swap3A_2889 = vector.shape_cast %swap3A_2888 : vector<16xi32> to vector<16xi32>
    %swap3A_2890 = vector.shape_cast %add3A_2886 : vector<16xi32> to vector<16xi32>
    tpu.vector_store %arg12[%swap3A_2887], %swap3A_2890 {strides = array<i32>} : memref<128xi32, #tpu.memory_space<vmem>>, vector<16xi32>,
    %dma_start3A_2891 = arith.constant 0 : i32
    %dma_start3A_2892 = arith.constant 0 : i32
    %dma_start3A_2893 = tpu.memref_slice %arg6[%dma_start3A_2891, %dma_start3A_2892] : memref<128x128xf32, #tpu.memory_space<vmem>> -> memref<128x128xf32, #tpu.memory_space<vmem>>
    %dma_start3A_2894 = arith.constant 0 : i32
    %dma_start3A_2895 = tpu.memref_slice %arg12[%dma_start3A_2894] : memref<128xi32, #tpu.memory_space<vmem>> -> memref<128xi32, #tpu.memory_space<vmem>>
    %dma_start3A_2896 = arith.constant 0 : i32
    %dma_start3A_2897 = arith.constant 0 : i32
    %dma_start3A_2898 = tpu.memref_slice %arg2[%dma_start3A_2896, %dma_start3A_2897] : memref<32776x128xf32, #tpu.memory_space<hbm>> -> memref<32776x128xf32, #tpu.memory_space<hbm>>
    tpu.enqueue_indirect_dma source(%dma_start3A_2898 : memref<32776x128xf32, #tpu.memory_space<hbm>>) target(%dma_start3A_2893 : memref<128x128xf32, #tpu.memory_space<vmem>>) offsets(%dma_start3A_2895 : memref<128xi32, #tpu.memory_space<vmem>>) semaphore(%arg19 : memref<!tpu.dma_semaphore, #tpu.memory_space<semaphore_mem>>)
    %dma_wait3A_2899 = arith.constant 0 : i32
    %dma_wait3A_2900 = arith.constant 0 : i32
    %dma_wait3A_2901 = tpu.memref_slice %arg7[%dma_wait3A_2899, %dma_wait3A_2900] : memref<128x128xf32, #tpu.memory_space<vmem>> -> memref<128x128xf32, #tpu.memory_space<vmem>>
    %dma_wait3A_2902 = arith.constant 0 : i32
    %dma_wait3A_2903 = tpu.memref_slice %arg13[%dma_wait3A_2902] : memref<128xi32, #tpu.memory_space<vmem>> -> memref<128xi32, #tpu.memory_space<vmem>>
    %dma_wait3A_2904 = arith.constant 0 : i32
    %dma_wait3A_2905 = arith.constant 0 : i32
    %dma_wait3A_2906 = tpu.memref_slice %arg2[%dma_wait3A_2904, %dma_wait3A_2905] : memref<32776x128xf32, #tpu.memory_space<hbm>> -> memref<32776x128xf32, #tpu.memory_space<hbm>>
    tpu.wait_indirect_dma semaphore(%arg20 : memref<!tpu.dma_semaphore, #tpu.memory_space<semaphore_mem>>) src(%dma_wait3A_2906 : memref<32776x128xf32, #tpu.memory_space<hbm>>) dst(%dma_wait3A_2901 : memref<128x128xf32, #tpu.memory_space<vmem>>)
    %mul3A_2907 = arith.constant 8 : i32
    %mul3A_2908 = arith.muli %mul3A_2, %mul3A_2907 : i32
    %add3A_2909 = arith.constant 1664 : i32
    %add3A_2910 = arith.addi %mul3A_2908, %add3A_2909 : i32
    %dma_start3A_2911 = arith.constant 0 : i32
    %dma_start3A_2912 = tpu.memref_slice %arg4[%add3A_2910, %dma_start3A_2911] : memref<131072x128xf32, #tpu.memory_space<hbm>> -> memref<128x128xf32, #tpu.memory_space<hbm>>
    %dma_start3A_2913 = arith.constant 0 : i32
    %dma_start3A_2914 = tpu.memref_slice %arg4[%add3A_2910, %dma_start3A_2913] : memref<131072x128xf32, #tpu.memory_space<hbm>> -> memref<128x128xf32, #tpu.memory_space<hbm>>
    tpu.enqueue_dma source(%arg7 : memref<128x128xf32, #tpu.memory_space<vmem>>) target(%dma_start3A_2914 : memref<128x128xf32, #tpu.memory_space<hbm>>) target_semaphore(%arg26 : memref<!tpu.dma_semaphore, #tpu.memory_space<semaphore_mem>>)
    %dma_wait3A_2915 = arith.constant 0 : i32
    %dma_wait3A_2916 = tpu.memref_slice %arg4[%add3A_2910, %dma_wait3A_2915] : memref<131072x128xf32, #tpu.memory_space<hbm>> -> memref<128x128xf32, #tpu.memory_space<hbm>>
    %dma_wait3A_2917 = arith.constant 0 : i32
    %dma_wait3A_2918 = tpu.memref_slice %arg4[%add3A_2910, %dma_wait3A_2917] : memref<131072x128xf32, #tpu.memory_space<hbm>> -> memref<128x128xf32, #tpu.memory_space<hbm>>
    tpu.wait_dma2 semaphore(%arg26 : memref<!tpu.dma_semaphore, #tpu.memory_space<semaphore_mem>>) src(%arg7 : memref<128x128xf32, #tpu.memory_space<vmem>>) dst(%dma_wait3A_2918 : memref<128x128xf32, #tpu.memory_space<hbm>>)
    %get3A_2919 = arith.constant 304 : index
    %get3A_2920 = tpu.vector_load %arg5[%get3A_2919] {strides = array<i32>} : memref<512xi32, #tpu.memory_space<vmem>>, vector<16xi32>,
    %get3A_2921 = vector.shape_cast %get3A_2920 : vector<16xi32> to vector<16xi32>
    %mul3A_2922 = arith.constant 8 : i32
    %mul3A_2923 = vector.broadcast %mul3A_2922 : i32 to vector<16xi32>
    %mul3A_2924 = arith.muli %get3A_2921, %mul3A_2923 : vector<16xi32>
    %swap3A_2925 = arith.constant 0 : index
    %swap3A_2926 = tpu.vector_load %arg18[%swap3A_2925] {strides = array<i32>} : memref<32xi32, #tpu.memory_space<vmem>>, vector<16xi32>,
    %swap3A_2927 = vector.shape_cast %swap3A_2926 : vector<16xi32> to vector<16xi32>
    %swap3A_2928 = vector.shape_cast %mul3A_2924 : vector<16xi32> to vector<16xi32>
    tpu.vector_store %arg18[%swap3A_2925], %swap3A_2928 {strides = array<i32>} : memref<32xi32, #tpu.memory_space<vmem>>, vector<16xi32>,
    %swap3A_2929 = arith.constant 16 : index
    %swap3A_2930 = tpu.vector_load %arg18[%swap3A_2929] {strides = array<i32>} : memref<32xi32, #tpu.memory_space<vmem>>, vector<16xi32>,
    %swap3A_2931 = vector.shape_cast %swap3A_2930 : vector<16xi32> to vector<16xi32>
    %swap3A_2932 = vector.shape_cast %mul3A_2924 : vector<16xi32> to vector<16xi32>
    tpu.vector_store %arg18[%swap3A_2929], %swap3A_2932 {strides = array<i32>} : memref<32xi32, #tpu.memory_space<vmem>>, vector<16xi32>,
    %get3A_2933 = arith.constant 8 : index
    %get3A_2934 = tpu.vector_load %arg18[%get3A_2933] {strides = array<i32>} : memref<32xi32, #tpu.memory_space<vmem>>, vector<16xi32>,
    %get3A_2935 = vector.shape_cast %get3A_2934 : vector<16xi32> to vector<16xi32>
    %select_n3A_2936 = arith.select %lt3A_4, %mul3A_2924, %get3A_2935 : vector<16xi1>, vector<16xi32>
    %select_n3A_2937 = arith.select %lt3A_4, %get3A_2935, %mul3A_2924 : vector<16xi1>, vector<16xi32>
    %shift_right_arithmetic3A_2938 = arith.constant 3 : i32
    %shift_right_arithmetic3A_2939 = vector.broadcast %shift_right_arithmetic3A_2938 : i32 to vector<16xi32>
    %shift_right_arithmetic3A_2940 = arith.shrsi %iota3A, %shift_right_arithmetic3A_2939 : vector<16xi32>
    %add3A_2941 = arith.constant 0 : i32
    %add3A_2942 = vector.broadcast %add3A_2941 : i32 to vector<16xi32>
    %add3A_2943 = arith.addi %add3A_2942, %shift_right_arithmetic3A_2940 : vector<16xi32>
    %and3A_2944 = arith.constant 7 : i32
    %and3A_2945 = vector.broadcast %and3A_2944 : i32 to vector<16xi32>
    %and3A_2946 = arith.andi %add3A_2943, %and3A_2945 : vector<16xi32>
    %add3A_2947 = arith.addi %select_n3A_2936, %and3A_2946 : vector<16xi32>
    %swap3A_2948 = arith.constant 0 : index
    %swap3A_2949 = tpu.vector_load %arg13[%swap3A_2948] {strides = array<i32>} : memref<128xi32, #tpu.memory_space<vmem>>, vector<16xi32>,
    %swap3A_2950 = vector.shape_cast %swap3A_2949 : vector<16xi32> to vector<16xi32>
    %swap3A_2951 = vector.shape_cast %add3A_2947 : vector<16xi32> to vector<16xi32>
    tpu.vector_store %arg13[%swap3A_2948], %swap3A_2951 {strides = array<i32>} : memref<128xi32, #tpu.memory_space<vmem>>, vector<16xi32>,
    %shift_right_arithmetic3A_2952 = arith.constant 3 : i32
    %shift_right_arithmetic3A_2953 = vector.broadcast %shift_right_arithmetic3A_2952 : i32 to vector<16xi32>
    %shift_right_arithmetic3A_2954 = arith.shrsi %iota3A, %shift_right_arithmetic3A_2953 : vector<16xi32>
    %add3A_2955 = arith.constant 2 : i32
    %add3A_2956 = vector.broadcast %add3A_2955 : i32 to vector<16xi32>
    %add3A_2957 = arith.addi %add3A_2956, %shift_right_arithmetic3A_2954 : vector<16xi32>
    %and3A_2958 = arith.constant 7 : i32
    %and3A_2959 = vector.broadcast %and3A_2958 : i32 to vector<16xi32>
    %and3A_2960 = arith.andi %add3A_2957, %and3A_2959 : vector<16xi32>
    %add3A_2961 = arith.addi %select_n3A_2936, %and3A_2960 : vector<16xi32>
    %swap3A_2962 = arith.constant 16 : index
    %swap3A_2963 = tpu.vector_load %arg13[%swap3A_2962] {strides = array<i32>} : memref<128xi32, #tpu.memory_space<vmem>>, vector<16xi32>,
    %swap3A_2964 = vector.shape_cast %swap3A_2963 : vector<16xi32> to vector<16xi32>
    %swap3A_2965 = vector.shape_cast %add3A_2961 : vector<16xi32> to vector<16xi32>
    tpu.vector_store %arg13[%swap3A_2962], %swap3A_2965 {strides = array<i32>} : memref<128xi32, #tpu.memory_space<vmem>>, vector<16xi32>,
    %shift_right_arithmetic3A_2966 = arith.constant 3 : i32
    %shift_right_arithmetic3A_2967 = vector.broadcast %shift_right_arithmetic3A_2966 : i32 to vector<16xi32>
    %shift_right_arithmetic3A_2968 = arith.shrsi %iota3A, %shift_right_arithmetic3A_2967 : vector<16xi32>
    %add3A_2969 = arith.constant 4 : i32
    %add3A_2970 = vector.broadcast %add3A_2969 : i32 to vector<16xi32>
    %add3A_2971 = arith.addi %add3A_2970, %shift_right_arithmetic3A_2968 : vector<16xi32>
    %and3A_2972 = arith.constant 7 : i32
    %and3A_2973 = vector.broadcast %and3A_2972 : i32 to vector<16xi32>
    %and3A_2974 = arith.andi %add3A_2971, %and3A_2973 : vector<16xi32>
    %add3A_2975 = arith.addi %select_n3A_2936, %and3A_2974 : vector<16xi32>
    %swap3A_2976 = arith.constant 32 : index
    %swap3A_2977 = tpu.vector_load %arg13[%swap3A_2976] {strides = array<i32>} : memref<128xi32, #tpu.memory_space<vmem>>, vector<16xi32>,
    %swap3A_2978 = vector.shape_cast %swap3A_2977 : vector<16xi32> to vector<16xi32>
    %swap3A_2979 = vector.shape_cast %add3A_2975 : vector<16xi32> to vector<16xi32>
    tpu.vector_store %arg13[%swap3A_2976], %swap3A_2979 {strides = array<i32>} : memref<128xi32, #tpu.memory_space<vmem>>, vector<16xi32>,
    %shift_right_arithmetic3A_2980 = arith.constant 3 : i32
    %shift_right_arithmetic3A_2981 = vector.broadcast %shift_right_arithmetic3A_2980 : i32 to vector<16xi32>
    %shift_right_arithmetic3A_2982 = arith.shrsi %iota3A, %shift_right_arithmetic3A_2981 : vector<16xi32>
    %add3A_2983 = arith.constant 6 : i32
    %add3A_2984 = vector.broadcast %add3A_2983 : i32 to vector<16xi32>
    %add3A_2985 = arith.addi %add3A_2984, %shift_right_arithmetic3A_2982 : vector<16xi32>
    %and3A_2986 = arith.constant 7 : i32
    %and3A_2987 = vector.broadcast %and3A_2986 : i32 to vector<16xi32>
    %and3A_2988 = arith.andi %add3A_2985, %and3A_2987 : vector<16xi32>
    %add3A_2989 = arith.addi %select_n3A_2936, %and3A_2988 : vector<16xi32>
    %swap3A_2990 = arith.constant 48 : index
    %swap3A_2991 = tpu.vector_load %arg13[%swap3A_2990] {strides = array<i32>} : memref<128xi32, #tpu.memory_space<vmem>>, vector<16xi32>,
    %swap3A_2992 = vector.shape_cast %swap3A_2991 : vector<16xi32> to vector<16xi32>
    %swap3A_2993 = vector.shape_cast %add3A_2989 : vector<16xi32> to vector<16xi32>
    tpu.vector_store %arg13[%swap3A_2990], %swap3A_2993 {strides = array<i32>} : memref<128xi32, #tpu.memory_space<vmem>>, vector<16xi32>,
    %shift_right_arithmetic3A_2994 = arith.constant 3 : i32
    %shift_right_arithmetic3A_2995 = vector.broadcast %shift_right_arithmetic3A_2994 : i32 to vector<16xi32>
    %shift_right_arithmetic3A_2996 = arith.shrsi %iota3A, %shift_right_arithmetic3A_2995 : vector<16xi32>
    %add3A_2997 = arith.constant 8 : i32
    %add3A_2998 = vector.broadcast %add3A_2997 : i32 to vector<16xi32>
    %add3A_2999 = arith.addi %add3A_2998, %shift_right_arithmetic3A_2996 : vector<16xi32>
    %and3A_3000 = arith.constant 7 : i32
    %and3A_3001 = vector.broadcast %and3A_3000 : i32 to vector<16xi32>
    %and3A_3002 = arith.andi %add3A_2999, %and3A_3001 : vector<16xi32>
    %add3A_3003 = arith.addi %select_n3A_2937, %and3A_3002 : vector<16xi32>
    %swap3A_3004 = arith.constant 64 : index
    %swap3A_3005 = tpu.vector_load %arg13[%swap3A_3004] {strides = array<i32>} : memref<128xi32, #tpu.memory_space<vmem>>, vector<16xi32>,
    %swap3A_3006 = vector.shape_cast %swap3A_3005 : vector<16xi32> to vector<16xi32>
    %swap3A_3007 = vector.shape_cast %add3A_3003 : vector<16xi32> to vector<16xi32>
    tpu.vector_store %arg13[%swap3A_3004], %swap3A_3007 {strides = array<i32>} : memref<128xi32, #tpu.memory_space<vmem>>, vector<16xi32>,
    %shift_right_arithmetic3A_3008 = arith.constant 3 : i32
    %shift_right_arithmetic3A_3009 = vector.broadcast %shift_right_arithmetic3A_3008 : i32 to vector<16xi32>
    %shift_right_arithmetic3A_3010 = arith.shrsi %iota3A, %shift_right_arithmetic3A_3009 : vector<16xi32>
    %add3A_3011 = arith.constant 10 : i32
    %add3A_3012 = vector.broadcast %add3A_3011 : i32 to vector<16xi32>
    %add3A_3013 = arith.addi %add3A_3012, %shift_right_arithmetic3A_3010 : vector<16xi32>
    %and3A_3014 = arith.constant 7 : i32
    %and3A_3015 = vector.broadcast %and3A_3014 : i32 to vector<16xi32>
    %and3A_3016 = arith.andi %add3A_3013, %and3A_3015 : vector<16xi32>
    %add3A_3017 = arith.addi %select_n3A_2937, %and3A_3016 : vector<16xi32>
    %swap3A_3018 = arith.constant 80 : index
    %swap3A_3019 = tpu.vector_load %arg13[%swap3A_3018] {strides = array<i32>} : memref<128xi32, #tpu.memory_space<vmem>>, vector<16xi32>,
    %swap3A_3020 = vector.shape_cast %swap3A_3019 : vector<16xi32> to vector<16xi32>
    %swap3A_3021 = vector.shape_cast %add3A_3017 : vector<16xi32> to vector<16xi32>
    tpu.vector_store %arg13[%swap3A_3018], %swap3A_3021 {strides = array<i32>} : memref<128xi32, #tpu.memory_space<vmem>>, vector<16xi32>,
    %shift_right_arithmetic3A_3022 = arith.constant 3 : i32
    %shift_right_arithmetic3A_3023 = vector.broadcast %shift_right_arithmetic3A_3022 : i32 to vector<16xi32>
    %shift_right_arithmetic3A_3024 = arith.shrsi %iota3A, %shift_right_arithmetic3A_3023 : vector<16xi32>
    %add3A_3025 = arith.constant 12 : i32
    %add3A_3026 = vector.broadcast %add3A_3025 : i32 to vector<16xi32>
    %add3A_3027 = arith.addi %add3A_3026, %shift_right_arithmetic3A_3024 : vector<16xi32>
    %and3A_3028 = arith.constant 7 : i32
    %and3A_3029 = vector.broadcast %and3A_3028 : i32 to vector<16xi32>
    %and3A_3030 = arith.andi %add3A_3027, %and3A_3029 : vector<16xi32>
    %add3A_3031 = arith.addi %select_n3A_2937, %and3A_3030 : vector<16xi32>
    %swap3A_3032 = arith.constant 96 : index
    %swap3A_3033 = tpu.vector_load %arg13[%swap3A_3032] {strides = array<i32>} : memref<128xi32, #tpu.memory_space<vmem>>, vector<16xi32>,
    %swap3A_3034 = vector.shape_cast %swap3A_3033 : vector<16xi32> to vector<16xi32>
    %swap3A_3035 = vector.shape_cast %add3A_3031 : vector<16xi32> to vector<16xi32>
    tpu.vector_store %arg13[%swap3A_3032], %swap3A_3035 {strides = array<i32>} : memref<128xi32, #tpu.memory_space<vmem>>, vector<16xi32>,
    %shift_right_arithmetic3A_3036 = arith.constant 3 : i32
    %shift_right_arithmetic3A_3037 = vector.broadcast %shift_right_arithmetic3A_3036 : i32 to vector<16xi32>
    %shift_right_arithmetic3A_3038 = arith.shrsi %iota3A, %shift_right_arithmetic3A_3037 : vector<16xi32>
    %add3A_3039 = arith.constant 14 : i32
    %add3A_3040 = vector.broadcast %add3A_3039 : i32 to vector<16xi32>
    %add3A_3041 = arith.addi %add3A_3040, %shift_right_arithmetic3A_3038 : vector<16xi32>
    %and3A_3042 = arith.constant 7 : i32
    %and3A_3043 = vector.broadcast %and3A_3042 : i32 to vector<16xi32>
    %and3A_3044 = arith.andi %add3A_3041, %and3A_3043 : vector<16xi32>
    %add3A_3045 = arith.addi %select_n3A_2937, %and3A_3044 : vector<16xi32>
    %swap3A_3046 = arith.constant 112 : index
    %swap3A_3047 = tpu.vector_load %arg13[%swap3A_3046] {strides = array<i32>} : memref<128xi32, #tpu.memory_space<vmem>>, vector<16xi32>,
    %swap3A_3048 = vector.shape_cast %swap3A_3047 : vector<16xi32> to vector<16xi32>
    %swap3A_3049 = vector.shape_cast %add3A_3045 : vector<16xi32> to vector<16xi32>
    tpu.vector_store %arg13[%swap3A_3046], %swap3A_3049 {strides = array<i32>} : memref<128xi32, #tpu.memory_space<vmem>>, vector<16xi32>,
    %dma_start3A_3050 = arith.constant 0 : i32
    %dma_start3A_3051 = arith.constant 0 : i32
    %dma_start3A_3052 = tpu.memref_slice %arg7[%dma_start3A_3050, %dma_start3A_3051] : memref<128x128xf32, #tpu.memory_space<vmem>> -> memref<128x128xf32, #tpu.memory_space<vmem>>
    %dma_start3A_3053 = arith.constant 0 : i32
    %dma_start3A_3054 = tpu.memref_slice %arg13[%dma_start3A_3053] : memref<128xi32, #tpu.memory_space<vmem>> -> memref<128xi32, #tpu.memory_space<vmem>>
    %dma_start3A_3055 = arith.constant 0 : i32
    %dma_start3A_3056 = arith.constant 0 : i32
    %dma_start3A_3057 = tpu.memref_slice %arg2[%dma_start3A_3055, %dma_start3A_3056] : memref<32776x128xf32, #tpu.memory_space<hbm>> -> memref<32776x128xf32, #tpu.memory_space<hbm>>
    tpu.enqueue_indirect_dma source(%dma_start3A_3057 : memref<32776x128xf32, #tpu.memory_space<hbm>>) target(%dma_start3A_3052 : memref<128x128xf32, #tpu.memory_space<vmem>>) offsets(%dma_start3A_3054 : memref<128xi32, #tpu.memory_space<vmem>>) semaphore(%arg20 : memref<!tpu.dma_semaphore, #tpu.memory_space<semaphore_mem>>)
    %dma_wait3A_3058 = arith.constant 0 : i32
    %dma_wait3A_3059 = arith.constant 0 : i32
    %dma_wait3A_3060 = tpu.memref_slice %arg8[%dma_wait3A_3058, %dma_wait3A_3059] : memref<128x128xf32, #tpu.memory_space<vmem>> -> memref<128x128xf32, #tpu.memory_space<vmem>>
    %dma_wait3A_3061 = arith.constant 0 : i32
    %dma_wait3A_3062 = tpu.memref_slice %arg14[%dma_wait3A_3061] : memref<128xi32, #tpu.memory_space<vmem>> -> memref<128xi32, #tpu.memory_space<vmem>>
    %dma_wait3A_3063 = arith.constant 0 : i32
    %dma_wait3A_3064 = arith.constant 0 : i32
    %dma_wait3A_3065 = tpu.memref_slice %arg2[%dma_wait3A_3063, %dma_wait3A_3064] : memref<32776x128xf32, #tpu.memory_space<hbm>> -> memref<32776x128xf32, #tpu.memory_space<hbm>>
    tpu.wait_indirect_dma semaphore(%arg21 : memref<!tpu.dma_semaphore, #tpu.memory_space<semaphore_mem>>) src(%dma_wait3A_3065 : memref<32776x128xf32, #tpu.memory_space<hbm>>) dst(%dma_wait3A_3060 : memref<128x128xf32, #tpu.memory_space<vmem>>)
    %mul3A_3066 = arith.constant 8 : i32
    %mul3A_3067 = arith.muli %mul3A_2, %mul3A_3066 : i32
    %add3A_3068 = arith.constant 1792 : i32
    %add3A_3069 = arith.addi %mul3A_3067, %add3A_3068 : i32
    %dma_start3A_3070 = arith.constant 0 : i32
    %dma_start3A_3071 = tpu.memref_slice %arg4[%add3A_3069, %dma_start3A_3070] : memref<131072x128xf32, #tpu.memory_space<hbm>> -> memref<128x128xf32, #tpu.memory_space<hbm>>
    %dma_start3A_3072 = arith.constant 0 : i32
    %dma_start3A_3073 = tpu.memref_slice %arg4[%add3A_3069, %dma_start3A_3072] : memref<131072x128xf32, #tpu.memory_space<hbm>> -> memref<128x128xf32, #tpu.memory_space<hbm>>
    tpu.enqueue_dma source(%arg8 : memref<128x128xf32, #tpu.memory_space<vmem>>) target(%dma_start3A_3073 : memref<128x128xf32, #tpu.memory_space<hbm>>) target_semaphore(%arg27 : memref<!tpu.dma_semaphore, #tpu.memory_space<semaphore_mem>>)
    %dma_wait3A_3074 = arith.constant 0 : i32
    %dma_wait3A_3075 = tpu.memref_slice %arg4[%add3A_3069, %dma_wait3A_3074] : memref<131072x128xf32, #tpu.memory_space<hbm>> -> memref<128x128xf32, #tpu.memory_space<hbm>>
    %dma_wait3A_3076 = arith.constant 0 : i32
    %dma_wait3A_3077 = tpu.memref_slice %arg4[%add3A_3069, %dma_wait3A_3076] : memref<131072x128xf32, #tpu.memory_space<hbm>> -> memref<128x128xf32, #tpu.memory_space<hbm>>
    tpu.wait_dma2 semaphore(%arg27 : memref<!tpu.dma_semaphore, #tpu.memory_space<semaphore_mem>>) src(%arg8 : memref<128x128xf32, #tpu.memory_space<vmem>>) dst(%dma_wait3A_3077 : memref<128x128xf32, #tpu.memory_space<hbm>>)
    %get3A_3078 = arith.constant 320 : index
    %get3A_3079 = tpu.vector_load %arg5[%get3A_3078] {strides = array<i32>} : memref<512xi32, #tpu.memory_space<vmem>>, vector<16xi32>,
    %get3A_3080 = vector.shape_cast %get3A_3079 : vector<16xi32> to vector<16xi32>
    %mul3A_3081 = arith.constant 8 : i32
    %mul3A_3082 = vector.broadcast %mul3A_3081 : i32 to vector<16xi32>
    %mul3A_3083 = arith.muli %get3A_3080, %mul3A_3082 : vector<16xi32>
    %swap3A_3084 = arith.constant 0 : index
    %swap3A_3085 = tpu.vector_load %arg18[%swap3A_3084] {strides = array<i32>} : memref<32xi32, #tpu.memory_space<vmem>>, vector<16xi32>,
    %swap3A_3086 = vector.shape_cast %swap3A_3085 : vector<16xi32> to vector<16xi32>
    %swap3A_3087 = vector.shape_cast %mul3A_3083 : vector<16xi32> to vector<16xi32>
    tpu.vector_store %arg18[%swap3A_3084], %swap3A_3087 {strides = array<i32>} : memref<32xi32, #tpu.memory_space<vmem>>, vector<16xi32>,
    %swap3A_3088 = arith.constant 16 : index
    %swap3A_3089 = tpu.vector_load %arg18[%swap3A_3088] {strides = array<i32>} : memref<32xi32, #tpu.memory_space<vmem>>, vector<16xi32>,
    %swap3A_3090 = vector.shape_cast %swap3A_3089 : vector<16xi32> to vector<16xi32>
    %swap3A_3091 = vector.shape_cast %mul3A_3083 : vector<16xi32> to vector<16xi32>
    tpu.vector_store %arg18[%swap3A_3088], %swap3A_3091 {strides = array<i32>} : memref<32xi32, #tpu.memory_space<vmem>>, vector<16xi32>,
    %get3A_3092 = arith.constant 8 : index
    %get3A_3093 = tpu.vector_load %arg18[%get3A_3092] {strides = array<i32>} : memref<32xi32, #tpu.memory_space<vmem>>, vector<16xi32>,
    %get3A_3094 = vector.shape_cast %get3A_3093 : vector<16xi32> to vector<16xi32>
    %select_n3A_3095 = arith.select %lt3A_4, %mul3A_3083, %get3A_3094 : vector<16xi1>, vector<16xi32>
    %select_n3A_3096 = arith.select %lt3A_4, %get3A_3094, %mul3A_3083 : vector<16xi1>, vector<16xi32>
    %shift_right_arithmetic3A_3097 = arith.constant 3 : i32
    %shift_right_arithmetic3A_3098 = vector.broadcast %shift_right_arithmetic3A_3097 : i32 to vector<16xi32>
    %shift_right_arithmetic3A_3099 = arith.shrsi %iota3A, %shift_right_arithmetic3A_3098 : vector<16xi32>
    %add3A_3100 = arith.constant 0 : i32
    %add3A_3101 = vector.broadcast %add3A_3100 : i32 to vector<16xi32>
    %add3A_3102 = arith.addi %add3A_3101, %shift_right_arithmetic3A_3099 : vector<16xi32>
    %and3A_3103 = arith.constant 7 : i32
    %and3A_3104 = vector.broadcast %and3A_3103 : i32 to vector<16xi32>
    %and3A_3105 = arith.andi %add3A_3102, %and3A_3104 : vector<16xi32>
    %add3A_3106 = arith.addi %select_n3A_3095, %and3A_3105 : vector<16xi32>
    %swap3A_3107 = arith.constant 0 : index
    %swap3A_3108 = tpu.vector_load %arg14[%swap3A_3107] {strides = array<i32>} : memref<128xi32, #tpu.memory_space<vmem>>, vector<16xi32>,
    %swap3A_3109 = vector.shape_cast %swap3A_3108 : vector<16xi32> to vector<16xi32>
    %swap3A_3110 = vector.shape_cast %add3A_3106 : vector<16xi32> to vector<16xi32>
    tpu.vector_store %arg14[%swap3A_3107], %swap3A_3110 {strides = array<i32>} : memref<128xi32, #tpu.memory_space<vmem>>, vector<16xi32>,
    %shift_right_arithmetic3A_3111 = arith.constant 3 : i32
    %shift_right_arithmetic3A_3112 = vector.broadcast %shift_right_arithmetic3A_3111 : i32 to vector<16xi32>
    %shift_right_arithmetic3A_3113 = arith.shrsi %iota3A, %shift_right_arithmetic3A_3112 : vector<16xi32>
    %add3A_3114 = arith.constant 2 : i32
    %add3A_3115 = vector.broadcast %add3A_3114 : i32 to vector<16xi32>
    %add3A_3116 = arith.addi %add3A_3115, %shift_right_arithmetic3A_3113 : vector<16xi32>
    %and3A_3117 = arith.constant 7 : i32
    %and3A_3118 = vector.broadcast %and3A_3117 : i32 to vector<16xi32>
    %and3A_3119 = arith.andi %add3A_3116, %and3A_3118 : vector<16xi32>
    %add3A_3120 = arith.addi %select_n3A_3095, %and3A_3119 : vector<16xi32>
    %swap3A_3121 = arith.constant 16 : index
    %swap3A_3122 = tpu.vector_load %arg14[%swap3A_3121] {strides = array<i32>} : memref<128xi32, #tpu.memory_space<vmem>>, vector<16xi32>,
    %swap3A_3123 = vector.shape_cast %swap3A_3122 : vector<16xi32> to vector<16xi32>
    %swap3A_3124 = vector.shape_cast %add3A_3120 : vector<16xi32> to vector<16xi32>
    tpu.vector_store %arg14[%swap3A_3121], %swap3A_3124 {strides = array<i32>} : memref<128xi32, #tpu.memory_space<vmem>>, vector<16xi32>,
    %shift_right_arithmetic3A_3125 = arith.constant 3 : i32
    %shift_right_arithmetic3A_3126 = vector.broadcast %shift_right_arithmetic3A_3125 : i32 to vector<16xi32>
    %shift_right_arithmetic3A_3127 = arith.shrsi %iota3A, %shift_right_arithmetic3A_3126 : vector<16xi32>
    %add3A_3128 = arith.constant 4 : i32
    %add3A_3129 = vector.broadcast %add3A_3128 : i32 to vector<16xi32>
    %add3A_3130 = arith.addi %add3A_3129, %shift_right_arithmetic3A_3127 : vector<16xi32>
    %and3A_3131 = arith.constant 7 : i32
    %and3A_3132 = vector.broadcast %and3A_3131 : i32 to vector<16xi32>
    %and3A_3133 = arith.andi %add3A_3130, %and3A_3132 : vector<16xi32>
    %add3A_3134 = arith.addi %select_n3A_3095, %and3A_3133 : vector<16xi32>
    %swap3A_3135 = arith.constant 32 : index
    %swap3A_3136 = tpu.vector_load %arg14[%swap3A_3135] {strides = array<i32>} : memref<128xi32, #tpu.memory_space<vmem>>, vector<16xi32>,
    %swap3A_3137 = vector.shape_cast %swap3A_3136 : vector<16xi32> to vector<16xi32>
    %swap3A_3138 = vector.shape_cast %add3A_3134 : vector<16xi32> to vector<16xi32>
    tpu.vector_store %arg14[%swap3A_3135], %swap3A_3138 {strides = array<i32>} : memref<128xi32, #tpu.memory_space<vmem>>, vector<16xi32>,
    %shift_right_arithmetic3A_3139 = arith.constant 3 : i32
    %shift_right_arithmetic3A_3140 = vector.broadcast %shift_right_arithmetic3A_3139 : i32 to vector<16xi32>
    %shift_right_arithmetic3A_3141 = arith.shrsi %iota3A, %shift_right_arithmetic3A_3140 : vector<16xi32>
    %add3A_3142 = arith.constant 6 : i32
    %add3A_3143 = vector.broadcast %add3A_3142 : i32 to vector<16xi32>
    %add3A_3144 = arith.addi %add3A_3143, %shift_right_arithmetic3A_3141 : vector<16xi32>
    %and3A_3145 = arith.constant 7 : i32
    %and3A_3146 = vector.broadcast %and3A_3145 : i32 to vector<16xi32>
    %and3A_3147 = arith.andi %add3A_3144, %and3A_3146 : vector<16xi32>
    %add3A_3148 = arith.addi %select_n3A_3095, %and3A_3147 : vector<16xi32>
    %swap3A_3149 = arith.constant 48 : index
    %swap3A_3150 = tpu.vector_load %arg14[%swap3A_3149] {strides = array<i32>} : memref<128xi32, #tpu.memory_space<vmem>>, vector<16xi32>,
    %swap3A_3151 = vector.shape_cast %swap3A_3150 : vector<16xi32> to vector<16xi32>
    %swap3A_3152 = vector.shape_cast %add3A_3148 : vector<16xi32> to vector<16xi32>
    tpu.vector_store %arg14[%swap3A_3149], %swap3A_3152 {strides = array<i32>} : memref<128xi32, #tpu.memory_space<vmem>>, vector<16xi32>,
    %shift_right_arithmetic3A_3153 = arith.constant 3 : i32
    %shift_right_arithmetic3A_3154 = vector.broadcast %shift_right_arithmetic3A_3153 : i32 to vector<16xi32>
    %shift_right_arithmetic3A_3155 = arith.shrsi %iota3A, %shift_right_arithmetic3A_3154 : vector<16xi32>
    %add3A_3156 = arith.constant 8 : i32
    %add3A_3157 = vector.broadcast %add3A_3156 : i32 to vector<16xi32>
    %add3A_3158 = arith.addi %add3A_3157, %shift_right_arithmetic3A_3155 : vector<16xi32>
    %and3A_3159 = arith.constant 7 : i32
    %and3A_3160 = vector.broadcast %and3A_3159 : i32 to vector<16xi32>
    %and3A_3161 = arith.andi %add3A_3158, %and3A_3160 : vector<16xi32>
    %add3A_3162 = arith.addi %select_n3A_3096, %and3A_3161 : vector<16xi32>
    %swap3A_3163 = arith.constant 64 : index
    %swap3A_3164 = tpu.vector_load %arg14[%swap3A_3163] {strides = array<i32>} : memref<128xi32, #tpu.memory_space<vmem>>, vector<16xi32>,
    %swap3A_3165 = vector.shape_cast %swap3A_3164 : vector<16xi32> to vector<16xi32>
    %swap3A_3166 = vector.shape_cast %add3A_3162 : vector<16xi32> to vector<16xi32>
    tpu.vector_store %arg14[%swap3A_3163], %swap3A_3166 {strides = array<i32>} : memref<128xi32, #tpu.memory_space<vmem>>, vector<16xi32>,
    %shift_right_arithmetic3A_3167 = arith.constant 3 : i32
    %shift_right_arithmetic3A_3168 = vector.broadcast %shift_right_arithmetic3A_3167 : i32 to vector<16xi32>
    %shift_right_arithmetic3A_3169 = arith.shrsi %iota3A, %shift_right_arithmetic3A_3168 : vector<16xi32>
    %add3A_3170 = arith.constant 10 : i32
    %add3A_3171 = vector.broadcast %add3A_3170 : i32 to vector<16xi32>
    %add3A_3172 = arith.addi %add3A_3171, %shift_right_arithmetic3A_3169 : vector<16xi32>
    %and3A_3173 = arith.constant 7 : i32
    %and3A_3174 = vector.broadcast %and3A_3173 : i32 to vector<16xi32>
    %and3A_3175 = arith.andi %add3A_3172, %and3A_3174 : vector<16xi32>
    %add3A_3176 = arith.addi %select_n3A_3096, %and3A_3175 : vector<16xi32>
    %swap3A_3177 = arith.constant 80 : index
    %swap3A_3178 = tpu.vector_load %arg14[%swap3A_3177] {strides = array<i32>} : memref<128xi32, #tpu.memory_space<vmem>>, vector<16xi32>,
    %swap3A_3179 = vector.shape_cast %swap3A_3178 : vector<16xi32> to vector<16xi32>
    %swap3A_3180 = vector.shape_cast %add3A_3176 : vector<16xi32> to vector<16xi32>
    tpu.vector_store %arg14[%swap3A_3177], %swap3A_3180 {strides = array<i32>} : memref<128xi32, #tpu.memory_space<vmem>>, vector<16xi32>,
    %shift_right_arithmetic3A_3181 = arith.constant 3 : i32
    %shift_right_arithmetic3A_3182 = vector.broadcast %shift_right_arithmetic3A_3181 : i32 to vector<16xi32>
    %shift_right_arithmetic3A_3183 = arith.shrsi %iota3A, %shift_right_arithmetic3A_3182 : vector<16xi32>
    %add3A_3184 = arith.constant 12 : i32
    %add3A_3185 = vector.broadcast %add3A_3184 : i32 to vector<16xi32>
    %add3A_3186 = arith.addi %add3A_3185, %shift_right_arithmetic3A_3183 : vector<16xi32>
    %and3A_3187 = arith.constant 7 : i32
    %and3A_3188 = vector.broadcast %and3A_3187 : i32 to vector<16xi32>
    %and3A_3189 = arith.andi %add3A_3186, %and3A_3188 : vector<16xi32>
    %add3A_3190 = arith.addi %select_n3A_3096, %and3A_3189 : vector<16xi32>
    %swap3A_3191 = arith.constant 96 : index
    %swap3A_3192 = tpu.vector_load %arg14[%swap3A_3191] {strides = array<i32>} : memref<128xi32, #tpu.memory_space<vmem>>, vector<16xi32>,
    %swap3A_3193 = vector.shape_cast %swap3A_3192 : vector<16xi32> to vector<16xi32>
    %swap3A_3194 = vector.shape_cast %add3A_3190 : vector<16xi32> to vector<16xi32>
    tpu.vector_store %arg14[%swap3A_3191], %swap3A_3194 {strides = array<i32>} : memref<128xi32, #tpu.memory_space<vmem>>, vector<16xi32>,
    %shift_right_arithmetic3A_3195 = arith.constant 3 : i32
    %shift_right_arithmetic3A_3196 = vector.broadcast %shift_right_arithmetic3A_3195 : i32 to vector<16xi32>
    %shift_right_arithmetic3A_3197 = arith.shrsi %iota3A, %shift_right_arithmetic3A_3196 : vector<16xi32>
    %add3A_3198 = arith.constant 14 : i32
    %add3A_3199 = vector.broadcast %add3A_3198 : i32 to vector<16xi32>
    %add3A_3200 = arith.addi %add3A_3199, %shift_right_arithmetic3A_3197 : vector<16xi32>
    %and3A_3201 = arith.constant 7 : i32
    %and3A_3202 = vector.broadcast %and3A_3201 : i32 to vector<16xi32>
    %and3A_3203 = arith.andi %add3A_3200, %and3A_3202 : vector<16xi32>
    %add3A_3204 = arith.addi %select_n3A_3096, %and3A_3203 : vector<16xi32>
    %swap3A_3205 = arith.constant 112 : index
    %swap3A_3206 = tpu.vector_load %arg14[%swap3A_3205] {strides = array<i32>} : memref<128xi32, #tpu.memory_space<vmem>>, vector<16xi32>,
    %swap3A_3207 = vector.shape_cast %swap3A_3206 : vector<16xi32> to vector<16xi32>
    %swap3A_3208 = vector.shape_cast %add3A_3204 : vector<16xi32> to vector<16xi32>
    tpu.vector_store %arg14[%swap3A_3205], %swap3A_3208 {strides = array<i32>} : memref<128xi32, #tpu.memory_space<vmem>>, vector<16xi32>,
    %dma_start3A_3209 = arith.constant 0 : i32
    %dma_start3A_3210 = arith.constant 0 : i32
    %dma_start3A_3211 = tpu.memref_slice %arg8[%dma_start3A_3209, %dma_start3A_3210] : memref<128x128xf32, #tpu.memory_space<vmem>> -> memref<128x128xf32, #tpu.memory_space<vmem>>
    %dma_start3A_3212 = arith.constant 0 : i32
    %dma_start3A_3213 = tpu.memref_slice %arg14[%dma_start3A_3212] : memref<128xi32, #tpu.memory_space<vmem>> -> memref<128xi32, #tpu.memory_space<vmem>>
    %dma_start3A_3214 = arith.constant 0 : i32
    %dma_start3A_3215 = arith.constant 0 : i32
    %dma_start3A_3216 = tpu.memref_slice %arg2[%dma_start3A_3214, %dma_start3A_3215] : memref<32776x128xf32, #tpu.memory_space<hbm>> -> memref<32776x128xf32, #tpu.memory_space<hbm>>
    tpu.enqueue_indirect_dma source(%dma_start3A_3216 : memref<32776x128xf32, #tpu.memory_space<hbm>>) target(%dma_start3A_3211 : memref<128x128xf32, #tpu.memory_space<vmem>>) offsets(%dma_start3A_3213 : memref<128xi32, #tpu.memory_space<vmem>>) semaphore(%arg21 : memref<!tpu.dma_semaphore, #tpu.memory_space<semaphore_mem>>)
    %dma_wait3A_3217 = arith.constant 0 : i32
    %dma_wait3A_3218 = arith.constant 0 : i32
    %dma_wait3A_3219 = tpu.memref_slice %arg9[%dma_wait3A_3217, %dma_wait3A_3218] : memref<128x128xf32, #tpu.memory_space<vmem>> -> memref<128x128xf32, #tpu.memory_space<vmem>>
    %dma_wait3A_3220 = arith.constant 0 : i32
    %dma_wait3A_3221 = tpu.memref_slice %arg15[%dma_wait3A_3220] : memref<128xi32, #tpu.memory_space<vmem>> -> memref<128xi32, #tpu.memory_space<vmem>>
    %dma_wait3A_3222 = arith.constant 0 : i32
    %dma_wait3A_3223 = arith.constant 0 : i32
    %dma_wait3A_3224 = tpu.memref_slice %arg2[%dma_wait3A_3222, %dma_wait3A_3223] : memref<32776x128xf32, #tpu.memory_space<hbm>> -> memref<32776x128xf32, #tpu.memory_space<hbm>>
    tpu.wait_indirect_dma semaphore(%arg22 : memref<!tpu.dma_semaphore, #tpu.memory_space<semaphore_mem>>) src(%dma_wait3A_3224 : memref<32776x128xf32, #tpu.memory_space<hbm>>) dst(%dma_wait3A_3219 : memref<128x128xf32, #tpu.memory_space<vmem>>)
    %mul3A_3225 = arith.constant 8 : i32
    %mul3A_3226 = arith.muli %mul3A_2, %mul3A_3225 : i32
    %add3A_3227 = arith.constant 1920 : i32
    %add3A_3228 = arith.addi %mul3A_3226, %add3A_3227 : i32
    %dma_start3A_3229 = arith.constant 0 : i32
    %dma_start3A_3230 = tpu.memref_slice %arg4[%add3A_3228, %dma_start3A_3229] : memref<131072x128xf32, #tpu.memory_space<hbm>> -> memref<128x128xf32, #tpu.memory_space<hbm>>
    %dma_start3A_3231 = arith.constant 0 : i32
    %dma_start3A_3232 = tpu.memref_slice %arg4[%add3A_3228, %dma_start3A_3231] : memref<131072x128xf32, #tpu.memory_space<hbm>> -> memref<128x128xf32, #tpu.memory_space<hbm>>
    tpu.enqueue_dma source(%arg9 : memref<128x128xf32, #tpu.memory_space<vmem>>) target(%dma_start3A_3232 : memref<128x128xf32, #tpu.memory_space<hbm>>) target_semaphore(%arg28 : memref<!tpu.dma_semaphore, #tpu.memory_space<semaphore_mem>>)
    %dma_wait3A_3233 = arith.constant 0 : i32
    %dma_wait3A_3234 = tpu.memref_slice %arg4[%add3A_3228, %dma_wait3A_3233] : memref<131072x128xf32, #tpu.memory_space<hbm>> -> memref<128x128xf32, #tpu.memory_space<hbm>>
    %dma_wait3A_3235 = arith.constant 0 : i32
    %dma_wait3A_3236 = tpu.memref_slice %arg4[%add3A_3228, %dma_wait3A_3235] : memref<131072x128xf32, #tpu.memory_space<hbm>> -> memref<128x128xf32, #tpu.memory_space<hbm>>
    tpu.wait_dma2 semaphore(%arg28 : memref<!tpu.dma_semaphore, #tpu.memory_space<semaphore_mem>>) src(%arg9 : memref<128x128xf32, #tpu.memory_space<vmem>>) dst(%dma_wait3A_3236 : memref<128x128xf32, #tpu.memory_space<hbm>>)
    %get3A_3237 = arith.constant 336 : index
    %get3A_3238 = tpu.vector_load %arg5[%get3A_3237] {strides = array<i32>} : memref<512xi32, #tpu.memory_space<vmem>>, vector<16xi32>,
    %get3A_3239 = vector.shape_cast %get3A_3238 : vector<16xi32> to vector<16xi32>
    %mul3A_3240 = arith.constant 8 : i32
    %mul3A_3241 = vector.broadcast %mul3A_3240 : i32 to vector<16xi32>
    %mul3A_3242 = arith.muli %get3A_3239, %mul3A_3241 : vector<16xi32>
    %swap3A_3243 = arith.constant 0 : index
    %swap3A_3244 = tpu.vector_load %arg18[%swap3A_3243] {strides = array<i32>} : memref<32xi32, #tpu.memory_space<vmem>>, vector<16xi32>,
    %swap3A_3245 = vector.shape_cast %swap3A_3244 : vector<16xi32> to vector<16xi32>
    %swap3A_3246 = vector.shape_cast %mul3A_3242 : vector<16xi32> to vector<16xi32>
    tpu.vector_store %arg18[%swap3A_3243], %swap3A_3246 {strides = array<i32>} : memref<32xi32, #tpu.memory_space<vmem>>, vector<16xi32>,
    %swap3A_3247 = arith.constant 16 : index
    %swap3A_3248 = tpu.vector_load %arg18[%swap3A_3247] {strides = array<i32>} : memref<32xi32, #tpu.memory_space<vmem>>, vector<16xi32>,
    %swap3A_3249 = vector.shape_cast %swap3A_3248 : vector<16xi32> to vector<16xi32>
    %swap3A_3250 = vector.shape_cast %mul3A_3242 : vector<16xi32> to vector<16xi32>
    tpu.vector_store %arg18[%swap3A_3247], %swap3A_3250 {strides = array<i32>} : memref<32xi32, #tpu.memory_space<vmem>>, vector<16xi32>,
    %get3A_3251 = arith.constant 8 : index
    %get3A_3252 = tpu.vector_load %arg18[%get3A_3251] {strides = array<i32>} : memref<32xi32, #tpu.memory_space<vmem>>, vector<16xi32>,
    %get3A_3253 = vector.shape_cast %get3A_3252 : vector<16xi32> to vector<16xi32>
    %select_n3A_3254 = arith.select %lt3A_4, %mul3A_3242, %get3A_3253 : vector<16xi1>, vector<16xi32>
    %select_n3A_3255 = arith.select %lt3A_4, %get3A_3253, %mul3A_3242 : vector<16xi1>, vector<16xi32>
    %shift_right_arithmetic3A_3256 = arith.constant 3 : i32
    %shift_right_arithmetic3A_3257 = vector.broadcast %shift_right_arithmetic3A_3256 : i32 to vector<16xi32>
    %shift_right_arithmetic3A_3258 = arith.shrsi %iota3A, %shift_right_arithmetic3A_3257 : vector<16xi32>
    %add3A_3259 = arith.constant 0 : i32
    %add3A_3260 = vector.broadcast %add3A_3259 : i32 to vector<16xi32>
    %add3A_3261 = arith.addi %add3A_3260, %shift_right_arithmetic3A_3258 : vector<16xi32>
    %and3A_3262 = arith.constant 7 : i32
    %and3A_3263 = vector.broadcast %and3A_3262 : i32 to vector<16xi32>
    %and3A_3264 = arith.andi %add3A_3261, %and3A_3263 : vector<16xi32>
    %add3A_3265 = arith.addi %select_n3A_3254, %and3A_3264 : vector<16xi32>
    %swap3A_3266 = arith.constant 0 : index
    %swap3A_3267 = tpu.vector_load %arg15[%swap3A_3266] {strides = array<i32>} : memref<128xi32, #tpu.memory_space<vmem>>, vector<16xi32>,
    %swap3A_3268 = vector.shape_cast %swap3A_3267 : vector<16xi32> to vector<16xi32>
    %swap3A_3269 = vector.shape_cast %add3A_3265 : vector<16xi32> to vector<16xi32>
    tpu.vector_store %arg15[%swap3A_3266], %swap3A_3269 {strides = array<i32>} : memref<128xi32, #tpu.memory_space<vmem>>, vector<16xi32>,
    %shift_right_arithmetic3A_3270 = arith.constant 3 : i32
    %shift_right_arithmetic3A_3271 = vector.broadcast %shift_right_arithmetic3A_3270 : i32 to vector<16xi32>
    %shift_right_arithmetic3A_3272 = arith.shrsi %iota3A, %shift_right_arithmetic3A_3271 : vector<16xi32>
    %add3A_3273 = arith.constant 2 : i32
    %add3A_3274 = vector.broadcast %add3A_3273 : i32 to vector<16xi32>
    %add3A_3275 = arith.addi %add3A_3274, %shift_right_arithmetic3A_3272 : vector<16xi32>
    %and3A_3276 = arith.constant 7 : i32
    %and3A_3277 = vector.broadcast %and3A_3276 : i32 to vector<16xi32>
    %and3A_3278 = arith.andi %add3A_3275, %and3A_3277 : vector<16xi32>
    %add3A_3279 = arith.addi %select_n3A_3254, %and3A_3278 : vector<16xi32>
    %swap3A_3280 = arith.constant 16 : index
    %swap3A_3281 = tpu.vector_load %arg15[%swap3A_3280] {strides = array<i32>} : memref<128xi32, #tpu.memory_space<vmem>>, vector<16xi32>,
    %swap3A_3282 = vector.shape_cast %swap3A_3281 : vector<16xi32> to vector<16xi32>
    %swap3A_3283 = vector.shape_cast %add3A_3279 : vector<16xi32> to vector<16xi32>
    tpu.vector_store %arg15[%swap3A_3280], %swap3A_3283 {strides = array<i32>} : memref<128xi32, #tpu.memory_space<vmem>>, vector<16xi32>,
    %shift_right_arithmetic3A_3284 = arith.constant 3 : i32
    %shift_right_arithmetic3A_3285 = vector.broadcast %shift_right_arithmetic3A_3284 : i32 to vector<16xi32>
    %shift_right_arithmetic3A_3286 = arith.shrsi %iota3A, %shift_right_arithmetic3A_3285 : vector<16xi32>
    %add3A_3287 = arith.constant 4 : i32
    %add3A_3288 = vector.broadcast %add3A_3287 : i32 to vector<16xi32>
    %add3A_3289 = arith.addi %add3A_3288, %shift_right_arithmetic3A_3286 : vector<16xi32>
    %and3A_3290 = arith.constant 7 : i32
    %and3A_3291 = vector.broadcast %and3A_3290 : i32 to vector<16xi32>
    %and3A_3292 = arith.andi %add3A_3289, %and3A_3291 : vector<16xi32>
    %add3A_3293 = arith.addi %select_n3A_3254, %and3A_3292 : vector<16xi32>
    %swap3A_3294 = arith.constant 32 : index
    %swap3A_3295 = tpu.vector_load %arg15[%swap3A_3294] {strides = array<i32>} : memref<128xi32, #tpu.memory_space<vmem>>, vector<16xi32>,
    %swap3A_3296 = vector.shape_cast %swap3A_3295 : vector<16xi32> to vector<16xi32>
    %swap3A_3297 = vector.shape_cast %add3A_3293 : vector<16xi32> to vector<16xi32>
    tpu.vector_store %arg15[%swap3A_3294], %swap3A_3297 {strides = array<i32>} : memref<128xi32, #tpu.memory_space<vmem>>, vector<16xi32>,
    %shift_right_arithmetic3A_3298 = arith.constant 3 : i32
    %shift_right_arithmetic3A_3299 = vector.broadcast %shift_right_arithmetic3A_3298 : i32 to vector<16xi32>
    %shift_right_arithmetic3A_3300 = arith.shrsi %iota3A, %shift_right_arithmetic3A_3299 : vector<16xi32>
    %add3A_3301 = arith.constant 6 : i32
    %add3A_3302 = vector.broadcast %add3A_3301 : i32 to vector<16xi32>
    %add3A_3303 = arith.addi %add3A_3302, %shift_right_arithmetic3A_3300 : vector<16xi32>
    %and3A_3304 = arith.constant 7 : i32
    %and3A_3305 = vector.broadcast %and3A_3304 : i32 to vector<16xi32>
    %and3A_3306 = arith.andi %add3A_3303, %and3A_3305 : vector<16xi32>
    %add3A_3307 = arith.addi %select_n3A_3254, %and3A_3306 : vector<16xi32>
    %swap3A_3308 = arith.constant 48 : index
    %swap3A_3309 = tpu.vector_load %arg15[%swap3A_3308] {strides = array<i32>} : memref<128xi32, #tpu.memory_space<vmem>>, vector<16xi32>,
    %swap3A_3310 = vector.shape_cast %swap3A_3309 : vector<16xi32> to vector<16xi32>
    %swap3A_3311 = vector.shape_cast %add3A_3307 : vector<16xi32> to vector<16xi32>
    tpu.vector_store %arg15[%swap3A_3308], %swap3A_3311 {strides = array<i32>} : memref<128xi32, #tpu.memory_space<vmem>>, vector<16xi32>,
    %shift_right_arithmetic3A_3312 = arith.constant 3 : i32
    %shift_right_arithmetic3A_3313 = vector.broadcast %shift_right_arithmetic3A_3312 : i32 to vector<16xi32>
    %shift_right_arithmetic3A_3314 = arith.shrsi %iota3A, %shift_right_arithmetic3A_3313 : vector<16xi32>
    %add3A_3315 = arith.constant 8 : i32
    %add3A_3316 = vector.broadcast %add3A_3315 : i32 to vector<16xi32>
    %add3A_3317 = arith.addi %add3A_3316, %shift_right_arithmetic3A_3314 : vector<16xi32>
    %and3A_3318 = arith.constant 7 : i32
    %and3A_3319 = vector.broadcast %and3A_3318 : i32 to vector<16xi32>
    %and3A_3320 = arith.andi %add3A_3317, %and3A_3319 : vector<16xi32>
    %add3A_3321 = arith.addi %select_n3A_3255, %and3A_3320 : vector<16xi32>
    %swap3A_3322 = arith.constant 64 : index
    %swap3A_3323 = tpu.vector_load %arg15[%swap3A_3322] {strides = array<i32>} : memref<128xi32, #tpu.memory_space<vmem>>, vector<16xi32>,
    %swap3A_3324 = vector.shape_cast %swap3A_3323 : vector<16xi32> to vector<16xi32>
    %swap3A_3325 = vector.shape_cast %add3A_3321 : vector<16xi32> to vector<16xi32>
    tpu.vector_store %arg15[%swap3A_3322], %swap3A_3325 {strides = array<i32>} : memref<128xi32, #tpu.memory_space<vmem>>, vector<16xi32>,
    %shift_right_arithmetic3A_3326 = arith.constant 3 : i32
    %shift_right_arithmetic3A_3327 = vector.broadcast %shift_right_arithmetic3A_3326 : i32 to vector<16xi32>
    %shift_right_arithmetic3A_3328 = arith.shrsi %iota3A, %shift_right_arithmetic3A_3327 : vector<16xi32>
    %add3A_3329 = arith.constant 10 : i32
    %add3A_3330 = vector.broadcast %add3A_3329 : i32 to vector<16xi32>
    %add3A_3331 = arith.addi %add3A_3330, %shift_right_arithmetic3A_3328 : vector<16xi32>
    %and3A_3332 = arith.constant 7 : i32
    %and3A_3333 = vector.broadcast %and3A_3332 : i32 to vector<16xi32>
    %and3A_3334 = arith.andi %add3A_3331, %and3A_3333 : vector<16xi32>
    %add3A_3335 = arith.addi %select_n3A_3255, %and3A_3334 : vector<16xi32>
    %swap3A_3336 = arith.constant 80 : index
    %swap3A_3337 = tpu.vector_load %arg15[%swap3A_3336] {strides = array<i32>} : memref<128xi32, #tpu.memory_space<vmem>>, vector<16xi32>,
    %swap3A_3338 = vector.shape_cast %swap3A_3337 : vector<16xi32> to vector<16xi32>
    %swap3A_3339 = vector.shape_cast %add3A_3335 : vector<16xi32> to vector<16xi32>
    tpu.vector_store %arg15[%swap3A_3336], %swap3A_3339 {strides = array<i32>} : memref<128xi32, #tpu.memory_space<vmem>>, vector<16xi32>,
    %shift_right_arithmetic3A_3340 = arith.constant 3 : i32
    %shift_right_arithmetic3A_3341 = vector.broadcast %shift_right_arithmetic3A_3340 : i32 to vector<16xi32>
    %shift_right_arithmetic3A_3342 = arith.shrsi %iota3A, %shift_right_arithmetic3A_3341 : vector<16xi32>
    %add3A_3343 = arith.constant 12 : i32
    %add3A_3344 = vector.broadcast %add3A_3343 : i32 to vector<16xi32>
    %add3A_3345 = arith.addi %add3A_3344, %shift_right_arithmetic3A_3342 : vector<16xi32>
    %and3A_3346 = arith.constant 7 : i32
    %and3A_3347 = vector.broadcast %and3A_3346 : i32 to vector<16xi32>
    %and3A_3348 = arith.andi %add3A_3345, %and3A_3347 : vector<16xi32>
    %add3A_3349 = arith.addi %select_n3A_3255, %and3A_3348 : vector<16xi32>
    %swap3A_3350 = arith.constant 96 : index
    %swap3A_3351 = tpu.vector_load %arg15[%swap3A_3350] {strides = array<i32>} : memref<128xi32, #tpu.memory_space<vmem>>, vector<16xi32>,
    %swap3A_3352 = vector.shape_cast %swap3A_3351 : vector<16xi32> to vector<16xi32>
    %swap3A_3353 = vector.shape_cast %add3A_3349 : vector<16xi32> to vector<16xi32>
    tpu.vector_store %arg15[%swap3A_3350], %swap3A_3353 {strides = array<i32>} : memref<128xi32, #tpu.memory_space<vmem>>, vector<16xi32>,
    %shift_right_arithmetic3A_3354 = arith.constant 3 : i32
    %shift_right_arithmetic3A_3355 = vector.broadcast %shift_right_arithmetic3A_3354 : i32 to vector<16xi32>
    %shift_right_arithmetic3A_3356 = arith.shrsi %iota3A, %shift_right_arithmetic3A_3355 : vector<16xi32>
    %add3A_3357 = arith.constant 14 : i32
    %add3A_3358 = vector.broadcast %add3A_3357 : i32 to vector<16xi32>
    %add3A_3359 = arith.addi %add3A_3358, %shift_right_arithmetic3A_3356 : vector<16xi32>
    %and3A_3360 = arith.constant 7 : i32
    %and3A_3361 = vector.broadcast %and3A_3360 : i32 to vector<16xi32>
    %and3A_3362 = arith.andi %add3A_3359, %and3A_3361 : vector<16xi32>
    %add3A_3363 = arith.addi %select_n3A_3255, %and3A_3362 : vector<16xi32>
    %swap3A_3364 = arith.constant 112 : index
    %swap3A_3365 = tpu.vector_load %arg15[%swap3A_3364] {strides = array<i32>} : memref<128xi32, #tpu.memory_space<vmem>>, vector<16xi32>,
    %swap3A_3366 = vector.shape_cast %swap3A_3365 : vector<16xi32> to vector<16xi32>
    %swap3A_3367 = vector.shape_cast %add3A_3363 : vector<16xi32> to vector<16xi32>
    tpu.vector_store %arg15[%swap3A_3364], %swap3A_3367 {strides = array<i32>} : memref<128xi32, #tpu.memory_space<vmem>>, vector<16xi32>,
    %dma_start3A_3368 = arith.constant 0 : i32
    %dma_start3A_3369 = arith.constant 0 : i32
    %dma_start3A_3370 = tpu.memref_slice %arg9[%dma_start3A_3368, %dma_start3A_3369] : memref<128x128xf32, #tpu.memory_space<vmem>> -> memref<128x128xf32, #tpu.memory_space<vmem>>
    %dma_start3A_3371 = arith.constant 0 : i32
    %dma_start3A_3372 = tpu.memref_slice %arg15[%dma_start3A_3371] : memref<128xi32, #tpu.memory_space<vmem>> -> memref<128xi32, #tpu.memory_space<vmem>>
    %dma_start3A_3373 = arith.constant 0 : i32
    %dma_start3A_3374 = arith.constant 0 : i32
    %dma_start3A_3375 = tpu.memref_slice %arg2[%dma_start3A_3373, %dma_start3A_3374] : memref<32776x128xf32, #tpu.memory_space<hbm>> -> memref<32776x128xf32, #tpu.memory_space<hbm>>
    tpu.enqueue_indirect_dma source(%dma_start3A_3375 : memref<32776x128xf32, #tpu.memory_space<hbm>>) target(%dma_start3A_3370 : memref<128x128xf32, #tpu.memory_space<vmem>>) offsets(%dma_start3A_3372 : memref<128xi32, #tpu.memory_space<vmem>>) semaphore(%arg22 : memref<!tpu.dma_semaphore, #tpu.memory_space<semaphore_mem>>)
    %dma_wait3A_3376 = arith.constant 0 : i32
    %dma_wait3A_3377 = arith.constant 0 : i32
    %dma_wait3A_3378 = tpu.memref_slice %arg10[%dma_wait3A_3376, %dma_wait3A_3377] : memref<128x128xf32, #tpu.memory_space<vmem>> -> memref<128x128xf32, #tpu.memory_space<vmem>>
    %dma_wait3A_3379 = arith.constant 0 : i32
    %dma_wait3A_3380 = tpu.memref_slice %arg16[%dma_wait3A_3379] : memref<128xi32, #tpu.memory_space<vmem>> -> memref<128xi32, #tpu.memory_space<vmem>>
    %dma_wait3A_3381 = arith.constant 0 : i32
    %dma_wait3A_3382 = arith.constant 0 : i32
    %dma_wait3A_3383 = tpu.memref_slice %arg2[%dma_wait3A_3381, %dma_wait3A_3382] : memref<32776x128xf32, #tpu.memory_space<hbm>> -> memref<32776x128xf32, #tpu.memory_space<hbm>>
    tpu.wait_indirect_dma semaphore(%arg23 : memref<!tpu.dma_semaphore, #tpu.memory_space<semaphore_mem>>) src(%dma_wait3A_3383 : memref<32776x128xf32, #tpu.memory_space<hbm>>) dst(%dma_wait3A_3378 : memref<128x128xf32, #tpu.memory_space<vmem>>)
    %mul3A_3384 = arith.constant 8 : i32
    %mul3A_3385 = arith.muli %mul3A_2, %mul3A_3384 : i32
    %add3A_3386 = arith.constant 2048 : i32
    %add3A_3387 = arith.addi %mul3A_3385, %add3A_3386 : i32
    %dma_start3A_3388 = arith.constant 0 : i32
    %dma_start3A_3389 = tpu.memref_slice %arg4[%add3A_3387, %dma_start3A_3388] : memref<131072x128xf32, #tpu.memory_space<hbm>> -> memref<128x128xf32, #tpu.memory_space<hbm>>
    %dma_start3A_3390 = arith.constant 0 : i32
    %dma_start3A_3391 = tpu.memref_slice %arg4[%add3A_3387, %dma_start3A_3390] : memref<131072x128xf32, #tpu.memory_space<hbm>> -> memref<128x128xf32, #tpu.memory_space<hbm>>
    tpu.enqueue_dma source(%arg10 : memref<128x128xf32, #tpu.memory_space<vmem>>) target(%dma_start3A_3391 : memref<128x128xf32, #tpu.memory_space<hbm>>) target_semaphore(%arg29 : memref<!tpu.dma_semaphore, #tpu.memory_space<semaphore_mem>>)
    %dma_wait3A_3392 = arith.constant 0 : i32
    %dma_wait3A_3393 = tpu.memref_slice %arg4[%add3A_3387, %dma_wait3A_3392] : memref<131072x128xf32, #tpu.memory_space<hbm>> -> memref<128x128xf32, #tpu.memory_space<hbm>>
    %dma_wait3A_3394 = arith.constant 0 : i32
    %dma_wait3A_3395 = tpu.memref_slice %arg4[%add3A_3387, %dma_wait3A_3394] : memref<131072x128xf32, #tpu.memory_space<hbm>> -> memref<128x128xf32, #tpu.memory_space<hbm>>
    tpu.wait_dma2 semaphore(%arg29 : memref<!tpu.dma_semaphore, #tpu.memory_space<semaphore_mem>>) src(%arg10 : memref<128x128xf32, #tpu.memory_space<vmem>>) dst(%dma_wait3A_3395 : memref<128x128xf32, #tpu.memory_space<hbm>>)
    %get3A_3396 = arith.constant 352 : index
    %get3A_3397 = tpu.vector_load %arg5[%get3A_3396] {strides = array<i32>} : memref<512xi32, #tpu.memory_space<vmem>>, vector<16xi32>,
    %get3A_3398 = vector.shape_cast %get3A_3397 : vector<16xi32> to vector<16xi32>
    %mul3A_3399 = arith.constant 8 : i32
    %mul3A_3400 = vector.broadcast %mul3A_3399 : i32 to vector<16xi32>
    %mul3A_3401 = arith.muli %get3A_3398, %mul3A_3400 : vector<16xi32>
    %swap3A_3402 = arith.constant 0 : index
    %swap3A_3403 = tpu.vector_load %arg18[%swap3A_3402] {strides = array<i32>} : memref<32xi32, #tpu.memory_space<vmem>>, vector<16xi32>,
    %swap3A_3404 = vector.shape_cast %swap3A_3403 : vector<16xi32> to vector<16xi32>
    %swap3A_3405 = vector.shape_cast %mul3A_3401 : vector<16xi32> to vector<16xi32>
    tpu.vector_store %arg18[%swap3A_3402], %swap3A_3405 {strides = array<i32>} : memref<32xi32, #tpu.memory_space<vmem>>, vector<16xi32>,
    %swap3A_3406 = arith.constant 16 : index
    %swap3A_3407 = tpu.vector_load %arg18[%swap3A_3406] {strides = array<i32>} : memref<32xi32, #tpu.memory_space<vmem>>, vector<16xi32>,
    %swap3A_3408 = vector.shape_cast %swap3A_3407 : vector<16xi32> to vector<16xi32>
    %swap3A_3409 = vector.shape_cast %mul3A_3401 : vector<16xi32> to vector<16xi32>
    tpu.vector_store %arg18[%swap3A_3406], %swap3A_3409 {strides = array<i32>} : memref<32xi32, #tpu.memory_space<vmem>>, vector<16xi32>,
    %get3A_3410 = arith.constant 8 : index
    %get3A_3411 = tpu.vector_load %arg18[%get3A_3410] {strides = array<i32>} : memref<32xi32, #tpu.memory_space<vmem>>, vector<16xi32>,
    %get3A_3412 = vector.shape_cast %get3A_3411 : vector<16xi32> to vector<16xi32>
    %select_n3A_3413 = arith.select %lt3A_4, %mul3A_3401, %get3A_3412 : vector<16xi1>, vector<16xi32>
    %select_n3A_3414 = arith.select %lt3A_4, %get3A_3412, %mul3A_3401 : vector<16xi1>, vector<16xi32>
    %shift_right_arithmetic3A_3415 = arith.constant 3 : i32
    %shift_right_arithmetic3A_3416 = vector.broadcast %shift_right_arithmetic3A_3415 : i32 to vector<16xi32>
    %shift_right_arithmetic3A_3417 = arith.shrsi %iota3A, %shift_right_arithmetic3A_3416 : vector<16xi32>
    %add3A_3418 = arith.constant 0 : i32
    %add3A_3419 = vector.broadcast %add3A_3418 : i32 to vector<16xi32>
    %add3A_3420 = arith.addi %add3A_3419, %shift_right_arithmetic3A_3417 : vector<16xi32>
    %and3A_3421 = arith.constant 7 : i32
    %and3A_3422 = vector.broadcast %and3A_3421 : i32 to vector<16xi32>
    %and3A_3423 = arith.andi %add3A_3420, %and3A_3422 : vector<16xi32>
    %add3A_3424 = arith.addi %select_n3A_3413, %and3A_3423 : vector<16xi32>
    %swap3A_3425 = arith.constant 0 : index
    %swap3A_3426 = tpu.vector_load %arg16[%swap3A_3425] {strides = array<i32>} : memref<128xi32, #tpu.memory_space<vmem>>, vector<16xi32>,
    %swap3A_3427 = vector.shape_cast %swap3A_3426 : vector<16xi32> to vector<16xi32>
    %swap3A_3428 = vector.shape_cast %add3A_3424 : vector<16xi32> to vector<16xi32>
    tpu.vector_store %arg16[%swap3A_3425], %swap3A_3428 {strides = array<i32>} : memref<128xi32, #tpu.memory_space<vmem>>, vector<16xi32>,
    %shift_right_arithmetic3A_3429 = arith.constant 3 : i32
    %shift_right_arithmetic3A_3430 = vector.broadcast %shift_right_arithmetic3A_3429 : i32 to vector<16xi32>
    %shift_right_arithmetic3A_3431 = arith.shrsi %iota3A, %shift_right_arithmetic3A_3430 : vector<16xi32>
    %add3A_3432 = arith.constant 2 : i32
    %add3A_3433 = vector.broadcast %add3A_3432 : i32 to vector<16xi32>
    %add3A_3434 = arith.addi %add3A_3433, %shift_right_arithmetic3A_3431 : vector<16xi32>
    %and3A_3435 = arith.constant 7 : i32
    %and3A_3436 = vector.broadcast %and3A_3435 : i32 to vector<16xi32>
    %and3A_3437 = arith.andi %add3A_3434, %and3A_3436 : vector<16xi32>
    %add3A_3438 = arith.addi %select_n3A_3413, %and3A_3437 : vector<16xi32>
    %swap3A_3439 = arith.constant 16 : index
    %swap3A_3440 = tpu.vector_load %arg16[%swap3A_3439] {strides = array<i32>} : memref<128xi32, #tpu.memory_space<vmem>>, vector<16xi32>,
    %swap3A_3441 = vector.shape_cast %swap3A_3440 : vector<16xi32> to vector<16xi32>
    %swap3A_3442 = vector.shape_cast %add3A_3438 : vector<16xi32> to vector<16xi32>
    tpu.vector_store %arg16[%swap3A_3439], %swap3A_3442 {strides = array<i32>} : memref<128xi32, #tpu.memory_space<vmem>>, vector<16xi32>,
    %shift_right_arithmetic3A_3443 = arith.constant 3 : i32
    %shift_right_arithmetic3A_3444 = vector.broadcast %shift_right_arithmetic3A_3443 : i32 to vector<16xi32>
    %shift_right_arithmetic3A_3445 = arith.shrsi %iota3A, %shift_right_arithmetic3A_3444 : vector<16xi32>
    %add3A_3446 = arith.constant 4 : i32
    %add3A_3447 = vector.broadcast %add3A_3446 : i32 to vector<16xi32>
    %add3A_3448 = arith.addi %add3A_3447, %shift_right_arithmetic3A_3445 : vector<16xi32>
    %and3A_3449 = arith.constant 7 : i32
    %and3A_3450 = vector.broadcast %and3A_3449 : i32 to vector<16xi32>
    %and3A_3451 = arith.andi %add3A_3448, %and3A_3450 : vector<16xi32>
    %add3A_3452 = arith.addi %select_n3A_3413, %and3A_3451 : vector<16xi32>
    %swap3A_3453 = arith.constant 32 : index
    %swap3A_3454 = tpu.vector_load %arg16[%swap3A_3453] {strides = array<i32>} : memref<128xi32, #tpu.memory_space<vmem>>, vector<16xi32>,
    %swap3A_3455 = vector.shape_cast %swap3A_3454 : vector<16xi32> to vector<16xi32>
    %swap3A_3456 = vector.shape_cast %add3A_3452 : vector<16xi32> to vector<16xi32>
    tpu.vector_store %arg16[%swap3A_3453], %swap3A_3456 {strides = array<i32>} : memref<128xi32, #tpu.memory_space<vmem>>, vector<16xi32>,
    %shift_right_arithmetic3A_3457 = arith.constant 3 : i32
    %shift_right_arithmetic3A_3458 = vector.broadcast %shift_right_arithmetic3A_3457 : i32 to vector<16xi32>
    %shift_right_arithmetic3A_3459 = arith.shrsi %iota3A, %shift_right_arithmetic3A_3458 : vector<16xi32>
    %add3A_3460 = arith.constant 6 : i32
    %add3A_3461 = vector.broadcast %add3A_3460 : i32 to vector<16xi32>
    %add3A_3462 = arith.addi %add3A_3461, %shift_right_arithmetic3A_3459 : vector<16xi32>
    %and3A_3463 = arith.constant 7 : i32
    %and3A_3464 = vector.broadcast %and3A_3463 : i32 to vector<16xi32>
    %and3A_3465 = arith.andi %add3A_3462, %and3A_3464 : vector<16xi32>
    %add3A_3466 = arith.addi %select_n3A_3413, %and3A_3465 : vector<16xi32>
    %swap3A_3467 = arith.constant 48 : index
    %swap3A_3468 = tpu.vector_load %arg16[%swap3A_3467] {strides = array<i32>} : memref<128xi32, #tpu.memory_space<vmem>>, vector<16xi32>,
    %swap3A_3469 = vector.shape_cast %swap3A_3468 : vector<16xi32> to vector<16xi32>
    %swap3A_3470 = vector.shape_cast %add3A_3466 : vector<16xi32> to vector<16xi32>
    tpu.vector_store %arg16[%swap3A_3467], %swap3A_3470 {strides = array<i32>} : memref<128xi32, #tpu.memory_space<vmem>>, vector<16xi32>,
    %shift_right_arithmetic3A_3471 = arith.constant 3 : i32
    %shift_right_arithmetic3A_3472 = vector.broadcast %shift_right_arithmetic3A_3471 : i32 to vector<16xi32>
    %shift_right_arithmetic3A_3473 = arith.shrsi %iota3A, %shift_right_arithmetic3A_3472 : vector<16xi32>
    %add3A_3474 = arith.constant 8 : i32
    %add3A_3475 = vector.broadcast %add3A_3474 : i32 to vector<16xi32>
    %add3A_3476 = arith.addi %add3A_3475, %shift_right_arithmetic3A_3473 : vector<16xi32>
    %and3A_3477 = arith.constant 7 : i32
    %and3A_3478 = vector.broadcast %and3A_3477 : i32 to vector<16xi32>
    %and3A_3479 = arith.andi %add3A_3476, %and3A_3478 : vector<16xi32>
    %add3A_3480 = arith.addi %select_n3A_3414, %and3A_3479 : vector<16xi32>
    %swap3A_3481 = arith.constant 64 : index
    %swap3A_3482 = tpu.vector_load %arg16[%swap3A_3481] {strides = array<i32>} : memref<128xi32, #tpu.memory_space<vmem>>, vector<16xi32>,
    %swap3A_3483 = vector.shape_cast %swap3A_3482 : vector<16xi32> to vector<16xi32>
    %swap3A_3484 = vector.shape_cast %add3A_3480 : vector<16xi32> to vector<16xi32>
    tpu.vector_store %arg16[%swap3A_3481], %swap3A_3484 {strides = array<i32>} : memref<128xi32, #tpu.memory_space<vmem>>, vector<16xi32>,
    %shift_right_arithmetic3A_3485 = arith.constant 3 : i32
    %shift_right_arithmetic3A_3486 = vector.broadcast %shift_right_arithmetic3A_3485 : i32 to vector<16xi32>
    %shift_right_arithmetic3A_3487 = arith.shrsi %iota3A, %shift_right_arithmetic3A_3486 : vector<16xi32>
    %add3A_3488 = arith.constant 10 : i32
    %add3A_3489 = vector.broadcast %add3A_3488 : i32 to vector<16xi32>
    %add3A_3490 = arith.addi %add3A_3489, %shift_right_arithmetic3A_3487 : vector<16xi32>
    %and3A_3491 = arith.constant 7 : i32
    %and3A_3492 = vector.broadcast %and3A_3491 : i32 to vector<16xi32>
    %and3A_3493 = arith.andi %add3A_3490, %and3A_3492 : vector<16xi32>
    %add3A_3494 = arith.addi %select_n3A_3414, %and3A_3493 : vector<16xi32>
    %swap3A_3495 = arith.constant 80 : index
    %swap3A_3496 = tpu.vector_load %arg16[%swap3A_3495] {strides = array<i32>} : memref<128xi32, #tpu.memory_space<vmem>>, vector<16xi32>,
    %swap3A_3497 = vector.shape_cast %swap3A_3496 : vector<16xi32> to vector<16xi32>
    %swap3A_3498 = vector.shape_cast %add3A_3494 : vector<16xi32> to vector<16xi32>
    tpu.vector_store %arg16[%swap3A_3495], %swap3A_3498 {strides = array<i32>} : memref<128xi32, #tpu.memory_space<vmem>>, vector<16xi32>,
    %shift_right_arithmetic3A_3499 = arith.constant 3 : i32
    %shift_right_arithmetic3A_3500 = vector.broadcast %shift_right_arithmetic3A_3499 : i32 to vector<16xi32>
    %shift_right_arithmetic3A_3501 = arith.shrsi %iota3A, %shift_right_arithmetic3A_3500 : vector<16xi32>
    %add3A_3502 = arith.constant 12 : i32
    %add3A_3503 = vector.broadcast %add3A_3502 : i32 to vector<16xi32>
    %add3A_3504 = arith.addi %add3A_3503, %shift_right_arithmetic3A_3501 : vector<16xi32>
    %and3A_3505 = arith.constant 7 : i32
    %and3A_3506 = vector.broadcast %and3A_3505 : i32 to vector<16xi32>
    %and3A_3507 = arith.andi %add3A_3504, %and3A_3506 : vector<16xi32>
    %add3A_3508 = arith.addi %select_n3A_3414, %and3A_3507 : vector<16xi32>
    %swap3A_3509 = arith.constant 96 : index
    %swap3A_3510 = tpu.vector_load %arg16[%swap3A_3509] {strides = array<i32>} : memref<128xi32, #tpu.memory_space<vmem>>, vector<16xi32>,
    %swap3A_3511 = vector.shape_cast %swap3A_3510 : vector<16xi32> to vector<16xi32>
    %swap3A_3512 = vector.shape_cast %add3A_3508 : vector<16xi32> to vector<16xi32>
    tpu.vector_store %arg16[%swap3A_3509], %swap3A_3512 {strides = array<i32>} : memref<128xi32, #tpu.memory_space<vmem>>, vector<16xi32>,
    %shift_right_arithmetic3A_3513 = arith.constant 3 : i32
    %shift_right_arithmetic3A_3514 = vector.broadcast %shift_right_arithmetic3A_3513 : i32 to vector<16xi32>
    %shift_right_arithmetic3A_3515 = arith.shrsi %iota3A, %shift_right_arithmetic3A_3514 : vector<16xi32>
    %add3A_3516 = arith.constant 14 : i32
    %add3A_3517 = vector.broadcast %add3A_3516 : i32 to vector<16xi32>
    %add3A_3518 = arith.addi %add3A_3517, %shift_right_arithmetic3A_3515 : vector<16xi32>
    %and3A_3519 = arith.constant 7 : i32
    %and3A_3520 = vector.broadcast %and3A_3519 : i32 to vector<16xi32>
    %and3A_3521 = arith.andi %add3A_3518, %and3A_3520 : vector<16xi32>
    %add3A_3522 = arith.addi %select_n3A_3414, %and3A_3521 : vector<16xi32>
    %swap3A_3523 = arith.constant 112 : index
    %swap3A_3524 = tpu.vector_load %arg16[%swap3A_3523] {strides = array<i32>} : memref<128xi32, #tpu.memory_space<vmem>>, vector<16xi32>,
    %swap3A_3525 = vector.shape_cast %swap3A_3524 : vector<16xi32> to vector<16xi32>
    %swap3A_3526 = vector.shape_cast %add3A_3522 : vector<16xi32> to vector<16xi32>
    tpu.vector_store %arg16[%swap3A_3523], %swap3A_3526 {strides = array<i32>} : memref<128xi32, #tpu.memory_space<vmem>>, vector<16xi32>,
    %dma_start3A_3527 = arith.constant 0 : i32
    %dma_start3A_3528 = arith.constant 0 : i32
    %dma_start3A_3529 = tpu.memref_slice %arg10[%dma_start3A_3527, %dma_start3A_3528] : memref<128x128xf32, #tpu.memory_space<vmem>> -> memref<128x128xf32, #tpu.memory_space<vmem>>
    %dma_start3A_3530 = arith.constant 0 : i32
    %dma_start3A_3531 = tpu.memref_slice %arg16[%dma_start3A_3530] : memref<128xi32, #tpu.memory_space<vmem>> -> memref<128xi32, #tpu.memory_space<vmem>>
    %dma_start3A_3532 = arith.constant 0 : i32
    %dma_start3A_3533 = arith.constant 0 : i32
    %dma_start3A_3534 = tpu.memref_slice %arg2[%dma_start3A_3532, %dma_start3A_3533] : memref<32776x128xf32, #tpu.memory_space<hbm>> -> memref<32776x128xf32, #tpu.memory_space<hbm>>
    tpu.enqueue_indirect_dma source(%dma_start3A_3534 : memref<32776x128xf32, #tpu.memory_space<hbm>>) target(%dma_start3A_3529 : memref<128x128xf32, #tpu.memory_space<vmem>>) offsets(%dma_start3A_3531 : memref<128xi32, #tpu.memory_space<vmem>>) semaphore(%arg23 : memref<!tpu.dma_semaphore, #tpu.memory_space<semaphore_mem>>)
    %dma_wait3A_3535 = arith.constant 0 : i32
    %dma_wait3A_3536 = arith.constant 0 : i32
    %dma_wait3A_3537 = tpu.memref_slice %arg11[%dma_wait3A_3535, %dma_wait3A_3536] : memref<128x128xf32, #tpu.memory_space<vmem>> -> memref<128x128xf32, #tpu.memory_space<vmem>>
    %dma_wait3A_3538 = arith.constant 0 : i32
    %dma_wait3A_3539 = tpu.memref_slice %arg17[%dma_wait3A_3538] : memref<128xi32, #tpu.memory_space<vmem>> -> memref<128xi32, #tpu.memory_space<vmem>>
    %dma_wait3A_3540 = arith.constant 0 : i32
    %dma_wait3A_3541 = arith.constant 0 : i32
    %dma_wait3A_3542 = tpu.memref_slice %arg2[%dma_wait3A_3540, %dma_wait3A_3541] : memref<32776x128xf32, #tpu.memory_space<hbm>> -> memref<32776x128xf32, #tpu.memory_space<hbm>>
    tpu.wait_indirect_dma semaphore(%arg24 : memref<!tpu.dma_semaphore, #tpu.memory_space<semaphore_mem>>) src(%dma_wait3A_3542 : memref<32776x128xf32, #tpu.memory_space<hbm>>) dst(%dma_wait3A_3537 : memref<128x128xf32, #tpu.memory_space<vmem>>)
    %mul3A_3543 = arith.constant 8 : i32
    %mul3A_3544 = arith.muli %mul3A_2, %mul3A_3543 : i32
    %add3A_3545 = arith.constant 2176 : i32
    %add3A_3546 = arith.addi %mul3A_3544, %add3A_3545 : i32
    %dma_start3A_3547 = arith.constant 0 : i32
    %dma_start3A_3548 = tpu.memref_slice %arg4[%add3A_3546, %dma_start3A_3547] : memref<131072x128xf32, #tpu.memory_space<hbm>> -> memref<128x128xf32, #tpu.memory_space<hbm>>
    %dma_start3A_3549 = arith.constant 0 : i32
    %dma_start3A_3550 = tpu.memref_slice %arg4[%add3A_3546, %dma_start3A_3549] : memref<131072x128xf32, #tpu.memory_space<hbm>> -> memref<128x128xf32, #tpu.memory_space<hbm>>
    tpu.enqueue_dma source(%arg11 : memref<128x128xf32, #tpu.memory_space<vmem>>) target(%dma_start3A_3550 : memref<128x128xf32, #tpu.memory_space<hbm>>) target_semaphore(%arg30 : memref<!tpu.dma_semaphore, #tpu.memory_space<semaphore_mem>>)
    %dma_wait3A_3551 = arith.constant 0 : i32
    %dma_wait3A_3552 = tpu.memref_slice %arg4[%add3A_3546, %dma_wait3A_3551] : memref<131072x128xf32, #tpu.memory_space<hbm>> -> memref<128x128xf32, #tpu.memory_space<hbm>>
    %dma_wait3A_3553 = arith.constant 0 : i32
    %dma_wait3A_3554 = tpu.memref_slice %arg4[%add3A_3546, %dma_wait3A_3553] : memref<131072x128xf32, #tpu.memory_space<hbm>> -> memref<128x128xf32, #tpu.memory_space<hbm>>
    tpu.wait_dma2 semaphore(%arg30 : memref<!tpu.dma_semaphore, #tpu.memory_space<semaphore_mem>>) src(%arg11 : memref<128x128xf32, #tpu.memory_space<vmem>>) dst(%dma_wait3A_3554 : memref<128x128xf32, #tpu.memory_space<hbm>>)
    %get3A_3555 = arith.constant 368 : index
    %get3A_3556 = tpu.vector_load %arg5[%get3A_3555] {strides = array<i32>} : memref<512xi32, #tpu.memory_space<vmem>>, vector<16xi32>,
    %get3A_3557 = vector.shape_cast %get3A_3556 : vector<16xi32> to vector<16xi32>
    %mul3A_3558 = arith.constant 8 : i32
    %mul3A_3559 = vector.broadcast %mul3A_3558 : i32 to vector<16xi32>
    %mul3A_3560 = arith.muli %get3A_3557, %mul3A_3559 : vector<16xi32>
    %swap3A_3561 = arith.constant 0 : index
    %swap3A_3562 = tpu.vector_load %arg18[%swap3A_3561] {strides = array<i32>} : memref<32xi32, #tpu.memory_space<vmem>>, vector<16xi32>,
    %swap3A_3563 = vector.shape_cast %swap3A_3562 : vector<16xi32> to vector<16xi32>
    %swap3A_3564 = vector.shape_cast %mul3A_3560 : vector<16xi32> to vector<16xi32>
    tpu.vector_store %arg18[%swap3A_3561], %swap3A_3564 {strides = array<i32>} : memref<32xi32, #tpu.memory_space<vmem>>, vector<16xi32>,
    %swap3A_3565 = arith.constant 16 : index
    %swap3A_3566 = tpu.vector_load %arg18[%swap3A_3565] {strides = array<i32>} : memref<32xi32, #tpu.memory_space<vmem>>, vector<16xi32>,
    %swap3A_3567 = vector.shape_cast %swap3A_3566 : vector<16xi32> to vector<16xi32>
    %swap3A_3568 = vector.shape_cast %mul3A_3560 : vector<16xi32> to vector<16xi32>
    tpu.vector_store %arg18[%swap3A_3565], %swap3A_3568 {strides = array<i32>} : memref<32xi32, #tpu.memory_space<vmem>>, vector<16xi32>,
    %get3A_3569 = arith.constant 8 : index
    %get3A_3570 = tpu.vector_load %arg18[%get3A_3569] {strides = array<i32>} : memref<32xi32, #tpu.memory_space<vmem>>, vector<16xi32>,
    %get3A_3571 = vector.shape_cast %get3A_3570 : vector<16xi32> to vector<16xi32>
    %select_n3A_3572 = arith.select %lt3A_4, %mul3A_3560, %get3A_3571 : vector<16xi1>, vector<16xi32>
    %select_n3A_3573 = arith.select %lt3A_4, %get3A_3571, %mul3A_3560 : vector<16xi1>, vector<16xi32>
    %shift_right_arithmetic3A_3574 = arith.constant 3 : i32
    %shift_right_arithmetic3A_3575 = vector.broadcast %shift_right_arithmetic3A_3574 : i32 to vector<16xi32>
    %shift_right_arithmetic3A_3576 = arith.shrsi %iota3A, %shift_right_arithmetic3A_3575 : vector<16xi32>
    %add3A_3577 = arith.constant 0 : i32
    %add3A_3578 = vector.broadcast %add3A_3577 : i32 to vector<16xi32>
    %add3A_3579 = arith.addi %add3A_3578, %shift_right_arithmetic3A_3576 : vector<16xi32>
    %and3A_3580 = arith.constant 7 : i32
    %and3A_3581 = vector.broadcast %and3A_3580 : i32 to vector<16xi32>
    %and3A_3582 = arith.andi %add3A_3579, %and3A_3581 : vector<16xi32>
    %add3A_3583 = arith.addi %select_n3A_3572, %and3A_3582 : vector<16xi32>
    %swap3A_3584 = arith.constant 0 : index
    %swap3A_3585 = tpu.vector_load %arg17[%swap3A_3584] {strides = array<i32>} : memref<128xi32, #tpu.memory_space<vmem>>, vector<16xi32>,
    %swap3A_3586 = vector.shape_cast %swap3A_3585 : vector<16xi32> to vector<16xi32>
    %swap3A_3587 = vector.shape_cast %add3A_3583 : vector<16xi32> to vector<16xi32>
    tpu.vector_store %arg17[%swap3A_3584], %swap3A_3587 {strides = array<i32>} : memref<128xi32, #tpu.memory_space<vmem>>, vector<16xi32>,
    %shift_right_arithmetic3A_3588 = arith.constant 3 : i32
    %shift_right_arithmetic3A_3589 = vector.broadcast %shift_right_arithmetic3A_3588 : i32 to vector<16xi32>
    %shift_right_arithmetic3A_3590 = arith.shrsi %iota3A, %shift_right_arithmetic3A_3589 : vector<16xi32>
    %add3A_3591 = arith.constant 2 : i32
    %add3A_3592 = vector.broadcast %add3A_3591 : i32 to vector<16xi32>
    %add3A_3593 = arith.addi %add3A_3592, %shift_right_arithmetic3A_3590 : vector<16xi32>
    %and3A_3594 = arith.constant 7 : i32
    %and3A_3595 = vector.broadcast %and3A_3594 : i32 to vector<16xi32>
    %and3A_3596 = arith.andi %add3A_3593, %and3A_3595 : vector<16xi32>
    %add3A_3597 = arith.addi %select_n3A_3572, %and3A_3596 : vector<16xi32>
    %swap3A_3598 = arith.constant 16 : index
    %swap3A_3599 = tpu.vector_load %arg17[%swap3A_3598] {strides = array<i32>} : memref<128xi32, #tpu.memory_space<vmem>>, vector<16xi32>,
    %swap3A_3600 = vector.shape_cast %swap3A_3599 : vector<16xi32> to vector<16xi32>
    %swap3A_3601 = vector.shape_cast %add3A_3597 : vector<16xi32> to vector<16xi32>
    tpu.vector_store %arg17[%swap3A_3598], %swap3A_3601 {strides = array<i32>} : memref<128xi32, #tpu.memory_space<vmem>>, vector<16xi32>,
    %shift_right_arithmetic3A_3602 = arith.constant 3 : i32
    %shift_right_arithmetic3A_3603 = vector.broadcast %shift_right_arithmetic3A_3602 : i32 to vector<16xi32>
    %shift_right_arithmetic3A_3604 = arith.shrsi %iota3A, %shift_right_arithmetic3A_3603 : vector<16xi32>
    %add3A_3605 = arith.constant 4 : i32
    %add3A_3606 = vector.broadcast %add3A_3605 : i32 to vector<16xi32>
    %add3A_3607 = arith.addi %add3A_3606, %shift_right_arithmetic3A_3604 : vector<16xi32>
    %and3A_3608 = arith.constant 7 : i32
    %and3A_3609 = vector.broadcast %and3A_3608 : i32 to vector<16xi32>
    %and3A_3610 = arith.andi %add3A_3607, %and3A_3609 : vector<16xi32>
    %add3A_3611 = arith.addi %select_n3A_3572, %and3A_3610 : vector<16xi32>
    %swap3A_3612 = arith.constant 32 : index
    %swap3A_3613 = tpu.vector_load %arg17[%swap3A_3612] {strides = array<i32>} : memref<128xi32, #tpu.memory_space<vmem>>, vector<16xi32>,
    %swap3A_3614 = vector.shape_cast %swap3A_3613 : vector<16xi32> to vector<16xi32>
    %swap3A_3615 = vector.shape_cast %add3A_3611 : vector<16xi32> to vector<16xi32>
    tpu.vector_store %arg17[%swap3A_3612], %swap3A_3615 {strides = array<i32>} : memref<128xi32, #tpu.memory_space<vmem>>, vector<16xi32>,
    %shift_right_arithmetic3A_3616 = arith.constant 3 : i32
    %shift_right_arithmetic3A_3617 = vector.broadcast %shift_right_arithmetic3A_3616 : i32 to vector<16xi32>
    %shift_right_arithmetic3A_3618 = arith.shrsi %iota3A, %shift_right_arithmetic3A_3617 : vector<16xi32>
    %add3A_3619 = arith.constant 6 : i32
    %add3A_3620 = vector.broadcast %add3A_3619 : i32 to vector<16xi32>
    %add3A_3621 = arith.addi %add3A_3620, %shift_right_arithmetic3A_3618 : vector<16xi32>
    %and3A_3622 = arith.constant 7 : i32
    %and3A_3623 = vector.broadcast %and3A_3622 : i32 to vector<16xi32>
    %and3A_3624 = arith.andi %add3A_3621, %and3A_3623 : vector<16xi32>
    %add3A_3625 = arith.addi %select_n3A_3572, %and3A_3624 : vector<16xi32>
    %swap3A_3626 = arith.constant 48 : index
    %swap3A_3627 = tpu.vector_load %arg17[%swap3A_3626] {strides = array<i32>} : memref<128xi32, #tpu.memory_space<vmem>>, vector<16xi32>,
    %swap3A_3628 = vector.shape_cast %swap3A_3627 : vector<16xi32> to vector<16xi32>
    %swap3A_3629 = vector.shape_cast %add3A_3625 : vector<16xi32> to vector<16xi32>
    tpu.vector_store %arg17[%swap3A_3626], %swap3A_3629 {strides = array<i32>} : memref<128xi32, #tpu.memory_space<vmem>>, vector<16xi32>,
    %shift_right_arithmetic3A_3630 = arith.constant 3 : i32
    %shift_right_arithmetic3A_3631 = vector.broadcast %shift_right_arithmetic3A_3630 : i32 to vector<16xi32>
    %shift_right_arithmetic3A_3632 = arith.shrsi %iota3A, %shift_right_arithmetic3A_3631 : vector<16xi32>
    %add3A_3633 = arith.constant 8 : i32
    %add3A_3634 = vector.broadcast %add3A_3633 : i32 to vector<16xi32>
    %add3A_3635 = arith.addi %add3A_3634, %shift_right_arithmetic3A_3632 : vector<16xi32>
    %and3A_3636 = arith.constant 7 : i32
    %and3A_3637 = vector.broadcast %and3A_3636 : i32 to vector<16xi32>
    %and3A_3638 = arith.andi %add3A_3635, %and3A_3637 : vector<16xi32>
    %add3A_3639 = arith.addi %select_n3A_3573, %and3A_3638 : vector<16xi32>
    %swap3A_3640 = arith.constant 64 : index
    %swap3A_3641 = tpu.vector_load %arg17[%swap3A_3640] {strides = array<i32>} : memref<128xi32, #tpu.memory_space<vmem>>, vector<16xi32>,
    %swap3A_3642 = vector.shape_cast %swap3A_3641 : vector<16xi32> to vector<16xi32>
    %swap3A_3643 = vector.shape_cast %add3A_3639 : vector<16xi32> to vector<16xi32>
    tpu.vector_store %arg17[%swap3A_3640], %swap3A_3643 {strides = array<i32>} : memref<128xi32, #tpu.memory_space<vmem>>, vector<16xi32>,
    %shift_right_arithmetic3A_3644 = arith.constant 3 : i32
    %shift_right_arithmetic3A_3645 = vector.broadcast %shift_right_arithmetic3A_3644 : i32 to vector<16xi32>
    %shift_right_arithmetic3A_3646 = arith.shrsi %iota3A, %shift_right_arithmetic3A_3645 : vector<16xi32>
    %add3A_3647 = arith.constant 10 : i32
    %add3A_3648 = vector.broadcast %add3A_3647 : i32 to vector<16xi32>
    %add3A_3649 = arith.addi %add3A_3648, %shift_right_arithmetic3A_3646 : vector<16xi32>
    %and3A_3650 = arith.constant 7 : i32
    %and3A_3651 = vector.broadcast %and3A_3650 : i32 to vector<16xi32>
    %and3A_3652 = arith.andi %add3A_3649, %and3A_3651 : vector<16xi32>
    %add3A_3653 = arith.addi %select_n3A_3573, %and3A_3652 : vector<16xi32>
    %swap3A_3654 = arith.constant 80 : index
    %swap3A_3655 = tpu.vector_load %arg17[%swap3A_3654] {strides = array<i32>} : memref<128xi32, #tpu.memory_space<vmem>>, vector<16xi32>,
    %swap3A_3656 = vector.shape_cast %swap3A_3655 : vector<16xi32> to vector<16xi32>
    %swap3A_3657 = vector.shape_cast %add3A_3653 : vector<16xi32> to vector<16xi32>
    tpu.vector_store %arg17[%swap3A_3654], %swap3A_3657 {strides = array<i32>} : memref<128xi32, #tpu.memory_space<vmem>>, vector<16xi32>,
    %shift_right_arithmetic3A_3658 = arith.constant 3 : i32
    %shift_right_arithmetic3A_3659 = vector.broadcast %shift_right_arithmetic3A_3658 : i32 to vector<16xi32>
    %shift_right_arithmetic3A_3660 = arith.shrsi %iota3A, %shift_right_arithmetic3A_3659 : vector<16xi32>
    %add3A_3661 = arith.constant 12 : i32
    %add3A_3662 = vector.broadcast %add3A_3661 : i32 to vector<16xi32>
    %add3A_3663 = arith.addi %add3A_3662, %shift_right_arithmetic3A_3660 : vector<16xi32>
    %and3A_3664 = arith.constant 7 : i32
    %and3A_3665 = vector.broadcast %and3A_3664 : i32 to vector<16xi32>
    %and3A_3666 = arith.andi %add3A_3663, %and3A_3665 : vector<16xi32>
    %add3A_3667 = arith.addi %select_n3A_3573, %and3A_3666 : vector<16xi32>
    %swap3A_3668 = arith.constant 96 : index
    %swap3A_3669 = tpu.vector_load %arg17[%swap3A_3668] {strides = array<i32>} : memref<128xi32, #tpu.memory_space<vmem>>, vector<16xi32>,
    %swap3A_3670 = vector.shape_cast %swap3A_3669 : vector<16xi32> to vector<16xi32>
    %swap3A_3671 = vector.shape_cast %add3A_3667 : vector<16xi32> to vector<16xi32>
    tpu.vector_store %arg17[%swap3A_3668], %swap3A_3671 {strides = array<i32>} : memref<128xi32, #tpu.memory_space<vmem>>, vector<16xi32>,
    %shift_right_arithmetic3A_3672 = arith.constant 3 : i32
    %shift_right_arithmetic3A_3673 = vector.broadcast %shift_right_arithmetic3A_3672 : i32 to vector<16xi32>
    %shift_right_arithmetic3A_3674 = arith.shrsi %iota3A, %shift_right_arithmetic3A_3673 : vector<16xi32>
    %add3A_3675 = arith.constant 14 : i32
    %add3A_3676 = vector.broadcast %add3A_3675 : i32 to vector<16xi32>
    %add3A_3677 = arith.addi %add3A_3676, %shift_right_arithmetic3A_3674 : vector<16xi32>
    %and3A_3678 = arith.constant 7 : i32
    %and3A_3679 = vector.broadcast %and3A_3678 : i32 to vector<16xi32>
    %and3A_3680 = arith.andi %add3A_3677, %and3A_3679 : vector<16xi32>
    %add3A_3681 = arith.addi %select_n3A_3573, %and3A_3680 : vector<16xi32>
    %swap3A_3682 = arith.constant 112 : index
    %swap3A_3683 = tpu.vector_load %arg17[%swap3A_3682] {strides = array<i32>} : memref<128xi32, #tpu.memory_space<vmem>>, vector<16xi32>,
    %swap3A_3684 = vector.shape_cast %swap3A_3683 : vector<16xi32> to vector<16xi32>
    %swap3A_3685 = vector.shape_cast %add3A_3681 : vector<16xi32> to vector<16xi32>
    tpu.vector_store %arg17[%swap3A_3682], %swap3A_3685 {strides = array<i32>} : memref<128xi32, #tpu.memory_space<vmem>>, vector<16xi32>,
    %dma_start3A_3686 = arith.constant 0 : i32
    %dma_start3A_3687 = arith.constant 0 : i32
    %dma_start3A_3688 = tpu.memref_slice %arg11[%dma_start3A_3686, %dma_start3A_3687] : memref<128x128xf32, #tpu.memory_space<vmem>> -> memref<128x128xf32, #tpu.memory_space<vmem>>
    %dma_start3A_3689 = arith.constant 0 : i32
    %dma_start3A_3690 = tpu.memref_slice %arg17[%dma_start3A_3689] : memref<128xi32, #tpu.memory_space<vmem>> -> memref<128xi32, #tpu.memory_space<vmem>>
    %dma_start3A_3691 = arith.constant 0 : i32
    %dma_start3A_3692 = arith.constant 0 : i32
    %dma_start3A_3693 = tpu.memref_slice %arg2[%dma_start3A_3691, %dma_start3A_3692] : memref<32776x128xf32, #tpu.memory_space<hbm>> -> memref<32776x128xf32, #tpu.memory_space<hbm>>
    tpu.enqueue_indirect_dma source(%dma_start3A_3693 : memref<32776x128xf32, #tpu.memory_space<hbm>>) target(%dma_start3A_3688 : memref<128x128xf32, #tpu.memory_space<vmem>>) offsets(%dma_start3A_3690 : memref<128xi32, #tpu.memory_space<vmem>>) semaphore(%arg24 : memref<!tpu.dma_semaphore, #tpu.memory_space<semaphore_mem>>)
    %dma_wait3A_3694 = arith.constant 0 : i32
    %dma_wait3A_3695 = arith.constant 0 : i32
    %dma_wait3A_3696 = tpu.memref_slice %arg6[%dma_wait3A_3694, %dma_wait3A_3695] : memref<128x128xf32, #tpu.memory_space<vmem>> -> memref<128x128xf32, #tpu.memory_space<vmem>>
    %dma_wait3A_3697 = arith.constant 0 : i32
    %dma_wait3A_3698 = tpu.memref_slice %arg12[%dma_wait3A_3697] : memref<128xi32, #tpu.memory_space<vmem>> -> memref<128xi32, #tpu.memory_space<vmem>>
    %dma_wait3A_3699 = arith.constant 0 : i32
    %dma_wait3A_3700 = arith.constant 0 : i32
    %dma_wait3A_3701 = tpu.memref_slice %arg2[%dma_wait3A_3699, %dma_wait3A_3700] : memref<32776x128xf32, #tpu.memory_space<hbm>> -> memref<32776x128xf32, #tpu.memory_space<hbm>>
    tpu.wait_indirect_dma semaphore(%arg19 : memref<!tpu.dma_semaphore, #tpu.memory_space<semaphore_mem>>) src(%dma_wait3A_3701 : memref<32776x128xf32, #tpu.memory_space<hbm>>) dst(%dma_wait3A_3696 : memref<128x128xf32, #tpu.memory_space<vmem>>)
    %mul3A_3702 = arith.constant 8 : i32
    %mul3A_3703 = arith.muli %mul3A_2, %mul3A_3702 : i32
    %add3A_3704 = arith.constant 2304 : i32
    %add3A_3705 = arith.addi %mul3A_3703, %add3A_3704 : i32
    %dma_start3A_3706 = arith.constant 0 : i32
    %dma_start3A_3707 = tpu.memref_slice %arg4[%add3A_3705, %dma_start3A_3706] : memref<131072x128xf32, #tpu.memory_space<hbm>> -> memref<128x128xf32, #tpu.memory_space<hbm>>
    %dma_start3A_3708 = arith.constant 0 : i32
    %dma_start3A_3709 = tpu.memref_slice %arg4[%add3A_3705, %dma_start3A_3708] : memref<131072x128xf32, #tpu.memory_space<hbm>> -> memref<128x128xf32, #tpu.memory_space<hbm>>
    tpu.enqueue_dma source(%arg6 : memref<128x128xf32, #tpu.memory_space<vmem>>) target(%dma_start3A_3709 : memref<128x128xf32, #tpu.memory_space<hbm>>) target_semaphore(%arg25 : memref<!tpu.dma_semaphore, #tpu.memory_space<semaphore_mem>>)
    %dma_wait3A_3710 = arith.constant 0 : i32
    %dma_wait3A_3711 = tpu.memref_slice %arg4[%add3A_3705, %dma_wait3A_3710] : memref<131072x128xf32, #tpu.memory_space<hbm>> -> memref<128x128xf32, #tpu.memory_space<hbm>>
    %dma_wait3A_3712 = arith.constant 0 : i32
    %dma_wait3A_3713 = tpu.memref_slice %arg4[%add3A_3705, %dma_wait3A_3712] : memref<131072x128xf32, #tpu.memory_space<hbm>> -> memref<128x128xf32, #tpu.memory_space<hbm>>
    tpu.wait_dma2 semaphore(%arg25 : memref<!tpu.dma_semaphore, #tpu.memory_space<semaphore_mem>>) src(%arg6 : memref<128x128xf32, #tpu.memory_space<vmem>>) dst(%dma_wait3A_3713 : memref<128x128xf32, #tpu.memory_space<hbm>>)
    %get3A_3714 = arith.constant 384 : index
    %get3A_3715 = tpu.vector_load %arg5[%get3A_3714] {strides = array<i32>} : memref<512xi32, #tpu.memory_space<vmem>>, vector<16xi32>,
    %get3A_3716 = vector.shape_cast %get3A_3715 : vector<16xi32> to vector<16xi32>
    %mul3A_3717 = arith.constant 8 : i32
    %mul3A_3718 = vector.broadcast %mul3A_3717 : i32 to vector<16xi32>
    %mul3A_3719 = arith.muli %get3A_3716, %mul3A_3718 : vector<16xi32>
    %swap3A_3720 = arith.constant 0 : index
    %swap3A_3721 = tpu.vector_load %arg18[%swap3A_3720] {strides = array<i32>} : memref<32xi32, #tpu.memory_space<vmem>>, vector<16xi32>,
    %swap3A_3722 = vector.shape_cast %swap3A_3721 : vector<16xi32> to vector<16xi32>
    %swap3A_3723 = vector.shape_cast %mul3A_3719 : vector<16xi32> to vector<16xi32>
    tpu.vector_store %arg18[%swap3A_3720], %swap3A_3723 {strides = array<i32>} : memref<32xi32, #tpu.memory_space<vmem>>, vector<16xi32>,
    %swap3A_3724 = arith.constant 16 : index
    %swap3A_3725 = tpu.vector_load %arg18[%swap3A_3724] {strides = array<i32>} : memref<32xi32, #tpu.memory_space<vmem>>, vector<16xi32>,
    %swap3A_3726 = vector.shape_cast %swap3A_3725 : vector<16xi32> to vector<16xi32>
    %swap3A_3727 = vector.shape_cast %mul3A_3719 : vector<16xi32> to vector<16xi32>
    tpu.vector_store %arg18[%swap3A_3724], %swap3A_3727 {strides = array<i32>} : memref<32xi32, #tpu.memory_space<vmem>>, vector<16xi32>,
    %get3A_3728 = arith.constant 8 : index
    %get3A_3729 = tpu.vector_load %arg18[%get3A_3728] {strides = array<i32>} : memref<32xi32, #tpu.memory_space<vmem>>, vector<16xi32>,
    %get3A_3730 = vector.shape_cast %get3A_3729 : vector<16xi32> to vector<16xi32>
    %select_n3A_3731 = arith.select %lt3A_4, %mul3A_3719, %get3A_3730 : vector<16xi1>, vector<16xi32>
    %select_n3A_3732 = arith.select %lt3A_4, %get3A_3730, %mul3A_3719 : vector<16xi1>, vector<16xi32>
    %shift_right_arithmetic3A_3733 = arith.constant 3 : i32
    %shift_right_arithmetic3A_3734 = vector.broadcast %shift_right_arithmetic3A_3733 : i32 to vector<16xi32>
    %shift_right_arithmetic3A_3735 = arith.shrsi %iota3A, %shift_right_arithmetic3A_3734 : vector<16xi32>
    %add3A_3736 = arith.constant 0 : i32
    %add3A_3737 = vector.broadcast %add3A_3736 : i32 to vector<16xi32>
    %add3A_3738 = arith.addi %add3A_3737, %shift_right_arithmetic3A_3735 : vector<16xi32>
    %and3A_3739 = arith.constant 7 : i32
    %and3A_3740 = vector.broadcast %and3A_3739 : i32 to vector<16xi32>
    %and3A_3741 = arith.andi %add3A_3738, %and3A_3740 : vector<16xi32>
    %add3A_3742 = arith.addi %select_n3A_3731, %and3A_3741 : vector<16xi32>
    %swap3A_3743 = arith.constant 0 : index
    %swap3A_3744 = tpu.vector_load %arg12[%swap3A_3743] {strides = array<i32>} : memref<128xi32, #tpu.memory_space<vmem>>, vector<16xi32>,
    %swap3A_3745 = vector.shape_cast %swap3A_3744 : vector<16xi32> to vector<16xi32>
    %swap3A_3746 = vector.shape_cast %add3A_3742 : vector<16xi32> to vector<16xi32>
    tpu.vector_store %arg12[%swap3A_3743], %swap3A_3746 {strides = array<i32>} : memref<128xi32, #tpu.memory_space<vmem>>, vector<16xi32>,
    %shift_right_arithmetic3A_3747 = arith.constant 3 : i32
    %shift_right_arithmetic3A_3748 = vector.broadcast %shift_right_arithmetic3A_3747 : i32 to vector<16xi32>
    %shift_right_arithmetic3A_3749 = arith.shrsi %iota3A, %shift_right_arithmetic3A_3748 : vector<16xi32>
    %add3A_3750 = arith.constant 2 : i32
    %add3A_3751 = vector.broadcast %add3A_3750 : i32 to vector<16xi32>
    %add3A_3752 = arith.addi %add3A_3751, %shift_right_arithmetic3A_3749 : vector<16xi32>
    %and3A_3753 = arith.constant 7 : i32
    %and3A_3754 = vector.broadcast %and3A_3753 : i32 to vector<16xi32>
    %and3A_3755 = arith.andi %add3A_3752, %and3A_3754 : vector<16xi32>
    %add3A_3756 = arith.addi %select_n3A_3731, %and3A_3755 : vector<16xi32>
    %swap3A_3757 = arith.constant 16 : index
    %swap3A_3758 = tpu.vector_load %arg12[%swap3A_3757] {strides = array<i32>} : memref<128xi32, #tpu.memory_space<vmem>>, vector<16xi32>,
    %swap3A_3759 = vector.shape_cast %swap3A_3758 : vector<16xi32> to vector<16xi32>
    %swap3A_3760 = vector.shape_cast %add3A_3756 : vector<16xi32> to vector<16xi32>
    tpu.vector_store %arg12[%swap3A_3757], %swap3A_3760 {strides = array<i32>} : memref<128xi32, #tpu.memory_space<vmem>>, vector<16xi32>,
    %shift_right_arithmetic3A_3761 = arith.constant 3 : i32
    %shift_right_arithmetic3A_3762 = vector.broadcast %shift_right_arithmetic3A_3761 : i32 to vector<16xi32>
    %shift_right_arithmetic3A_3763 = arith.shrsi %iota3A, %shift_right_arithmetic3A_3762 : vector<16xi32>
    %add3A_3764 = arith.constant 4 : i32
    %add3A_3765 = vector.broadcast %add3A_3764 : i32 to vector<16xi32>
    %add3A_3766 = arith.addi %add3A_3765, %shift_right_arithmetic3A_3763 : vector<16xi32>
    %and3A_3767 = arith.constant 7 : i32
    %and3A_3768 = vector.broadcast %and3A_3767 : i32 to vector<16xi32>
    %and3A_3769 = arith.andi %add3A_3766, %and3A_3768 : vector<16xi32>
    %add3A_3770 = arith.addi %select_n3A_3731, %and3A_3769 : vector<16xi32>
    %swap3A_3771 = arith.constant 32 : index
    %swap3A_3772 = tpu.vector_load %arg12[%swap3A_3771] {strides = array<i32>} : memref<128xi32, #tpu.memory_space<vmem>>, vector<16xi32>,
    %swap3A_3773 = vector.shape_cast %swap3A_3772 : vector<16xi32> to vector<16xi32>
    %swap3A_3774 = vector.shape_cast %add3A_3770 : vector<16xi32> to vector<16xi32>
    tpu.vector_store %arg12[%swap3A_3771], %swap3A_3774 {strides = array<i32>} : memref<128xi32, #tpu.memory_space<vmem>>, vector<16xi32>,
    %shift_right_arithmetic3A_3775 = arith.constant 3 : i32
    %shift_right_arithmetic3A_3776 = vector.broadcast %shift_right_arithmetic3A_3775 : i32 to vector<16xi32>
    %shift_right_arithmetic3A_3777 = arith.shrsi %iota3A, %shift_right_arithmetic3A_3776 : vector<16xi32>
    %add3A_3778 = arith.constant 6 : i32
    %add3A_3779 = vector.broadcast %add3A_3778 : i32 to vector<16xi32>
    %add3A_3780 = arith.addi %add3A_3779, %shift_right_arithmetic3A_3777 : vector<16xi32>
    %and3A_3781 = arith.constant 7 : i32
    %and3A_3782 = vector.broadcast %and3A_3781 : i32 to vector<16xi32>
    %and3A_3783 = arith.andi %add3A_3780, %and3A_3782 : vector<16xi32>
    %add3A_3784 = arith.addi %select_n3A_3731, %and3A_3783 : vector<16xi32>
    %swap3A_3785 = arith.constant 48 : index
    %swap3A_3786 = tpu.vector_load %arg12[%swap3A_3785] {strides = array<i32>} : memref<128xi32, #tpu.memory_space<vmem>>, vector<16xi32>,
    %swap3A_3787 = vector.shape_cast %swap3A_3786 : vector<16xi32> to vector<16xi32>
    %swap3A_3788 = vector.shape_cast %add3A_3784 : vector<16xi32> to vector<16xi32>
    tpu.vector_store %arg12[%swap3A_3785], %swap3A_3788 {strides = array<i32>} : memref<128xi32, #tpu.memory_space<vmem>>, vector<16xi32>,
    %shift_right_arithmetic3A_3789 = arith.constant 3 : i32
    %shift_right_arithmetic3A_3790 = vector.broadcast %shift_right_arithmetic3A_3789 : i32 to vector<16xi32>
    %shift_right_arithmetic3A_3791 = arith.shrsi %iota3A, %shift_right_arithmetic3A_3790 : vector<16xi32>
    %add3A_3792 = arith.constant 8 : i32
    %add3A_3793 = vector.broadcast %add3A_3792 : i32 to vector<16xi32>
    %add3A_3794 = arith.addi %add3A_3793, %shift_right_arithmetic3A_3791 : vector<16xi32>
    %and3A_3795 = arith.constant 7 : i32
    %and3A_3796 = vector.broadcast %and3A_3795 : i32 to vector<16xi32>
    %and3A_3797 = arith.andi %add3A_3794, %and3A_3796 : vector<16xi32>
    %add3A_3798 = arith.addi %select_n3A_3732, %and3A_3797 : vector<16xi32>
    %swap3A_3799 = arith.constant 64 : index
    %swap3A_3800 = tpu.vector_load %arg12[%swap3A_3799] {strides = array<i32>} : memref<128xi32, #tpu.memory_space<vmem>>, vector<16xi32>,
    %swap3A_3801 = vector.shape_cast %swap3A_3800 : vector<16xi32> to vector<16xi32>
    %swap3A_3802 = vector.shape_cast %add3A_3798 : vector<16xi32> to vector<16xi32>
    tpu.vector_store %arg12[%swap3A_3799], %swap3A_3802 {strides = array<i32>} : memref<128xi32, #tpu.memory_space<vmem>>, vector<16xi32>,
    %shift_right_arithmetic3A_3803 = arith.constant 3 : i32
    %shift_right_arithmetic3A_3804 = vector.broadcast %shift_right_arithmetic3A_3803 : i32 to vector<16xi32>
    %shift_right_arithmetic3A_3805 = arith.shrsi %iota3A, %shift_right_arithmetic3A_3804 : vector<16xi32>
    %add3A_3806 = arith.constant 10 : i32
    %add3A_3807 = vector.broadcast %add3A_3806 : i32 to vector<16xi32>
    %add3A_3808 = arith.addi %add3A_3807, %shift_right_arithmetic3A_3805 : vector<16xi32>
    %and3A_3809 = arith.constant 7 : i32
    %and3A_3810 = vector.broadcast %and3A_3809 : i32 to vector<16xi32>
    %and3A_3811 = arith.andi %add3A_3808, %and3A_3810 : vector<16xi32>
    %add3A_3812 = arith.addi %select_n3A_3732, %and3A_3811 : vector<16xi32>
    %swap3A_3813 = arith.constant 80 : index
    %swap3A_3814 = tpu.vector_load %arg12[%swap3A_3813] {strides = array<i32>} : memref<128xi32, #tpu.memory_space<vmem>>, vector<16xi32>,
    %swap3A_3815 = vector.shape_cast %swap3A_3814 : vector<16xi32> to vector<16xi32>
    %swap3A_3816 = vector.shape_cast %add3A_3812 : vector<16xi32> to vector<16xi32>
    tpu.vector_store %arg12[%swap3A_3813], %swap3A_3816 {strides = array<i32>} : memref<128xi32, #tpu.memory_space<vmem>>, vector<16xi32>,
    %shift_right_arithmetic3A_3817 = arith.constant 3 : i32
    %shift_right_arithmetic3A_3818 = vector.broadcast %shift_right_arithmetic3A_3817 : i32 to vector<16xi32>
    %shift_right_arithmetic3A_3819 = arith.shrsi %iota3A, %shift_right_arithmetic3A_3818 : vector<16xi32>
    %add3A_3820 = arith.constant 12 : i32
    %add3A_3821 = vector.broadcast %add3A_3820 : i32 to vector<16xi32>
    %add3A_3822 = arith.addi %add3A_3821, %shift_right_arithmetic3A_3819 : vector<16xi32>
    %and3A_3823 = arith.constant 7 : i32
    %and3A_3824 = vector.broadcast %and3A_3823 : i32 to vector<16xi32>
    %and3A_3825 = arith.andi %add3A_3822, %and3A_3824 : vector<16xi32>
    %add3A_3826 = arith.addi %select_n3A_3732, %and3A_3825 : vector<16xi32>
    %swap3A_3827 = arith.constant 96 : index
    %swap3A_3828 = tpu.vector_load %arg12[%swap3A_3827] {strides = array<i32>} : memref<128xi32, #tpu.memory_space<vmem>>, vector<16xi32>,
    %swap3A_3829 = vector.shape_cast %swap3A_3828 : vector<16xi32> to vector<16xi32>
    %swap3A_3830 = vector.shape_cast %add3A_3826 : vector<16xi32> to vector<16xi32>
    tpu.vector_store %arg12[%swap3A_3827], %swap3A_3830 {strides = array<i32>} : memref<128xi32, #tpu.memory_space<vmem>>, vector<16xi32>,
    %shift_right_arithmetic3A_3831 = arith.constant 3 : i32
    %shift_right_arithmetic3A_3832 = vector.broadcast %shift_right_arithmetic3A_3831 : i32 to vector<16xi32>
    %shift_right_arithmetic3A_3833 = arith.shrsi %iota3A, %shift_right_arithmetic3A_3832 : vector<16xi32>
    %add3A_3834 = arith.constant 14 : i32
    %add3A_3835 = vector.broadcast %add3A_3834 : i32 to vector<16xi32>
    %add3A_3836 = arith.addi %add3A_3835, %shift_right_arithmetic3A_3833 : vector<16xi32>
    %and3A_3837 = arith.constant 7 : i32
    %and3A_3838 = vector.broadcast %and3A_3837 : i32 to vector<16xi32>
    %and3A_3839 = arith.andi %add3A_3836, %and3A_3838 : vector<16xi32>
    %add3A_3840 = arith.addi %select_n3A_3732, %and3A_3839 : vector<16xi32>
    %swap3A_3841 = arith.constant 112 : index
    %swap3A_3842 = tpu.vector_load %arg12[%swap3A_3841] {strides = array<i32>} : memref<128xi32, #tpu.memory_space<vmem>>, vector<16xi32>,
    %swap3A_3843 = vector.shape_cast %swap3A_3842 : vector<16xi32> to vector<16xi32>
    %swap3A_3844 = vector.shape_cast %add3A_3840 : vector<16xi32> to vector<16xi32>
    tpu.vector_store %arg12[%swap3A_3841], %swap3A_3844 {strides = array<i32>} : memref<128xi32, #tpu.memory_space<vmem>>, vector<16xi32>,
    %dma_start3A_3845 = arith.constant 0 : i32
    %dma_start3A_3846 = arith.constant 0 : i32
    %dma_start3A_3847 = tpu.memref_slice %arg6[%dma_start3A_3845, %dma_start3A_3846] : memref<128x128xf32, #tpu.memory_space<vmem>> -> memref<128x128xf32, #tpu.memory_space<vmem>>
    %dma_start3A_3848 = arith.constant 0 : i32
    %dma_start3A_3849 = tpu.memref_slice %arg12[%dma_start3A_3848] : memref<128xi32, #tpu.memory_space<vmem>> -> memref<128xi32, #tpu.memory_space<vmem>>
    %dma_start3A_3850 = arith.constant 0 : i32
    %dma_start3A_3851 = arith.constant 0 : i32
    %dma_start3A_3852 = tpu.memref_slice %arg2[%dma_start3A_3850, %dma_start3A_3851] : memref<32776x128xf32, #tpu.memory_space<hbm>> -> memref<32776x128xf32, #tpu.memory_space<hbm>>
    tpu.enqueue_indirect_dma source(%dma_start3A_3852 : memref<32776x128xf32, #tpu.memory_space<hbm>>) target(%dma_start3A_3847 : memref<128x128xf32, #tpu.memory_space<vmem>>) offsets(%dma_start3A_3849 : memref<128xi32, #tpu.memory_space<vmem>>) semaphore(%arg19 : memref<!tpu.dma_semaphore, #tpu.memory_space<semaphore_mem>>)
    %dma_wait3A_3853 = arith.constant 0 : i32
    %dma_wait3A_3854 = arith.constant 0 : i32
    %dma_wait3A_3855 = tpu.memref_slice %arg7[%dma_wait3A_3853, %dma_wait3A_3854] : memref<128x128xf32, #tpu.memory_space<vmem>> -> memref<128x128xf32, #tpu.memory_space<vmem>>
    %dma_wait3A_3856 = arith.constant 0 : i32
    %dma_wait3A_3857 = tpu.memref_slice %arg13[%dma_wait3A_3856] : memref<128xi32, #tpu.memory_space<vmem>> -> memref<128xi32, #tpu.memory_space<vmem>>
    %dma_wait3A_3858 = arith.constant 0 : i32
    %dma_wait3A_3859 = arith.constant 0 : i32
    %dma_wait3A_3860 = tpu.memref_slice %arg2[%dma_wait3A_3858, %dma_wait3A_3859] : memref<32776x128xf32, #tpu.memory_space<hbm>> -> memref<32776x128xf32, #tpu.memory_space<hbm>>
    tpu.wait_indirect_dma semaphore(%arg20 : memref<!tpu.dma_semaphore, #tpu.memory_space<semaphore_mem>>) src(%dma_wait3A_3860 : memref<32776x128xf32, #tpu.memory_space<hbm>>) dst(%dma_wait3A_3855 : memref<128x128xf32, #tpu.memory_space<vmem>>)
    %mul3A_3861 = arith.constant 8 : i32
    %mul3A_3862 = arith.muli %mul3A_2, %mul3A_3861 : i32
    %add3A_3863 = arith.constant 2432 : i32
    %add3A_3864 = arith.addi %mul3A_3862, %add3A_3863 : i32
    %dma_start3A_3865 = arith.constant 0 : i32
    %dma_start3A_3866 = tpu.memref_slice %arg4[%add3A_3864, %dma_start3A_3865] : memref<131072x128xf32, #tpu.memory_space<hbm>> -> memref<128x128xf32, #tpu.memory_space<hbm>>
    %dma_start3A_3867 = arith.constant 0 : i32
    %dma_start3A_3868 = tpu.memref_slice %arg4[%add3A_3864, %dma_start3A_3867] : memref<131072x128xf32, #tpu.memory_space<hbm>> -> memref<128x128xf32, #tpu.memory_space<hbm>>
    tpu.enqueue_dma source(%arg7 : memref<128x128xf32, #tpu.memory_space<vmem>>) target(%dma_start3A_3868 : memref<128x128xf32, #tpu.memory_space<hbm>>) target_semaphore(%arg26 : memref<!tpu.dma_semaphore, #tpu.memory_space<semaphore_mem>>)
    %dma_wait3A_3869 = arith.constant 0 : i32
    %dma_wait3A_3870 = tpu.memref_slice %arg4[%add3A_3864, %dma_wait3A_3869] : memref<131072x128xf32, #tpu.memory_space<hbm>> -> memref<128x128xf32, #tpu.memory_space<hbm>>
    %dma_wait3A_3871 = arith.constant 0 : i32
    %dma_wait3A_3872 = tpu.memref_slice %arg4[%add3A_3864, %dma_wait3A_3871] : memref<131072x128xf32, #tpu.memory_space<hbm>> -> memref<128x128xf32, #tpu.memory_space<hbm>>
    tpu.wait_dma2 semaphore(%arg26 : memref<!tpu.dma_semaphore, #tpu.memory_space<semaphore_mem>>) src(%arg7 : memref<128x128xf32, #tpu.memory_space<vmem>>) dst(%dma_wait3A_3872 : memref<128x128xf32, #tpu.memory_space<hbm>>)
    %get3A_3873 = arith.constant 400 : index
    %get3A_3874 = tpu.vector_load %arg5[%get3A_3873] {strides = array<i32>} : memref<512xi32, #tpu.memory_space<vmem>>, vector<16xi32>,
    %get3A_3875 = vector.shape_cast %get3A_3874 : vector<16xi32> to vector<16xi32>
    %mul3A_3876 = arith.constant 8 : i32
    %mul3A_3877 = vector.broadcast %mul3A_3876 : i32 to vector<16xi32>
    %mul3A_3878 = arith.muli %get3A_3875, %mul3A_3877 : vector<16xi32>
    %swap3A_3879 = arith.constant 0 : index
    %swap3A_3880 = tpu.vector_load %arg18[%swap3A_3879] {strides = array<i32>} : memref<32xi32, #tpu.memory_space<vmem>>, vector<16xi32>,
    %swap3A_3881 = vector.shape_cast %swap3A_3880 : vector<16xi32> to vector<16xi32>
    %swap3A_3882 = vector.shape_cast %mul3A_3878 : vector<16xi32> to vector<16xi32>
    tpu.vector_store %arg18[%swap3A_3879], %swap3A_3882 {strides = array<i32>} : memref<32xi32, #tpu.memory_space<vmem>>, vector<16xi32>,
    %swap3A_3883 = arith.constant 16 : index
    %swap3A_3884 = tpu.vector_load %arg18[%swap3A_3883] {strides = array<i32>} : memref<32xi32, #tpu.memory_space<vmem>>, vector<16xi32>,
    %swap3A_3885 = vector.shape_cast %swap3A_3884 : vector<16xi32> to vector<16xi32>
    %swap3A_3886 = vector.shape_cast %mul3A_3878 : vector<16xi32> to vector<16xi32>
    tpu.vector_store %arg18[%swap3A_3883], %swap3A_3886 {strides = array<i32>} : memref<32xi32, #tpu.memory_space<vmem>>, vector<16xi32>,
    %get3A_3887 = arith.constant 8 : index
    %get3A_3888 = tpu.vector_load %arg18[%get3A_3887] {strides = array<i32>} : memref<32xi32, #tpu.memory_space<vmem>>, vector<16xi32>,
    %get3A_3889 = vector.shape_cast %get3A_3888 : vector<16xi32> to vector<16xi32>
    %select_n3A_3890 = arith.select %lt3A_4, %mul3A_3878, %get3A_3889 : vector<16xi1>, vector<16xi32>
    %select_n3A_3891 = arith.select %lt3A_4, %get3A_3889, %mul3A_3878 : vector<16xi1>, vector<16xi32>
    %shift_right_arithmetic3A_3892 = arith.constant 3 : i32
    %shift_right_arithmetic3A_3893 = vector.broadcast %shift_right_arithmetic3A_3892 : i32 to vector<16xi32>
    %shift_right_arithmetic3A_3894 = arith.shrsi %iota3A, %shift_right_arithmetic3A_3893 : vector<16xi32>
    %add3A_3895 = arith.constant 0 : i32
    %add3A_3896 = vector.broadcast %add3A_3895 : i32 to vector<16xi32>
    %add3A_3897 = arith.addi %add3A_3896, %shift_right_arithmetic3A_3894 : vector<16xi32>
    %and3A_3898 = arith.constant 7 : i32
    %and3A_3899 = vector.broadcast %and3A_3898 : i32 to vector<16xi32>
    %and3A_3900 = arith.andi %add3A_3897, %and3A_3899 : vector<16xi32>
    %add3A_3901 = arith.addi %select_n3A_3890, %and3A_3900 : vector<16xi32>
    %swap3A_3902 = arith.constant 0 : index
    %swap3A_3903 = tpu.vector_load %arg13[%swap3A_3902] {strides = array<i32>} : memref<128xi32, #tpu.memory_space<vmem>>, vector<16xi32>,
    %swap3A_3904 = vector.shape_cast %swap3A_3903 : vector<16xi32> to vector<16xi32>
    %swap3A_3905 = vector.shape_cast %add3A_3901 : vector<16xi32> to vector<16xi32>
    tpu.vector_store %arg13[%swap3A_3902], %swap3A_3905 {strides = array<i32>} : memref<128xi32, #tpu.memory_space<vmem>>, vector<16xi32>,
    %shift_right_arithmetic3A_3906 = arith.constant 3 : i32
    %shift_right_arithmetic3A_3907 = vector.broadcast %shift_right_arithmetic3A_3906 : i32 to vector<16xi32>
    %shift_right_arithmetic3A_3908 = arith.shrsi %iota3A, %shift_right_arithmetic3A_3907 : vector<16xi32>
    %add3A_3909 = arith.constant 2 : i32
    %add3A_3910 = vector.broadcast %add3A_3909 : i32 to vector<16xi32>
    %add3A_3911 = arith.addi %add3A_3910, %shift_right_arithmetic3A_3908 : vector<16xi32>
    %and3A_3912 = arith.constant 7 : i32
    %and3A_3913 = vector.broadcast %and3A_3912 : i32 to vector<16xi32>
    %and3A_3914 = arith.andi %add3A_3911, %and3A_3913 : vector<16xi32>
    %add3A_3915 = arith.addi %select_n3A_3890, %and3A_3914 : vector<16xi32>
    %swap3A_3916 = arith.constant 16 : index
    %swap3A_3917 = tpu.vector_load %arg13[%swap3A_3916] {strides = array<i32>} : memref<128xi32, #tpu.memory_space<vmem>>, vector<16xi32>,
    %swap3A_3918 = vector.shape_cast %swap3A_3917 : vector<16xi32> to vector<16xi32>
    %swap3A_3919 = vector.shape_cast %add3A_3915 : vector<16xi32> to vector<16xi32>
    tpu.vector_store %arg13[%swap3A_3916], %swap3A_3919 {strides = array<i32>} : memref<128xi32, #tpu.memory_space<vmem>>, vector<16xi32>,
    %shift_right_arithmetic3A_3920 = arith.constant 3 : i32
    %shift_right_arithmetic3A_3921 = vector.broadcast %shift_right_arithmetic3A_3920 : i32 to vector<16xi32>
    %shift_right_arithmetic3A_3922 = arith.shrsi %iota3A, %shift_right_arithmetic3A_3921 : vector<16xi32>
    %add3A_3923 = arith.constant 4 : i32
    %add3A_3924 = vector.broadcast %add3A_3923 : i32 to vector<16xi32>
    %add3A_3925 = arith.addi %add3A_3924, %shift_right_arithmetic3A_3922 : vector<16xi32>
    %and3A_3926 = arith.constant 7 : i32
    %and3A_3927 = vector.broadcast %and3A_3926 : i32 to vector<16xi32>
    %and3A_3928 = arith.andi %add3A_3925, %and3A_3927 : vector<16xi32>
    %add3A_3929 = arith.addi %select_n3A_3890, %and3A_3928 : vector<16xi32>
    %swap3A_3930 = arith.constant 32 : index
    %swap3A_3931 = tpu.vector_load %arg13[%swap3A_3930] {strides = array<i32>} : memref<128xi32, #tpu.memory_space<vmem>>, vector<16xi32>,
    %swap3A_3932 = vector.shape_cast %swap3A_3931 : vector<16xi32> to vector<16xi32>
    %swap3A_3933 = vector.shape_cast %add3A_3929 : vector<16xi32> to vector<16xi32>
    tpu.vector_store %arg13[%swap3A_3930], %swap3A_3933 {strides = array<i32>} : memref<128xi32, #tpu.memory_space<vmem>>, vector<16xi32>,
    %shift_right_arithmetic3A_3934 = arith.constant 3 : i32
    %shift_right_arithmetic3A_3935 = vector.broadcast %shift_right_arithmetic3A_3934 : i32 to vector<16xi32>
    %shift_right_arithmetic3A_3936 = arith.shrsi %iota3A, %shift_right_arithmetic3A_3935 : vector<16xi32>
    %add3A_3937 = arith.constant 6 : i32
    %add3A_3938 = vector.broadcast %add3A_3937 : i32 to vector<16xi32>
    %add3A_3939 = arith.addi %add3A_3938, %shift_right_arithmetic3A_3936 : vector<16xi32>
    %and3A_3940 = arith.constant 7 : i32
    %and3A_3941 = vector.broadcast %and3A_3940 : i32 to vector<16xi32>
    %and3A_3942 = arith.andi %add3A_3939, %and3A_3941 : vector<16xi32>
    %add3A_3943 = arith.addi %select_n3A_3890, %and3A_3942 : vector<16xi32>
    %swap3A_3944 = arith.constant 48 : index
    %swap3A_3945 = tpu.vector_load %arg13[%swap3A_3944] {strides = array<i32>} : memref<128xi32, #tpu.memory_space<vmem>>, vector<16xi32>,
    %swap3A_3946 = vector.shape_cast %swap3A_3945 : vector<16xi32> to vector<16xi32>
    %swap3A_3947 = vector.shape_cast %add3A_3943 : vector<16xi32> to vector<16xi32>
    tpu.vector_store %arg13[%swap3A_3944], %swap3A_3947 {strides = array<i32>} : memref<128xi32, #tpu.memory_space<vmem>>, vector<16xi32>,
    %shift_right_arithmetic3A_3948 = arith.constant 3 : i32
    %shift_right_arithmetic3A_3949 = vector.broadcast %shift_right_arithmetic3A_3948 : i32 to vector<16xi32>
    %shift_right_arithmetic3A_3950 = arith.shrsi %iota3A, %shift_right_arithmetic3A_3949 : vector<16xi32>
    %add3A_3951 = arith.constant 8 : i32
    %add3A_3952 = vector.broadcast %add3A_3951 : i32 to vector<16xi32>
    %add3A_3953 = arith.addi %add3A_3952, %shift_right_arithmetic3A_3950 : vector<16xi32>
    %and3A_3954 = arith.constant 7 : i32
    %and3A_3955 = vector.broadcast %and3A_3954 : i32 to vector<16xi32>
    %and3A_3956 = arith.andi %add3A_3953, %and3A_3955 : vector<16xi32>
    %add3A_3957 = arith.addi %select_n3A_3891, %and3A_3956 : vector<16xi32>
    %swap3A_3958 = arith.constant 64 : index
    %swap3A_3959 = tpu.vector_load %arg13[%swap3A_3958] {strides = array<i32>} : memref<128xi32, #tpu.memory_space<vmem>>, vector<16xi32>,
    %swap3A_3960 = vector.shape_cast %swap3A_3959 : vector<16xi32> to vector<16xi32>
    %swap3A_3961 = vector.shape_cast %add3A_3957 : vector<16xi32> to vector<16xi32>
    tpu.vector_store %arg13[%swap3A_3958], %swap3A_3961 {strides = array<i32>} : memref<128xi32, #tpu.memory_space<vmem>>, vector<16xi32>,
    %shift_right_arithmetic3A_3962 = arith.constant 3 : i32
    %shift_right_arithmetic3A_3963 = vector.broadcast %shift_right_arithmetic3A_3962 : i32 to vector<16xi32>
    %shift_right_arithmetic3A_3964 = arith.shrsi %iota3A, %shift_right_arithmetic3A_3963 : vector<16xi32>
    %add3A_3965 = arith.constant 10 : i32
    %add3A_3966 = vector.broadcast %add3A_3965 : i32 to vector<16xi32>
    %add3A_3967 = arith.addi %add3A_3966, %shift_right_arithmetic3A_3964 : vector<16xi32>
    %and3A_3968 = arith.constant 7 : i32
    %and3A_3969 = vector.broadcast %and3A_3968 : i32 to vector<16xi32>
    %and3A_3970 = arith.andi %add3A_3967, %and3A_3969 : vector<16xi32>
    %add3A_3971 = arith.addi %select_n3A_3891, %and3A_3970 : vector<16xi32>
    %swap3A_3972 = arith.constant 80 : index
    %swap3A_3973 = tpu.vector_load %arg13[%swap3A_3972] {strides = array<i32>} : memref<128xi32, #tpu.memory_space<vmem>>, vector<16xi32>,
    %swap3A_3974 = vector.shape_cast %swap3A_3973 : vector<16xi32> to vector<16xi32>
    %swap3A_3975 = vector.shape_cast %add3A_3971 : vector<16xi32> to vector<16xi32>
    tpu.vector_store %arg13[%swap3A_3972], %swap3A_3975 {strides = array<i32>} : memref<128xi32, #tpu.memory_space<vmem>>, vector<16xi32>,
    %shift_right_arithmetic3A_3976 = arith.constant 3 : i32
    %shift_right_arithmetic3A_3977 = vector.broadcast %shift_right_arithmetic3A_3976 : i32 to vector<16xi32>
    %shift_right_arithmetic3A_3978 = arith.shrsi %iota3A, %shift_right_arithmetic3A_3977 : vector<16xi32>
    %add3A_3979 = arith.constant 12 : i32
    %add3A_3980 = vector.broadcast %add3A_3979 : i32 to vector<16xi32>
    %add3A_3981 = arith.addi %add3A_3980, %shift_right_arithmetic3A_3978 : vector<16xi32>
    %and3A_3982 = arith.constant 7 : i32
    %and3A_3983 = vector.broadcast %and3A_3982 : i32 to vector<16xi32>
    %and3A_3984 = arith.andi %add3A_3981, %and3A_3983 : vector<16xi32>
    %add3A_3985 = arith.addi %select_n3A_3891, %and3A_3984 : vector<16xi32>
    %swap3A_3986 = arith.constant 96 : index
    %swap3A_3987 = tpu.vector_load %arg13[%swap3A_3986] {strides = array<i32>} : memref<128xi32, #tpu.memory_space<vmem>>, vector<16xi32>,
    %swap3A_3988 = vector.shape_cast %swap3A_3987 : vector<16xi32> to vector<16xi32>
    %swap3A_3989 = vector.shape_cast %add3A_3985 : vector<16xi32> to vector<16xi32>
    tpu.vector_store %arg13[%swap3A_3986], %swap3A_3989 {strides = array<i32>} : memref<128xi32, #tpu.memory_space<vmem>>, vector<16xi32>,
    %shift_right_arithmetic3A_3990 = arith.constant 3 : i32
    %shift_right_arithmetic3A_3991 = vector.broadcast %shift_right_arithmetic3A_3990 : i32 to vector<16xi32>
    %shift_right_arithmetic3A_3992 = arith.shrsi %iota3A, %shift_right_arithmetic3A_3991 : vector<16xi32>
    %add3A_3993 = arith.constant 14 : i32
    %add3A_3994 = vector.broadcast %add3A_3993 : i32 to vector<16xi32>
    %add3A_3995 = arith.addi %add3A_3994, %shift_right_arithmetic3A_3992 : vector<16xi32>
    %and3A_3996 = arith.constant 7 : i32
    %and3A_3997 = vector.broadcast %and3A_3996 : i32 to vector<16xi32>
    %and3A_3998 = arith.andi %add3A_3995, %and3A_3997 : vector<16xi32>
    %add3A_3999 = arith.addi %select_n3A_3891, %and3A_3998 : vector<16xi32>
    %swap3A_4000 = arith.constant 112 : index
    %swap3A_4001 = tpu.vector_load %arg13[%swap3A_4000] {strides = array<i32>} : memref<128xi32, #tpu.memory_space<vmem>>, vector<16xi32>,
    %swap3A_4002 = vector.shape_cast %swap3A_4001 : vector<16xi32> to vector<16xi32>
    %swap3A_4003 = vector.shape_cast %add3A_3999 : vector<16xi32> to vector<16xi32>
    tpu.vector_store %arg13[%swap3A_4000], %swap3A_4003 {strides = array<i32>} : memref<128xi32, #tpu.memory_space<vmem>>, vector<16xi32>,
    %dma_start3A_4004 = arith.constant 0 : i32
    %dma_start3A_4005 = arith.constant 0 : i32
    %dma_start3A_4006 = tpu.memref_slice %arg7[%dma_start3A_4004, %dma_start3A_4005] : memref<128x128xf32, #tpu.memory_space<vmem>> -> memref<128x128xf32, #tpu.memory_space<vmem>>
    %dma_start3A_4007 = arith.constant 0 : i32
    %dma_start3A_4008 = tpu.memref_slice %arg13[%dma_start3A_4007] : memref<128xi32, #tpu.memory_space<vmem>> -> memref<128xi32, #tpu.memory_space<vmem>>
    %dma_start3A_4009 = arith.constant 0 : i32
    %dma_start3A_4010 = arith.constant 0 : i32
    %dma_start3A_4011 = tpu.memref_slice %arg2[%dma_start3A_4009, %dma_start3A_4010] : memref<32776x128xf32, #tpu.memory_space<hbm>> -> memref<32776x128xf32, #tpu.memory_space<hbm>>
    tpu.enqueue_indirect_dma source(%dma_start3A_4011 : memref<32776x128xf32, #tpu.memory_space<hbm>>) target(%dma_start3A_4006 : memref<128x128xf32, #tpu.memory_space<vmem>>) offsets(%dma_start3A_4008 : memref<128xi32, #tpu.memory_space<vmem>>) semaphore(%arg20 : memref<!tpu.dma_semaphore, #tpu.memory_space<semaphore_mem>>)
    %dma_wait3A_4012 = arith.constant 0 : i32
    %dma_wait3A_4013 = arith.constant 0 : i32
    %dma_wait3A_4014 = tpu.memref_slice %arg8[%dma_wait3A_4012, %dma_wait3A_4013] : memref<128x128xf32, #tpu.memory_space<vmem>> -> memref<128x128xf32, #tpu.memory_space<vmem>>
    %dma_wait3A_4015 = arith.constant 0 : i32
    %dma_wait3A_4016 = tpu.memref_slice %arg14[%dma_wait3A_4015] : memref<128xi32, #tpu.memory_space<vmem>> -> memref<128xi32, #tpu.memory_space<vmem>>
    %dma_wait3A_4017 = arith.constant 0 : i32
    %dma_wait3A_4018 = arith.constant 0 : i32
    %dma_wait3A_4019 = tpu.memref_slice %arg2[%dma_wait3A_4017, %dma_wait3A_4018] : memref<32776x128xf32, #tpu.memory_space<hbm>> -> memref<32776x128xf32, #tpu.memory_space<hbm>>
    tpu.wait_indirect_dma semaphore(%arg21 : memref<!tpu.dma_semaphore, #tpu.memory_space<semaphore_mem>>) src(%dma_wait3A_4019 : memref<32776x128xf32, #tpu.memory_space<hbm>>) dst(%dma_wait3A_4014 : memref<128x128xf32, #tpu.memory_space<vmem>>)
    %mul3A_4020 = arith.constant 8 : i32
    %mul3A_4021 = arith.muli %mul3A_2, %mul3A_4020 : i32
    %add3A_4022 = arith.constant 2560 : i32
    %add3A_4023 = arith.addi %mul3A_4021, %add3A_4022 : i32
    %dma_start3A_4024 = arith.constant 0 : i32
    %dma_start3A_4025 = tpu.memref_slice %arg4[%add3A_4023, %dma_start3A_4024] : memref<131072x128xf32, #tpu.memory_space<hbm>> -> memref<128x128xf32, #tpu.memory_space<hbm>>
    %dma_start3A_4026 = arith.constant 0 : i32
    %dma_start3A_4027 = tpu.memref_slice %arg4[%add3A_4023, %dma_start3A_4026] : memref<131072x128xf32, #tpu.memory_space<hbm>> -> memref<128x128xf32, #tpu.memory_space<hbm>>
    tpu.enqueue_dma source(%arg8 : memref<128x128xf32, #tpu.memory_space<vmem>>) target(%dma_start3A_4027 : memref<128x128xf32, #tpu.memory_space<hbm>>) target_semaphore(%arg27 : memref<!tpu.dma_semaphore, #tpu.memory_space<semaphore_mem>>)
    %dma_wait3A_4028 = arith.constant 0 : i32
    %dma_wait3A_4029 = tpu.memref_slice %arg4[%add3A_4023, %dma_wait3A_4028] : memref<131072x128xf32, #tpu.memory_space<hbm>> -> memref<128x128xf32, #tpu.memory_space<hbm>>
    %dma_wait3A_4030 = arith.constant 0 : i32
    %dma_wait3A_4031 = tpu.memref_slice %arg4[%add3A_4023, %dma_wait3A_4030] : memref<131072x128xf32, #tpu.memory_space<hbm>> -> memref<128x128xf32, #tpu.memory_space<hbm>>
    tpu.wait_dma2 semaphore(%arg27 : memref<!tpu.dma_semaphore, #tpu.memory_space<semaphore_mem>>) src(%arg8 : memref<128x128xf32, #tpu.memory_space<vmem>>) dst(%dma_wait3A_4031 : memref<128x128xf32, #tpu.memory_space<hbm>>)
    %get3A_4032 = arith.constant 416 : index
    %get3A_4033 = tpu.vector_load %arg5[%get3A_4032] {strides = array<i32>} : memref<512xi32, #tpu.memory_space<vmem>>, vector<16xi32>,
    %get3A_4034 = vector.shape_cast %get3A_4033 : vector<16xi32> to vector<16xi32>
    %mul3A_4035 = arith.constant 8 : i32
    %mul3A_4036 = vector.broadcast %mul3A_4035 : i32 to vector<16xi32>
    %mul3A_4037 = arith.muli %get3A_4034, %mul3A_4036 : vector<16xi32>
    %swap3A_4038 = arith.constant 0 : index
    %swap3A_4039 = tpu.vector_load %arg18[%swap3A_4038] {strides = array<i32>} : memref<32xi32, #tpu.memory_space<vmem>>, vector<16xi32>,
    %swap3A_4040 = vector.shape_cast %swap3A_4039 : vector<16xi32> to vector<16xi32>
    %swap3A_4041 = vector.shape_cast %mul3A_4037 : vector<16xi32> to vector<16xi32>
    tpu.vector_store %arg18[%swap3A_4038], %swap3A_4041 {strides = array<i32>} : memref<32xi32, #tpu.memory_space<vmem>>, vector<16xi32>,
    %swap3A_4042 = arith.constant 16 : index
    %swap3A_4043 = tpu.vector_load %arg18[%swap3A_4042] {strides = array<i32>} : memref<32xi32, #tpu.memory_space<vmem>>, vector<16xi32>,
    %swap3A_4044 = vector.shape_cast %swap3A_4043 : vector<16xi32> to vector<16xi32>
    %swap3A_4045 = vector.shape_cast %mul3A_4037 : vector<16xi32> to vector<16xi32>
    tpu.vector_store %arg18[%swap3A_4042], %swap3A_4045 {strides = array<i32>} : memref<32xi32, #tpu.memory_space<vmem>>, vector<16xi32>,
    %get3A_4046 = arith.constant 8 : index
    %get3A_4047 = tpu.vector_load %arg18[%get3A_4046] {strides = array<i32>} : memref<32xi32, #tpu.memory_space<vmem>>, vector<16xi32>,
    %get3A_4048 = vector.shape_cast %get3A_4047 : vector<16xi32> to vector<16xi32>
    %select_n3A_4049 = arith.select %lt3A_4, %mul3A_4037, %get3A_4048 : vector<16xi1>, vector<16xi32>
    %select_n3A_4050 = arith.select %lt3A_4, %get3A_4048, %mul3A_4037 : vector<16xi1>, vector<16xi32>
    %shift_right_arithmetic3A_4051 = arith.constant 3 : i32
    %shift_right_arithmetic3A_4052 = vector.broadcast %shift_right_arithmetic3A_4051 : i32 to vector<16xi32>
    %shift_right_arithmetic3A_4053 = arith.shrsi %iota3A, %shift_right_arithmetic3A_4052 : vector<16xi32>
    %add3A_4054 = arith.constant 0 : i32
    %add3A_4055 = vector.broadcast %add3A_4054 : i32 to vector<16xi32>
    %add3A_4056 = arith.addi %add3A_4055, %shift_right_arithmetic3A_4053 : vector<16xi32>
    %and3A_4057 = arith.constant 7 : i32
    %and3A_4058 = vector.broadcast %and3A_4057 : i32 to vector<16xi32>
    %and3A_4059 = arith.andi %add3A_4056, %and3A_4058 : vector<16xi32>
    %add3A_4060 = arith.addi %select_n3A_4049, %and3A_4059 : vector<16xi32>
    %swap3A_4061 = arith.constant 0 : index
    %swap3A_4062 = tpu.vector_load %arg14[%swap3A_4061] {strides = array<i32>} : memref<128xi32, #tpu.memory_space<vmem>>, vector<16xi32>,
    %swap3A_4063 = vector.shape_cast %swap3A_4062 : vector<16xi32> to vector<16xi32>
    %swap3A_4064 = vector.shape_cast %add3A_4060 : vector<16xi32> to vector<16xi32>
    tpu.vector_store %arg14[%swap3A_4061], %swap3A_4064 {strides = array<i32>} : memref<128xi32, #tpu.memory_space<vmem>>, vector<16xi32>,
    %shift_right_arithmetic3A_4065 = arith.constant 3 : i32
    %shift_right_arithmetic3A_4066 = vector.broadcast %shift_right_arithmetic3A_4065 : i32 to vector<16xi32>
    %shift_right_arithmetic3A_4067 = arith.shrsi %iota3A, %shift_right_arithmetic3A_4066 : vector<16xi32>
    %add3A_4068 = arith.constant 2 : i32
    %add3A_4069 = vector.broadcast %add3A_4068 : i32 to vector<16xi32>
    %add3A_4070 = arith.addi %add3A_4069, %shift_right_arithmetic3A_4067 : vector<16xi32>
    %and3A_4071 = arith.constant 7 : i32
    %and3A_4072 = vector.broadcast %and3A_4071 : i32 to vector<16xi32>
    %and3A_4073 = arith.andi %add3A_4070, %and3A_4072 : vector<16xi32>
    %add3A_4074 = arith.addi %select_n3A_4049, %and3A_4073 : vector<16xi32>
    %swap3A_4075 = arith.constant 16 : index
    %swap3A_4076 = tpu.vector_load %arg14[%swap3A_4075] {strides = array<i32>} : memref<128xi32, #tpu.memory_space<vmem>>, vector<16xi32>,
    %swap3A_4077 = vector.shape_cast %swap3A_4076 : vector<16xi32> to vector<16xi32>
    %swap3A_4078 = vector.shape_cast %add3A_4074 : vector<16xi32> to vector<16xi32>
    tpu.vector_store %arg14[%swap3A_4075], %swap3A_4078 {strides = array<i32>} : memref<128xi32, #tpu.memory_space<vmem>>, vector<16xi32>,
    %shift_right_arithmetic3A_4079 = arith.constant 3 : i32
    %shift_right_arithmetic3A_4080 = vector.broadcast %shift_right_arithmetic3A_4079 : i32 to vector<16xi32>
    %shift_right_arithmetic3A_4081 = arith.shrsi %iota3A, %shift_right_arithmetic3A_4080 : vector<16xi32>
    %add3A_4082 = arith.constant 4 : i32
    %add3A_4083 = vector.broadcast %add3A_4082 : i32 to vector<16xi32>
    %add3A_4084 = arith.addi %add3A_4083, %shift_right_arithmetic3A_4081 : vector<16xi32>
    %and3A_4085 = arith.constant 7 : i32
    %and3A_4086 = vector.broadcast %and3A_4085 : i32 to vector<16xi32>
    %and3A_4087 = arith.andi %add3A_4084, %and3A_4086 : vector<16xi32>
    %add3A_4088 = arith.addi %select_n3A_4049, %and3A_4087 : vector<16xi32>
    %swap3A_4089 = arith.constant 32 : index
    %swap3A_4090 = tpu.vector_load %arg14[%swap3A_4089] {strides = array<i32>} : memref<128xi32, #tpu.memory_space<vmem>>, vector<16xi32>,
    %swap3A_4091 = vector.shape_cast %swap3A_4090 : vector<16xi32> to vector<16xi32>
    %swap3A_4092 = vector.shape_cast %add3A_4088 : vector<16xi32> to vector<16xi32>
    tpu.vector_store %arg14[%swap3A_4089], %swap3A_4092 {strides = array<i32>} : memref<128xi32, #tpu.memory_space<vmem>>, vector<16xi32>,
    %shift_right_arithmetic3A_4093 = arith.constant 3 : i32
    %shift_right_arithmetic3A_4094 = vector.broadcast %shift_right_arithmetic3A_4093 : i32 to vector<16xi32>
    %shift_right_arithmetic3A_4095 = arith.shrsi %iota3A, %shift_right_arithmetic3A_4094 : vector<16xi32>
    %add3A_4096 = arith.constant 6 : i32
    %add3A_4097 = vector.broadcast %add3A_4096 : i32 to vector<16xi32>
    %add3A_4098 = arith.addi %add3A_4097, %shift_right_arithmetic3A_4095 : vector<16xi32>
    %and3A_4099 = arith.constant 7 : i32
    %and3A_4100 = vector.broadcast %and3A_4099 : i32 to vector<16xi32>
    %and3A_4101 = arith.andi %add3A_4098, %and3A_4100 : vector<16xi32>
    %add3A_4102 = arith.addi %select_n3A_4049, %and3A_4101 : vector<16xi32>
    %swap3A_4103 = arith.constant 48 : index
    %swap3A_4104 = tpu.vector_load %arg14[%swap3A_4103] {strides = array<i32>} : memref<128xi32, #tpu.memory_space<vmem>>, vector<16xi32>,
    %swap3A_4105 = vector.shape_cast %swap3A_4104 : vector<16xi32> to vector<16xi32>
    %swap3A_4106 = vector.shape_cast %add3A_4102 : vector<16xi32> to vector<16xi32>
    tpu.vector_store %arg14[%swap3A_4103], %swap3A_4106 {strides = array<i32>} : memref<128xi32, #tpu.memory_space<vmem>>, vector<16xi32>,
    %shift_right_arithmetic3A_4107 = arith.constant 3 : i32
    %shift_right_arithmetic3A_4108 = vector.broadcast %shift_right_arithmetic3A_4107 : i32 to vector<16xi32>
    %shift_right_arithmetic3A_4109 = arith.shrsi %iota3A, %shift_right_arithmetic3A_4108 : vector<16xi32>
    %add3A_4110 = arith.constant 8 : i32
    %add3A_4111 = vector.broadcast %add3A_4110 : i32 to vector<16xi32>
    %add3A_4112 = arith.addi %add3A_4111, %shift_right_arithmetic3A_4109 : vector<16xi32>
    %and3A_4113 = arith.constant 7 : i32
    %and3A_4114 = vector.broadcast %and3A_4113 : i32 to vector<16xi32>
    %and3A_4115 = arith.andi %add3A_4112, %and3A_4114 : vector<16xi32>
    %add3A_4116 = arith.addi %select_n3A_4050, %and3A_4115 : vector<16xi32>
    %swap3A_4117 = arith.constant 64 : index
    %swap3A_4118 = tpu.vector_load %arg14[%swap3A_4117] {strides = array<i32>} : memref<128xi32, #tpu.memory_space<vmem>>, vector<16xi32>,
    %swap3A_4119 = vector.shape_cast %swap3A_4118 : vector<16xi32> to vector<16xi32>
    %swap3A_4120 = vector.shape_cast %add3A_4116 : vector<16xi32> to vector<16xi32>
    tpu.vector_store %arg14[%swap3A_4117], %swap3A_4120 {strides = array<i32>} : memref<128xi32, #tpu.memory_space<vmem>>, vector<16xi32>,
    %shift_right_arithmetic3A_4121 = arith.constant 3 : i32
    %shift_right_arithmetic3A_4122 = vector.broadcast %shift_right_arithmetic3A_4121 : i32 to vector<16xi32>
    %shift_right_arithmetic3A_4123 = arith.shrsi %iota3A, %shift_right_arithmetic3A_4122 : vector<16xi32>
    %add3A_4124 = arith.constant 10 : i32
    %add3A_4125 = vector.broadcast %add3A_4124 : i32 to vector<16xi32>
    %add3A_4126 = arith.addi %add3A_4125, %shift_right_arithmetic3A_4123 : vector<16xi32>
    %and3A_4127 = arith.constant 7 : i32
    %and3A_4128 = vector.broadcast %and3A_4127 : i32 to vector<16xi32>
    %and3A_4129 = arith.andi %add3A_4126, %and3A_4128 : vector<16xi32>
    %add3A_4130 = arith.addi %select_n3A_4050, %and3A_4129 : vector<16xi32>
    %swap3A_4131 = arith.constant 80 : index
    %swap3A_4132 = tpu.vector_load %arg14[%swap3A_4131] {strides = array<i32>} : memref<128xi32, #tpu.memory_space<vmem>>, vector<16xi32>,
    %swap3A_4133 = vector.shape_cast %swap3A_4132 : vector<16xi32> to vector<16xi32>
    %swap3A_4134 = vector.shape_cast %add3A_4130 : vector<16xi32> to vector<16xi32>
    tpu.vector_store %arg14[%swap3A_4131], %swap3A_4134 {strides = array<i32>} : memref<128xi32, #tpu.memory_space<vmem>>, vector<16xi32>,
    %shift_right_arithmetic3A_4135 = arith.constant 3 : i32
    %shift_right_arithmetic3A_4136 = vector.broadcast %shift_right_arithmetic3A_4135 : i32 to vector<16xi32>
    %shift_right_arithmetic3A_4137 = arith.shrsi %iota3A, %shift_right_arithmetic3A_4136 : vector<16xi32>
    %add3A_4138 = arith.constant 12 : i32
    %add3A_4139 = vector.broadcast %add3A_4138 : i32 to vector<16xi32>
    %add3A_4140 = arith.addi %add3A_4139, %shift_right_arithmetic3A_4137 : vector<16xi32>
    %and3A_4141 = arith.constant 7 : i32
    %and3A_4142 = vector.broadcast %and3A_4141 : i32 to vector<16xi32>
    %and3A_4143 = arith.andi %add3A_4140, %and3A_4142 : vector<16xi32>
    %add3A_4144 = arith.addi %select_n3A_4050, %and3A_4143 : vector<16xi32>
    %swap3A_4145 = arith.constant 96 : index
    %swap3A_4146 = tpu.vector_load %arg14[%swap3A_4145] {strides = array<i32>} : memref<128xi32, #tpu.memory_space<vmem>>, vector<16xi32>,
    %swap3A_4147 = vector.shape_cast %swap3A_4146 : vector<16xi32> to vector<16xi32>
    %swap3A_4148 = vector.shape_cast %add3A_4144 : vector<16xi32> to vector<16xi32>
    tpu.vector_store %arg14[%swap3A_4145], %swap3A_4148 {strides = array<i32>} : memref<128xi32, #tpu.memory_space<vmem>>, vector<16xi32>,
    %shift_right_arithmetic3A_4149 = arith.constant 3 : i32
    %shift_right_arithmetic3A_4150 = vector.broadcast %shift_right_arithmetic3A_4149 : i32 to vector<16xi32>
    %shift_right_arithmetic3A_4151 = arith.shrsi %iota3A, %shift_right_arithmetic3A_4150 : vector<16xi32>
    %add3A_4152 = arith.constant 14 : i32
    %add3A_4153 = vector.broadcast %add3A_4152 : i32 to vector<16xi32>
    %add3A_4154 = arith.addi %add3A_4153, %shift_right_arithmetic3A_4151 : vector<16xi32>
    %and3A_4155 = arith.constant 7 : i32
    %and3A_4156 = vector.broadcast %and3A_4155 : i32 to vector<16xi32>
    %and3A_4157 = arith.andi %add3A_4154, %and3A_4156 : vector<16xi32>
    %add3A_4158 = arith.addi %select_n3A_4050, %and3A_4157 : vector<16xi32>
    %swap3A_4159 = arith.constant 112 : index
    %swap3A_4160 = tpu.vector_load %arg14[%swap3A_4159] {strides = array<i32>} : memref<128xi32, #tpu.memory_space<vmem>>, vector<16xi32>,
    %swap3A_4161 = vector.shape_cast %swap3A_4160 : vector<16xi32> to vector<16xi32>
    %swap3A_4162 = vector.shape_cast %add3A_4158 : vector<16xi32> to vector<16xi32>
    tpu.vector_store %arg14[%swap3A_4159], %swap3A_4162 {strides = array<i32>} : memref<128xi32, #tpu.memory_space<vmem>>, vector<16xi32>,
    %dma_start3A_4163 = arith.constant 0 : i32
    %dma_start3A_4164 = arith.constant 0 : i32
    %dma_start3A_4165 = tpu.memref_slice %arg8[%dma_start3A_4163, %dma_start3A_4164] : memref<128x128xf32, #tpu.memory_space<vmem>> -> memref<128x128xf32, #tpu.memory_space<vmem>>
    %dma_start3A_4166 = arith.constant 0 : i32
    %dma_start3A_4167 = tpu.memref_slice %arg14[%dma_start3A_4166] : memref<128xi32, #tpu.memory_space<vmem>> -> memref<128xi32, #tpu.memory_space<vmem>>
    %dma_start3A_4168 = arith.constant 0 : i32
    %dma_start3A_4169 = arith.constant 0 : i32
    %dma_start3A_4170 = tpu.memref_slice %arg2[%dma_start3A_4168, %dma_start3A_4169] : memref<32776x128xf32, #tpu.memory_space<hbm>> -> memref<32776x128xf32, #tpu.memory_space<hbm>>
    tpu.enqueue_indirect_dma source(%dma_start3A_4170 : memref<32776x128xf32, #tpu.memory_space<hbm>>) target(%dma_start3A_4165 : memref<128x128xf32, #tpu.memory_space<vmem>>) offsets(%dma_start3A_4167 : memref<128xi32, #tpu.memory_space<vmem>>) semaphore(%arg21 : memref<!tpu.dma_semaphore, #tpu.memory_space<semaphore_mem>>)
    %dma_wait3A_4171 = arith.constant 0 : i32
    %dma_wait3A_4172 = arith.constant 0 : i32
    %dma_wait3A_4173 = tpu.memref_slice %arg9[%dma_wait3A_4171, %dma_wait3A_4172] : memref<128x128xf32, #tpu.memory_space<vmem>> -> memref<128x128xf32, #tpu.memory_space<vmem>>
    %dma_wait3A_4174 = arith.constant 0 : i32
    %dma_wait3A_4175 = tpu.memref_slice %arg15[%dma_wait3A_4174] : memref<128xi32, #tpu.memory_space<vmem>> -> memref<128xi32, #tpu.memory_space<vmem>>
    %dma_wait3A_4176 = arith.constant 0 : i32
    %dma_wait3A_4177 = arith.constant 0 : i32
    %dma_wait3A_4178 = tpu.memref_slice %arg2[%dma_wait3A_4176, %dma_wait3A_4177] : memref<32776x128xf32, #tpu.memory_space<hbm>> -> memref<32776x128xf32, #tpu.memory_space<hbm>>
    tpu.wait_indirect_dma semaphore(%arg22 : memref<!tpu.dma_semaphore, #tpu.memory_space<semaphore_mem>>) src(%dma_wait3A_4178 : memref<32776x128xf32, #tpu.memory_space<hbm>>) dst(%dma_wait3A_4173 : memref<128x128xf32, #tpu.memory_space<vmem>>)
    %mul3A_4179 = arith.constant 8 : i32
    %mul3A_4180 = arith.muli %mul3A_2, %mul3A_4179 : i32
    %add3A_4181 = arith.constant 2688 : i32
    %add3A_4182 = arith.addi %mul3A_4180, %add3A_4181 : i32
    %dma_start3A_4183 = arith.constant 0 : i32
    %dma_start3A_4184 = tpu.memref_slice %arg4[%add3A_4182, %dma_start3A_4183] : memref<131072x128xf32, #tpu.memory_space<hbm>> -> memref<128x128xf32, #tpu.memory_space<hbm>>
    %dma_start3A_4185 = arith.constant 0 : i32
    %dma_start3A_4186 = tpu.memref_slice %arg4[%add3A_4182, %dma_start3A_4185] : memref<131072x128xf32, #tpu.memory_space<hbm>> -> memref<128x128xf32, #tpu.memory_space<hbm>>
    tpu.enqueue_dma source(%arg9 : memref<128x128xf32, #tpu.memory_space<vmem>>) target(%dma_start3A_4186 : memref<128x128xf32, #tpu.memory_space<hbm>>) target_semaphore(%arg28 : memref<!tpu.dma_semaphore, #tpu.memory_space<semaphore_mem>>)
    %dma_wait3A_4187 = arith.constant 0 : i32
    %dma_wait3A_4188 = tpu.memref_slice %arg4[%add3A_4182, %dma_wait3A_4187] : memref<131072x128xf32, #tpu.memory_space<hbm>> -> memref<128x128xf32, #tpu.memory_space<hbm>>
    %dma_wait3A_4189 = arith.constant 0 : i32
    %dma_wait3A_4190 = tpu.memref_slice %arg4[%add3A_4182, %dma_wait3A_4189] : memref<131072x128xf32, #tpu.memory_space<hbm>> -> memref<128x128xf32, #tpu.memory_space<hbm>>
    tpu.wait_dma2 semaphore(%arg28 : memref<!tpu.dma_semaphore, #tpu.memory_space<semaphore_mem>>) src(%arg9 : memref<128x128xf32, #tpu.memory_space<vmem>>) dst(%dma_wait3A_4190 : memref<128x128xf32, #tpu.memory_space<hbm>>)
    %get3A_4191 = arith.constant 432 : index
    %get3A_4192 = tpu.vector_load %arg5[%get3A_4191] {strides = array<i32>} : memref<512xi32, #tpu.memory_space<vmem>>, vector<16xi32>,
    %get3A_4193 = vector.shape_cast %get3A_4192 : vector<16xi32> to vector<16xi32>
    %mul3A_4194 = arith.constant 8 : i32
    %mul3A_4195 = vector.broadcast %mul3A_4194 : i32 to vector<16xi32>
    %mul3A_4196 = arith.muli %get3A_4193, %mul3A_4195 : vector<16xi32>
    %swap3A_4197 = arith.constant 0 : index
    %swap3A_4198 = tpu.vector_load %arg18[%swap3A_4197] {strides = array<i32>} : memref<32xi32, #tpu.memory_space<vmem>>, vector<16xi32>,
    %swap3A_4199 = vector.shape_cast %swap3A_4198 : vector<16xi32> to vector<16xi32>
    %swap3A_4200 = vector.shape_cast %mul3A_4196 : vector<16xi32> to vector<16xi32>
    tpu.vector_store %arg18[%swap3A_4197], %swap3A_4200 {strides = array<i32>} : memref<32xi32, #tpu.memory_space<vmem>>, vector<16xi32>,
    %swap3A_4201 = arith.constant 16 : index
    %swap3A_4202 = tpu.vector_load %arg18[%swap3A_4201] {strides = array<i32>} : memref<32xi32, #tpu.memory_space<vmem>>, vector<16xi32>,
    %swap3A_4203 = vector.shape_cast %swap3A_4202 : vector<16xi32> to vector<16xi32>
    %swap3A_4204 = vector.shape_cast %mul3A_4196 : vector<16xi32> to vector<16xi32>
    tpu.vector_store %arg18[%swap3A_4201], %swap3A_4204 {strides = array<i32>} : memref<32xi32, #tpu.memory_space<vmem>>, vector<16xi32>,
    %get3A_4205 = arith.constant 8 : index
    %get3A_4206 = tpu.vector_load %arg18[%get3A_4205] {strides = array<i32>} : memref<32xi32, #tpu.memory_space<vmem>>, vector<16xi32>,
    %get3A_4207 = vector.shape_cast %get3A_4206 : vector<16xi32> to vector<16xi32>
    %select_n3A_4208 = arith.select %lt3A_4, %mul3A_4196, %get3A_4207 : vector<16xi1>, vector<16xi32>
    %select_n3A_4209 = arith.select %lt3A_4, %get3A_4207, %mul3A_4196 : vector<16xi1>, vector<16xi32>
    %shift_right_arithmetic3A_4210 = arith.constant 3 : i32
    %shift_right_arithmetic3A_4211 = vector.broadcast %shift_right_arithmetic3A_4210 : i32 to vector<16xi32>
    %shift_right_arithmetic3A_4212 = arith.shrsi %iota3A, %shift_right_arithmetic3A_4211 : vector<16xi32>
    %add3A_4213 = arith.constant 0 : i32
    %add3A_4214 = vector.broadcast %add3A_4213 : i32 to vector<16xi32>
    %add3A_4215 = arith.addi %add3A_4214, %shift_right_arithmetic3A_4212 : vector<16xi32>
    %and3A_4216 = arith.constant 7 : i32
    %and3A_4217 = vector.broadcast %and3A_4216 : i32 to vector<16xi32>
    %and3A_4218 = arith.andi %add3A_4215, %and3A_4217 : vector<16xi32>
    %add3A_4219 = arith.addi %select_n3A_4208, %and3A_4218 : vector<16xi32>
    %swap3A_4220 = arith.constant 0 : index
    %swap3A_4221 = tpu.vector_load %arg15[%swap3A_4220] {strides = array<i32>} : memref<128xi32, #tpu.memory_space<vmem>>, vector<16xi32>,
    %swap3A_4222 = vector.shape_cast %swap3A_4221 : vector<16xi32> to vector<16xi32>
    %swap3A_4223 = vector.shape_cast %add3A_4219 : vector<16xi32> to vector<16xi32>
    tpu.vector_store %arg15[%swap3A_4220], %swap3A_4223 {strides = array<i32>} : memref<128xi32, #tpu.memory_space<vmem>>, vector<16xi32>,
    %shift_right_arithmetic3A_4224 = arith.constant 3 : i32
    %shift_right_arithmetic3A_4225 = vector.broadcast %shift_right_arithmetic3A_4224 : i32 to vector<16xi32>
    %shift_right_arithmetic3A_4226 = arith.shrsi %iota3A, %shift_right_arithmetic3A_4225 : vector<16xi32>
    %add3A_4227 = arith.constant 2 : i32
    %add3A_4228 = vector.broadcast %add3A_4227 : i32 to vector<16xi32>
    %add3A_4229 = arith.addi %add3A_4228, %shift_right_arithmetic3A_4226 : vector<16xi32>
    %and3A_4230 = arith.constant 7 : i32
    %and3A_4231 = vector.broadcast %and3A_4230 : i32 to vector<16xi32>
    %and3A_4232 = arith.andi %add3A_4229, %and3A_4231 : vector<16xi32>
    %add3A_4233 = arith.addi %select_n3A_4208, %and3A_4232 : vector<16xi32>
    %swap3A_4234 = arith.constant 16 : index
    %swap3A_4235 = tpu.vector_load %arg15[%swap3A_4234] {strides = array<i32>} : memref<128xi32, #tpu.memory_space<vmem>>, vector<16xi32>,
    %swap3A_4236 = vector.shape_cast %swap3A_4235 : vector<16xi32> to vector<16xi32>
    %swap3A_4237 = vector.shape_cast %add3A_4233 : vector<16xi32> to vector<16xi32>
    tpu.vector_store %arg15[%swap3A_4234], %swap3A_4237 {strides = array<i32>} : memref<128xi32, #tpu.memory_space<vmem>>, vector<16xi32>,
    %shift_right_arithmetic3A_4238 = arith.constant 3 : i32
    %shift_right_arithmetic3A_4239 = vector.broadcast %shift_right_arithmetic3A_4238 : i32 to vector<16xi32>
    %shift_right_arithmetic3A_4240 = arith.shrsi %iota3A, %shift_right_arithmetic3A_4239 : vector<16xi32>
    %add3A_4241 = arith.constant 4 : i32
    %add3A_4242 = vector.broadcast %add3A_4241 : i32 to vector<16xi32>
    %add3A_4243 = arith.addi %add3A_4242, %shift_right_arithmetic3A_4240 : vector<16xi32>
    %and3A_4244 = arith.constant 7 : i32
    %and3A_4245 = vector.broadcast %and3A_4244 : i32 to vector<16xi32>
    %and3A_4246 = arith.andi %add3A_4243, %and3A_4245 : vector<16xi32>
    %add3A_4247 = arith.addi %select_n3A_4208, %and3A_4246 : vector<16xi32>
    %swap3A_4248 = arith.constant 32 : index
    %swap3A_4249 = tpu.vector_load %arg15[%swap3A_4248] {strides = array<i32>} : memref<128xi32, #tpu.memory_space<vmem>>, vector<16xi32>,
    %swap3A_4250 = vector.shape_cast %swap3A_4249 : vector<16xi32> to vector<16xi32>
    %swap3A_4251 = vector.shape_cast %add3A_4247 : vector<16xi32> to vector<16xi32>
    tpu.vector_store %arg15[%swap3A_4248], %swap3A_4251 {strides = array<i32>} : memref<128xi32, #tpu.memory_space<vmem>>, vector<16xi32>,
    %shift_right_arithmetic3A_4252 = arith.constant 3 : i32
    %shift_right_arithmetic3A_4253 = vector.broadcast %shift_right_arithmetic3A_4252 : i32 to vector<16xi32>
    %shift_right_arithmetic3A_4254 = arith.shrsi %iota3A, %shift_right_arithmetic3A_4253 : vector<16xi32>
    %add3A_4255 = arith.constant 6 : i32
    %add3A_4256 = vector.broadcast %add3A_4255 : i32 to vector<16xi32>
    %add3A_4257 = arith.addi %add3A_4256, %shift_right_arithmetic3A_4254 : vector<16xi32>
    %and3A_4258 = arith.constant 7 : i32
    %and3A_4259 = vector.broadcast %and3A_4258 : i32 to vector<16xi32>
    %and3A_4260 = arith.andi %add3A_4257, %and3A_4259 : vector<16xi32>
    %add3A_4261 = arith.addi %select_n3A_4208, %and3A_4260 : vector<16xi32>
    %swap3A_4262 = arith.constant 48 : index
    %swap3A_4263 = tpu.vector_load %arg15[%swap3A_4262] {strides = array<i32>} : memref<128xi32, #tpu.memory_space<vmem>>, vector<16xi32>,
    %swap3A_4264 = vector.shape_cast %swap3A_4263 : vector<16xi32> to vector<16xi32>
    %swap3A_4265 = vector.shape_cast %add3A_4261 : vector<16xi32> to vector<16xi32>
    tpu.vector_store %arg15[%swap3A_4262], %swap3A_4265 {strides = array<i32>} : memref<128xi32, #tpu.memory_space<vmem>>, vector<16xi32>,
    %shift_right_arithmetic3A_4266 = arith.constant 3 : i32
    %shift_right_arithmetic3A_4267 = vector.broadcast %shift_right_arithmetic3A_4266 : i32 to vector<16xi32>
    %shift_right_arithmetic3A_4268 = arith.shrsi %iota3A, %shift_right_arithmetic3A_4267 : vector<16xi32>
    %add3A_4269 = arith.constant 8 : i32
    %add3A_4270 = vector.broadcast %add3A_4269 : i32 to vector<16xi32>
    %add3A_4271 = arith.addi %add3A_4270, %shift_right_arithmetic3A_4268 : vector<16xi32>
    %and3A_4272 = arith.constant 7 : i32
    %and3A_4273 = vector.broadcast %and3A_4272 : i32 to vector<16xi32>
    %and3A_4274 = arith.andi %add3A_4271, %and3A_4273 : vector<16xi32>
    %add3A_4275 = arith.addi %select_n3A_4209, %and3A_4274 : vector<16xi32>
    %swap3A_4276 = arith.constant 64 : index
    %swap3A_4277 = tpu.vector_load %arg15[%swap3A_4276] {strides = array<i32>} : memref<128xi32, #tpu.memory_space<vmem>>, vector<16xi32>,
    %swap3A_4278 = vector.shape_cast %swap3A_4277 : vector<16xi32> to vector<16xi32>
    %swap3A_4279 = vector.shape_cast %add3A_4275 : vector<16xi32> to vector<16xi32>
    tpu.vector_store %arg15[%swap3A_4276], %swap3A_4279 {strides = array<i32>} : memref<128xi32, #tpu.memory_space<vmem>>, vector<16xi32>,
    %shift_right_arithmetic3A_4280 = arith.constant 3 : i32
    %shift_right_arithmetic3A_4281 = vector.broadcast %shift_right_arithmetic3A_4280 : i32 to vector<16xi32>
    %shift_right_arithmetic3A_4282 = arith.shrsi %iota3A, %shift_right_arithmetic3A_4281 : vector<16xi32>
    %add3A_4283 = arith.constant 10 : i32
    %add3A_4284 = vector.broadcast %add3A_4283 : i32 to vector<16xi32>
    %add3A_4285 = arith.addi %add3A_4284, %shift_right_arithmetic3A_4282 : vector<16xi32>
    %and3A_4286 = arith.constant 7 : i32
    %and3A_4287 = vector.broadcast %and3A_4286 : i32 to vector<16xi32>
    %and3A_4288 = arith.andi %add3A_4285, %and3A_4287 : vector<16xi32>
    %add3A_4289 = arith.addi %select_n3A_4209, %and3A_4288 : vector<16xi32>
    %swap3A_4290 = arith.constant 80 : index
    %swap3A_4291 = tpu.vector_load %arg15[%swap3A_4290] {strides = array<i32>} : memref<128xi32, #tpu.memory_space<vmem>>, vector<16xi32>,
    %swap3A_4292 = vector.shape_cast %swap3A_4291 : vector<16xi32> to vector<16xi32>
    %swap3A_4293 = vector.shape_cast %add3A_4289 : vector<16xi32> to vector<16xi32>
    tpu.vector_store %arg15[%swap3A_4290], %swap3A_4293 {strides = array<i32>} : memref<128xi32, #tpu.memory_space<vmem>>, vector<16xi32>,
    %shift_right_arithmetic3A_4294 = arith.constant 3 : i32
    %shift_right_arithmetic3A_4295 = vector.broadcast %shift_right_arithmetic3A_4294 : i32 to vector<16xi32>
    %shift_right_arithmetic3A_4296 = arith.shrsi %iota3A, %shift_right_arithmetic3A_4295 : vector<16xi32>
    %add3A_4297 = arith.constant 12 : i32
    %add3A_4298 = vector.broadcast %add3A_4297 : i32 to vector<16xi32>
    %add3A_4299 = arith.addi %add3A_4298, %shift_right_arithmetic3A_4296 : vector<16xi32>
    %and3A_4300 = arith.constant 7 : i32
    %and3A_4301 = vector.broadcast %and3A_4300 : i32 to vector<16xi32>
    %and3A_4302 = arith.andi %add3A_4299, %and3A_4301 : vector<16xi32>
    %add3A_4303 = arith.addi %select_n3A_4209, %and3A_4302 : vector<16xi32>
    %swap3A_4304 = arith.constant 96 : index
    %swap3A_4305 = tpu.vector_load %arg15[%swap3A_4304] {strides = array<i32>} : memref<128xi32, #tpu.memory_space<vmem>>, vector<16xi32>,
    %swap3A_4306 = vector.shape_cast %swap3A_4305 : vector<16xi32> to vector<16xi32>
    %swap3A_4307 = vector.shape_cast %add3A_4303 : vector<16xi32> to vector<16xi32>
    tpu.vector_store %arg15[%swap3A_4304], %swap3A_4307 {strides = array<i32>} : memref<128xi32, #tpu.memory_space<vmem>>, vector<16xi32>,
    %shift_right_arithmetic3A_4308 = arith.constant 3 : i32
    %shift_right_arithmetic3A_4309 = vector.broadcast %shift_right_arithmetic3A_4308 : i32 to vector<16xi32>
    %shift_right_arithmetic3A_4310 = arith.shrsi %iota3A, %shift_right_arithmetic3A_4309 : vector<16xi32>
    %add3A_4311 = arith.constant 14 : i32
    %add3A_4312 = vector.broadcast %add3A_4311 : i32 to vector<16xi32>
    %add3A_4313 = arith.addi %add3A_4312, %shift_right_arithmetic3A_4310 : vector<16xi32>
    %and3A_4314 = arith.constant 7 : i32
    %and3A_4315 = vector.broadcast %and3A_4314 : i32 to vector<16xi32>
    %and3A_4316 = arith.andi %add3A_4313, %and3A_4315 : vector<16xi32>
    %add3A_4317 = arith.addi %select_n3A_4209, %and3A_4316 : vector<16xi32>
    %swap3A_4318 = arith.constant 112 : index
    %swap3A_4319 = tpu.vector_load %arg15[%swap3A_4318] {strides = array<i32>} : memref<128xi32, #tpu.memory_space<vmem>>, vector<16xi32>,
    %swap3A_4320 = vector.shape_cast %swap3A_4319 : vector<16xi32> to vector<16xi32>
    %swap3A_4321 = vector.shape_cast %add3A_4317 : vector<16xi32> to vector<16xi32>
    tpu.vector_store %arg15[%swap3A_4318], %swap3A_4321 {strides = array<i32>} : memref<128xi32, #tpu.memory_space<vmem>>, vector<16xi32>,
    %dma_start3A_4322 = arith.constant 0 : i32
    %dma_start3A_4323 = arith.constant 0 : i32
    %dma_start3A_4324 = tpu.memref_slice %arg9[%dma_start3A_4322, %dma_start3A_4323] : memref<128x128xf32, #tpu.memory_space<vmem>> -> memref<128x128xf32, #tpu.memory_space<vmem>>
    %dma_start3A_4325 = arith.constant 0 : i32
    %dma_start3A_4326 = tpu.memref_slice %arg15[%dma_start3A_4325] : memref<128xi32, #tpu.memory_space<vmem>> -> memref<128xi32, #tpu.memory_space<vmem>>
    %dma_start3A_4327 = arith.constant 0 : i32
    %dma_start3A_4328 = arith.constant 0 : i32
    %dma_start3A_4329 = tpu.memref_slice %arg2[%dma_start3A_4327, %dma_start3A_4328] : memref<32776x128xf32, #tpu.memory_space<hbm>> -> memref<32776x128xf32, #tpu.memory_space<hbm>>
    tpu.enqueue_indirect_dma source(%dma_start3A_4329 : memref<32776x128xf32, #tpu.memory_space<hbm>>) target(%dma_start3A_4324 : memref<128x128xf32, #tpu.memory_space<vmem>>) offsets(%dma_start3A_4326 : memref<128xi32, #tpu.memory_space<vmem>>) semaphore(%arg22 : memref<!tpu.dma_semaphore, #tpu.memory_space<semaphore_mem>>)
    %dma_wait3A_4330 = arith.constant 0 : i32
    %dma_wait3A_4331 = arith.constant 0 : i32
    %dma_wait3A_4332 = tpu.memref_slice %arg10[%dma_wait3A_4330, %dma_wait3A_4331] : memref<128x128xf32, #tpu.memory_space<vmem>> -> memref<128x128xf32, #tpu.memory_space<vmem>>
    %dma_wait3A_4333 = arith.constant 0 : i32
    %dma_wait3A_4334 = tpu.memref_slice %arg16[%dma_wait3A_4333] : memref<128xi32, #tpu.memory_space<vmem>> -> memref<128xi32, #tpu.memory_space<vmem>>
    %dma_wait3A_4335 = arith.constant 0 : i32
    %dma_wait3A_4336 = arith.constant 0 : i32
    %dma_wait3A_4337 = tpu.memref_slice %arg2[%dma_wait3A_4335, %dma_wait3A_4336] : memref<32776x128xf32, #tpu.memory_space<hbm>> -> memref<32776x128xf32, #tpu.memory_space<hbm>>
    tpu.wait_indirect_dma semaphore(%arg23 : memref<!tpu.dma_semaphore, #tpu.memory_space<semaphore_mem>>) src(%dma_wait3A_4337 : memref<32776x128xf32, #tpu.memory_space<hbm>>) dst(%dma_wait3A_4332 : memref<128x128xf32, #tpu.memory_space<vmem>>)
    %mul3A_4338 = arith.constant 8 : i32
    %mul3A_4339 = arith.muli %mul3A_2, %mul3A_4338 : i32
    %add3A_4340 = arith.constant 2816 : i32
    %add3A_4341 = arith.addi %mul3A_4339, %add3A_4340 : i32
    %dma_start3A_4342 = arith.constant 0 : i32
    %dma_start3A_4343 = tpu.memref_slice %arg4[%add3A_4341, %dma_start3A_4342] : memref<131072x128xf32, #tpu.memory_space<hbm>> -> memref<128x128xf32, #tpu.memory_space<hbm>>
    %dma_start3A_4344 = arith.constant 0 : i32
    %dma_start3A_4345 = tpu.memref_slice %arg4[%add3A_4341, %dma_start3A_4344] : memref<131072x128xf32, #tpu.memory_space<hbm>> -> memref<128x128xf32, #tpu.memory_space<hbm>>
    tpu.enqueue_dma source(%arg10 : memref<128x128xf32, #tpu.memory_space<vmem>>) target(%dma_start3A_4345 : memref<128x128xf32, #tpu.memory_space<hbm>>) target_semaphore(%arg29 : memref<!tpu.dma_semaphore, #tpu.memory_space<semaphore_mem>>)
    %dma_wait3A_4346 = arith.constant 0 : i32
    %dma_wait3A_4347 = tpu.memref_slice %arg4[%add3A_4341, %dma_wait3A_4346] : memref<131072x128xf32, #tpu.memory_space<hbm>> -> memref<128x128xf32, #tpu.memory_space<hbm>>
    %dma_wait3A_4348 = arith.constant 0 : i32
    %dma_wait3A_4349 = tpu.memref_slice %arg4[%add3A_4341, %dma_wait3A_4348] : memref<131072x128xf32, #tpu.memory_space<hbm>> -> memref<128x128xf32, #tpu.memory_space<hbm>>
    tpu.wait_dma2 semaphore(%arg29 : memref<!tpu.dma_semaphore, #tpu.memory_space<semaphore_mem>>) src(%arg10 : memref<128x128xf32, #tpu.memory_space<vmem>>) dst(%dma_wait3A_4349 : memref<128x128xf32, #tpu.memory_space<hbm>>)
    %get3A_4350 = arith.constant 448 : index
    %get3A_4351 = tpu.vector_load %arg5[%get3A_4350] {strides = array<i32>} : memref<512xi32, #tpu.memory_space<vmem>>, vector<16xi32>,
    %get3A_4352 = vector.shape_cast %get3A_4351 : vector<16xi32> to vector<16xi32>
    %mul3A_4353 = arith.constant 8 : i32
    %mul3A_4354 = vector.broadcast %mul3A_4353 : i32 to vector<16xi32>
    %mul3A_4355 = arith.muli %get3A_4352, %mul3A_4354 : vector<16xi32>
    %swap3A_4356 = arith.constant 0 : index
    %swap3A_4357 = tpu.vector_load %arg18[%swap3A_4356] {strides = array<i32>} : memref<32xi32, #tpu.memory_space<vmem>>, vector<16xi32>,
    %swap3A_4358 = vector.shape_cast %swap3A_4357 : vector<16xi32> to vector<16xi32>
    %swap3A_4359 = vector.shape_cast %mul3A_4355 : vector<16xi32> to vector<16xi32>
    tpu.vector_store %arg18[%swap3A_4356], %swap3A_4359 {strides = array<i32>} : memref<32xi32, #tpu.memory_space<vmem>>, vector<16xi32>,
    %swap3A_4360 = arith.constant 16 : index
    %swap3A_4361 = tpu.vector_load %arg18[%swap3A_4360] {strides = array<i32>} : memref<32xi32, #tpu.memory_space<vmem>>, vector<16xi32>,
    %swap3A_4362 = vector.shape_cast %swap3A_4361 : vector<16xi32> to vector<16xi32>
    %swap3A_4363 = vector.shape_cast %mul3A_4355 : vector<16xi32> to vector<16xi32>
    tpu.vector_store %arg18[%swap3A_4360], %swap3A_4363 {strides = array<i32>} : memref<32xi32, #tpu.memory_space<vmem>>, vector<16xi32>,
    %get3A_4364 = arith.constant 8 : index
    %get3A_4365 = tpu.vector_load %arg18[%get3A_4364] {strides = array<i32>} : memref<32xi32, #tpu.memory_space<vmem>>, vector<16xi32>,
    %get3A_4366 = vector.shape_cast %get3A_4365 : vector<16xi32> to vector<16xi32>
    %select_n3A_4367 = arith.select %lt3A_4, %mul3A_4355, %get3A_4366 : vector<16xi1>, vector<16xi32>
    %select_n3A_4368 = arith.select %lt3A_4, %get3A_4366, %mul3A_4355 : vector<16xi1>, vector<16xi32>
    %shift_right_arithmetic3A_4369 = arith.constant 3 : i32
    %shift_right_arithmetic3A_4370 = vector.broadcast %shift_right_arithmetic3A_4369 : i32 to vector<16xi32>
    %shift_right_arithmetic3A_4371 = arith.shrsi %iota3A, %shift_right_arithmetic3A_4370 : vector<16xi32>
    %add3A_4372 = arith.constant 0 : i32
    %add3A_4373 = vector.broadcast %add3A_4372 : i32 to vector<16xi32>
    %add3A_4374 = arith.addi %add3A_4373, %shift_right_arithmetic3A_4371 : vector<16xi32>
    %and3A_4375 = arith.constant 7 : i32
    %and3A_4376 = vector.broadcast %and3A_4375 : i32 to vector<16xi32>
    %and3A_4377 = arith.andi %add3A_4374, %and3A_4376 : vector<16xi32>
    %add3A_4378 = arith.addi %select_n3A_4367, %and3A_4377 : vector<16xi32>
    %swap3A_4379 = arith.constant 0 : index
    %swap3A_4380 = tpu.vector_load %arg16[%swap3A_4379] {strides = array<i32>} : memref<128xi32, #tpu.memory_space<vmem>>, vector<16xi32>,
    %swap3A_4381 = vector.shape_cast %swap3A_4380 : vector<16xi32> to vector<16xi32>
    %swap3A_4382 = vector.shape_cast %add3A_4378 : vector<16xi32> to vector<16xi32>
    tpu.vector_store %arg16[%swap3A_4379], %swap3A_4382 {strides = array<i32>} : memref<128xi32, #tpu.memory_space<vmem>>, vector<16xi32>,
    %shift_right_arithmetic3A_4383 = arith.constant 3 : i32
    %shift_right_arithmetic3A_4384 = vector.broadcast %shift_right_arithmetic3A_4383 : i32 to vector<16xi32>
    %shift_right_arithmetic3A_4385 = arith.shrsi %iota3A, %shift_right_arithmetic3A_4384 : vector<16xi32>
    %add3A_4386 = arith.constant 2 : i32
    %add3A_4387 = vector.broadcast %add3A_4386 : i32 to vector<16xi32>
    %add3A_4388 = arith.addi %add3A_4387, %shift_right_arithmetic3A_4385 : vector<16xi32>
    %and3A_4389 = arith.constant 7 : i32
    %and3A_4390 = vector.broadcast %and3A_4389 : i32 to vector<16xi32>
    %and3A_4391 = arith.andi %add3A_4388, %and3A_4390 : vector<16xi32>
    %add3A_4392 = arith.addi %select_n3A_4367, %and3A_4391 : vector<16xi32>
    %swap3A_4393 = arith.constant 16 : index
    %swap3A_4394 = tpu.vector_load %arg16[%swap3A_4393] {strides = array<i32>} : memref<128xi32, #tpu.memory_space<vmem>>, vector<16xi32>,
    %swap3A_4395 = vector.shape_cast %swap3A_4394 : vector<16xi32> to vector<16xi32>
    %swap3A_4396 = vector.shape_cast %add3A_4392 : vector<16xi32> to vector<16xi32>
    tpu.vector_store %arg16[%swap3A_4393], %swap3A_4396 {strides = array<i32>} : memref<128xi32, #tpu.memory_space<vmem>>, vector<16xi32>,
    %shift_right_arithmetic3A_4397 = arith.constant 3 : i32
    %shift_right_arithmetic3A_4398 = vector.broadcast %shift_right_arithmetic3A_4397 : i32 to vector<16xi32>
    %shift_right_arithmetic3A_4399 = arith.shrsi %iota3A, %shift_right_arithmetic3A_4398 : vector<16xi32>
    %add3A_4400 = arith.constant 4 : i32
    %add3A_4401 = vector.broadcast %add3A_4400 : i32 to vector<16xi32>
    %add3A_4402 = arith.addi %add3A_4401, %shift_right_arithmetic3A_4399 : vector<16xi32>
    %and3A_4403 = arith.constant 7 : i32
    %and3A_4404 = vector.broadcast %and3A_4403 : i32 to vector<16xi32>
    %and3A_4405 = arith.andi %add3A_4402, %and3A_4404 : vector<16xi32>
    %add3A_4406 = arith.addi %select_n3A_4367, %and3A_4405 : vector<16xi32>
    %swap3A_4407 = arith.constant 32 : index
    %swap3A_4408 = tpu.vector_load %arg16[%swap3A_4407] {strides = array<i32>} : memref<128xi32, #tpu.memory_space<vmem>>, vector<16xi32>,
    %swap3A_4409 = vector.shape_cast %swap3A_4408 : vector<16xi32> to vector<16xi32>
    %swap3A_4410 = vector.shape_cast %add3A_4406 : vector<16xi32> to vector<16xi32>
    tpu.vector_store %arg16[%swap3A_4407], %swap3A_4410 {strides = array<i32>} : memref<128xi32, #tpu.memory_space<vmem>>, vector<16xi32>,
    %shift_right_arithmetic3A_4411 = arith.constant 3 : i32
    %shift_right_arithmetic3A_4412 = vector.broadcast %shift_right_arithmetic3A_4411 : i32 to vector<16xi32>
    %shift_right_arithmetic3A_4413 = arith.shrsi %iota3A, %shift_right_arithmetic3A_4412 : vector<16xi32>
    %add3A_4414 = arith.constant 6 : i32
    %add3A_4415 = vector.broadcast %add3A_4414 : i32 to vector<16xi32>
    %add3A_4416 = arith.addi %add3A_4415, %shift_right_arithmetic3A_4413 : vector<16xi32>
    %and3A_4417 = arith.constant 7 : i32
    %and3A_4418 = vector.broadcast %and3A_4417 : i32 to vector<16xi32>
    %and3A_4419 = arith.andi %add3A_4416, %and3A_4418 : vector<16xi32>
    %add3A_4420 = arith.addi %select_n3A_4367, %and3A_4419 : vector<16xi32>
    %swap3A_4421 = arith.constant 48 : index
    %swap3A_4422 = tpu.vector_load %arg16[%swap3A_4421] {strides = array<i32>} : memref<128xi32, #tpu.memory_space<vmem>>, vector<16xi32>,
    %swap3A_4423 = vector.shape_cast %swap3A_4422 : vector<16xi32> to vector<16xi32>
    %swap3A_4424 = vector.shape_cast %add3A_4420 : vector<16xi32> to vector<16xi32>
    tpu.vector_store %arg16[%swap3A_4421], %swap3A_4424 {strides = array<i32>} : memref<128xi32, #tpu.memory_space<vmem>>, vector<16xi32>,
    %shift_right_arithmetic3A_4425 = arith.constant 3 : i32
    %shift_right_arithmetic3A_4426 = vector.broadcast %shift_right_arithmetic3A_4425 : i32 to vector<16xi32>
    %shift_right_arithmetic3A_4427 = arith.shrsi %iota3A, %shift_right_arithmetic3A_4426 : vector<16xi32>
    %add3A_4428 = arith.constant 8 : i32
    %add3A_4429 = vector.broadcast %add3A_4428 : i32 to vector<16xi32>
    %add3A_4430 = arith.addi %add3A_4429, %shift_right_arithmetic3A_4427 : vector<16xi32>
    %and3A_4431 = arith.constant 7 : i32
    %and3A_4432 = vector.broadcast %and3A_4431 : i32 to vector<16xi32>
    %and3A_4433 = arith.andi %add3A_4430, %and3A_4432 : vector<16xi32>
    %add3A_4434 = arith.addi %select_n3A_4368, %and3A_4433 : vector<16xi32>
    %swap3A_4435 = arith.constant 64 : index
    %swap3A_4436 = tpu.vector_load %arg16[%swap3A_4435] {strides = array<i32>} : memref<128xi32, #tpu.memory_space<vmem>>, vector<16xi32>,
    %swap3A_4437 = vector.shape_cast %swap3A_4436 : vector<16xi32> to vector<16xi32>
    %swap3A_4438 = vector.shape_cast %add3A_4434 : vector<16xi32> to vector<16xi32>
    tpu.vector_store %arg16[%swap3A_4435], %swap3A_4438 {strides = array<i32>} : memref<128xi32, #tpu.memory_space<vmem>>, vector<16xi32>,
    %shift_right_arithmetic3A_4439 = arith.constant 3 : i32
    %shift_right_arithmetic3A_4440 = vector.broadcast %shift_right_arithmetic3A_4439 : i32 to vector<16xi32>
    %shift_right_arithmetic3A_4441 = arith.shrsi %iota3A, %shift_right_arithmetic3A_4440 : vector<16xi32>
    %add3A_4442 = arith.constant 10 : i32
    %add3A_4443 = vector.broadcast %add3A_4442 : i32 to vector<16xi32>
    %add3A_4444 = arith.addi %add3A_4443, %shift_right_arithmetic3A_4441 : vector<16xi32>
    %and3A_4445 = arith.constant 7 : i32
    %and3A_4446 = vector.broadcast %and3A_4445 : i32 to vector<16xi32>
    %and3A_4447 = arith.andi %add3A_4444, %and3A_4446 : vector<16xi32>
    %add3A_4448 = arith.addi %select_n3A_4368, %and3A_4447 : vector<16xi32>
    %swap3A_4449 = arith.constant 80 : index
    %swap3A_4450 = tpu.vector_load %arg16[%swap3A_4449] {strides = array<i32>} : memref<128xi32, #tpu.memory_space<vmem>>, vector<16xi32>,
    %swap3A_4451 = vector.shape_cast %swap3A_4450 : vector<16xi32> to vector<16xi32>
    %swap3A_4452 = vector.shape_cast %add3A_4448 : vector<16xi32> to vector<16xi32>
    tpu.vector_store %arg16[%swap3A_4449], %swap3A_4452 {strides = array<i32>} : memref<128xi32, #tpu.memory_space<vmem>>, vector<16xi32>,
    %shift_right_arithmetic3A_4453 = arith.constant 3 : i32
    %shift_right_arithmetic3A_4454 = vector.broadcast %shift_right_arithmetic3A_4453 : i32 to vector<16xi32>
    %shift_right_arithmetic3A_4455 = arith.shrsi %iota3A, %shift_right_arithmetic3A_4454 : vector<16xi32>
    %add3A_4456 = arith.constant 12 : i32
    %add3A_4457 = vector.broadcast %add3A_4456 : i32 to vector<16xi32>
    %add3A_4458 = arith.addi %add3A_4457, %shift_right_arithmetic3A_4455 : vector<16xi32>
    %and3A_4459 = arith.constant 7 : i32
    %and3A_4460 = vector.broadcast %and3A_4459 : i32 to vector<16xi32>
    %and3A_4461 = arith.andi %add3A_4458, %and3A_4460 : vector<16xi32>
    %add3A_4462 = arith.addi %select_n3A_4368, %and3A_4461 : vector<16xi32>
    %swap3A_4463 = arith.constant 96 : index
    %swap3A_4464 = tpu.vector_load %arg16[%swap3A_4463] {strides = array<i32>} : memref<128xi32, #tpu.memory_space<vmem>>, vector<16xi32>,
    %swap3A_4465 = vector.shape_cast %swap3A_4464 : vector<16xi32> to vector<16xi32>
    %swap3A_4466 = vector.shape_cast %add3A_4462 : vector<16xi32> to vector<16xi32>
    tpu.vector_store %arg16[%swap3A_4463], %swap3A_4466 {strides = array<i32>} : memref<128xi32, #tpu.memory_space<vmem>>, vector<16xi32>,
    %shift_right_arithmetic3A_4467 = arith.constant 3 : i32
    %shift_right_arithmetic3A_4468 = vector.broadcast %shift_right_arithmetic3A_4467 : i32 to vector<16xi32>
    %shift_right_arithmetic3A_4469 = arith.shrsi %iota3A, %shift_right_arithmetic3A_4468 : vector<16xi32>
    %add3A_4470 = arith.constant 14 : i32
    %add3A_4471 = vector.broadcast %add3A_4470 : i32 to vector<16xi32>
    %add3A_4472 = arith.addi %add3A_4471, %shift_right_arithmetic3A_4469 : vector<16xi32>
    %and3A_4473 = arith.constant 7 : i32
    %and3A_4474 = vector.broadcast %and3A_4473 : i32 to vector<16xi32>
    %and3A_4475 = arith.andi %add3A_4472, %and3A_4474 : vector<16xi32>
    %add3A_4476 = arith.addi %select_n3A_4368, %and3A_4475 : vector<16xi32>
    %swap3A_4477 = arith.constant 112 : index
    %swap3A_4478 = tpu.vector_load %arg16[%swap3A_4477] {strides = array<i32>} : memref<128xi32, #tpu.memory_space<vmem>>, vector<16xi32>,
    %swap3A_4479 = vector.shape_cast %swap3A_4478 : vector<16xi32> to vector<16xi32>
    %swap3A_4480 = vector.shape_cast %add3A_4476 : vector<16xi32> to vector<16xi32>
    tpu.vector_store %arg16[%swap3A_4477], %swap3A_4480 {strides = array<i32>} : memref<128xi32, #tpu.memory_space<vmem>>, vector<16xi32>,
    %dma_start3A_4481 = arith.constant 0 : i32
    %dma_start3A_4482 = arith.constant 0 : i32
    %dma_start3A_4483 = tpu.memref_slice %arg10[%dma_start3A_4481, %dma_start3A_4482] : memref<128x128xf32, #tpu.memory_space<vmem>> -> memref<128x128xf32, #tpu.memory_space<vmem>>
    %dma_start3A_4484 = arith.constant 0 : i32
    %dma_start3A_4485 = tpu.memref_slice %arg16[%dma_start3A_4484] : memref<128xi32, #tpu.memory_space<vmem>> -> memref<128xi32, #tpu.memory_space<vmem>>
    %dma_start3A_4486 = arith.constant 0 : i32
    %dma_start3A_4487 = arith.constant 0 : i32
    %dma_start3A_4488 = tpu.memref_slice %arg2[%dma_start3A_4486, %dma_start3A_4487] : memref<32776x128xf32, #tpu.memory_space<hbm>> -> memref<32776x128xf32, #tpu.memory_space<hbm>>
    tpu.enqueue_indirect_dma source(%dma_start3A_4488 : memref<32776x128xf32, #tpu.memory_space<hbm>>) target(%dma_start3A_4483 : memref<128x128xf32, #tpu.memory_space<vmem>>) offsets(%dma_start3A_4485 : memref<128xi32, #tpu.memory_space<vmem>>) semaphore(%arg23 : memref<!tpu.dma_semaphore, #tpu.memory_space<semaphore_mem>>)
    %dma_wait3A_4489 = arith.constant 0 : i32
    %dma_wait3A_4490 = arith.constant 0 : i32
    %dma_wait3A_4491 = tpu.memref_slice %arg11[%dma_wait3A_4489, %dma_wait3A_4490] : memref<128x128xf32, #tpu.memory_space<vmem>> -> memref<128x128xf32, #tpu.memory_space<vmem>>
    %dma_wait3A_4492 = arith.constant 0 : i32
    %dma_wait3A_4493 = tpu.memref_slice %arg17[%dma_wait3A_4492] : memref<128xi32, #tpu.memory_space<vmem>> -> memref<128xi32, #tpu.memory_space<vmem>>
    %dma_wait3A_4494 = arith.constant 0 : i32
    %dma_wait3A_4495 = arith.constant 0 : i32
    %dma_wait3A_4496 = tpu.memref_slice %arg2[%dma_wait3A_4494, %dma_wait3A_4495] : memref<32776x128xf32, #tpu.memory_space<hbm>> -> memref<32776x128xf32, #tpu.memory_space<hbm>>
    tpu.wait_indirect_dma semaphore(%arg24 : memref<!tpu.dma_semaphore, #tpu.memory_space<semaphore_mem>>) src(%dma_wait3A_4496 : memref<32776x128xf32, #tpu.memory_space<hbm>>) dst(%dma_wait3A_4491 : memref<128x128xf32, #tpu.memory_space<vmem>>)
    %mul3A_4497 = arith.constant 8 : i32
    %mul3A_4498 = arith.muli %mul3A_2, %mul3A_4497 : i32
    %add3A_4499 = arith.constant 2944 : i32
    %add3A_4500 = arith.addi %mul3A_4498, %add3A_4499 : i32
    %dma_start3A_4501 = arith.constant 0 : i32
    %dma_start3A_4502 = tpu.memref_slice %arg4[%add3A_4500, %dma_start3A_4501] : memref<131072x128xf32, #tpu.memory_space<hbm>> -> memref<128x128xf32, #tpu.memory_space<hbm>>
    %dma_start3A_4503 = arith.constant 0 : i32
    %dma_start3A_4504 = tpu.memref_slice %arg4[%add3A_4500, %dma_start3A_4503] : memref<131072x128xf32, #tpu.memory_space<hbm>> -> memref<128x128xf32, #tpu.memory_space<hbm>>
    tpu.enqueue_dma source(%arg11 : memref<128x128xf32, #tpu.memory_space<vmem>>) target(%dma_start3A_4504 : memref<128x128xf32, #tpu.memory_space<hbm>>) target_semaphore(%arg30 : memref<!tpu.dma_semaphore, #tpu.memory_space<semaphore_mem>>)
    %dma_wait3A_4505 = arith.constant 0 : i32
    %dma_wait3A_4506 = tpu.memref_slice %arg4[%add3A_4500, %dma_wait3A_4505] : memref<131072x128xf32, #tpu.memory_space<hbm>> -> memref<128x128xf32, #tpu.memory_space<hbm>>
    %dma_wait3A_4507 = arith.constant 0 : i32
    %dma_wait3A_4508 = tpu.memref_slice %arg4[%add3A_4500, %dma_wait3A_4507] : memref<131072x128xf32, #tpu.memory_space<hbm>> -> memref<128x128xf32, #tpu.memory_space<hbm>>
    tpu.wait_dma2 semaphore(%arg30 : memref<!tpu.dma_semaphore, #tpu.memory_space<semaphore_mem>>) src(%arg11 : memref<128x128xf32, #tpu.memory_space<vmem>>) dst(%dma_wait3A_4508 : memref<128x128xf32, #tpu.memory_space<hbm>>)
    %get3A_4509 = arith.constant 464 : index
    %get3A_4510 = tpu.vector_load %arg5[%get3A_4509] {strides = array<i32>} : memref<512xi32, #tpu.memory_space<vmem>>, vector<16xi32>,
    %get3A_4511 = vector.shape_cast %get3A_4510 : vector<16xi32> to vector<16xi32>
    %mul3A_4512 = arith.constant 8 : i32
    %mul3A_4513 = vector.broadcast %mul3A_4512 : i32 to vector<16xi32>
    %mul3A_4514 = arith.muli %get3A_4511, %mul3A_4513 : vector<16xi32>
    %swap3A_4515 = arith.constant 0 : index
    %swap3A_4516 = tpu.vector_load %arg18[%swap3A_4515] {strides = array<i32>} : memref<32xi32, #tpu.memory_space<vmem>>, vector<16xi32>,
    %swap3A_4517 = vector.shape_cast %swap3A_4516 : vector<16xi32> to vector<16xi32>
    %swap3A_4518 = vector.shape_cast %mul3A_4514 : vector<16xi32> to vector<16xi32>
    tpu.vector_store %arg18[%swap3A_4515], %swap3A_4518 {strides = array<i32>} : memref<32xi32, #tpu.memory_space<vmem>>, vector<16xi32>,
    %swap3A_4519 = arith.constant 16 : index
    %swap3A_4520 = tpu.vector_load %arg18[%swap3A_4519] {strides = array<i32>} : memref<32xi32, #tpu.memory_space<vmem>>, vector<16xi32>,
    %swap3A_4521 = vector.shape_cast %swap3A_4520 : vector<16xi32> to vector<16xi32>
    %swap3A_4522 = vector.shape_cast %mul3A_4514 : vector<16xi32> to vector<16xi32>
    tpu.vector_store %arg18[%swap3A_4519], %swap3A_4522 {strides = array<i32>} : memref<32xi32, #tpu.memory_space<vmem>>, vector<16xi32>,
    %get3A_4523 = arith.constant 8 : index
    %get3A_4524 = tpu.vector_load %arg18[%get3A_4523] {strides = array<i32>} : memref<32xi32, #tpu.memory_space<vmem>>, vector<16xi32>,
    %get3A_4525 = vector.shape_cast %get3A_4524 : vector<16xi32> to vector<16xi32>
    %select_n3A_4526 = arith.select %lt3A_4, %mul3A_4514, %get3A_4525 : vector<16xi1>, vector<16xi32>
    %select_n3A_4527 = arith.select %lt3A_4, %get3A_4525, %mul3A_4514 : vector<16xi1>, vector<16xi32>
    %shift_right_arithmetic3A_4528 = arith.constant 3 : i32
    %shift_right_arithmetic3A_4529 = vector.broadcast %shift_right_arithmetic3A_4528 : i32 to vector<16xi32>
    %shift_right_arithmetic3A_4530 = arith.shrsi %iota3A, %shift_right_arithmetic3A_4529 : vector<16xi32>
    %add3A_4531 = arith.constant 0 : i32
    %add3A_4532 = vector.broadcast %add3A_4531 : i32 to vector<16xi32>
    %add3A_4533 = arith.addi %add3A_4532, %shift_right_arithmetic3A_4530 : vector<16xi32>
    %and3A_4534 = arith.constant 7 : i32
    %and3A_4535 = vector.broadcast %and3A_4534 : i32 to vector<16xi32>
    %and3A_4536 = arith.andi %add3A_4533, %and3A_4535 : vector<16xi32>
    %add3A_4537 = arith.addi %select_n3A_4526, %and3A_4536 : vector<16xi32>
    %swap3A_4538 = arith.constant 0 : index
    %swap3A_4539 = tpu.vector_load %arg17[%swap3A_4538] {strides = array<i32>} : memref<128xi32, #tpu.memory_space<vmem>>, vector<16xi32>,
    %swap3A_4540 = vector.shape_cast %swap3A_4539 : vector<16xi32> to vector<16xi32>
    %swap3A_4541 = vector.shape_cast %add3A_4537 : vector<16xi32> to vector<16xi32>
    tpu.vector_store %arg17[%swap3A_4538], %swap3A_4541 {strides = array<i32>} : memref<128xi32, #tpu.memory_space<vmem>>, vector<16xi32>,
    %shift_right_arithmetic3A_4542 = arith.constant 3 : i32
    %shift_right_arithmetic3A_4543 = vector.broadcast %shift_right_arithmetic3A_4542 : i32 to vector<16xi32>
    %shift_right_arithmetic3A_4544 = arith.shrsi %iota3A, %shift_right_arithmetic3A_4543 : vector<16xi32>
    %add3A_4545 = arith.constant 2 : i32
    %add3A_4546 = vector.broadcast %add3A_4545 : i32 to vector<16xi32>
    %add3A_4547 = arith.addi %add3A_4546, %shift_right_arithmetic3A_4544 : vector<16xi32>
    %and3A_4548 = arith.constant 7 : i32
    %and3A_4549 = vector.broadcast %and3A_4548 : i32 to vector<16xi32>
    %and3A_4550 = arith.andi %add3A_4547, %and3A_4549 : vector<16xi32>
    %add3A_4551 = arith.addi %select_n3A_4526, %and3A_4550 : vector<16xi32>
    %swap3A_4552 = arith.constant 16 : index
    %swap3A_4553 = tpu.vector_load %arg17[%swap3A_4552] {strides = array<i32>} : memref<128xi32, #tpu.memory_space<vmem>>, vector<16xi32>,
    %swap3A_4554 = vector.shape_cast %swap3A_4553 : vector<16xi32> to vector<16xi32>
    %swap3A_4555 = vector.shape_cast %add3A_4551 : vector<16xi32> to vector<16xi32>
    tpu.vector_store %arg17[%swap3A_4552], %swap3A_4555 {strides = array<i32>} : memref<128xi32, #tpu.memory_space<vmem>>, vector<16xi32>,
    %shift_right_arithmetic3A_4556 = arith.constant 3 : i32
    %shift_right_arithmetic3A_4557 = vector.broadcast %shift_right_arithmetic3A_4556 : i32 to vector<16xi32>
    %shift_right_arithmetic3A_4558 = arith.shrsi %iota3A, %shift_right_arithmetic3A_4557 : vector<16xi32>
    %add3A_4559 = arith.constant 4 : i32
    %add3A_4560 = vector.broadcast %add3A_4559 : i32 to vector<16xi32>
    %add3A_4561 = arith.addi %add3A_4560, %shift_right_arithmetic3A_4558 : vector<16xi32>
    %and3A_4562 = arith.constant 7 : i32
    %and3A_4563 = vector.broadcast %and3A_4562 : i32 to vector<16xi32>
    %and3A_4564 = arith.andi %add3A_4561, %and3A_4563 : vector<16xi32>
    %add3A_4565 = arith.addi %select_n3A_4526, %and3A_4564 : vector<16xi32>
    %swap3A_4566 = arith.constant 32 : index
    %swap3A_4567 = tpu.vector_load %arg17[%swap3A_4566] {strides = array<i32>} : memref<128xi32, #tpu.memory_space<vmem>>, vector<16xi32>,
    %swap3A_4568 = vector.shape_cast %swap3A_4567 : vector<16xi32> to vector<16xi32>
    %swap3A_4569 = vector.shape_cast %add3A_4565 : vector<16xi32> to vector<16xi32>
    tpu.vector_store %arg17[%swap3A_4566], %swap3A_4569 {strides = array<i32>} : memref<128xi32, #tpu.memory_space<vmem>>, vector<16xi32>,
    %shift_right_arithmetic3A_4570 = arith.constant 3 : i32
    %shift_right_arithmetic3A_4571 = vector.broadcast %shift_right_arithmetic3A_4570 : i32 to vector<16xi32>
    %shift_right_arithmetic3A_4572 = arith.shrsi %iota3A, %shift_right_arithmetic3A_4571 : vector<16xi32>
    %add3A_4573 = arith.constant 6 : i32
    %add3A_4574 = vector.broadcast %add3A_4573 : i32 to vector<16xi32>
    %add3A_4575 = arith.addi %add3A_4574, %shift_right_arithmetic3A_4572 : vector<16xi32>
    %and3A_4576 = arith.constant 7 : i32
    %and3A_4577 = vector.broadcast %and3A_4576 : i32 to vector<16xi32>
    %and3A_4578 = arith.andi %add3A_4575, %and3A_4577 : vector<16xi32>
    %add3A_4579 = arith.addi %select_n3A_4526, %and3A_4578 : vector<16xi32>
    %swap3A_4580 = arith.constant 48 : index
    %swap3A_4581 = tpu.vector_load %arg17[%swap3A_4580] {strides = array<i32>} : memref<128xi32, #tpu.memory_space<vmem>>, vector<16xi32>,
    %swap3A_4582 = vector.shape_cast %swap3A_4581 : vector<16xi32> to vector<16xi32>
    %swap3A_4583 = vector.shape_cast %add3A_4579 : vector<16xi32> to vector<16xi32>
    tpu.vector_store %arg17[%swap3A_4580], %swap3A_4583 {strides = array<i32>} : memref<128xi32, #tpu.memory_space<vmem>>, vector<16xi32>,
    %shift_right_arithmetic3A_4584 = arith.constant 3 : i32
    %shift_right_arithmetic3A_4585 = vector.broadcast %shift_right_arithmetic3A_4584 : i32 to vector<16xi32>
    %shift_right_arithmetic3A_4586 = arith.shrsi %iota3A, %shift_right_arithmetic3A_4585 : vector<16xi32>
    %add3A_4587 = arith.constant 8 : i32
    %add3A_4588 = vector.broadcast %add3A_4587 : i32 to vector<16xi32>
    %add3A_4589 = arith.addi %add3A_4588, %shift_right_arithmetic3A_4586 : vector<16xi32>
    %and3A_4590 = arith.constant 7 : i32
    %and3A_4591 = vector.broadcast %and3A_4590 : i32 to vector<16xi32>
    %and3A_4592 = arith.andi %add3A_4589, %and3A_4591 : vector<16xi32>
    %add3A_4593 = arith.addi %select_n3A_4527, %and3A_4592 : vector<16xi32>
    %swap3A_4594 = arith.constant 64 : index
    %swap3A_4595 = tpu.vector_load %arg17[%swap3A_4594] {strides = array<i32>} : memref<128xi32, #tpu.memory_space<vmem>>, vector<16xi32>,
    %swap3A_4596 = vector.shape_cast %swap3A_4595 : vector<16xi32> to vector<16xi32>
    %swap3A_4597 = vector.shape_cast %add3A_4593 : vector<16xi32> to vector<16xi32>
    tpu.vector_store %arg17[%swap3A_4594], %swap3A_4597 {strides = array<i32>} : memref<128xi32, #tpu.memory_space<vmem>>, vector<16xi32>,
    %shift_right_arithmetic3A_4598 = arith.constant 3 : i32
    %shift_right_arithmetic3A_4599 = vector.broadcast %shift_right_arithmetic3A_4598 : i32 to vector<16xi32>
    %shift_right_arithmetic3A_4600 = arith.shrsi %iota3A, %shift_right_arithmetic3A_4599 : vector<16xi32>
    %add3A_4601 = arith.constant 10 : i32
    %add3A_4602 = vector.broadcast %add3A_4601 : i32 to vector<16xi32>
    %add3A_4603 = arith.addi %add3A_4602, %shift_right_arithmetic3A_4600 : vector<16xi32>
    %and3A_4604 = arith.constant 7 : i32
    %and3A_4605 = vector.broadcast %and3A_4604 : i32 to vector<16xi32>
    %and3A_4606 = arith.andi %add3A_4603, %and3A_4605 : vector<16xi32>
    %add3A_4607 = arith.addi %select_n3A_4527, %and3A_4606 : vector<16xi32>
    %swap3A_4608 = arith.constant 80 : index
    %swap3A_4609 = tpu.vector_load %arg17[%swap3A_4608] {strides = array<i32>} : memref<128xi32, #tpu.memory_space<vmem>>, vector<16xi32>,
    %swap3A_4610 = vector.shape_cast %swap3A_4609 : vector<16xi32> to vector<16xi32>
    %swap3A_4611 = vector.shape_cast %add3A_4607 : vector<16xi32> to vector<16xi32>
    tpu.vector_store %arg17[%swap3A_4608], %swap3A_4611 {strides = array<i32>} : memref<128xi32, #tpu.memory_space<vmem>>, vector<16xi32>,
    %shift_right_arithmetic3A_4612 = arith.constant 3 : i32
    %shift_right_arithmetic3A_4613 = vector.broadcast %shift_right_arithmetic3A_4612 : i32 to vector<16xi32>
    %shift_right_arithmetic3A_4614 = arith.shrsi %iota3A, %shift_right_arithmetic3A_4613 : vector<16xi32>
    %add3A_4615 = arith.constant 12 : i32
    %add3A_4616 = vector.broadcast %add3A_4615 : i32 to vector<16xi32>
    %add3A_4617 = arith.addi %add3A_4616, %shift_right_arithmetic3A_4614 : vector<16xi32>
    %and3A_4618 = arith.constant 7 : i32
    %and3A_4619 = vector.broadcast %and3A_4618 : i32 to vector<16xi32>
    %and3A_4620 = arith.andi %add3A_4617, %and3A_4619 : vector<16xi32>
    %add3A_4621 = arith.addi %select_n3A_4527, %and3A_4620 : vector<16xi32>
    %swap3A_4622 = arith.constant 96 : index
    %swap3A_4623 = tpu.vector_load %arg17[%swap3A_4622] {strides = array<i32>} : memref<128xi32, #tpu.memory_space<vmem>>, vector<16xi32>,
    %swap3A_4624 = vector.shape_cast %swap3A_4623 : vector<16xi32> to vector<16xi32>
    %swap3A_4625 = vector.shape_cast %add3A_4621 : vector<16xi32> to vector<16xi32>
    tpu.vector_store %arg17[%swap3A_4622], %swap3A_4625 {strides = array<i32>} : memref<128xi32, #tpu.memory_space<vmem>>, vector<16xi32>,
    %shift_right_arithmetic3A_4626 = arith.constant 3 : i32
    %shift_right_arithmetic3A_4627 = vector.broadcast %shift_right_arithmetic3A_4626 : i32 to vector<16xi32>
    %shift_right_arithmetic3A_4628 = arith.shrsi %iota3A, %shift_right_arithmetic3A_4627 : vector<16xi32>
    %add3A_4629 = arith.constant 14 : i32
    %add3A_4630 = vector.broadcast %add3A_4629 : i32 to vector<16xi32>
    %add3A_4631 = arith.addi %add3A_4630, %shift_right_arithmetic3A_4628 : vector<16xi32>
    %and3A_4632 = arith.constant 7 : i32
    %and3A_4633 = vector.broadcast %and3A_4632 : i32 to vector<16xi32>
    %and3A_4634 = arith.andi %add3A_4631, %and3A_4633 : vector<16xi32>
    %add3A_4635 = arith.addi %select_n3A_4527, %and3A_4634 : vector<16xi32>
    %swap3A_4636 = arith.constant 112 : index
    %swap3A_4637 = tpu.vector_load %arg17[%swap3A_4636] {strides = array<i32>} : memref<128xi32, #tpu.memory_space<vmem>>, vector<16xi32>,
    %swap3A_4638 = vector.shape_cast %swap3A_4637 : vector<16xi32> to vector<16xi32>
    %swap3A_4639 = vector.shape_cast %add3A_4635 : vector<16xi32> to vector<16xi32>
    tpu.vector_store %arg17[%swap3A_4636], %swap3A_4639 {strides = array<i32>} : memref<128xi32, #tpu.memory_space<vmem>>, vector<16xi32>,
    %dma_start3A_4640 = arith.constant 0 : i32
    %dma_start3A_4641 = arith.constant 0 : i32
    %dma_start3A_4642 = tpu.memref_slice %arg11[%dma_start3A_4640, %dma_start3A_4641] : memref<128x128xf32, #tpu.memory_space<vmem>> -> memref<128x128xf32, #tpu.memory_space<vmem>>
    %dma_start3A_4643 = arith.constant 0 : i32
    %dma_start3A_4644 = tpu.memref_slice %arg17[%dma_start3A_4643] : memref<128xi32, #tpu.memory_space<vmem>> -> memref<128xi32, #tpu.memory_space<vmem>>
    %dma_start3A_4645 = arith.constant 0 : i32
    %dma_start3A_4646 = arith.constant 0 : i32
    %dma_start3A_4647 = tpu.memref_slice %arg2[%dma_start3A_4645, %dma_start3A_4646] : memref<32776x128xf32, #tpu.memory_space<hbm>> -> memref<32776x128xf32, #tpu.memory_space<hbm>>
    tpu.enqueue_indirect_dma source(%dma_start3A_4647 : memref<32776x128xf32, #tpu.memory_space<hbm>>) target(%dma_start3A_4642 : memref<128x128xf32, #tpu.memory_space<vmem>>) offsets(%dma_start3A_4644 : memref<128xi32, #tpu.memory_space<vmem>>) semaphore(%arg24 : memref<!tpu.dma_semaphore, #tpu.memory_space<semaphore_mem>>)
    %dma_wait3A_4648 = arith.constant 0 : i32
    %dma_wait3A_4649 = arith.constant 0 : i32
    %dma_wait3A_4650 = tpu.memref_slice %arg6[%dma_wait3A_4648, %dma_wait3A_4649] : memref<128x128xf32, #tpu.memory_space<vmem>> -> memref<128x128xf32, #tpu.memory_space<vmem>>
    %dma_wait3A_4651 = arith.constant 0 : i32
    %dma_wait3A_4652 = tpu.memref_slice %arg12[%dma_wait3A_4651] : memref<128xi32, #tpu.memory_space<vmem>> -> memref<128xi32, #tpu.memory_space<vmem>>
    %dma_wait3A_4653 = arith.constant 0 : i32
    %dma_wait3A_4654 = arith.constant 0 : i32
    %dma_wait3A_4655 = tpu.memref_slice %arg2[%dma_wait3A_4653, %dma_wait3A_4654] : memref<32776x128xf32, #tpu.memory_space<hbm>> -> memref<32776x128xf32, #tpu.memory_space<hbm>>
    tpu.wait_indirect_dma semaphore(%arg19 : memref<!tpu.dma_semaphore, #tpu.memory_space<semaphore_mem>>) src(%dma_wait3A_4655 : memref<32776x128xf32, #tpu.memory_space<hbm>>) dst(%dma_wait3A_4650 : memref<128x128xf32, #tpu.memory_space<vmem>>)
    %mul3A_4656 = arith.constant 8 : i32
    %mul3A_4657 = arith.muli %mul3A_2, %mul3A_4656 : i32
    %add3A_4658 = arith.constant 3072 : i32
    %add3A_4659 = arith.addi %mul3A_4657, %add3A_4658 : i32
    %dma_start3A_4660 = arith.constant 0 : i32
    %dma_start3A_4661 = tpu.memref_slice %arg4[%add3A_4659, %dma_start3A_4660] : memref<131072x128xf32, #tpu.memory_space<hbm>> -> memref<128x128xf32, #tpu.memory_space<hbm>>
    %dma_start3A_4662 = arith.constant 0 : i32
    %dma_start3A_4663 = tpu.memref_slice %arg4[%add3A_4659, %dma_start3A_4662] : memref<131072x128xf32, #tpu.memory_space<hbm>> -> memref<128x128xf32, #tpu.memory_space<hbm>>
    tpu.enqueue_dma source(%arg6 : memref<128x128xf32, #tpu.memory_space<vmem>>) target(%dma_start3A_4663 : memref<128x128xf32, #tpu.memory_space<hbm>>) target_semaphore(%arg25 : memref<!tpu.dma_semaphore, #tpu.memory_space<semaphore_mem>>)
    %dma_wait3A_4664 = arith.constant 0 : i32
    %dma_wait3A_4665 = tpu.memref_slice %arg4[%add3A_4659, %dma_wait3A_4664] : memref<131072x128xf32, #tpu.memory_space<hbm>> -> memref<128x128xf32, #tpu.memory_space<hbm>>
    %dma_wait3A_4666 = arith.constant 0 : i32
    %dma_wait3A_4667 = tpu.memref_slice %arg4[%add3A_4659, %dma_wait3A_4666] : memref<131072x128xf32, #tpu.memory_space<hbm>> -> memref<128x128xf32, #tpu.memory_space<hbm>>
    tpu.wait_dma2 semaphore(%arg25 : memref<!tpu.dma_semaphore, #tpu.memory_space<semaphore_mem>>) src(%arg6 : memref<128x128xf32, #tpu.memory_space<vmem>>) dst(%dma_wait3A_4667 : memref<128x128xf32, #tpu.memory_space<hbm>>)
    %get3A_4668 = arith.constant 480 : index
    %get3A_4669 = tpu.vector_load %arg5[%get3A_4668] {strides = array<i32>} : memref<512xi32, #tpu.memory_space<vmem>>, vector<16xi32>,
    %get3A_4670 = vector.shape_cast %get3A_4669 : vector<16xi32> to vector<16xi32>
    %mul3A_4671 = arith.constant 8 : i32
    %mul3A_4672 = vector.broadcast %mul3A_4671 : i32 to vector<16xi32>
    %mul3A_4673 = arith.muli %get3A_4670, %mul3A_4672 : vector<16xi32>
    %swap3A_4674 = arith.constant 0 : index
    %swap3A_4675 = tpu.vector_load %arg18[%swap3A_4674] {strides = array<i32>} : memref<32xi32, #tpu.memory_space<vmem>>, vector<16xi32>,
    %swap3A_4676 = vector.shape_cast %swap3A_4675 : vector<16xi32> to vector<16xi32>
    %swap3A_4677 = vector.shape_cast %mul3A_4673 : vector<16xi32> to vector<16xi32>
    tpu.vector_store %arg18[%swap3A_4674], %swap3A_4677 {strides = array<i32>} : memref<32xi32, #tpu.memory_space<vmem>>, vector<16xi32>,
    %swap3A_4678 = arith.constant 16 : index
    %swap3A_4679 = tpu.vector_load %arg18[%swap3A_4678] {strides = array<i32>} : memref<32xi32, #tpu.memory_space<vmem>>, vector<16xi32>,
    %swap3A_4680 = vector.shape_cast %swap3A_4679 : vector<16xi32> to vector<16xi32>
    %swap3A_4681 = vector.shape_cast %mul3A_4673 : vector<16xi32> to vector<16xi32>
    tpu.vector_store %arg18[%swap3A_4678], %swap3A_4681 {strides = array<i32>} : memref<32xi32, #tpu.memory_space<vmem>>, vector<16xi32>,
    %get3A_4682 = arith.constant 8 : index
    %get3A_4683 = tpu.vector_load %arg18[%get3A_4682] {strides = array<i32>} : memref<32xi32, #tpu.memory_space<vmem>>, vector<16xi32>,
    %get3A_4684 = vector.shape_cast %get3A_4683 : vector<16xi32> to vector<16xi32>
    %select_n3A_4685 = arith.select %lt3A_4, %mul3A_4673, %get3A_4684 : vector<16xi1>, vector<16xi32>
    %select_n3A_4686 = arith.select %lt3A_4, %get3A_4684, %mul3A_4673 : vector<16xi1>, vector<16xi32>
    %shift_right_arithmetic3A_4687 = arith.constant 3 : i32
    %shift_right_arithmetic3A_4688 = vector.broadcast %shift_right_arithmetic3A_4687 : i32 to vector<16xi32>
    %shift_right_arithmetic3A_4689 = arith.shrsi %iota3A, %shift_right_arithmetic3A_4688 : vector<16xi32>
    %add3A_4690 = arith.constant 0 : i32
    %add3A_4691 = vector.broadcast %add3A_4690 : i32 to vector<16xi32>
    %add3A_4692 = arith.addi %add3A_4691, %shift_right_arithmetic3A_4689 : vector<16xi32>
    %and3A_4693 = arith.constant 7 : i32
    %and3A_4694 = vector.broadcast %and3A_4693 : i32 to vector<16xi32>
    %and3A_4695 = arith.andi %add3A_4692, %and3A_4694 : vector<16xi32>
    %add3A_4696 = arith.addi %select_n3A_4685, %and3A_4695 : vector<16xi32>
    %swap3A_4697 = arith.constant 0 : index
    %swap3A_4698 = tpu.vector_load %arg12[%swap3A_4697] {strides = array<i32>} : memref<128xi32, #tpu.memory_space<vmem>>, vector<16xi32>,
    %swap3A_4699 = vector.shape_cast %swap3A_4698 : vector<16xi32> to vector<16xi32>
    %swap3A_4700 = vector.shape_cast %add3A_4696 : vector<16xi32> to vector<16xi32>
    tpu.vector_store %arg12[%swap3A_4697], %swap3A_4700 {strides = array<i32>} : memref<128xi32, #tpu.memory_space<vmem>>, vector<16xi32>,
    %shift_right_arithmetic3A_4701 = arith.constant 3 : i32
    %shift_right_arithmetic3A_4702 = vector.broadcast %shift_right_arithmetic3A_4701 : i32 to vector<16xi32>
    %shift_right_arithmetic3A_4703 = arith.shrsi %iota3A, %shift_right_arithmetic3A_4702 : vector<16xi32>
    %add3A_4704 = arith.constant 2 : i32
    %add3A_4705 = vector.broadcast %add3A_4704 : i32 to vector<16xi32>
    %add3A_4706 = arith.addi %add3A_4705, %shift_right_arithmetic3A_4703 : vector<16xi32>
    %and3A_4707 = arith.constant 7 : i32
    %and3A_4708 = vector.broadcast %and3A_4707 : i32 to vector<16xi32>
    %and3A_4709 = arith.andi %add3A_4706, %and3A_4708 : vector<16xi32>
    %add3A_4710 = arith.addi %select_n3A_4685, %and3A_4709 : vector<16xi32>
    %swap3A_4711 = arith.constant 16 : index
    %swap3A_4712 = tpu.vector_load %arg12[%swap3A_4711] {strides = array<i32>} : memref<128xi32, #tpu.memory_space<vmem>>, vector<16xi32>,
    %swap3A_4713 = vector.shape_cast %swap3A_4712 : vector<16xi32> to vector<16xi32>
    %swap3A_4714 = vector.shape_cast %add3A_4710 : vector<16xi32> to vector<16xi32>
    tpu.vector_store %arg12[%swap3A_4711], %swap3A_4714 {strides = array<i32>} : memref<128xi32, #tpu.memory_space<vmem>>, vector<16xi32>,
    %shift_right_arithmetic3A_4715 = arith.constant 3 : i32
    %shift_right_arithmetic3A_4716 = vector.broadcast %shift_right_arithmetic3A_4715 : i32 to vector<16xi32>
    %shift_right_arithmetic3A_4717 = arith.shrsi %iota3A, %shift_right_arithmetic3A_4716 : vector<16xi32>
    %add3A_4718 = arith.constant 4 : i32
    %add3A_4719 = vector.broadcast %add3A_4718 : i32 to vector<16xi32>
    %add3A_4720 = arith.addi %add3A_4719, %shift_right_arithmetic3A_4717 : vector<16xi32>
    %and3A_4721 = arith.constant 7 : i32
    %and3A_4722 = vector.broadcast %and3A_4721 : i32 to vector<16xi32>
    %and3A_4723 = arith.andi %add3A_4720, %and3A_4722 : vector<16xi32>
    %add3A_4724 = arith.addi %select_n3A_4685, %and3A_4723 : vector<16xi32>
    %swap3A_4725 = arith.constant 32 : index
    %swap3A_4726 = tpu.vector_load %arg12[%swap3A_4725] {strides = array<i32>} : memref<128xi32, #tpu.memory_space<vmem>>, vector<16xi32>,
    %swap3A_4727 = vector.shape_cast %swap3A_4726 : vector<16xi32> to vector<16xi32>
    %swap3A_4728 = vector.shape_cast %add3A_4724 : vector<16xi32> to vector<16xi32>
    tpu.vector_store %arg12[%swap3A_4725], %swap3A_4728 {strides = array<i32>} : memref<128xi32, #tpu.memory_space<vmem>>, vector<16xi32>,
    %shift_right_arithmetic3A_4729 = arith.constant 3 : i32
    %shift_right_arithmetic3A_4730 = vector.broadcast %shift_right_arithmetic3A_4729 : i32 to vector<16xi32>
    %shift_right_arithmetic3A_4731 = arith.shrsi %iota3A, %shift_right_arithmetic3A_4730 : vector<16xi32>
    %add3A_4732 = arith.constant 6 : i32
    %add3A_4733 = vector.broadcast %add3A_4732 : i32 to vector<16xi32>
    %add3A_4734 = arith.addi %add3A_4733, %shift_right_arithmetic3A_4731 : vector<16xi32>
    %and3A_4735 = arith.constant 7 : i32
    %and3A_4736 = vector.broadcast %and3A_4735 : i32 to vector<16xi32>
    %and3A_4737 = arith.andi %add3A_4734, %and3A_4736 : vector<16xi32>
    %add3A_4738 = arith.addi %select_n3A_4685, %and3A_4737 : vector<16xi32>
    %swap3A_4739 = arith.constant 48 : index
    %swap3A_4740 = tpu.vector_load %arg12[%swap3A_4739] {strides = array<i32>} : memref<128xi32, #tpu.memory_space<vmem>>, vector<16xi32>,
    %swap3A_4741 = vector.shape_cast %swap3A_4740 : vector<16xi32> to vector<16xi32>
    %swap3A_4742 = vector.shape_cast %add3A_4738 : vector<16xi32> to vector<16xi32>
    tpu.vector_store %arg12[%swap3A_4739], %swap3A_4742 {strides = array<i32>} : memref<128xi32, #tpu.memory_space<vmem>>, vector<16xi32>,
    %shift_right_arithmetic3A_4743 = arith.constant 3 : i32
    %shift_right_arithmetic3A_4744 = vector.broadcast %shift_right_arithmetic3A_4743 : i32 to vector<16xi32>
    %shift_right_arithmetic3A_4745 = arith.shrsi %iota3A, %shift_right_arithmetic3A_4744 : vector<16xi32>
    %add3A_4746 = arith.constant 8 : i32
    %add3A_4747 = vector.broadcast %add3A_4746 : i32 to vector<16xi32>
    %add3A_4748 = arith.addi %add3A_4747, %shift_right_arithmetic3A_4745 : vector<16xi32>
    %and3A_4749 = arith.constant 7 : i32
    %and3A_4750 = vector.broadcast %and3A_4749 : i32 to vector<16xi32>
    %and3A_4751 = arith.andi %add3A_4748, %and3A_4750 : vector<16xi32>
    %add3A_4752 = arith.addi %select_n3A_4686, %and3A_4751 : vector<16xi32>
    %swap3A_4753 = arith.constant 64 : index
    %swap3A_4754 = tpu.vector_load %arg12[%swap3A_4753] {strides = array<i32>} : memref<128xi32, #tpu.memory_space<vmem>>, vector<16xi32>,
    %swap3A_4755 = vector.shape_cast %swap3A_4754 : vector<16xi32> to vector<16xi32>
    %swap3A_4756 = vector.shape_cast %add3A_4752 : vector<16xi32> to vector<16xi32>
    tpu.vector_store %arg12[%swap3A_4753], %swap3A_4756 {strides = array<i32>} : memref<128xi32, #tpu.memory_space<vmem>>, vector<16xi32>,
    %shift_right_arithmetic3A_4757 = arith.constant 3 : i32
    %shift_right_arithmetic3A_4758 = vector.broadcast %shift_right_arithmetic3A_4757 : i32 to vector<16xi32>
    %shift_right_arithmetic3A_4759 = arith.shrsi %iota3A, %shift_right_arithmetic3A_4758 : vector<16xi32>
    %add3A_4760 = arith.constant 10 : i32
    %add3A_4761 = vector.broadcast %add3A_4760 : i32 to vector<16xi32>
    %add3A_4762 = arith.addi %add3A_4761, %shift_right_arithmetic3A_4759 : vector<16xi32>
    %and3A_4763 = arith.constant 7 : i32
    %and3A_4764 = vector.broadcast %and3A_4763 : i32 to vector<16xi32>
    %and3A_4765 = arith.andi %add3A_4762, %and3A_4764 : vector<16xi32>
    %add3A_4766 = arith.addi %select_n3A_4686, %and3A_4765 : vector<16xi32>
    %swap3A_4767 = arith.constant 80 : index
    %swap3A_4768 = tpu.vector_load %arg12[%swap3A_4767] {strides = array<i32>} : memref<128xi32, #tpu.memory_space<vmem>>, vector<16xi32>,
    %swap3A_4769 = vector.shape_cast %swap3A_4768 : vector<16xi32> to vector<16xi32>
    %swap3A_4770 = vector.shape_cast %add3A_4766 : vector<16xi32> to vector<16xi32>
    tpu.vector_store %arg12[%swap3A_4767], %swap3A_4770 {strides = array<i32>} : memref<128xi32, #tpu.memory_space<vmem>>, vector<16xi32>,
    %shift_right_arithmetic3A_4771 = arith.constant 3 : i32
    %shift_right_arithmetic3A_4772 = vector.broadcast %shift_right_arithmetic3A_4771 : i32 to vector<16xi32>
    %shift_right_arithmetic3A_4773 = arith.shrsi %iota3A, %shift_right_arithmetic3A_4772 : vector<16xi32>
    %add3A_4774 = arith.constant 12 : i32
    %add3A_4775 = vector.broadcast %add3A_4774 : i32 to vector<16xi32>
    %add3A_4776 = arith.addi %add3A_4775, %shift_right_arithmetic3A_4773 : vector<16xi32>
    %and3A_4777 = arith.constant 7 : i32
    %and3A_4778 = vector.broadcast %and3A_4777 : i32 to vector<16xi32>
    %and3A_4779 = arith.andi %add3A_4776, %and3A_4778 : vector<16xi32>
    %add3A_4780 = arith.addi %select_n3A_4686, %and3A_4779 : vector<16xi32>
    %swap3A_4781 = arith.constant 96 : index
    %swap3A_4782 = tpu.vector_load %arg12[%swap3A_4781] {strides = array<i32>} : memref<128xi32, #tpu.memory_space<vmem>>, vector<16xi32>,
    %swap3A_4783 = vector.shape_cast %swap3A_4782 : vector<16xi32> to vector<16xi32>
    %swap3A_4784 = vector.shape_cast %add3A_4780 : vector<16xi32> to vector<16xi32>
    tpu.vector_store %arg12[%swap3A_4781], %swap3A_4784 {strides = array<i32>} : memref<128xi32, #tpu.memory_space<vmem>>, vector<16xi32>,
    %shift_right_arithmetic3A_4785 = arith.constant 3 : i32
    %shift_right_arithmetic3A_4786 = vector.broadcast %shift_right_arithmetic3A_4785 : i32 to vector<16xi32>
    %shift_right_arithmetic3A_4787 = arith.shrsi %iota3A, %shift_right_arithmetic3A_4786 : vector<16xi32>
    %add3A_4788 = arith.constant 14 : i32
    %add3A_4789 = vector.broadcast %add3A_4788 : i32 to vector<16xi32>
    %add3A_4790 = arith.addi %add3A_4789, %shift_right_arithmetic3A_4787 : vector<16xi32>
    %and3A_4791 = arith.constant 7 : i32
    %and3A_4792 = vector.broadcast %and3A_4791 : i32 to vector<16xi32>
    %and3A_4793 = arith.andi %add3A_4790, %and3A_4792 : vector<16xi32>
    %add3A_4794 = arith.addi %select_n3A_4686, %and3A_4793 : vector<16xi32>
    %swap3A_4795 = arith.constant 112 : index
    %swap3A_4796 = tpu.vector_load %arg12[%swap3A_4795] {strides = array<i32>} : memref<128xi32, #tpu.memory_space<vmem>>, vector<16xi32>,
    %swap3A_4797 = vector.shape_cast %swap3A_4796 : vector<16xi32> to vector<16xi32>
    %swap3A_4798 = vector.shape_cast %add3A_4794 : vector<16xi32> to vector<16xi32>
    tpu.vector_store %arg12[%swap3A_4795], %swap3A_4798 {strides = array<i32>} : memref<128xi32, #tpu.memory_space<vmem>>, vector<16xi32>,
    %dma_start3A_4799 = arith.constant 0 : i32
    %dma_start3A_4800 = arith.constant 0 : i32
    %dma_start3A_4801 = tpu.memref_slice %arg6[%dma_start3A_4799, %dma_start3A_4800] : memref<128x128xf32, #tpu.memory_space<vmem>> -> memref<128x128xf32, #tpu.memory_space<vmem>>
    %dma_start3A_4802 = arith.constant 0 : i32
    %dma_start3A_4803 = tpu.memref_slice %arg12[%dma_start3A_4802] : memref<128xi32, #tpu.memory_space<vmem>> -> memref<128xi32, #tpu.memory_space<vmem>>
    %dma_start3A_4804 = arith.constant 0 : i32
    %dma_start3A_4805 = arith.constant 0 : i32
    %dma_start3A_4806 = tpu.memref_slice %arg2[%dma_start3A_4804, %dma_start3A_4805] : memref<32776x128xf32, #tpu.memory_space<hbm>> -> memref<32776x128xf32, #tpu.memory_space<hbm>>
    tpu.enqueue_indirect_dma source(%dma_start3A_4806 : memref<32776x128xf32, #tpu.memory_space<hbm>>) target(%dma_start3A_4801 : memref<128x128xf32, #tpu.memory_space<vmem>>) offsets(%dma_start3A_4803 : memref<128xi32, #tpu.memory_space<vmem>>) semaphore(%arg19 : memref<!tpu.dma_semaphore, #tpu.memory_space<semaphore_mem>>)
    %dma_wait3A_4807 = arith.constant 0 : i32
    %dma_wait3A_4808 = arith.constant 0 : i32
    %dma_wait3A_4809 = tpu.memref_slice %arg7[%dma_wait3A_4807, %dma_wait3A_4808] : memref<128x128xf32, #tpu.memory_space<vmem>> -> memref<128x128xf32, #tpu.memory_space<vmem>>
    %dma_wait3A_4810 = arith.constant 0 : i32
    %dma_wait3A_4811 = tpu.memref_slice %arg13[%dma_wait3A_4810] : memref<128xi32, #tpu.memory_space<vmem>> -> memref<128xi32, #tpu.memory_space<vmem>>
    %dma_wait3A_4812 = arith.constant 0 : i32
    %dma_wait3A_4813 = arith.constant 0 : i32
    %dma_wait3A_4814 = tpu.memref_slice %arg2[%dma_wait3A_4812, %dma_wait3A_4813] : memref<32776x128xf32, #tpu.memory_space<hbm>> -> memref<32776x128xf32, #tpu.memory_space<hbm>>
    tpu.wait_indirect_dma semaphore(%arg20 : memref<!tpu.dma_semaphore, #tpu.memory_space<semaphore_mem>>) src(%dma_wait3A_4814 : memref<32776x128xf32, #tpu.memory_space<hbm>>) dst(%dma_wait3A_4809 : memref<128x128xf32, #tpu.memory_space<vmem>>)
    %mul3A_4815 = arith.constant 8 : i32
    %mul3A_4816 = arith.muli %mul3A_2, %mul3A_4815 : i32
    %add3A_4817 = arith.constant 3200 : i32
    %add3A_4818 = arith.addi %mul3A_4816, %add3A_4817 : i32
    %dma_start3A_4819 = arith.constant 0 : i32
    %dma_start3A_4820 = tpu.memref_slice %arg4[%add3A_4818, %dma_start3A_4819] : memref<131072x128xf32, #tpu.memory_space<hbm>> -> memref<128x128xf32, #tpu.memory_space<hbm>>
    %dma_start3A_4821 = arith.constant 0 : i32
    %dma_start3A_4822 = tpu.memref_slice %arg4[%add3A_4818, %dma_start3A_4821] : memref<131072x128xf32, #tpu.memory_space<hbm>> -> memref<128x128xf32, #tpu.memory_space<hbm>>
    tpu.enqueue_dma source(%arg7 : memref<128x128xf32, #tpu.memory_space<vmem>>) target(%dma_start3A_4822 : memref<128x128xf32, #tpu.memory_space<hbm>>) target_semaphore(%arg26 : memref<!tpu.dma_semaphore, #tpu.memory_space<semaphore_mem>>)
    %dma_wait3A_4823 = arith.constant 0 : i32
    %dma_wait3A_4824 = tpu.memref_slice %arg4[%add3A_4818, %dma_wait3A_4823] : memref<131072x128xf32, #tpu.memory_space<hbm>> -> memref<128x128xf32, #tpu.memory_space<hbm>>
    %dma_wait3A_4825 = arith.constant 0 : i32
    %dma_wait3A_4826 = tpu.memref_slice %arg4[%add3A_4818, %dma_wait3A_4825] : memref<131072x128xf32, #tpu.memory_space<hbm>> -> memref<128x128xf32, #tpu.memory_space<hbm>>
    tpu.wait_dma2 semaphore(%arg26 : memref<!tpu.dma_semaphore, #tpu.memory_space<semaphore_mem>>) src(%arg7 : memref<128x128xf32, #tpu.memory_space<vmem>>) dst(%dma_wait3A_4826 : memref<128x128xf32, #tpu.memory_space<hbm>>)
    %get3A_4827 = arith.constant 496 : index
    %get3A_4828 = tpu.vector_load %arg5[%get3A_4827] {strides = array<i32>} : memref<512xi32, #tpu.memory_space<vmem>>, vector<16xi32>,
    %get3A_4829 = vector.shape_cast %get3A_4828 : vector<16xi32> to vector<16xi32>
    %mul3A_4830 = arith.constant 8 : i32
    %mul3A_4831 = vector.broadcast %mul3A_4830 : i32 to vector<16xi32>
    %mul3A_4832 = arith.muli %get3A_4829, %mul3A_4831 : vector<16xi32>
    %swap3A_4833 = arith.constant 0 : index
    %swap3A_4834 = tpu.vector_load %arg18[%swap3A_4833] {strides = array<i32>} : memref<32xi32, #tpu.memory_space<vmem>>, vector<16xi32>,
    %swap3A_4835 = vector.shape_cast %swap3A_4834 : vector<16xi32> to vector<16xi32>
    %swap3A_4836 = vector.shape_cast %mul3A_4832 : vector<16xi32> to vector<16xi32>
    tpu.vector_store %arg18[%swap3A_4833], %swap3A_4836 {strides = array<i32>} : memref<32xi32, #tpu.memory_space<vmem>>, vector<16xi32>,
    %swap3A_4837 = arith.constant 16 : index
    %swap3A_4838 = tpu.vector_load %arg18[%swap3A_4837] {strides = array<i32>} : memref<32xi32, #tpu.memory_space<vmem>>, vector<16xi32>,
    %swap3A_4839 = vector.shape_cast %swap3A_4838 : vector<16xi32> to vector<16xi32>
    %swap3A_4840 = vector.shape_cast %mul3A_4832 : vector<16xi32> to vector<16xi32>
    tpu.vector_store %arg18[%swap3A_4837], %swap3A_4840 {strides = array<i32>} : memref<32xi32, #tpu.memory_space<vmem>>, vector<16xi32>,
    %get3A_4841 = arith.constant 8 : index
    %get3A_4842 = tpu.vector_load %arg18[%get3A_4841] {strides = array<i32>} : memref<32xi32, #tpu.memory_space<vmem>>, vector<16xi32>,
    %get3A_4843 = vector.shape_cast %get3A_4842 : vector<16xi32> to vector<16xi32>
    %select_n3A_4844 = arith.select %lt3A_4, %mul3A_4832, %get3A_4843 : vector<16xi1>, vector<16xi32>
    %select_n3A_4845 = arith.select %lt3A_4, %get3A_4843, %mul3A_4832 : vector<16xi1>, vector<16xi32>
    %shift_right_arithmetic3A_4846 = arith.constant 3 : i32
    %shift_right_arithmetic3A_4847 = vector.broadcast %shift_right_arithmetic3A_4846 : i32 to vector<16xi32>
    %shift_right_arithmetic3A_4848 = arith.shrsi %iota3A, %shift_right_arithmetic3A_4847 : vector<16xi32>
    %add3A_4849 = arith.constant 0 : i32
    %add3A_4850 = vector.broadcast %add3A_4849 : i32 to vector<16xi32>
    %add3A_4851 = arith.addi %add3A_4850, %shift_right_arithmetic3A_4848 : vector<16xi32>
    %and3A_4852 = arith.constant 7 : i32
    %and3A_4853 = vector.broadcast %and3A_4852 : i32 to vector<16xi32>
    %and3A_4854 = arith.andi %add3A_4851, %and3A_4853 : vector<16xi32>
    %add3A_4855 = arith.addi %select_n3A_4844, %and3A_4854 : vector<16xi32>
    %swap3A_4856 = arith.constant 0 : index
    %swap3A_4857 = tpu.vector_load %arg13[%swap3A_4856] {strides = array<i32>} : memref<128xi32, #tpu.memory_space<vmem>>, vector<16xi32>,
    %swap3A_4858 = vector.shape_cast %swap3A_4857 : vector<16xi32> to vector<16xi32>
    %swap3A_4859 = vector.shape_cast %add3A_4855 : vector<16xi32> to vector<16xi32>
    tpu.vector_store %arg13[%swap3A_4856], %swap3A_4859 {strides = array<i32>} : memref<128xi32, #tpu.memory_space<vmem>>, vector<16xi32>,
    %shift_right_arithmetic3A_4860 = arith.constant 3 : i32
    %shift_right_arithmetic3A_4861 = vector.broadcast %shift_right_arithmetic3A_4860 : i32 to vector<16xi32>
    %shift_right_arithmetic3A_4862 = arith.shrsi %iota3A, %shift_right_arithmetic3A_4861 : vector<16xi32>
    %add3A_4863 = arith.constant 2 : i32
    %add3A_4864 = vector.broadcast %add3A_4863 : i32 to vector<16xi32>
    %add3A_4865 = arith.addi %add3A_4864, %shift_right_arithmetic3A_4862 : vector<16xi32>
    %and3A_4866 = arith.constant 7 : i32
    %and3A_4867 = vector.broadcast %and3A_4866 : i32 to vector<16xi32>
    %and3A_4868 = arith.andi %add3A_4865, %and3A_4867 : vector<16xi32>
    %add3A_4869 = arith.addi %select_n3A_4844, %and3A_4868 : vector<16xi32>
    %swap3A_4870 = arith.constant 16 : index
    %swap3A_4871 = tpu.vector_load %arg13[%swap3A_4870] {strides = array<i32>} : memref<128xi32, #tpu.memory_space<vmem>>, vector<16xi32>,
    %swap3A_4872 = vector.shape_cast %swap3A_4871 : vector<16xi32> to vector<16xi32>
    %swap3A_4873 = vector.shape_cast %add3A_4869 : vector<16xi32> to vector<16xi32>
    tpu.vector_store %arg13[%swap3A_4870], %swap3A_4873 {strides = array<i32>} : memref<128xi32, #tpu.memory_space<vmem>>, vector<16xi32>,
    %shift_right_arithmetic3A_4874 = arith.constant 3 : i32
    %shift_right_arithmetic3A_4875 = vector.broadcast %shift_right_arithmetic3A_4874 : i32 to vector<16xi32>
    %shift_right_arithmetic3A_4876 = arith.shrsi %iota3A, %shift_right_arithmetic3A_4875 : vector<16xi32>
    %add3A_4877 = arith.constant 4 : i32
    %add3A_4878 = vector.broadcast %add3A_4877 : i32 to vector<16xi32>
    %add3A_4879 = arith.addi %add3A_4878, %shift_right_arithmetic3A_4876 : vector<16xi32>
    %and3A_4880 = arith.constant 7 : i32
    %and3A_4881 = vector.broadcast %and3A_4880 : i32 to vector<16xi32>
    %and3A_4882 = arith.andi %add3A_4879, %and3A_4881 : vector<16xi32>
    %add3A_4883 = arith.addi %select_n3A_4844, %and3A_4882 : vector<16xi32>
    %swap3A_4884 = arith.constant 32 : index
    %swap3A_4885 = tpu.vector_load %arg13[%swap3A_4884] {strides = array<i32>} : memref<128xi32, #tpu.memory_space<vmem>>, vector<16xi32>,
    %swap3A_4886 = vector.shape_cast %swap3A_4885 : vector<16xi32> to vector<16xi32>
    %swap3A_4887 = vector.shape_cast %add3A_4883 : vector<16xi32> to vector<16xi32>
    tpu.vector_store %arg13[%swap3A_4884], %swap3A_4887 {strides = array<i32>} : memref<128xi32, #tpu.memory_space<vmem>>, vector<16xi32>,
    %shift_right_arithmetic3A_4888 = arith.constant 3 : i32
    %shift_right_arithmetic3A_4889 = vector.broadcast %shift_right_arithmetic3A_4888 : i32 to vector<16xi32>
    %shift_right_arithmetic3A_4890 = arith.shrsi %iota3A, %shift_right_arithmetic3A_4889 : vector<16xi32>
    %add3A_4891 = arith.constant 6 : i32
    %add3A_4892 = vector.broadcast %add3A_4891 : i32 to vector<16xi32>
    %add3A_4893 = arith.addi %add3A_4892, %shift_right_arithmetic3A_4890 : vector<16xi32>
    %and3A_4894 = arith.constant 7 : i32
    %and3A_4895 = vector.broadcast %and3A_4894 : i32 to vector<16xi32>
    %and3A_4896 = arith.andi %add3A_4893, %and3A_4895 : vector<16xi32>
    %add3A_4897 = arith.addi %select_n3A_4844, %and3A_4896 : vector<16xi32>
    %swap3A_4898 = arith.constant 48 : index
    %swap3A_4899 = tpu.vector_load %arg13[%swap3A_4898] {strides = array<i32>} : memref<128xi32, #tpu.memory_space<vmem>>, vector<16xi32>,
    %swap3A_4900 = vector.shape_cast %swap3A_4899 : vector<16xi32> to vector<16xi32>
    %swap3A_4901 = vector.shape_cast %add3A_4897 : vector<16xi32> to vector<16xi32>
    tpu.vector_store %arg13[%swap3A_4898], %swap3A_4901 {strides = array<i32>} : memref<128xi32, #tpu.memory_space<vmem>>, vector<16xi32>,
    %shift_right_arithmetic3A_4902 = arith.constant 3 : i32
    %shift_right_arithmetic3A_4903 = vector.broadcast %shift_right_arithmetic3A_4902 : i32 to vector<16xi32>
    %shift_right_arithmetic3A_4904 = arith.shrsi %iota3A, %shift_right_arithmetic3A_4903 : vector<16xi32>
    %add3A_4905 = arith.constant 8 : i32
    %add3A_4906 = vector.broadcast %add3A_4905 : i32 to vector<16xi32>
    %add3A_4907 = arith.addi %add3A_4906, %shift_right_arithmetic3A_4904 : vector<16xi32>
    %and3A_4908 = arith.constant 7 : i32
    %and3A_4909 = vector.broadcast %and3A_4908 : i32 to vector<16xi32>
    %and3A_4910 = arith.andi %add3A_4907, %and3A_4909 : vector<16xi32>
    %add3A_4911 = arith.addi %select_n3A_4845, %and3A_4910 : vector<16xi32>
    %swap3A_4912 = arith.constant 64 : index
    %swap3A_4913 = tpu.vector_load %arg13[%swap3A_4912] {strides = array<i32>} : memref<128xi32, #tpu.memory_space<vmem>>, vector<16xi32>,
    %swap3A_4914 = vector.shape_cast %swap3A_4913 : vector<16xi32> to vector<16xi32>
    %swap3A_4915 = vector.shape_cast %add3A_4911 : vector<16xi32> to vector<16xi32>
    tpu.vector_store %arg13[%swap3A_4912], %swap3A_4915 {strides = array<i32>} : memref<128xi32, #tpu.memory_space<vmem>>, vector<16xi32>,
    %shift_right_arithmetic3A_4916 = arith.constant 3 : i32
    %shift_right_arithmetic3A_4917 = vector.broadcast %shift_right_arithmetic3A_4916 : i32 to vector<16xi32>
    %shift_right_arithmetic3A_4918 = arith.shrsi %iota3A, %shift_right_arithmetic3A_4917 : vector<16xi32>
    %add3A_4919 = arith.constant 10 : i32
    %add3A_4920 = vector.broadcast %add3A_4919 : i32 to vector<16xi32>
    %add3A_4921 = arith.addi %add3A_4920, %shift_right_arithmetic3A_4918 : vector<16xi32>
    %and3A_4922 = arith.constant 7 : i32
    %and3A_4923 = vector.broadcast %and3A_4922 : i32 to vector<16xi32>
    %and3A_4924 = arith.andi %add3A_4921, %and3A_4923 : vector<16xi32>
    %add3A_4925 = arith.addi %select_n3A_4845, %and3A_4924 : vector<16xi32>
    %swap3A_4926 = arith.constant 80 : index
    %swap3A_4927 = tpu.vector_load %arg13[%swap3A_4926] {strides = array<i32>} : memref<128xi32, #tpu.memory_space<vmem>>, vector<16xi32>,
    %swap3A_4928 = vector.shape_cast %swap3A_4927 : vector<16xi32> to vector<16xi32>
    %swap3A_4929 = vector.shape_cast %add3A_4925 : vector<16xi32> to vector<16xi32>
    tpu.vector_store %arg13[%swap3A_4926], %swap3A_4929 {strides = array<i32>} : memref<128xi32, #tpu.memory_space<vmem>>, vector<16xi32>,
    %shift_right_arithmetic3A_4930 = arith.constant 3 : i32
    %shift_right_arithmetic3A_4931 = vector.broadcast %shift_right_arithmetic3A_4930 : i32 to vector<16xi32>
    %shift_right_arithmetic3A_4932 = arith.shrsi %iota3A, %shift_right_arithmetic3A_4931 : vector<16xi32>
    %add3A_4933 = arith.constant 12 : i32
    %add3A_4934 = vector.broadcast %add3A_4933 : i32 to vector<16xi32>
    %add3A_4935 = arith.addi %add3A_4934, %shift_right_arithmetic3A_4932 : vector<16xi32>
    %and3A_4936 = arith.constant 7 : i32
    %and3A_4937 = vector.broadcast %and3A_4936 : i32 to vector<16xi32>
    %and3A_4938 = arith.andi %add3A_4935, %and3A_4937 : vector<16xi32>
    %add3A_4939 = arith.addi %select_n3A_4845, %and3A_4938 : vector<16xi32>
    %swap3A_4940 = arith.constant 96 : index
    %swap3A_4941 = tpu.vector_load %arg13[%swap3A_4940] {strides = array<i32>} : memref<128xi32, #tpu.memory_space<vmem>>, vector<16xi32>,
    %swap3A_4942 = vector.shape_cast %swap3A_4941 : vector<16xi32> to vector<16xi32>
    %swap3A_4943 = vector.shape_cast %add3A_4939 : vector<16xi32> to vector<16xi32>
    tpu.vector_store %arg13[%swap3A_4940], %swap3A_4943 {strides = array<i32>} : memref<128xi32, #tpu.memory_space<vmem>>, vector<16xi32>,
    %shift_right_arithmetic3A_4944 = arith.constant 3 : i32
    %shift_right_arithmetic3A_4945 = vector.broadcast %shift_right_arithmetic3A_4944 : i32 to vector<16xi32>
    %shift_right_arithmetic3A_4946 = arith.shrsi %iota3A, %shift_right_arithmetic3A_4945 : vector<16xi32>
    %add3A_4947 = arith.constant 14 : i32
    %add3A_4948 = vector.broadcast %add3A_4947 : i32 to vector<16xi32>
    %add3A_4949 = arith.addi %add3A_4948, %shift_right_arithmetic3A_4946 : vector<16xi32>
    %and3A_4950 = arith.constant 7 : i32
    %and3A_4951 = vector.broadcast %and3A_4950 : i32 to vector<16xi32>
    %and3A_4952 = arith.andi %add3A_4949, %and3A_4951 : vector<16xi32>
    %add3A_4953 = arith.addi %select_n3A_4845, %and3A_4952 : vector<16xi32>
    %swap3A_4954 = arith.constant 112 : index
    %swap3A_4955 = tpu.vector_load %arg13[%swap3A_4954] {strides = array<i32>} : memref<128xi32, #tpu.memory_space<vmem>>, vector<16xi32>,
    %swap3A_4956 = vector.shape_cast %swap3A_4955 : vector<16xi32> to vector<16xi32>
    %swap3A_4957 = vector.shape_cast %add3A_4953 : vector<16xi32> to vector<16xi32>
    tpu.vector_store %arg13[%swap3A_4954], %swap3A_4957 {strides = array<i32>} : memref<128xi32, #tpu.memory_space<vmem>>, vector<16xi32>,
    %dma_start3A_4958 = arith.constant 0 : i32
    %dma_start3A_4959 = arith.constant 0 : i32
    %dma_start3A_4960 = tpu.memref_slice %arg7[%dma_start3A_4958, %dma_start3A_4959] : memref<128x128xf32, #tpu.memory_space<vmem>> -> memref<128x128xf32, #tpu.memory_space<vmem>>
    %dma_start3A_4961 = arith.constant 0 : i32
    %dma_start3A_4962 = tpu.memref_slice %arg13[%dma_start3A_4961] : memref<128xi32, #tpu.memory_space<vmem>> -> memref<128xi32, #tpu.memory_space<vmem>>
    %dma_start3A_4963 = arith.constant 0 : i32
    %dma_start3A_4964 = arith.constant 0 : i32
    %dma_start3A_4965 = tpu.memref_slice %arg2[%dma_start3A_4963, %dma_start3A_4964] : memref<32776x128xf32, #tpu.memory_space<hbm>> -> memref<32776x128xf32, #tpu.memory_space<hbm>>
    tpu.enqueue_indirect_dma source(%dma_start3A_4965 : memref<32776x128xf32, #tpu.memory_space<hbm>>) target(%dma_start3A_4960 : memref<128x128xf32, #tpu.memory_space<vmem>>) offsets(%dma_start3A_4962 : memref<128xi32, #tpu.memory_space<vmem>>) semaphore(%arg20 : memref<!tpu.dma_semaphore, #tpu.memory_space<semaphore_mem>>)
    %dma_wait3A_4966 = arith.constant 0 : i32
    %dma_wait3A_4967 = arith.constant 0 : i32
    %dma_wait3A_4968 = tpu.memref_slice %arg8[%dma_wait3A_4966, %dma_wait3A_4967] : memref<128x128xf32, #tpu.memory_space<vmem>> -> memref<128x128xf32, #tpu.memory_space<vmem>>
    %dma_wait3A_4969 = arith.constant 0 : i32
    %dma_wait3A_4970 = tpu.memref_slice %arg14[%dma_wait3A_4969] : memref<128xi32, #tpu.memory_space<vmem>> -> memref<128xi32, #tpu.memory_space<vmem>>
    %dma_wait3A_4971 = arith.constant 0 : i32
    %dma_wait3A_4972 = arith.constant 0 : i32
    %dma_wait3A_4973 = tpu.memref_slice %arg2[%dma_wait3A_4971, %dma_wait3A_4972] : memref<32776x128xf32, #tpu.memory_space<hbm>> -> memref<32776x128xf32, #tpu.memory_space<hbm>>
    tpu.wait_indirect_dma semaphore(%arg21 : memref<!tpu.dma_semaphore, #tpu.memory_space<semaphore_mem>>) src(%dma_wait3A_4973 : memref<32776x128xf32, #tpu.memory_space<hbm>>) dst(%dma_wait3A_4968 : memref<128x128xf32, #tpu.memory_space<vmem>>)
    %mul3A_4974 = arith.constant 8 : i32
    %mul3A_4975 = arith.muli %mul3A_2, %mul3A_4974 : i32
    %add3A_4976 = arith.constant 3328 : i32
    %add3A_4977 = arith.addi %mul3A_4975, %add3A_4976 : i32
    %dma_start3A_4978 = arith.constant 0 : i32
    %dma_start3A_4979 = tpu.memref_slice %arg4[%add3A_4977, %dma_start3A_4978] : memref<131072x128xf32, #tpu.memory_space<hbm>> -> memref<128x128xf32, #tpu.memory_space<hbm>>
    %dma_start3A_4980 = arith.constant 0 : i32
    %dma_start3A_4981 = tpu.memref_slice %arg4[%add3A_4977, %dma_start3A_4980] : memref<131072x128xf32, #tpu.memory_space<hbm>> -> memref<128x128xf32, #tpu.memory_space<hbm>>
    tpu.enqueue_dma source(%arg8 : memref<128x128xf32, #tpu.memory_space<vmem>>) target(%dma_start3A_4981 : memref<128x128xf32, #tpu.memory_space<hbm>>) target_semaphore(%arg27 : memref<!tpu.dma_semaphore, #tpu.memory_space<semaphore_mem>>)
    %dma_wait3A_4982 = arith.constant 0 : i32
    %dma_wait3A_4983 = arith.constant 0 : i32
    %dma_wait3A_4984 = tpu.memref_slice %arg9[%dma_wait3A_4982, %dma_wait3A_4983] : memref<128x128xf32, #tpu.memory_space<vmem>> -> memref<128x128xf32, #tpu.memory_space<vmem>>
    %dma_wait3A_4985 = arith.constant 0 : i32
    %dma_wait3A_4986 = tpu.memref_slice %arg15[%dma_wait3A_4985] : memref<128xi32, #tpu.memory_space<vmem>> -> memref<128xi32, #tpu.memory_space<vmem>>
    %dma_wait3A_4987 = arith.constant 0 : i32
    %dma_wait3A_4988 = arith.constant 0 : i32
    %dma_wait3A_4989 = tpu.memref_slice %arg2[%dma_wait3A_4987, %dma_wait3A_4988] : memref<32776x128xf32, #tpu.memory_space<hbm>> -> memref<32776x128xf32, #tpu.memory_space<hbm>>
    tpu.wait_indirect_dma semaphore(%arg22 : memref<!tpu.dma_semaphore, #tpu.memory_space<semaphore_mem>>) src(%dma_wait3A_4989 : memref<32776x128xf32, #tpu.memory_space<hbm>>) dst(%dma_wait3A_4984 : memref<128x128xf32, #tpu.memory_space<vmem>>)
    %mul3A_4990 = arith.constant 8 : i32
    %mul3A_4991 = arith.muli %mul3A_2, %mul3A_4990 : i32
    %add3A_4992 = arith.constant 3456 : i32
    %add3A_4993 = arith.addi %mul3A_4991, %add3A_4992 : i32
    %dma_start3A_4994 = arith.constant 0 : i32
    %dma_start3A_4995 = tpu.memref_slice %arg4[%add3A_4993, %dma_start3A_4994] : memref<131072x128xf32, #tpu.memory_space<hbm>> -> memref<128x128xf32, #tpu.memory_space<hbm>>
    %dma_start3A_4996 = arith.constant 0 : i32
    %dma_start3A_4997 = tpu.memref_slice %arg4[%add3A_4993, %dma_start3A_4996] : memref<131072x128xf32, #tpu.memory_space<hbm>> -> memref<128x128xf32, #tpu.memory_space<hbm>>
    tpu.enqueue_dma source(%arg9 : memref<128x128xf32, #tpu.memory_space<vmem>>) target(%dma_start3A_4997 : memref<128x128xf32, #tpu.memory_space<hbm>>) target_semaphore(%arg28 : memref<!tpu.dma_semaphore, #tpu.memory_space<semaphore_mem>>)
    %dma_wait3A_4998 = arith.constant 0 : i32
    %dma_wait3A_4999 = arith.constant 0 : i32
    %dma_wait3A_5000 = tpu.memref_slice %arg10[%dma_wait3A_4998, %dma_wait3A_4999] : memref<128x128xf32, #tpu.memory_space<vmem>> -> memref<128x128xf32, #tpu.memory_space<vmem>>
    %dma_wait3A_5001 = arith.constant 0 : i32
    %dma_wait3A_5002 = tpu.memref_slice %arg16[%dma_wait3A_5001] : memref<128xi32, #tpu.memory_space<vmem>> -> memref<128xi32, #tpu.memory_space<vmem>>
    %dma_wait3A_5003 = arith.constant 0 : i32
    %dma_wait3A_5004 = arith.constant 0 : i32
    %dma_wait3A_5005 = tpu.memref_slice %arg2[%dma_wait3A_5003, %dma_wait3A_5004] : memref<32776x128xf32, #tpu.memory_space<hbm>> -> memref<32776x128xf32, #tpu.memory_space<hbm>>
    tpu.wait_indirect_dma semaphore(%arg23 : memref<!tpu.dma_semaphore, #tpu.memory_space<semaphore_mem>>) src(%dma_wait3A_5005 : memref<32776x128xf32, #tpu.memory_space<hbm>>) dst(%dma_wait3A_5000 : memref<128x128xf32, #tpu.memory_space<vmem>>)
    %mul3A_5006 = arith.constant 8 : i32
    %mul3A_5007 = arith.muli %mul3A_2, %mul3A_5006 : i32
    %add3A_5008 = arith.constant 3584 : i32
    %add3A_5009 = arith.addi %mul3A_5007, %add3A_5008 : i32
    %dma_start3A_5010 = arith.constant 0 : i32
    %dma_start3A_5011 = tpu.memref_slice %arg4[%add3A_5009, %dma_start3A_5010] : memref<131072x128xf32, #tpu.memory_space<hbm>> -> memref<128x128xf32, #tpu.memory_space<hbm>>
    %dma_start3A_5012 = arith.constant 0 : i32
    %dma_start3A_5013 = tpu.memref_slice %arg4[%add3A_5009, %dma_start3A_5012] : memref<131072x128xf32, #tpu.memory_space<hbm>> -> memref<128x128xf32, #tpu.memory_space<hbm>>
    tpu.enqueue_dma source(%arg10 : memref<128x128xf32, #tpu.memory_space<vmem>>) target(%dma_start3A_5013 : memref<128x128xf32, #tpu.memory_space<hbm>>) target_semaphore(%arg29 : memref<!tpu.dma_semaphore, #tpu.memory_space<semaphore_mem>>)
    %dma_wait3A_5014 = arith.constant 0 : i32
    %dma_wait3A_5015 = arith.constant 0 : i32
    %dma_wait3A_5016 = tpu.memref_slice %arg11[%dma_wait3A_5014, %dma_wait3A_5015] : memref<128x128xf32, #tpu.memory_space<vmem>> -> memref<128x128xf32, #tpu.memory_space<vmem>>
    %dma_wait3A_5017 = arith.constant 0 : i32
    %dma_wait3A_5018 = tpu.memref_slice %arg17[%dma_wait3A_5017] : memref<128xi32, #tpu.memory_space<vmem>> -> memref<128xi32, #tpu.memory_space<vmem>>
    %dma_wait3A_5019 = arith.constant 0 : i32
    %dma_wait3A_5020 = arith.constant 0 : i32
    %dma_wait3A_5021 = tpu.memref_slice %arg2[%dma_wait3A_5019, %dma_wait3A_5020] : memref<32776x128xf32, #tpu.memory_space<hbm>> -> memref<32776x128xf32, #tpu.memory_space<hbm>>
    tpu.wait_indirect_dma semaphore(%arg24 : memref<!tpu.dma_semaphore, #tpu.memory_space<semaphore_mem>>) src(%dma_wait3A_5021 : memref<32776x128xf32, #tpu.memory_space<hbm>>) dst(%dma_wait3A_5016 : memref<128x128xf32, #tpu.memory_space<vmem>>)
    %mul3A_5022 = arith.constant 8 : i32
    %mul3A_5023 = arith.muli %mul3A_2, %mul3A_5022 : i32
    %add3A_5024 = arith.constant 3712 : i32
    %add3A_5025 = arith.addi %mul3A_5023, %add3A_5024 : i32
    %dma_start3A_5026 = arith.constant 0 : i32
    %dma_start3A_5027 = tpu.memref_slice %arg4[%add3A_5025, %dma_start3A_5026] : memref<131072x128xf32, #tpu.memory_space<hbm>> -> memref<128x128xf32, #tpu.memory_space<hbm>>
    %dma_start3A_5028 = arith.constant 0 : i32
    %dma_start3A_5029 = tpu.memref_slice %arg4[%add3A_5025, %dma_start3A_5028] : memref<131072x128xf32, #tpu.memory_space<hbm>> -> memref<128x128xf32, #tpu.memory_space<hbm>>
    tpu.enqueue_dma source(%arg11 : memref<128x128xf32, #tpu.memory_space<vmem>>) target(%dma_start3A_5029 : memref<128x128xf32, #tpu.memory_space<hbm>>) target_semaphore(%arg30 : memref<!tpu.dma_semaphore, #tpu.memory_space<semaphore_mem>>)
    %dma_wait3A_5030 = arith.constant 0 : i32
    %dma_wait3A_5031 = arith.constant 0 : i32
    %dma_wait3A_5032 = tpu.memref_slice %arg6[%dma_wait3A_5030, %dma_wait3A_5031] : memref<128x128xf32, #tpu.memory_space<vmem>> -> memref<128x128xf32, #tpu.memory_space<vmem>>
    %dma_wait3A_5033 = arith.constant 0 : i32
    %dma_wait3A_5034 = tpu.memref_slice %arg12[%dma_wait3A_5033] : memref<128xi32, #tpu.memory_space<vmem>> -> memref<128xi32, #tpu.memory_space<vmem>>
    %dma_wait3A_5035 = arith.constant 0 : i32
    %dma_wait3A_5036 = arith.constant 0 : i32
    %dma_wait3A_5037 = tpu.memref_slice %arg2[%dma_wait3A_5035, %dma_wait3A_5036] : memref<32776x128xf32, #tpu.memory_space<hbm>> -> memref<32776x128xf32, #tpu.memory_space<hbm>>
    tpu.wait_indirect_dma semaphore(%arg19 : memref<!tpu.dma_semaphore, #tpu.memory_space<semaphore_mem>>) src(%dma_wait3A_5037 : memref<32776x128xf32, #tpu.memory_space<hbm>>) dst(%dma_wait3A_5032 : memref<128x128xf32, #tpu.memory_space<vmem>>)
    %mul3A_5038 = arith.constant 8 : i32
    %mul3A_5039 = arith.muli %mul3A_2, %mul3A_5038 : i32
    %add3A_5040 = arith.constant 3840 : i32
    %add3A_5041 = arith.addi %mul3A_5039, %add3A_5040 : i32
    %dma_start3A_5042 = arith.constant 0 : i32
    %dma_start3A_5043 = tpu.memref_slice %arg4[%add3A_5041, %dma_start3A_5042] : memref<131072x128xf32, #tpu.memory_space<hbm>> -> memref<128x128xf32, #tpu.memory_space<hbm>>
    %dma_start3A_5044 = arith.constant 0 : i32
    %dma_start3A_5045 = tpu.memref_slice %arg4[%add3A_5041, %dma_start3A_5044] : memref<131072x128xf32, #tpu.memory_space<hbm>> -> memref<128x128xf32, #tpu.memory_space<hbm>>
    tpu.enqueue_dma source(%arg6 : memref<128x128xf32, #tpu.memory_space<vmem>>) target(%dma_start3A_5045 : memref<128x128xf32, #tpu.memory_space<hbm>>) target_semaphore(%arg25 : memref<!tpu.dma_semaphore, #tpu.memory_space<semaphore_mem>>)
    %dma_wait3A_5046 = arith.constant 0 : i32
    %dma_wait3A_5047 = arith.constant 0 : i32
    %dma_wait3A_5048 = tpu.memref_slice %arg7[%dma_wait3A_5046, %dma_wait3A_5047] : memref<128x128xf32, #tpu.memory_space<vmem>> -> memref<128x128xf32, #tpu.memory_space<vmem>>
    %dma_wait3A_5049 = arith.constant 0 : i32
    %dma_wait3A_5050 = tpu.memref_slice %arg13[%dma_wait3A_5049] : memref<128xi32, #tpu.memory_space<vmem>> -> memref<128xi32, #tpu.memory_space<vmem>>
    %dma_wait3A_5051 = arith.constant 0 : i32
    %dma_wait3A_5052 = arith.constant 0 : i32
    %dma_wait3A_5053 = tpu.memref_slice %arg2[%dma_wait3A_5051, %dma_wait3A_5052] : memref<32776x128xf32, #tpu.memory_space<hbm>> -> memref<32776x128xf32, #tpu.memory_space<hbm>>
    tpu.wait_indirect_dma semaphore(%arg20 : memref<!tpu.dma_semaphore, #tpu.memory_space<semaphore_mem>>) src(%dma_wait3A_5053 : memref<32776x128xf32, #tpu.memory_space<hbm>>) dst(%dma_wait3A_5048 : memref<128x128xf32, #tpu.memory_space<vmem>>)
    %mul3A_5054 = arith.constant 8 : i32
    %mul3A_5055 = arith.muli %mul3A_2, %mul3A_5054 : i32
    %add3A_5056 = arith.constant 3968 : i32
    %add3A_5057 = arith.addi %mul3A_5055, %add3A_5056 : i32
    %dma_start3A_5058 = arith.constant 0 : i32
    %dma_start3A_5059 = tpu.memref_slice %arg4[%add3A_5057, %dma_start3A_5058] : memref<131072x128xf32, #tpu.memory_space<hbm>> -> memref<128x128xf32, #tpu.memory_space<hbm>>
    %dma_start3A_5060 = arith.constant 0 : i32
    %dma_start3A_5061 = tpu.memref_slice %arg4[%add3A_5057, %dma_start3A_5060] : memref<131072x128xf32, #tpu.memory_space<hbm>> -> memref<128x128xf32, #tpu.memory_space<hbm>>
    tpu.enqueue_dma source(%arg7 : memref<128x128xf32, #tpu.memory_space<vmem>>) target(%dma_start3A_5061 : memref<128x128xf32, #tpu.memory_space<hbm>>) target_semaphore(%arg26 : memref<!tpu.dma_semaphore, #tpu.memory_space<semaphore_mem>>)
    %dma_wait3A_5062 = arith.constant 0 : i32
    %dma_wait3A_5063 = tpu.memref_slice %arg4[%add3A_5041, %dma_wait3A_5062] : memref<131072x128xf32, #tpu.memory_space<hbm>> -> memref<128x128xf32, #tpu.memory_space<hbm>>
    %dma_wait3A_5064 = arith.constant 0 : i32
    %dma_wait3A_5065 = tpu.memref_slice %arg4[%add3A_5041, %dma_wait3A_5064] : memref<131072x128xf32, #tpu.memory_space<hbm>> -> memref<128x128xf32, #tpu.memory_space<hbm>>
    tpu.wait_dma2 semaphore(%arg25 : memref<!tpu.dma_semaphore, #tpu.memory_space<semaphore_mem>>) src(%arg6 : memref<128x128xf32, #tpu.memory_space<vmem>>) dst(%dma_wait3A_5065 : memref<128x128xf32, #tpu.memory_space<hbm>>)
    %dma_wait3A_5066 = arith.constant 0 : i32
    %dma_wait3A_5067 = tpu.memref_slice %arg4[%add3A_5057, %dma_wait3A_5066] : memref<131072x128xf32, #tpu.memory_space<hbm>> -> memref<128x128xf32, #tpu.memory_space<hbm>>
    %dma_wait3A_5068 = arith.constant 0 : i32
    %dma_wait3A_5069 = tpu.memref_slice %arg4[%add3A_5057, %dma_wait3A_5068] : memref<131072x128xf32, #tpu.memory_space<hbm>> -> memref<128x128xf32, #tpu.memory_space<hbm>>
    tpu.wait_dma2 semaphore(%arg26 : memref<!tpu.dma_semaphore, #tpu.memory_space<semaphore_mem>>) src(%arg7 : memref<128x128xf32, #tpu.memory_space<vmem>>) dst(%dma_wait3A_5069 : memref<128x128xf32, #tpu.memory_space<hbm>>)
    %dma_wait3A_5070 = arith.constant 0 : i32
    %dma_wait3A_5071 = tpu.memref_slice %arg4[%add3A_4977, %dma_wait3A_5070] : memref<131072x128xf32, #tpu.memory_space<hbm>> -> memref<128x128xf32, #tpu.memory_space<hbm>>
    %dma_wait3A_5072 = arith.constant 0 : i32
    %dma_wait3A_5073 = tpu.memref_slice %arg4[%add3A_4977, %dma_wait3A_5072] : memref<131072x128xf32, #tpu.memory_space<hbm>> -> memref<128x128xf32, #tpu.memory_space<hbm>>
    tpu.wait_dma2 semaphore(%arg27 : memref<!tpu.dma_semaphore, #tpu.memory_space<semaphore_mem>>) src(%arg8 : memref<128x128xf32, #tpu.memory_space<vmem>>) dst(%dma_wait3A_5073 : memref<128x128xf32, #tpu.memory_space<hbm>>)
    %dma_wait3A_5074 = arith.constant 0 : i32
    %dma_wait3A_5075 = tpu.memref_slice %arg4[%add3A_4993, %dma_wait3A_5074] : memref<131072x128xf32, #tpu.memory_space<hbm>> -> memref<128x128xf32, #tpu.memory_space<hbm>>
    %dma_wait3A_5076 = arith.constant 0 : i32
    %dma_wait3A_5077 = tpu.memref_slice %arg4[%add3A_4993, %dma_wait3A_5076] : memref<131072x128xf32, #tpu.memory_space<hbm>> -> memref<128x128xf32, #tpu.memory_space<hbm>>
    tpu.wait_dma2 semaphore(%arg28 : memref<!tpu.dma_semaphore, #tpu.memory_space<semaphore_mem>>) src(%arg9 : memref<128x128xf32, #tpu.memory_space<vmem>>) dst(%dma_wait3A_5077 : memref<128x128xf32, #tpu.memory_space<hbm>>)
    %dma_wait3A_5078 = arith.constant 0 : i32
    %dma_wait3A_5079 = tpu.memref_slice %arg4[%add3A_5009, %dma_wait3A_5078] : memref<131072x128xf32, #tpu.memory_space<hbm>> -> memref<128x128xf32, #tpu.memory_space<hbm>>
    %dma_wait3A_5080 = arith.constant 0 : i32
    %dma_wait3A_5081 = tpu.memref_slice %arg4[%add3A_5009, %dma_wait3A_5080] : memref<131072x128xf32, #tpu.memory_space<hbm>> -> memref<128x128xf32, #tpu.memory_space<hbm>>
    tpu.wait_dma2 semaphore(%arg29 : memref<!tpu.dma_semaphore, #tpu.memory_space<semaphore_mem>>) src(%arg10 : memref<128x128xf32, #tpu.memory_space<vmem>>) dst(%dma_wait3A_5081 : memref<128x128xf32, #tpu.memory_space<hbm>>)
    %dma_wait3A_5082 = arith.constant 0 : i32
    %dma_wait3A_5083 = tpu.memref_slice %arg4[%add3A_5025, %dma_wait3A_5082] : memref<131072x128xf32, #tpu.memory_space<hbm>> -> memref<128x128xf32, #tpu.memory_space<hbm>>
    %dma_wait3A_5084 = arith.constant 0 : i32
    %dma_wait3A_5085 = tpu.memref_slice %arg4[%add3A_5025, %dma_wait3A_5084] : memref<131072x128xf32, #tpu.memory_space<hbm>> -> memref<128x128xf32, #tpu.memory_space<hbm>>
    tpu.wait_dma2 semaphore(%arg30 : memref<!tpu.dma_semaphore, #tpu.memory_space<semaphore_mem>>) src(%arg11 : memref<128x128xf32, #tpu.memory_space<vmem>>) dst(%dma_wait3A_5085 : memref<128x128xf32, #tpu.memory_space<hbm>>)
    return
  }
}

</mosaic_0001>

<sc_bundles>
// kernel: kernel.3.cloned.1.call-start
scs
__scs_entry_jumppad:
0x0: {  	(pc) =	sbr.rel $0x88, $3  }
0x1: {  	(tag) =	ssettag $0x0;
	lr =	simm.s32 $0x1  }
0x2: {  	[smem:$0x3F9F] =	sst lr;
	_ =	strace $0xD0000000  }
0x3: {  	_ = 	snop  }
0x4: {  	_ = 	snop  }
0x5: {  	_ = 	snop  }
0x6: {  	_ = 	snop  }
0x7: {  	_ = 	snop  }
__scs_overlays_trampoline_lowered:
0x8: {  	[smem:$0x3FAE] =	sst s0  }
0x9: {  	[smem:$0x3FAF] =	sst s1  }
0xa: {  	[smem:$0x3FB0] =	sst s2  }
0xb: {  	[smem:$0x3FB1] =	sst s3  }
0xc: {  	[smem:$0x3FB2] =	sst s4  }
0xd: {  	[smem:$0x3FB3] =	sst s5  }
0xe: {  	[smem:$0x3FB4] =	sst s6  }
0xf: {  	[smem:$0x3FB5] =	sst s7  }
0x10: {  	[smem:$0x3FB6] =	sst s8  }
0x11: {  	[smem:$0x3FB7] =	sst s9;
	s0 =	simm.s32 @!p0 $0x0  }
0x12: {  	s1 =	sld [smem:$0x3F9D];
	s0 =	simm.s32 @p0 $0x1  }
0x13: {  	[smem:$0x3FB8] =	sst s0;
	s0 =	simm.s32 @!p1 $0x0  }
0x14: {  	s2 =	sld [smem:$0x3F9C];
	s0 =	simm.s32 @p1 $0x1  }
0x15: {  	[smem:$0x3FB9] =	sst s0;
	s0 =	simm.s32 @!p2 $0x0  }
0x16: {  	s3 =	sld [smem:$0x3FDB];
	s0 =	simm.s32 @p2 $0x1  }
0x17: {  	s4 =	simm.s32 $0x1BF5;
	[smem:$0x3FBB] =	sst s0  }
0x18: {  	s0 =	sld [smem:$0x3F9E];
	_ =	swait.ge [sflag:s4], $0x0  }
0x19: {  	s7 =	sld [smem:$0x3F9F]  }
0x1a: {  	s8 =	sadd.s32 $0xFFFFE003, lr  }
0x1b: {  	s9 =	sadd.s32 $0xFFFFFEF7, lr;
	s5 =	simm.s32 $0xFFFFFFFF;
	p2 =	slt.u32 s8, $0xFFFFF086  }
0x1c: {  	p1 =	slt.u32 s9, $0xF7A;
	s5 =	simm.s32 @!p2 $0x0  }
0x1d: {  	s5 =	simm.s32 @p1 $0x1;
	p0 =	seq.s32 s7, s2  }
0x1e: {  	s7 =	smul.u32 @!p0 $0xF7A, s2;
	p2 =	seq.s32 @!p0 s5, $0x0  }
0x1f: {  	s9 =	smul.u32 $0xF7A, s1;
	s8 =	simm.s32 @!p0 $0x1BF5;
	p2 =	por !p2, p0  }
0x20: {  	[sflag:s8] =	ssyncset.s32 @!p0 $0xFFFFF086;
	s6 =	sadd.s32 @!p0 s3, s7;
	s7 =	simm.s32 @!p0 $0x108  }
0x21: {  	s3 =	sadd.s32 s3, s9;
	s6 =	sadd.s32 @!p0 $0x88, s6;
	s7 =	simm.s32 @p2 $0x1082  }
0x22: {  	[simem:s7], [sflag:s8] =	dma.local @!p0 [hbm:s6], $0xF7A  }
0x23: {  	s9 =	sor.u32 $0xD0000000, s2;
	s6 =	simm.s32 $0x108;
	_ =	swait.ge @!p0 [sflag:s8], $0x0  }
0x24: {  	s3 =	sadd.s32 $0x88, s3;
	s6 =	simm.s32 @!p1 $0x1082;
	[sflag:s4] =	ssyncset.s32 $0xFFFFF086  }
0x25: {  	[simem:s6], [sflag:s4] =	dma.local [hbm:s3], $0xF7A  }
0x26: {  	[smem:$0x3F9F] =	sst s1;
	(tag) =	ssettag s2;
	_ =	strace s9  }
0x27: {  	s1 =	sld [smem:$0x3FAF]  }
0x28: {  	s2 =	sld [smem:$0x3FB0]  }
0x29: {  	s4 =	sld [smem:$0x3FB2]  }
0x2a: {  	p0 =	seq.s32 s5, $0x0;
	s5 =	sld [smem:$0x3FB3]  }
0x2b: {  	s6 =	sld [smem:$0x3FB4]  }
0x2c: {  	s7 =	sld [smem:$0x3FB5]  }
0x2d: {  	s3 =	simm.s32 $0x108;
	s8 =	sld [smem:$0x3FB6]  }
0x2e: {  	s3 =	simm.s32 @!p0 $0x1082;
	s9 =	sld [smem:$0x3FB7]  }
0x2f: {  	lr =	sadd.s32 s0, s3;
	s0 =	sld [smem:$0x3FAE]  }
0x30: {  	s3 =	sld [smem:$0x3FB1]  }
0x31: {  	[smem:$0x3FBA] =	sst s10  }
0x32: {  	s10 =	sld [smem:$0x3FB8];
	_ =	sdelay $0x3  }
0x33: {  	p0 =	seq.s32 s10, $0x1;
	s10 =	sld [smem:$0x3FBA];
	_ =	sdelay $0x3  }
0x34: {  	[smem:$0x3FBA] =	sst s10  }
0x35: {  	s10 =	sld [smem:$0x3FB9];
	_ =	sdelay $0x3  }
0x36: {  	p1 =	seq.s32 s10, $0x1;
	s10 =	sld [smem:$0x3FBA];
	_ =	sdelay $0x3  }
0x37: {  	[smem:$0x3FBA] =	sst s10  }
0x38: {  	s10 =	sld [smem:$0x3FBB]  }
0x39: {  	_ = 	snop;
	(pc) =	sbr.ind lr, $3  }
0x3a: {  	_ = 	snop  }
0x3b: {  	_ = 	snop  }
0x3c: {  	p2 =	seq.s32 s10, $0x1;
	s10 =	sld [smem:$0x3FBA]  }
0x3d: {  	_ =	shalt  }
0x3e: {  	_ =	shalt  }
0x3f: {  	_ =	shalt  }
0x40: {  	_ =	shalt  }
0x41: {  	_ =	shalt  }
0x42: {  	_ =	shalt  }
0x43: {  	_ =	shalt  }
0x44: {  	_ =	shalt  }
0x45: {  	_ =	shalt  }
0x46: {  	_ =	shalt  }
0x47: {  	_ =	shalt  }
0x48: {  	_ =	shalt  }
0x49: {  	_ =	shalt  }
0x4a: {  	_ =	shalt  }
0x4b: {  	_ =	shalt  }
0x4c: {  	_ =	shalt  }
0x4d: {  	_ =	shalt  }
0x4e: {  	_ =	shalt  }
0x4f: {  	_ =	shalt  }
0x50: {  	_ =	shalt  }
0x51: {  	_ =	shalt  }
0x52: {  	_ =	shalt  }
0x53: {  	_ =	shalt  }
0x54: {  	_ =	shalt  }
0x55: {  	_ =	shalt  }
0x56: {  	_ =	shalt  }
0x57: {  	_ =	shalt  }
0x58: {  	_ =	shalt  }
0x59: {  	_ =	shalt  }
0x5a: {  	_ =	shalt  }
0x5b: {  	_ =	shalt  }
0x5c: {  	_ =	shalt  }
0x5d: {  	_ =	shalt  }
0x5e: {  	_ =	shalt  }
0x5f: {  	_ =	shalt  }
0x60: {  	_ =	shalt  }
0x61: {  	_ =	shalt  }
0x62: {  	_ =	shalt  }
0x63: {  	_ =	shalt  }
0x64: {  	_ =	shalt  }
0x65: {  	_ =	shalt  }
0x66: {  	_ =	shalt  }
0x67: {  	_ =	shalt  }
0x68: {  	_ =	shalt  }
0x69: {  	_ =	shalt  }
0x6a: {  	_ =	shalt  }
0x6b: {  	_ =	shalt  }
0x6c: {  	_ =	shalt  }
0x6d: {  	_ =	shalt  }
0x6e: {  	_ =	shalt  }
0x6f: {  	_ =	shalt  }
0x70: {  	_ =	shalt  }
0x71: {  	_ =	shalt  }
0x72: {  	_ =	shalt  }
0x73: {  	_ =	shalt  }
0x74: {  	_ =	shalt  }
0x75: {  	_ =	shalt  }
0x76: {  	_ =	shalt  }
0x77: {  	_ =	shalt  }
0x78: {  	_ =	shalt  }
0x79: {  	_ =	shalt  }
0x7a: {  	_ =	shalt  }
0x7b: {  	_ =	shalt  }
0x7c: {  	_ =	shalt  }
0x7d: {  	_ =	shalt  }
0x7e: {  	_ =	shalt  }
0x7f: {  	_ =	shalt  }
0x80: {  	_ =	shalt  }
0x81: {  	_ =	shalt  }
0x82: {  	_ =	shalt  }
0x83: {  	_ =	shalt  }
0x84: {  	_ =	shalt  }
0x85: {  	_ =	shalt  }
0x86: {  	_ =	shalt  }
0x87: {  	_ =	shalt  }
.Lfunc_end0:
.L_simem_size_0:
called_computation_lowered:
.L_overlay_start_0:
0x88: {  	s2 =	sld [smem:$0x3FD9]  }
0x89: {  	s3 =	sld [smem:$0x3FFE];
	_ =	sdelay $0x1  }
0x8a: {  	s1 =	srdreg.scid  }
0x8b: {  	s0 =	sand.u32 $0x1, s1  }
0x8c: {  	s18 =	sshll.u32 s0, $0xA;
	s2 =	sadd.s32 s3, s2  }
0x8d: {  	s2 =	sadd.s32 s2, s18  }
0x8e: {  	[smem:$0x3FC6] =	sst s2  }
0x8f: {  	_ = 	snop  }
0x90: {  	s2 =	sld [smem:$0x3FC9]  }
0x91: {  	s19 =	sld [smem:$0x3FC8]  }
0x92: {  	s4 =	sld [smem:$0x3FD0];
	(tm) =	ssettm $0x1  }
0x93: {  	s5 =	sld [smem:$0x3FFB];
	_ =	sdelay $0x3  }
0x94: {  	_ =	strace s5  }
0x95: {  	s5 =	sld [smem:$0x3FFC];
	_ =	sdelay $0x3  }
0x96: {  	_ =	strace s5  }
0x97: {  	s5 =	sld [smem:$0x3FFD];
	_ =	sdelay $0x3  }
0x98: {  	_ =	strace s5  }
0x99: {  	_ =	strace $0x8FFFFFFF  }
0x9a: {  	s20 =	sld [smem:$0x3FDB];
	_ =	sdelay $0x1  }
0x9b: {  	s6 =	simm.s32 $_scs_section_size  }
0x9c: {  	s7 =	simm.s32 $_size__tile_overlayer_lowered;
	s8 =	simm.s32 $_tile_overlayer_lowered  }
0x9d: {  	s23 =	simm.s32 $0x1BFF;
	s22 =	sshll.u32 s8, $0x1;
	s5 =	sadd.s32 s6, s20  }
0x9e: {  	s9 =	simm.s32 $0x0;
	s21 =	sshll.u32 s7, $0x1;
	s7 =	sadd.s32 s22, s5  }
0x9f: {  	[timem:s9], [sflag:s23] =	dma.local [hbm:s7], s21  }
0xa0: {  	_ =	swait.ge [sflag:s23], s21  }
0xa1: {  	s6 =	ssub.s32 $0x0, s21;
	[sflag:s23] =	ssyncset.done $0x0  }
0xa2: {  	[sflag:s23] =	ssyncadd.s32 s6;
	_ =	sdelay $0x1  }
0xa3: {  	s24 =	simm.s32 $0x1B8B  }
0xa4: {  	_ =	swait.ge [sflag:s24], $0x1  }
0xa5: {  	[sflag:s24] =	ssyncset.done $0x0  }
0xa6: {  	s25 =	simm.s32 $0x1B8E;
	[sflag:s24] =	ssyncadd.s32 $0xFFFFFFFF  }
0xa7: {  	s26 =	simm.s32 $execute0_lowered;
	[smem:$0x3FD2] =	sst s25  }
0xa8: {  	s6 =	sshll.u32 s26, $0x1;
	_ =	strace $0x80000046;
	[dreg:$0x1] =	wrdreg $0xFFFFFFFF  }
0xa9: {  	s28 =	simm.s32 $_size_execute0_lowered;
	s5 =	sadd.s32 s5, s6;
	[dreg:$0x0] =	wrdreg $0x0  }
0xaa: {  	s6 =	sshll.u32 s28, $0x1;
	[dreg:$0x2] =	wrdreg s5  }
0xab: {  	[dreg:$0x3] =	wrdreg s6  }
0xac: {  	[dreg:$0x4] =	wrdreg $0xC0  }
0xad: {  	_ =	task [dreg:s9], $0x5FFFF  }
0xae: {  	[dreg:$0x1] =	wrdreg $0xFFFFFFFF  }
0xaf: {  	[dreg:$0x0] =	wrdreg $0x60  }
0xb0: {  	[dreg:$0x2] =	wrdreg s19  }
0xb1: {  	[dreg:$0x3] =	wrdreg s2  }
0xb2: {  	[dreg:$0x4] =	wrdreg s4  }
0xb3: {  	[dreg:$0x5] =	wrdreg $0x9  }
0xb4: {  	_ =	task.clear_ibuf [dreg:s9], $0x6FFFF;
	_ =	strace $0x90000046  }
0xb5: {  	s29 =	simm.s32 $0x9;
	_ =	strace $0x80000048  }
0xb6: {  	_ =	swait.ge [sflag:s29], $0x1  }
0xb7: {  	[sflag:s29] =	ssyncadd.s32 $0xFFFFFFFF  }
0xb8: {  	_ =	strace $0x90000048  }
0xb9: {  	_ =	sfence  }
0xba: {  	s30 =	sld [smem:$0x0];
	_ =	sdelay $0x2  }
0xbb: {  	s31 =	sshll.u32 s1, $0xD;
	s1 =	sshrl.u32 s1, $0x2  }
0xbc: {  	s3 =	sand.u32 $0x4000, s31;
	s1 =	sadd.s32 s1, s30  }
0xbd: {  	s0 =	sor.u32 s3, s0;
	s1 =	sshll.u32 s1, $0x11  }
0xbe: {  	s0 =	sor.u32 s1, s0  }
0xbf: {  	s0 =	sadd.s32 $0x8F2B, s0  }
0xc0: {  	[sflag:s0] =	ssyncadd.remote.s32 $0x1  }
0xc1: {  	_ =	sfence.sel $0xFFFF  }
0xc2: {  	[dreg:$0x0] =	wrdreg $0xFFFFFFFF;
	(pc) =	sbr.abs _section_cstart, $3  }
0xc3: {  	[dreg:$0x1] =	wrdreg $0xFFFFFFFF  }
0xc4: {  	_ =	task.clear_ibuf [dreg:s9], $0x2FFFF;
	_ =	strace $0x9FFFFFFF  }
0xc5: {  	(tm) =	ssettm $0x7FFFFFFF  }
tec
execute0_lowered:
.L_overlay_start_1:
0x0: {  	(tag) =	ssettag $0x1  }
0x1: {  	s1 =	rddreg [dreg:$0x0]  }
0x2: {  	s2 =	srdreg.scid;
	s0 =	stileid.u32  }
0x3: {  	s4 =	rddreg [dreg:$0x1];
	s2 =	sand.u32 $0x1, s2;
	s6 =	sshll.u32 s0, $0x1  }
0x4: {  	s5 =	rddreg [dreg:$0x2];
	s6 =	sor.u32 s2, s6  }
0x5: {  	s3 =	simm.s32 $0x0;
	s7 =	sshll.u32 s6, $0x6;
	s6 =	sshll.u32 s6, $0x10  }
0x6: {  	[smem:$0x7FF] =	sst s3;
	s7 =	sadd.s32 s4, s7;
	s4 =	sadd.s32 s5, s6  }
0x7: {  	_ =	strace $0x80000047;
	[dreg:$0x4] =	wrdreg s7;
	s5 =	sadd.s32 $0x800, s4  }
0x8: {  	s18 =	sadd.s32 $0x1000, s4;
	[dreg:$0x5] =	wrdreg s5  }
0x9: {  	s19 =	sadd.s32 $0x1800, s4;
	[dreg:$0x6] =	wrdreg s18  }
0xa: {  	s20 =	sadd.s32 $0x2000, s4;
	[dreg:$0x7] =	wrdreg s19  }
0xb: {  	s21 =	sadd.s32 $0x2800, s4;
	[dreg:$0x8] =	wrdreg s20  }
0xc: {  	s22 =	sadd.s32 $0x3000, s4;
	[dreg:$0x9] =	wrdreg s21  }
0xd: {  	s23 =	sadd.s32 $0x3800, s4;
	[dreg:$0xa] =	wrdreg s22  }
0xe: {  	s24 =	sadd.s32 $0x4000, s4;
	[dreg:$0xb] =	wrdreg s23  }
0xf: {  	s25 =	sadd.s32 $0x4800, s4;
	[dreg:$0xc] =	wrdreg s24  }
0x10: {  	s26 =	sadd.s32 $0x5000, s4;
	[dreg:$0xd] =	wrdreg s25  }
0x11: {  	s0 =	sadd.s32 $0x5800, s4;
	[dreg:$0xe] =	wrdreg s26  }
0x12: {  	s6 =	sadd.s32 $0x6000, s4;
	[dreg:$0xf] =	wrdreg s0  }
0x13: {  	s7 =	sadd.s32 $0x6800, s4;
	[dreg:$0x10] =	wrdreg s6  }
0x14: {  	s8 =	sadd.s32 $0x7000, s4;
	[dreg:$0x11] =	wrdreg s7  }
0x15: {  	s9 =	sadd.s32 $0x7800, s4;
	[dreg:$0x12] =	wrdreg s8  }
0x16: {  	s10 =	sadd.s32 $0x8000, s4;
	[dreg:$0x13] =	wrdreg s9  }
0x17: {  	s11 =	sadd.s32 $0x8800, s4;
	[dreg:$0x14] =	wrdreg s10  }
0x18: {  	s12 =	sadd.s32 $0x9000, s4;
	[dreg:$0x15] =	wrdreg s11  }
0x19: {  	s28 =	simm.s32 $0xA;
	s13 =	sadd.s32 $0x9800, s4;
	[dreg:$0x16] =	wrdreg s12  }
0x1a: {  	s29 =	simm.s32 $0x5;
	s14 =	sadd.s32 $0xA000, s4;
	[dreg:$0x17] =	wrdreg s13  }
0x1b: {  	s30 =	simm.s32 $0xB;
	s15 =	sadd.s32 $0xA800, s4;
	[dreg:$0x18] =	wrdreg s14  }
0x1c: {  	s31 =	simm.s32 $0x6;
	s16 =	sadd.s32 $0xB000, s4;
	[dreg:$0x19] =	wrdreg s15  }
0x1d: {  	s2 =	ssub.s32 $0x2, s2;
	s17 =	sadd.s32 $0xB800, s4;
	[dreg:$0x1a] =	wrdreg s16  }
0x1e: {  	[dreg:$0x1b] =	wrdreg s17;
	s18 =	sadd.s32 $0xC000, s4;
	s19 =	sadd.s32 $0xC800, s4  }
0x1f: {  	s20 =	sadd.s32 $0xD000, s4;
	s21 =	sadd.s32 $0xD800, s4;
	s22 =	sadd.s32 $0xE000, s4  }
0x20: {  	s23 =	sadd.s32 $0xE800, s4;
	s24 =	sadd.s32 $0xF000, s4;
	s25 =	sshrl.u32 s2, $0x1  }
0x21: {  	s26 =	sadd.s32 $0xF800, s4;
	s6 =	simm.s32 $0xD;
	[dreg:$0x1c] =	wrdreg s18  }
0x22: {  	s7 =	simm.s32 $0x80;
	s8 =	simm.s32 $0x18200;
	[dreg:$0x1d] =	wrdreg s19  }
0x23: {  	s9 =	simm.s32 $0x200;
	s10 =	simm.s32 $0x18280;
	[dreg:$0x1e] =	wrdreg s20  }
0x24: {  	s11 =	simm.s32 $0x4200;
	s12 =	simm.s32 $0x18300;
	[dreg:$0x1f] =	wrdreg s21  }
0x25: {  	s13 =	simm.s32 $0x8200;
	s14 =	simm.s32 $0x18380;
	[smem:$0x7FA] =	sst s22  }
0x26: {  	s15 =	simm.s32 $0xC200;
	s16 =	simm.s32 $0x18400;
	[smem:$0x7FB] =	sst s23  }
0x27: {  	s17 =	simm.s32 $0x10200;
	[smem:$0x7FC] =	sst s24;
	s2 =	ssub.s32 s2, s25  }
0x28: {  	[smem:$0x7FD] =	sst s26;
	s18 =	simm.s32 $0x18480;
	s19 =	simm.s32 $0x14200  }
0x29: {  	v0 =	vlaneseq.u32;
	s20 =	simm.s32 $0x1;
	s21 =	simm.s32 $0x7;
	s22 =	simm.s32 $0x2  }
0x2a: {  	vm0 =	vmmov $0xff;
	v0 =	vshrl.u32 v0, $0x3;
	s23 =	simm.s32 $0x8;
	s24 =	simm.s32 $0x3;
	s25 =	simm.s32 $0x9  }
0x2b: {  	v1 =	vor.u32 $0x2, v0;
	v2 =	vor.u32 $0x4, v0;
	v3 =	vor.u32 $0x6, v0;
	s26 =	simm.s32 $0x4;
	s5 =	smax.u32 s2, $0x1;
	s2 =	simm.s32 $0xC  }
.LBB2_1:
0x2c: {  	s0 =	rddreg [dreg:$0x4]  }
0x2d: {  	[tilespmem:s3], [sflag:$0xD] =	stream.linear.gather [hbm4b:s0+s3], $0x200, $0x38;
	[tilespmem:$0x18580] =	vst v63  }
0x2e: {  	_ =	swait.ge [sflag:s6], $0x200  }
0x2f: {  	[sflag:s6] =	ssyncset.done $0x0  }
0x30: {  	[sflag:s6] =	ssyncadd.s32 $0xFFFFFE00  }
0x31: {  	v4 =	vld [tilespmem:$0x0];
	_ =	sdelay $0x4  }
0x32: {  	v4 =	vshll.u32 v4, $0x3  }
0x33: {  	[tilespmem:$0x18500] =	vst v4  }
0x34: {  	[tilespmem:$0x18510] =	vst v4  }
0x35: {  	v5 =	vld [tilespmem:$0x18508];
	_ =	sdelay $0x4  }
0x36: {  	v6 =	vsel vm0, v4, v5  }
0x37: {  	v7 =	vadd.s32 v0, v6  }
0x38: {  	v48 =	vadd.s32 v1, v6;
	[tilespmem:$0x18200] =	vst v7  }
0x39: {  	v49 =	vadd.s32 v2, v6;
	[tilespmem:$0x18210] =	vst v48  }
0x3a: {  	v4 =	vsel vm0, v5, v4;
	v5 =	vadd.s32 v3, v6;
	[tilespmem:$0x18220] =	vst v49  }
0x3b: {  	[tilespmem:$0x18230] =	vst v5;
	v5 =	vadd.s32 v0, v4  }
0x3c: {  	[tilespmem:$0x18240] =	vst v5;
	v5 =	vadd.s32 v1, v4  }
0x3d: {  	[tilespmem:$0x18250] =	vst v5;
	v5 =	vadd.s32 v2, v4  }
0x3e: {  	v4 =	vadd.s32 v3, v4;
	[tilespmem:$0x18260] =	vst v5  }
0x3f: {  	[tilespmem:$0x18270] =	vst v4  }
0x40: {  	[tilespmem:s9], [sflag:$0x1] =	stream.indirect.gather [hbm4b:s1+s7], $0x80, s8, s7, $0xb8;
	[tilespmem:$0x18580] =	vst v63  }
0x41: {  	v4 =	vld [tilespmem:$0x10];
	_ =	sdelay $0x4  }
0x42: {  	v4 =	vshll.u32 v4, $0x3  }
0x43: {  	[tilespmem:$0x18500] =	vst v4  }
0x44: {  	[tilespmem:$0x18510] =	vst v4  }
0x45: {  	v5 =	vld [tilespmem:$0x18508];
	_ =	sdelay $0x4  }
0x46: {  	v50 =	vsel vm0, v4, v5  }
0x47: {  	v51 =	vadd.s32 v0, v50  }
0x48: {  	v52 =	vadd.s32 v1, v50;
	[tilespmem:$0x18280] =	vst v51  }
0x49: {  	v53 =	vadd.s32 v2, v50;
	[tilespmem:$0x18290] =	vst v52  }
0x4a: {  	v4 =	vsel vm0, v5, v4;
	v5 =	vadd.s32 v3, v50;
	[tilespmem:$0x182A0] =	vst v53  }
0x4b: {  	[tilespmem:$0x182B0] =	vst v5;
	v5 =	vadd.s32 v0, v4  }
0x4c: {  	[tilespmem:$0x182C0] =	vst v5;
	v5 =	vadd.s32 v1, v4  }
0x4d: {  	[tilespmem:$0x182D0] =	vst v5;
	v5 =	vadd.s32 v2, v4  }
0x4e: {  	v4 =	vadd.s32 v3, v4;
	[tilespmem:$0x182E0] =	vst v5  }
0x4f: {  	[tilespmem:$0x182F0] =	vst v4  }
0x50: {  	[tilespmem:s11], [sflag:$0x2] =	stream.indirect.gather [hbm4b:s1+s7], $0x80, s10, s7, $0xb8;
	[tilespmem:$0x18580] =	vst v63  }
0x51: {  	v4 =	vld [tilespmem:$0x20];
	_ =	sdelay $0x4  }
0x52: {  	v4 =	vshll.u32 v4, $0x3  }
0x53: {  	[tilespmem:$0x18500] =	vst v4  }
0x54: {  	[tilespmem:$0x18510] =	vst v4  }
0x55: {  	v5 =	vld [tilespmem:$0x18508];
	_ =	sdelay $0x4  }
0x56: {  	v54 =	vsel vm0, v4, v5  }
0x57: {  	v55 =	vadd.s32 v0, v54  }
0x58: {  	v56 =	vadd.s32 v1, v54;
	[tilespmem:$0x18300] =	vst v55  }
0x59: {  	v57 =	vadd.s32 v2, v54;
	[tilespmem:$0x18310] =	vst v56  }
0x5a: {  	v4 =	vsel vm0, v5, v4;
	v5 =	vadd.s32 v3, v54;
	[tilespmem:$0x18320] =	vst v57  }
0x5b: {  	[tilespmem:$0x18330] =	vst v5;
	v5 =	vadd.s32 v0, v4  }
0x5c: {  	[tilespmem:$0x18340] =	vst v5;
	v5 =	vadd.s32 v1, v4  }
0x5d: {  	[tilespmem:$0x18350] =	vst v5;
	v5 =	vadd.s32 v2, v4  }
0x5e: {  	v4 =	vadd.s32 v3, v4;
	[tilespmem:$0x18360] =	vst v5  }
0x5f: {  	[tilespmem:$0x18370] =	vst v4  }
0x60: {  	[tilespmem:s13], [sflag:$0x3] =	stream.indirect.gather [hbm4b:s1+s7], $0x80, s12, s7, $0xb8;
	[tilespmem:$0x18580] =	vst v63  }
0x61: {  	v4 =	vld [tilespmem:$0x30];
	_ =	sdelay $0x4  }
0x62: {  	v4 =	vshll.u32 v4, $0x3  }
0x63: {  	[tilespmem:$0x18500] =	vst v4  }
0x64: {  	[tilespmem:$0x18510] =	vst v4  }
0x65: {  	v5 =	vld [tilespmem:$0x18508];
	_ =	sdelay $0x4  }
0x66: {  	v58 =	vsel vm0, v4, v5  }
0x67: {  	v59 =	vadd.s32 v0, v58  }
0x68: {  	v60 =	vadd.s32 v1, v58;
	[tilespmem:$0x18380] =	vst v59  }
0x69: {  	v61 =	vadd.s32 v2, v58;
	[tilespmem:$0x18390] =	vst v60  }
0x6a: {  	v4 =	vsel vm0, v5, v4;
	v5 =	vadd.s32 v3, v58;
	[tilespmem:$0x183A0] =	vst v61  }
0x6b: {  	[tilespmem:$0x183B0] =	vst v5;
	v5 =	vadd.s32 v0, v4  }
0x6c: {  	[tilespmem:$0x183C0] =	vst v5;
	v5 =	vadd.s32 v1, v4  }
0x6d: {  	[tilespmem:$0x183D0] =	vst v5;
	v5 =	vadd.s32 v2, v4  }
0x6e: {  	v4 =	vadd.s32 v3, v4;
	[tilespmem:$0x183E0] =	vst v5  }
0x6f: {  	[tilespmem:$0x183F0] =	vst v4  }
0x70: {  	[tilespmem:s15], [sflag:$0x4] =	stream.indirect.gather [hbm4b:s1+s7], $0x80, s14, s7, $0xb8;
	[tilespmem:$0x18580] =	vst v63  }
0x71: {  	v4 =	vld [tilespmem:$0x40];
	_ =	sdelay $0x4  }
0x72: {  	v4 =	vshll.u32 v4, $0x3  }
0x73: {  	[tilespmem:$0x18500] =	vst v4  }
0x74: {  	[tilespmem:$0x18510] =	vst v4  }
0x75: {  	v5 =	vld [tilespmem:$0x18508];
	_ =	sdelay $0x4  }
0x76: {  	v62 =	vsel vm0, v4, v5  }
0x77: {  	v63 =	vadd.s32 v0, v62  }
0x78: {  	v9 =	vadd.s32 v1, v62;
	[tilespmem:$0x18400] =	vst v63  }
0x79: {  	v10 =	vadd.s32 v2, v62;
	[tilespmem:$0x18410] =	vst v9  }
0x7a: {  	v4 =	vsel vm0, v5, v4;
	v5 =	vadd.s32 v3, v62;
	[tilespmem:$0x18420] =	vst v10  }
0x7b: {  	[tilespmem:$0x18430] =	vst v5;
	v5 =	vadd.s32 v0, v4  }
0x7c: {  	[tilespmem:$0x18440] =	vst v5;
	v5 =	vadd.s32 v1, v4  }
0x7d: {  	[tilespmem:$0x18450] =	vst v5;
	v5 =	vadd.s32 v2, v4  }
0x7e: {  	v4 =	vadd.s32 v3, v4;
	[tilespmem:$0x18460] =	vst v5  }
0x7f: {  	[tilespmem:$0x18470] =	vst v4  }
0x80: {  	[tilespmem:s17], [sflag:$0x5] =	stream.indirect.gather [hbm4b:s1+s7], $0x80, s16, s7, $0xb8;
	[tilespmem:$0x18580] =	vst v63  }
0x81: {  	v4 =	vld [tilespmem:$0x50];
	_ =	sdelay $0x4  }
0x82: {  	v4 =	vshll.u32 v4, $0x3  }
0x83: {  	[tilespmem:$0x18500] =	vst v4  }
0x84: {  	[tilespmem:$0x18510] =	vst v4  }
0x85: {  	v5 =	vld [tilespmem:$0x18508];
	_ =	sdelay $0x4  }
0x86: {  	v11 =	vsel vm0, v4, v5  }
0x87: {  	v12 =	vadd.s32 v0, v11  }
0x88: {  	v13 =	vadd.s32 v1, v11;
	[tilespmem:$0x18480] =	vst v12  }
0x89: {  	v14 =	vadd.s32 v2, v11;
	[tilespmem:$0x18490] =	vst v13  }
0x8a: {  	v4 =	vsel vm0, v5, v4;
	v5 =	vadd.s32 v3, v11;
	[tilespmem:$0x184A0] =	vst v14  }
0x8b: {  	[tilespmem:$0x184B0] =	vst v5;
	v5 =	vadd.s32 v0, v4  }
0x8c: {  	[tilespmem:$0x184C0] =	vst v5;
	v5 =	vadd.s32 v1, v4  }
0x8d: {  	[tilespmem:$0x184D0] =	vst v5;
	v5 =	vadd.s32 v2, v4  }
0x8e: {  	v4 =	vadd.s32 v3, v4;
	[tilespmem:$0x184E0] =	vst v5  }
0x8f: {  	[tilespmem:$0x184F0] =	vst v4  }
0x90: {  	[tilespmem:s19], [sflag:$0x6] =	stream.indirect.gather [hbm4b:s1+s7], $0x80, s18, s7, $0xb8;
	[tilespmem:$0x18580] =	vst v63  }
0x91: {  	_ =	swait.ge [sflag:s20], $0x4000  }
0x92: {  	[sflag:s20] =	ssyncset.done $0x0  }
0x93: {  	[sflag:s20] =	ssyncadd.s32 $0xFFFFC000  }
0x94: {  	[hbm4b:s4+s3] =	stream.linear.scatter [tilespmem:s9], [sflag:$0x7], $0x4000, $0x38;
	[tilespmem:$0x18580] =	vst v63  }
0x95: {  	_ =	swait.ge [sflag:s21], $0x4000  }
0x96: {  	[sflag:s21] =	ssyncset.done $0x0  }
0x97: {  	[sflag:s21] =	ssyncadd.s32 $0xFFFFC000  }
0x98: {  	v4 =	vld [tilespmem:$0x60];
	_ =	sdelay $0x4  }
0x99: {  	v4 =	vshll.u32 v4, $0x3  }
0x9a: {  	[tilespmem:$0x18500] =	vst v4  }
0x9b: {  	[tilespmem:$0x18510] =	vst v4  }
0x9c: {  	v5 =	vld [tilespmem:$0x18508];
	_ =	sdelay $0x4  }
0x9d: {  	v15 =	vsel vm0, v4, v5  }
0x9e: {  	v16 =	vadd.s32 v0, v15  }
0x9f: {  	v17 =	vadd.s32 v1, v15;
	[tilespmem:$0x18200] =	vst v16  }
0xa0: {  	v18 =	vadd.s32 v2, v15;
	[tilespmem:$0x18210] =	vst v17  }
0xa1: {  	v4 =	vsel vm0, v5, v4;
	v5 =	vadd.s32 v3, v15;
	[tilespmem:$0x18220] =	vst v18  }
0xa2: {  	[tilespmem:$0x18230] =	vst v5;
	v5 =	vadd.s32 v0, v4  }
0xa3: {  	[tilespmem:$0x18240] =	vst v5;
	v5 =	vadd.s32 v1, v4  }
0xa4: {  	[tilespmem:$0x18250] =	vst v5;
	v5 =	vadd.s32 v2, v4  }
0xa5: {  	v4 =	vadd.s32 v3, v4;
	[tilespmem:$0x18260] =	vst v5  }
0xa6: {  	[tilespmem:$0x18270] =	vst v4  }
0xa7: {  	[tilespmem:s9], [sflag:$0x1] =	stream.indirect.gather [hbm4b:s1+s7], $0x80, s8, s7, $0xb8;
	[tilespmem:$0x18580] =	vst v63  }
0xa8: {  	_ =	swait.ge [sflag:s22], $0x4000  }
0xa9: {  	[sflag:s22] =	ssyncset.done $0x0  }
0xaa: {  	s0 =	rddreg [dreg:$0x5];
	[sflag:s22] =	ssyncadd.s32 $0xFFFFC000  }
0xab: {  	[hbm4b:s0+s3] =	stream.linear.scatter [tilespmem:s11], [sflag:$0x8], $0x4000, $0x38;
	[tilespmem:$0x18580] =	vst v63  }
0xac: {  	_ =	swait.ge [sflag:s23], $0x4000  }
0xad: {  	[sflag:s23] =	ssyncset.done $0x0  }
0xae: {  	[sflag:s23] =	ssyncadd.s32 $0xFFFFC000  }
0xaf: {  	v4 =	vld [tilespmem:$0x70];
	_ =	sdelay $0x4  }
0xb0: {  	v4 =	vshll.u32 v4, $0x3  }
0xb1: {  	[tilespmem:$0x18500] =	vst v4  }
0xb2: {  	[tilespmem:$0x18510] =	vst v4  }
0xb3: {  	v5 =	vld [tilespmem:$0x18508];
	_ =	sdelay $0x4  }
0xb4: {  	v19 =	vsel vm0, v4, v5  }
0xb5: {  	v20 =	vadd.s32 v0, v19  }
0xb6: {  	v21 =	vadd.s32 v1, v19;
	[tilespmem:$0x18280] =	vst v20  }
0xb7: {  	v22 =	vadd.s32 v2, v19;
	[tilespmem:$0x18290] =	vst v21  }
0xb8: {  	v4 =	vsel vm0, v5, v4;
	v5 =	vadd.s32 v3, v19;
	[tilespmem:$0x182A0] =	vst v22  }
0xb9: {  	[tilespmem:$0x182B0] =	vst v5;
	v5 =	vadd.s32 v0, v4  }
0xba: {  	[tilespmem:$0x182C0] =	vst v5;
	v5 =	vadd.s32 v1, v4  }
0xbb: {  	[tilespmem:$0x182D0] =	vst v5;
	v5 =	vadd.s32 v2, v4  }
0xbc: {  	v4 =	vadd.s32 v3, v4;
	[tilespmem:$0x182E0] =	vst v5  }
0xbd: {  	[tilespmem:$0x182F0] =	vst v4  }
0xbe: {  	[tilespmem:s11], [sflag:$0x2] =	stream.indirect.gather [hbm4b:s1+s7], $0x80, s10, s7, $0xb8;
	[tilespmem:$0x18580] =	vst v63  }
0xbf: {  	_ =	swait.ge [sflag:s24], $0x4000  }
0xc0: {  	[sflag:s24] =	ssyncset.done $0x0  }
0xc1: {  	s0 =	rddreg [dreg:$0x6];
	[sflag:s24] =	ssyncadd.s32 $0xFFFFC000  }
0xc2: {  	[hbm4b:s0+s3] =	stream.linear.scatter [tilespmem:s13], [sflag:$0x9], $0x4000, $0x38;
	[tilespmem:$0x18580] =	vst v63  }
0xc3: {  	_ =	swait.ge [sflag:s25], $0x4000  }
0xc4: {  	[sflag:s25] =	ssyncset.done $0x0  }
0xc5: {  	[sflag:s25] =	ssyncadd.s32 $0xFFFFC000  }
0xc6: {  	v4 =	vld [tilespmem:$0x80];
	_ =	sdelay $0x4  }
0xc7: {  	v4 =	vshll.u32 v4, $0x3  }
0xc8: {  	[tilespmem:$0x18500] =	vst v4  }
0xc9: {  	[tilespmem:$0x18510] =	vst v4  }
0xca: {  	v5 =	vld [tilespmem:$0x18508];
	_ =	sdelay $0x4  }
0xcb: {  	v23 =	vsel vm0, v4, v5  }
0xcc: {  	v24 =	vadd.s32 v0, v23  }
0xcd: {  	v25 =	vadd.s32 v1, v23;
	[tilespmem:$0x18300] =	vst v24  }
0xce: {  	v26 =	vadd.s32 v2, v23;
	[tilespmem:$0x18310] =	vst v25  }
0xcf: {  	v4 =	vsel vm0, v5, v4;
	v5 =	vadd.s32 v3, v23;
	[tilespmem:$0x18320] =	vst v26  }
0xd0: {  	[tilespmem:$0x18330] =	vst v5;
	v5 =	vadd.s32 v0, v4  }
0xd1: {  	[tilespmem:$0x18340] =	vst v5;
	v5 =	vadd.s32 v1, v4  }
0xd2: {  	[tilespmem:$0x18350] =	vst v5;
	v5 =	vadd.s32 v2, v4  }
0xd3: {  	v4 =	vadd.s32 v3, v4;
	[tilespmem:$0x18360] =	vst v5  }
0xd4: {  	[tilespmem:$0x18370] =	vst v4  }
0xd5: {  	[tilespmem:s13], [sflag:$0x3] =	stream.indirect.gather [hbm4b:s1+s7], $0x80, s12, s7, $0xb8;
	[tilespmem:$0x18580] =	vst v63  }
0xd6: {  	_ =	swait.ge [sflag:s26], $0x4000  }
0xd7: {  	[sflag:s26] =	ssyncset.done $0x0  }
0xd8: {  	s0 =	rddreg [dreg:$0x7];
	[sflag:s26] =	ssyncadd.s32 $0xFFFFC000  }
0xd9: {  	[hbm4b:s0+s3] =	stream.linear.scatter [tilespmem:s15], [sflag:$0xA], $0x4000, $0x38;
	[tilespmem:$0x18580] =	vst v63  }
0xda: {  	_ =	swait.ge [sflag:s28], $0x4000  }
0xdb: {  	[sflag:s28] =	ssyncset.done $0x0  }
0xdc: {  	[sflag:s28] =	ssyncadd.s32 $0xFFFFC000  }
0xdd: {  	v4 =	vld [tilespmem:$0x90];
	_ =	sdelay $0x4  }
0xde: {  	v4 =	vshll.u32 v4, $0x3  }
0xdf: {  	[tilespmem:$0x18500] =	vst v4  }
0xe0: {  	[tilespmem:$0x18510] =	vst v4  }
0xe1: {  	v5 =	vld [tilespmem:$0x18508];
	_ =	sdelay $0x4  }
0xe2: {  	v27 =	vsel vm0, v4, v5  }
0xe3: {  	v28 =	vadd.s32 v0, v27  }
0xe4: {  	v29 =	vadd.s32 v1, v27;
	[tilespmem:$0x18380] =	vst v28  }
0xe5: {  	v30 =	vadd.s32 v2, v27;
	[tilespmem:$0x18390] =	vst v29  }
0xe6: {  	v4 =	vsel vm0, v5, v4;
	v5 =	vadd.s32 v3, v27;
	[tilespmem:$0x183A0] =	vst v30  }
0xe7: {  	[tilespmem:$0x183B0] =	vst v5;
	v5 =	vadd.s32 v0, v4  }
0xe8: {  	[tilespmem:$0x183C0] =	vst v5;
	v5 =	vadd.s32 v1, v4  }
0xe9: {  	[tilespmem:$0x183D0] =	vst v5;
	v5 =	vadd.s32 v2, v4  }
0xea: {  	v4 =	vadd.s32 v3, v4;
	[tilespmem:$0x183E0] =	vst v5  }
0xeb: {  	[tilespmem:$0x183F0] =	vst v4  }
0xec: {  	[tilespmem:s15], [sflag:$0x4] =	stream.indirect.gather [hbm4b:s1+s7], $0x80, s14, s7, $0xb8;
	[tilespmem:$0x18580] =	vst v63  }
0xed: {  	_ =	swait.ge [sflag:s29], $0x4000  }
0xee: {  	[sflag:s29] =	ssyncset.done $0x0  }
0xef: {  	s0 =	rddreg [dreg:$0x8];
	[sflag:s29] =	ssyncadd.s32 $0xFFFFC000  }
0xf0: {  	[hbm4b:s0+s3] =	stream.linear.scatter [tilespmem:s17], [sflag:$0xB], $0x4000, $0x38;
	[tilespmem:$0x18580] =	vst v63  }
0xf1: {  	_ =	swait.ge [sflag:s30], $0x4000  }
0xf2: {  	[sflag:s30] =	ssyncset.done $0x0  }
0xf3: {  	[sflag:s30] =	ssyncadd.s32 $0xFFFFC000  }
0xf4: {  	v4 =	vld [tilespmem:$0xA0];
	_ =	sdelay $0x4  }
0xf5: {  	v4 =	vshll.u32 v4, $0x3  }
0xf6: {  	[tilespmem:$0x18500] =	vst v4  }
0xf7: {  	[tilespmem:$0x18510] =	vst v4  }
0xf8: {  	v5 =	vld [tilespmem:$0x18508];
	_ =	sdelay $0x4  }
0xf9: {  	v31 =	vsel vm0, v4, v5  }
0xfa: {  	v32 =	vadd.s32 v0, v31  }
0xfb: {  	v33 =	vadd.s32 v1, v31;
	[tilespmem:$0x18400] =	vst v32  }
0xfc: {  	v34 =	vadd.s32 v2, v31;
	[tilespmem:$0x18410] =	vst v33  }
0xfd: {  	v4 =	vsel vm0, v5, v4;
	v5 =	vadd.s32 v3, v31;
	[tilespmem:$0x18420] =	vst v34  }
0xfe: {  	[tilespmem:$0x18430] =	vst v5;
	v5 =	vadd.s32 v0, v4  }
0xff: {  	[tilespmem:$0x18440] =	vst v5;
	v5 =	vadd.s32 v1, v4  }
0x100: {  	[tilespmem:$0x18450] =	vst v5;
	v5 =	vadd.s32 v2, v4  }
0x101: {  	v4 =	vadd.s32 v3, v4;
	[tilespmem:$0x18460] =	vst v5  }
0x102: {  	[tilespmem:$0x18470] =	vst v4  }
0x103: {  	[tilespmem:s17], [sflag:$0x5] =	stream.indirect.gather [hbm4b:s1+s7], $0x80, s16, s7, $0xb8;
	[tilespmem:$0x18580] =	vst v63  }
0x104: {  	_ =	swait.ge [sflag:s31], $0x4000  }
0x105: {  	[sflag:s31] =	ssyncset.done $0x0  }
0x106: {  	s0 =	rddreg [dreg:$0x9];
	[sflag:s31] =	ssyncadd.s32 $0xFFFFC000  }
0x107: {  	[hbm4b:s0+s3] =	stream.linear.scatter [tilespmem:s19], [sflag:$0xC], $0x4000, $0x38;
	[tilespmem:$0x18580] =	vst v63  }
0x108: {  	_ =	swait.ge [sflag:s2], $0x4000  }
0x109: {  	[sflag:s2] =	ssyncset.done $0x0  }
0x10a: {  	[sflag:s2] =	ssyncadd.s32 $0xFFFFC000  }
0x10b: {  	v4 =	vld [tilespmem:$0xB0];
	_ =	sdelay $0x4  }
0x10c: {  	v4 =	vshll.u32 v4, $0x3  }
0x10d: {  	[tilespmem:$0x18500] =	vst v4  }
0x10e: {  	[tilespmem:$0x18510] =	vst v4  }
0x10f: {  	v5 =	vld [tilespmem:$0x18508];
	_ =	sdelay $0x4  }
0x110: {  	v35 =	vsel vm0, v4, v5  }
0x111: {  	v36 =	vadd.s32 v0, v35  }
0x112: {  	v37 =	vadd.s32 v1, v35;
	[tilespmem:$0x18480] =	vst v36  }
0x113: {  	v38 =	vadd.s32 v2, v35;
	[tilespmem:$0x18490] =	vst v37  }
0x114: {  	v4 =	vsel vm0, v5, v4;
	v5 =	vadd.s32 v3, v35;
	[tilespmem:$0x184A0] =	vst v38  }
0x115: {  	[tilespmem:$0x184B0] =	vst v5;
	v5 =	vadd.s32 v0, v4  }
0x116: {  	[tilespmem:$0x184C0] =	vst v5;
	v5 =	vadd.s32 v1, v4  }
0x117: {  	[tilespmem:$0x184D0] =	vst v5;
	v5 =	vadd.s32 v2, v4  }
0x118: {  	v4 =	vadd.s32 v3, v4;
	[tilespmem:$0x184E0] =	vst v5  }
0x119: {  	[tilespmem:$0x184F0] =	vst v4  }
0x11a: {  	[tilespmem:s19], [sflag:$0x6] =	stream.indirect.gather [hbm4b:s1+s7], $0x80, s18, s7, $0xb8;
	[tilespmem:$0x18580] =	vst v63  }
0x11b: {  	_ =	swait.ge [sflag:s20], $0x4000  }
0x11c: {  	[sflag:s20] =	ssyncset.done $0x0  }
0x11d: {  	s0 =	rddreg [dreg:$0xa];
	[sflag:s20] =	ssyncadd.s32 $0xFFFFC000  }
0x11e: {  	[hbm4b:s0+s3] =	stream.linear.scatter [tilespmem:s9], [sflag:$0x7], $0x4000, $0x38;
	[tilespmem:$0x18580] =	vst v63  }
0x11f: {  	_ =	swait.ge [sflag:s21], $0x4000  }
0x120: {  	[sflag:s21] =	ssyncset.done $0x0  }
0x121: {  	[sflag:s21] =	ssyncadd.s32 $0xFFFFC000  }
0x122: {  	v4 =	vld [tilespmem:$0xC0];
	_ =	sdelay $0x4  }
0x123: {  	v4 =	vshll.u32 v4, $0x3  }
0x124: {  	[tilespmem:$0x18500] =	vst v4  }
0x125: {  	[tilespmem:$0x18510] =	vst v4  }
0x126: {  	v5 =	vld [tilespmem:$0x18508];
	_ =	sdelay $0x4  }
0x127: {  	v39 =	vsel vm0, v4, v5  }
0x128: {  	v40 =	vadd.s32 v0, v39  }
0x129: {  	v41 =	vadd.s32 v1, v39;
	[tilespmem:$0x18200] =	vst v40  }
0x12a: {  	v42 =	vadd.s32 v2, v39;
	[tilespmem:$0x18210] =	vst v41  }
0x12b: {  	v4 =	vsel vm0, v5, v4;
	v5 =	vadd.s32 v3, v39;
	[tilespmem:$0x18220] =	vst v42  }
0x12c: {  	[tilespmem:$0x18230] =	vst v5;
	v5 =	vadd.s32 v0, v4  }
0x12d: {  	[tilespmem:$0x18240] =	vst v5;
	v5 =	vadd.s32 v1, v4  }
0x12e: {  	[tilespmem:$0x18250] =	vst v5;
	v5 =	vadd.s32 v2, v4  }
0x12f: {  	v4 =	vadd.s32 v3, v4;
	[tilespmem:$0x18260] =	vst v5  }
0x130: {  	[tilespmem:$0x18270] =	vst v4  }
0x131: {  	[tilespmem:s9], [sflag:$0x1] =	stream.indirect.gather [hbm4b:s1+s7], $0x80, s8, s7, $0xb8;
	[tilespmem:$0x18580] =	vst v63  }
0x132: {  	_ =	swait.ge [sflag:s22], $0x4000  }
0x133: {  	[sflag:s22] =	ssyncset.done $0x0  }
0x134: {  	s0 =	rddreg [dreg:$0xb];
	[sflag:s22] =	ssyncadd.s32 $0xFFFFC000  }
0x135: {  	[hbm4b:s0+s3] =	stream.linear.scatter [tilespmem:s11], [sflag:$0x8], $0x4000, $0x38;
	[tilespmem:$0x18580] =	vst v63  }
0x136: {  	_ =	swait.ge [sflag:s23], $0x4000  }
0x137: {  	[sflag:s23] =	ssyncset.done $0x0  }
0x138: {  	[sflag:s23] =	ssyncadd.s32 $0xFFFFC000  }
0x139: {  	v4 =	vld [tilespmem:$0xD0];
	_ =	sdelay $0x4  }
0x13a: {  	v4 =	vshll.u32 v4, $0x3  }
0x13b: {  	[tilespmem:$0x18500] =	vst v4  }
0x13c: {  	[tilespmem:$0x18510] =	vst v4  }
0x13d: {  	v5 =	vld [tilespmem:$0x18508];
	_ =	sdelay $0x4  }
0x13e: {  	v43 =	vsel vm0, v4, v5  }
0x13f: {  	v44 =	vadd.s32 v0, v43  }
0x140: {  	v45 =	vadd.s32 v1, v43;
	[tilespmem:$0x18280] =	vst v44  }
0x141: {  	v46 =	vadd.s32 v2, v43;
	[tilespmem:$0x18290] =	vst v45  }
0x142: {  	v4 =	vsel vm0, v5, v4;
	v5 =	vadd.s32 v3, v43;
	[tilespmem:$0x182A0] =	vst v46  }
0x143: {  	[tilespmem:$0x182B0] =	vst v5;
	v5 =	vadd.s32 v0, v4  }
0x144: {  	[tilespmem:$0x182C0] =	vst v5;
	v5 =	vadd.s32 v1, v4  }
0x145: {  	[tilespmem:$0x182D0] =	vst v5;
	v5 =	vadd.s32 v2, v4  }
0x146: {  	v4 =	vadd.s32 v3, v4;
	[tilespmem:$0x182E0] =	vst v5  }
0x147: {  	[tilespmem:$0x182F0] =	vst v4  }
0x148: {  	[tilespmem:s11], [sflag:$0x2] =	stream.indirect.gather [hbm4b:s1+s7], $0x80, s10, s7, $0xb8;
	[tilespmem:$0x18580] =	vst v63  }
0x149: {  	_ =	swait.ge [sflag:s24], $0x4000  }
0x14a: {  	[sflag:s24] =	ssyncset.done $0x0  }
0x14b: {  	s0 =	rddreg [dreg:$0xc];
	[sflag:s24] =	ssyncadd.s32 $0xFFFFC000  }
0x14c: {  	[hbm4b:s0+s3] =	stream.linear.scatter [tilespmem:s13], [sflag:$0x9], $0x4000, $0x38;
	[tilespmem:$0x18580] =	vst v63  }
0x14d: {  	_ =	swait.ge [sflag:s25], $0x4000  }
0x14e: {  	[sflag:s25] =	ssyncset.done $0x0  }
0x14f: {  	[sflag:s25] =	ssyncadd.s32 $0xFFFFC000  }
0x150: {  	v4 =	vld [tilespmem:$0xE0];
	_ =	sdelay $0x4  }
0x151: {  	v4 =	vshll.u32 v4, $0x3  }
0x152: {  	[tilespmem:$0x18500] =	vst v4  }
0x153: {  	[tilespmem:$0x18510] =	vst v4  }
0x154: {  	v5 =	vld [tilespmem:$0x18508];
	_ =	sdelay $0x4  }
0x155: {  	v47 =	vsel vm0, v4, v5  }
0x156: {  	v48 =	vadd.s32 v0, v47  }
0x157: {  	v49 =	vadd.s32 v1, v47;
	[tilespmem:$0x18300] =	vst v48  }
0x158: {  	v50 =	vadd.s32 v2, v47;
	[tilespmem:$0x18310] =	vst v49  }
0x159: {  	v4 =	vsel vm0, v5, v4;
	v5 =	vadd.s32 v3, v47;
	[tilespmem:$0x18320] =	vst v50  }
0x15a: {  	[tilespmem:$0x18330] =	vst v5;
	v5 =	vadd.s32 v0, v4  }
0x15b: {  	[tilespmem:$0x18340] =	vst v5;
	v5 =	vadd.s32 v1, v4  }
0x15c: {  	[tilespmem:$0x18350] =	vst v5;
	v5 =	vadd.s32 v2, v4  }
0x15d: {  	v4 =	vadd.s32 v3, v4;
	[tilespmem:$0x18360] =	vst v5  }
0x15e: {  	[tilespmem:$0x18370] =	vst v4  }
0x15f: {  	[tilespmem:s13], [sflag:$0x3] =	stream.indirect.gather [hbm4b:s1+s7], $0x80, s12, s7, $0xb8;
	[tilespmem:$0x18580] =	vst v63  }
0x160: {  	_ =	swait.ge [sflag:s26], $0x4000  }
0x161: {  	[sflag:s26] =	ssyncset.done $0x0  }
0x162: {  	s0 =	rddreg [dreg:$0xd];
	[sflag:s26] =	ssyncadd.s32 $0xFFFFC000  }
0x163: {  	[hbm4b:s0+s3] =	stream.linear.scatter [tilespmem:s15], [sflag:$0xA], $0x4000, $0x38;
	[tilespmem:$0x18580] =	vst v63  }
0x164: {  	_ =	swait.ge [sflag:s28], $0x4000  }
0x165: {  	[sflag:s28] =	ssyncset.done $0x0  }
0x166: {  	[sflag:s28] =	ssyncadd.s32 $0xFFFFC000  }
0x167: {  	v4 =	vld [tilespmem:$0xF0];
	_ =	sdelay $0x4  }
0x168: {  	v4 =	vshll.u32 v4, $0x3  }
0x169: {  	[tilespmem:$0x18500] =	vst v4  }
0x16a: {  	[tilespmem:$0x18510] =	vst v4  }
0x16b: {  	v5 =	vld [tilespmem:$0x18508];
	_ =	sdelay $0x4  }
0x16c: {  	v51 =	vsel vm0, v4, v5  }
0x16d: {  	v52 =	vadd.s32 v0, v51  }
0x16e: {  	v53 =	vadd.s32 v1, v51;
	[tilespmem:$0x18380] =	vst v52  }
0x16f: {  	v54 =	vadd.s32 v2, v51;
	[tilespmem:$0x18390] =	vst v53  }
0x170: {  	v4 =	vsel vm0, v5, v4;
	v5 =	vadd.s32 v3, v51;
	[tilespmem:$0x183A0] =	vst v54  }
0x171: {  	[tilespmem:$0x183B0] =	vst v5;
	v5 =	vadd.s32 v0, v4  }
0x172: {  	[tilespmem:$0x183C0] =	vst v5;
	v5 =	vadd.s32 v1, v4  }
0x173: {  	[tilespmem:$0x183D0] =	vst v5;
	v5 =	vadd.s32 v2, v4  }
0x174: {  	v4 =	vadd.s32 v3, v4;
	[tilespmem:$0x183E0] =	vst v5  }
0x175: {  	[tilespmem:$0x183F0] =	vst v4  }
0x176: {  	[tilespmem:s15], [sflag:$0x4] =	stream.indirect.gather [hbm4b:s1+s7], $0x80, s14, s7, $0xb8;
	[tilespmem:$0x18580] =	vst v63  }
0x177: {  	_ =	swait.ge [sflag:s29], $0x4000  }
0x178: {  	[sflag:s29] =	ssyncset.done $0x0  }
0x179: {  	s0 =	rddreg [dreg:$0xe];
	[sflag:s29] =	ssyncadd.s32 $0xFFFFC000  }
0x17a: {  	[hbm4b:s0+s3] =	stream.linear.scatter [tilespmem:s17], [sflag:$0xB], $0x4000, $0x38;
	[tilespmem:$0x18580] =	vst v63  }
0x17b: {  	_ =	swait.ge [sflag:s30], $0x4000  }
0x17c: {  	[sflag:s30] =	ssyncset.done $0x0  }
0x17d: {  	[sflag:s30] =	ssyncadd.s32 $0xFFFFC000  }
0x17e: {  	v4 =	vld [tilespmem:$0x100];
	_ =	sdelay $0x4  }
0x17f: {  	v4 =	vshll.u32 v4, $0x3  }
0x180: {  	[tilespmem:$0x18500] =	vst v4  }
0x181: {  	[tilespmem:$0x18510] =	vst v4  }
0x182: {  	v5 =	vld [tilespmem:$0x18508];
	_ =	sdelay $0x4  }
0x183: {  	v55 =	vsel vm0, v4, v5  }
0x184: {  	v56 =	vadd.s32 v0, v55  }
0x185: {  	v57 =	vadd.s32 v1, v55;
	[tilespmem:$0x18400] =	vst v56  }
0x186: {  	v58 =	vadd.s32 v2, v55;
	[tilespmem:$0x18410] =	vst v57  }
0x187: {  	v4 =	vsel vm0, v5, v4;
	v5 =	vadd.s32 v3, v55;
	[tilespmem:$0x18420] =	vst v58  }
0x188: {  	[tilespmem:$0x18430] =	vst v5;
	v5 =	vadd.s32 v0, v4  }
0x189: {  	[tilespmem:$0x18440] =	vst v5;
	v5 =	vadd.s32 v1, v4  }
0x18a: {  	[tilespmem:$0x18450] =	vst v5;
	v5 =	vadd.s32 v2, v4  }
0x18b: {  	v4 =	vadd.s32 v3, v4;
	[tilespmem:$0x18460] =	vst v5  }
0x18c: {  	[tilespmem:$0x18470] =	vst v4  }
0x18d: {  	[tilespmem:s17], [sflag:$0x5] =	stream.indirect.gather [hbm4b:s1+s7], $0x80, s16, s7, $0xb8;
	[tilespmem:$0x18580] =	vst v63  }
0x18e: {  	_ =	swait.ge [sflag:s31], $0x4000  }
0x18f: {  	[sflag:s31] =	ssyncset.done $0x0  }
0x190: {  	s0 =	rddreg [dreg:$0xf];
	[sflag:s31] =	ssyncadd.s32 $0xFFFFC000  }
0x191: {  	[hbm4b:s0+s3] =	stream.linear.scatter [tilespmem:s19], [sflag:$0xC], $0x4000, $0x38;
	[tilespmem:$0x18580] =	vst v63  }
0x192: {  	_ =	swait.ge [sflag:s2], $0x4000  }
0x193: {  	[sflag:s2] =	ssyncset.done $0x0  }
0x194: {  	[sflag:s2] =	ssyncadd.s32 $0xFFFFC000  }
0x195: {  	v4 =	vld [tilespmem:$0x110];
	_ =	sdelay $0x4  }
0x196: {  	v4 =	vshll.u32 v4, $0x3  }
0x197: {  	[tilespmem:$0x18500] =	vst v4  }
0x198: {  	[tilespmem:$0x18510] =	vst v4  }
0x199: {  	v5 =	vld [tilespmem:$0x18508];
	_ =	sdelay $0x4  }
0x19a: {  	v59 =	vsel vm0, v4, v5  }
0x19b: {  	v60 =	vadd.s32 v0, v59  }
0x19c: {  	v61 =	vadd.s32 v1, v59;
	[tilespmem:$0x18480] =	vst v60  }
0x19d: {  	v62 =	vadd.s32 v2, v59;
	[tilespmem:$0x18490] =	vst v61  }
0x19e: {  	v4 =	vsel vm0, v5, v4;
	v5 =	vadd.s32 v3, v59;
	[tilespmem:$0x184A0] =	vst v62  }
0x19f: {  	[tilespmem:$0x184B0] =	vst v5;
	v5 =	vadd.s32 v0, v4  }
0x1a0: {  	[tilespmem:$0x184C0] =	vst v5;
	v5 =	vadd.s32 v1, v4  }
0x1a1: {  	[tilespmem:$0x184D0] =	vst v5;
	v5 =	vadd.s32 v2, v4  }
0x1a2: {  	v4 =	vadd.s32 v3, v4;
	[tilespmem:$0x184E0] =	vst v5  }
0x1a3: {  	[tilespmem:$0x184F0] =	vst v4  }
0x1a4: {  	[tilespmem:s19], [sflag:$0x6] =	stream.indirect.gather [hbm4b:s1+s7], $0x80, s18, s7, $0xb8;
	[tilespmem:$0x18580] =	vst v63  }
0x1a5: {  	_ =	swait.ge [sflag:s20], $0x4000  }
0x1a6: {  	[sflag:s20] =	ssyncset.done $0x0  }
0x1a7: {  	s0 =	rddreg [dreg:$0x10];
	[sflag:s20] =	ssyncadd.s32 $0xFFFFC000  }
0x1a8: {  	[hbm4b:s0+s3] =	stream.linear.scatter [tilespmem:s9], [sflag:$0x7], $0x4000, $0x38;
	[tilespmem:$0x18580] =	vst v63  }
0x1a9: {  	_ =	swait.ge [sflag:s21], $0x4000  }
0x1aa: {  	[sflag:s21] =	ssyncset.done $0x0  }
0x1ab: {  	[sflag:s21] =	ssyncadd.s32 $0xFFFFC000  }
0x1ac: {  	v4 =	vld [tilespmem:$0x120];
	_ =	sdelay $0x4  }
0x1ad: {  	v4 =	vshll.u32 v4, $0x3  }
0x1ae: {  	[tilespmem:$0x18500] =	vst v4  }
0x1af: {  	[tilespmem:$0x18510] =	vst v4  }
0x1b0: {  	v5 =	vld [tilespmem:$0x18508];
	_ =	sdelay $0x4  }
0x1b1: {  	v63 =	vsel vm0, v4, v5  }
0x1b2: {  	v9 =	vadd.s32 v0, v63  }
0x1b3: {  	v10 =	vadd.s32 v1, v63;
	[tilespmem:$0x18200] =	vst v9  }
0x1b4: {  	v11 =	vadd.s32 v2, v63;
	[tilespmem:$0x18210] =	vst v10  }
0x1b5: {  	v4 =	vsel vm0, v5, v4;
	v5 =	vadd.s32 v3, v63;
	[tilespmem:$0x18220] =	vst v11  }
0x1b6: {  	[tilespmem:$0x18230] =	vst v5;
	v5 =	vadd.s32 v0, v4  }
0x1b7: {  	[tilespmem:$0x18240] =	vst v5;
	v5 =	vadd.s32 v1, v4  }
0x1b8: {  	[tilespmem:$0x18250] =	vst v5;
	v5 =	vadd.s32 v2, v4  }
0x1b9: {  	v4 =	vadd.s32 v3, v4;
	[tilespmem:$0x18260] =	vst v5  }
0x1ba: {  	[tilespmem:$0x18270] =	vst v4  }
0x1bb: {  	[tilespmem:s9], [sflag:$0x1] =	stream.indirect.gather [hbm4b:s1+s7], $0x80, s8, s7, $0xb8;
	[tilespmem:$0x18580] =	vst v63  }
0x1bc: {  	_ =	swait.ge [sflag:s22], $0x4000  }
0x1bd: {  	[sflag:s22] =	ssyncset.done $0x0  }
0x1be: {  	s0 =	rddreg [dreg:$0x11];
	[sflag:s22] =	ssyncadd.s32 $0xFFFFC000  }
0x1bf: {  	[hbm4b:s0+s3] =	stream.linear.scatter [tilespmem:s11], [sflag:$0x8], $0x4000, $0x38;
	[tilespmem:$0x18580] =	vst v63  }
0x1c0: {  	_ =	swait.ge [sflag:s23], $0x4000  }
0x1c1: {  	[sflag:s23] =	ssyncset.done $0x0  }
0x1c2: {  	[sflag:s23] =	ssyncadd.s32 $0xFFFFC000  }
0x1c3: {  	v4 =	vld [tilespmem:$0x130];
	_ =	sdelay $0x4  }
0x1c4: {  	v4 =	vshll.u32 v4, $0x3  }
0x1c5: {  	[tilespmem:$0x18500] =	vst v4  }
0x1c6: {  	[tilespmem:$0x18510] =	vst v4  }
0x1c7: {  	v5 =	vld [tilespmem:$0x18508];
	_ =	sdelay $0x4  }
0x1c8: {  	v12 =	vsel vm0, v4, v5  }
0x1c9: {  	v13 =	vadd.s32 v0, v12  }
0x1ca: {  	v14 =	vadd.s32 v1, v12;
	[tilespmem:$0x18280] =	vst v13  }
0x1cb: {  	v15 =	vadd.s32 v2, v12;
	[tilespmem:$0x18290] =	vst v14  }
0x1cc: {  	v4 =	vsel vm0, v5, v4;
	v5 =	vadd.s32 v3, v12;
	[tilespmem:$0x182A0] =	vst v15  }
0x1cd: {  	[tilespmem:$0x182B0] =	vst v5;
	v5 =	vadd.s32 v0, v4  }
0x1ce: {  	[tilespmem:$0x182C0] =	vst v5;
	v5 =	vadd.s32 v1, v4  }
0x1cf: {  	[tilespmem:$0x182D0] =	vst v5;
	v5 =	vadd.s32 v2, v4  }
0x1d0: {  	v4 =	vadd.s32 v3, v4;
	[tilespmem:$0x182E0] =	vst v5  }
0x1d1: {  	[tilespmem:$0x182F0] =	vst v4  }
0x1d2: {  	[tilespmem:s11], [sflag:$0x2] =	stream.indirect.gather [hbm4b:s1+s7], $0x80, s10, s7, $0xb8;
	[tilespmem:$0x18580] =	vst v63  }
0x1d3: {  	_ =	swait.ge [sflag:s24], $0x4000  }
0x1d4: {  	[sflag:s24] =	ssyncset.done $0x0  }
0x1d5: {  	s0 =	rddreg [dreg:$0x12];
	[sflag:s24] =	ssyncadd.s32 $0xFFFFC000  }
0x1d6: {  	[hbm4b:s0+s3] =	stream.linear.scatter [tilespmem:s13], [sflag:$0x9], $0x4000, $0x38;
	[tilespmem:$0x18580] =	vst v63  }
0x1d7: {  	_ =	swait.ge [sflag:s25], $0x4000  }
0x1d8: {  	[sflag:s25] =	ssyncset.done $0x0  }
0x1d9: {  	[sflag:s25] =	ssyncadd.s32 $0xFFFFC000  }
0x1da: {  	v4 =	vld [tilespmem:$0x140];
	_ =	sdelay $0x4  }
0x1db: {  	v4 =	vshll.u32 v4, $0x3  }
0x1dc: {  	[tilespmem:$0x18500] =	vst v4  }
0x1dd: {  	[tilespmem:$0x18510] =	vst v4  }
0x1de: {  	v5 =	vld [tilespmem:$0x18508];
	_ =	sdelay $0x4  }
0x1df: {  	v16 =	vsel vm0, v4, v5  }
0x1e0: {  	v17 =	vadd.s32 v0, v16  }
0x1e1: {  	v18 =	vadd.s32 v1, v16;
	[tilespmem:$0x18300] =	vst v17  }
0x1e2: {  	v19 =	vadd.s32 v2, v16;
	[tilespmem:$0x18310] =	vst v18  }
0x1e3: {  	v4 =	vsel vm0, v5, v4;
	v5 =	vadd.s32 v3, v16;
	[tilespmem:$0x18320] =	vst v19  }
0x1e4: {  	[tilespmem:$0x18330] =	vst v5;
	v5 =	vadd.s32 v0, v4  }
0x1e5: {  	[tilespmem:$0x18340] =	vst v5;
	v5 =	vadd.s32 v1, v4  }
0x1e6: {  	[tilespmem:$0x18350] =	vst v5;
	v5 =	vadd.s32 v2, v4  }
0x1e7: {  	v4 =	vadd.s32 v3, v4;
	[tilespmem:$0x18360] =	vst v5  }
0x1e8: {  	[tilespmem:$0x18370] =	vst v4  }
0x1e9: {  	[tilespmem:s13], [sflag:$0x3] =	stream.indirect.gather [hbm4b:s1+s7], $0x80, s12, s7, $0xb8;
	[tilespmem:$0x18580] =	vst v63  }
0x1ea: {  	_ =	swait.ge [sflag:s26], $0x4000  }
0x1eb: {  	[sflag:s26] =	ssyncset.done $0x0  }
0x1ec: {  	s0 =	rddreg [dreg:$0x13];
	[sflag:s26] =	ssyncadd.s32 $0xFFFFC000  }
0x1ed: {  	[hbm4b:s0+s3] =	stream.linear.scatter [tilespmem:s15], [sflag:$0xA], $0x4000, $0x38;
	[tilespmem:$0x18580] =	vst v63  }
0x1ee: {  	_ =	swait.ge [sflag:s28], $0x4000  }
0x1ef: {  	[sflag:s28] =	ssyncset.done $0x0  }
0x1f0: {  	[sflag:s28] =	ssyncadd.s32 $0xFFFFC000  }
0x1f1: {  	v4 =	vld [tilespmem:$0x150];
	_ =	sdelay $0x4  }
0x1f2: {  	v4 =	vshll.u32 v4, $0x3  }
0x1f3: {  	[tilespmem:$0x18500] =	vst v4  }
0x1f4: {  	[tilespmem:$0x18510] =	vst v4  }
0x1f5: {  	v5 =	vld [tilespmem:$0x18508];
	_ =	sdelay $0x4  }
0x1f6: {  	v20 =	vsel vm0, v4, v5  }
0x1f7: {  	v21 =	vadd.s32 v0, v20  }
0x1f8: {  	v22 =	vadd.s32 v1, v20;
	[tilespmem:$0x18380] =	vst v21  }
0x1f9: {  	v23 =	vadd.s32 v2, v20;
	[tilespmem:$0x18390] =	vst v22  }
0x1fa: {  	v4 =	vsel vm0, v5, v4;
	v5 =	vadd.s32 v3, v20;
	[tilespmem:$0x183A0] =	vst v23  }
0x1fb: {  	[tilespmem:$0x183B0] =	vst v5;
	v5 =	vadd.s32 v0, v4  }
0x1fc: {  	[tilespmem:$0x183C0] =	vst v5;
	v5 =	vadd.s32 v1, v4  }
0x1fd: {  	[tilespmem:$0x183D0] =	vst v5;
	v5 =	vadd.s32 v2, v4  }
0x1fe: {  	v4 =	vadd.s32 v3, v4;
	[tilespmem:$0x183E0] =	vst v5  }
0x1ff: {  	[tilespmem:$0x183F0] =	vst v4  }
0x200: {  	[tilespmem:s15], [sflag:$0x4] =	stream.indirect.gather [hbm4b:s1+s7], $0x80, s14, s7, $0xb8;
	[tilespmem:$0x18580] =	vst v63  }
0x201: {  	_ =	swait.ge [sflag:s29], $0x4000  }
0x202: {  	[sflag:s29] =	ssyncset.done $0x0  }
0x203: {  	s0 =	rddreg [dreg:$0x14];
	[sflag:s29] =	ssyncadd.s32 $0xFFFFC000  }
0x204: {  	[hbm4b:s0+s3] =	stream.linear.scatter [tilespmem:s17], [sflag:$0xB], $0x4000, $0x38;
	[tilespmem:$0x18580] =	vst v63  }
0x205: {  	_ =	swait.ge [sflag:s30], $0x4000  }
0x206: {  	[sflag:s30] =	ssyncset.done $0x0  }
0x207: {  	[sflag:s30] =	ssyncadd.s32 $0xFFFFC000  }
0x208: {  	v4 =	vld [tilespmem:$0x160];
	_ =	sdelay $0x4  }
0x209: {  	v4 =	vshll.u32 v4, $0x3  }
0x20a: {  	[tilespmem:$0x18500] =	vst v4  }
0x20b: {  	[tilespmem:$0x18510] =	vst v4  }
0x20c: {  	v5 =	vld [tilespmem:$0x18508];
	_ =	sdelay $0x4  }
0x20d: {  	v24 =	vsel vm0, v4, v5  }
0x20e: {  	v25 =	vadd.s32 v0, v24  }
0x20f: {  	v26 =	vadd.s32 v1, v24;
	[tilespmem:$0x18400] =	vst v25  }
0x210: {  	v27 =	vadd.s32 v2, v24;
	[tilespmem:$0x18410] =	vst v26  }
0x211: {  	v4 =	vsel vm0, v5, v4;
	v5 =	vadd.s32 v3, v24;
	[tilespmem:$0x18420] =	vst v27  }
0x212: {  	[tilespmem:$0x18430] =	vst v5;
	v5 =	vadd.s32 v0, v4  }
0x213: {  	[tilespmem:$0x18440] =	vst v5;
	v5 =	vadd.s32 v1, v4  }
0x214: {  	[tilespmem:$0x18450] =	vst v5;
	v5 =	vadd.s32 v2, v4  }
0x215: {  	v4 =	vadd.s32 v3, v4;
	[tilespmem:$0x18460] =	vst v5  }
0x216: {  	[tilespmem:$0x18470] =	vst v4  }
0x217: {  	[tilespmem:s17], [sflag:$0x5] =	stream.indirect.gather [hbm4b:s1+s7], $0x80, s16, s7, $0xb8;
	[tilespmem:$0x18580] =	vst v63  }
0x218: {  	_ =	swait.ge [sflag:s31], $0x4000  }
0x219: {  	[sflag:s31] =	ssyncset.done $0x0  }
0x21a: {  	s0 =	rddreg [dreg:$0x15];
	[sflag:s31] =	ssyncadd.s32 $0xFFFFC000  }
0x21b: {  	[hbm4b:s0+s3] =	stream.linear.scatter [tilespmem:s19], [sflag:$0xC], $0x4000, $0x38;
	[tilespmem:$0x18580] =	vst v63  }
0x21c: {  	_ =	swait.ge [sflag:s2], $0x4000  }
0x21d: {  	[sflag:s2] =	ssyncset.done $0x0  }
0x21e: {  	[sflag:s2] =	ssyncadd.s32 $0xFFFFC000  }
0x21f: {  	v4 =	vld [tilespmem:$0x170];
	_ =	sdelay $0x4  }
0x220: {  	v4 =	vshll.u32 v4, $0x3  }
0x221: {  	[tilespmem:$0x18500] =	vst v4  }
0x222: {  	[tilespmem:$0x18510] =	vst v4  }
0x223: {  	v5 =	vld [tilespmem:$0x18508];
	_ =	sdelay $0x4  }
0x224: {  	v28 =	vsel vm0, v4, v5  }
0x225: {  	v29 =	vadd.s32 v0, v28  }
0x226: {  	v30 =	vadd.s32 v1, v28;
	[tilespmem:$0x18480] =	vst v29  }
0x227: {  	v31 =	vadd.s32 v2, v28;
	[tilespmem:$0x18490] =	vst v30  }
0x228: {  	v4 =	vsel vm0, v5, v4;
	v5 =	vadd.s32 v3, v28;
	[tilespmem:$0x184A0] =	vst v31  }
0x229: {  	[tilespmem:$0x184B0] =	vst v5;
	v5 =	vadd.s32 v0, v4  }
0x22a: {  	[tilespmem:$0x184C0] =	vst v5;
	v5 =	vadd.s32 v1, v4  }
0x22b: {  	[tilespmem:$0x184D0] =	vst v5;
	v5 =	vadd.s32 v2, v4  }
0x22c: {  	v4 =	vadd.s32 v3, v4;
	[tilespmem:$0x184E0] =	vst v5  }
0x22d: {  	[tilespmem:$0x184F0] =	vst v4  }
0x22e: {  	[tilespmem:s19], [sflag:$0x6] =	stream.indirect.gather [hbm4b:s1+s7], $0x80, s18, s7, $0xb8;
	[tilespmem:$0x18580] =	vst v63  }
0x22f: {  	_ =	swait.ge [sflag:s20], $0x4000  }
0x230: {  	[sflag:s20] =	ssyncset.done $0x0  }
0x231: {  	s0 =	rddreg [dreg:$0x16];
	[sflag:s20] =	ssyncadd.s32 $0xFFFFC000  }
0x232: {  	[hbm4b:s0+s3] =	stream.linear.scatter [tilespmem:s9], [sflag:$0x7], $0x4000, $0x38;
	[tilespmem:$0x18580] =	vst v63  }
0x233: {  	_ =	swait.ge [sflag:s21], $0x4000  }
0x234: {  	[sflag:s21] =	ssyncset.done $0x0  }
0x235: {  	[sflag:s21] =	ssyncadd.s32 $0xFFFFC000  }
0x236: {  	v4 =	vld [tilespmem:$0x180];
	_ =	sdelay $0x4  }
0x237: {  	v4 =	vshll.u32 v4, $0x3  }
0x238: {  	[tilespmem:$0x18500] =	vst v4  }
0x239: {  	[tilespmem:$0x18510] =	vst v4  }
0x23a: {  	v5 =	vld [tilespmem:$0x18508];
	_ =	sdelay $0x4  }
0x23b: {  	v32 =	vsel vm0, v4, v5  }
0x23c: {  	v33 =	vadd.s32 v0, v32  }
0x23d: {  	v34 =	vadd.s32 v1, v32;
	[tilespmem:$0x18200] =	vst v33  }
0x23e: {  	v35 =	vadd.s32 v2, v32;
	[tilespmem:$0x18210] =	vst v34  }
0x23f: {  	v4 =	vsel vm0, v5, v4;
	v5 =	vadd.s32 v3, v32;
	[tilespmem:$0x18220] =	vst v35  }
0x240: {  	[tilespmem:$0x18230] =	vst v5;
	v5 =	vadd.s32 v0, v4  }
0x241: {  	[tilespmem:$0x18240] =	vst v5;
	v5 =	vadd.s32 v1, v4  }
0x242: {  	[tilespmem:$0x18250] =	vst v5;
	v5 =	vadd.s32 v2, v4  }
0x243: {  	v4 =	vadd.s32 v3, v4;
	[tilespmem:$0x18260] =	vst v5  }
0x244: {  	[tilespmem:$0x18270] =	vst v4  }
0x245: {  	[tilespmem:s9], [sflag:$0x1] =	stream.indirect.gather [hbm4b:s1+s7], $0x80, s8, s7, $0xb8;
	[tilespmem:$0x18580] =	vst v63  }
0x246: {  	_ =	swait.ge [sflag:s22], $0x4000  }
0x247: {  	[sflag:s22] =	ssyncset.done $0x0  }
0x248: {  	s0 =	rddreg [dreg:$0x17];
	[sflag:s22] =	ssyncadd.s32 $0xFFFFC000  }
0x249: {  	[hbm4b:s0+s3] =	stream.linear.scatter [tilespmem:s11], [sflag:$0x8], $0x4000, $0x38;
	[tilespmem:$0x18580] =	vst v63  }
0x24a: {  	_ =	swait.ge [sflag:s23], $0x4000  }
0x24b: {  	[sflag:s23] =	ssyncset.done $0x0  }
0x24c: {  	[sflag:s23] =	ssyncadd.s32 $0xFFFFC000  }
0x24d: {  	v4 =	vld [tilespmem:$0x190];
	_ =	sdelay $0x4  }
0x24e: {  	v4 =	vshll.u32 v4, $0x3  }
0x24f: {  	[tilespmem:$0x18500] =	vst v4  }
0x250: {  	[tilespmem:$0x18510] =	vst v4  }
0x251: {  	v5 =	vld [tilespmem:$0x18508];
	_ =	sdelay $0x4  }
0x252: {  	v36 =	vsel vm0, v4, v5  }
0x253: {  	v37 =	vadd.s32 v0, v36  }
0x254: {  	v38 =	vadd.s32 v1, v36;
	[tilespmem:$0x18280] =	vst v37  }
0x255: {  	v39 =	vadd.s32 v2, v36;
	[tilespmem:$0x18290] =	vst v38  }
0x256: {  	v4 =	vsel vm0, v5, v4;
	v5 =	vadd.s32 v3, v36;
	[tilespmem:$0x182A0] =	vst v39  }
0x257: {  	[tilespmem:$0x182B0] =	vst v5;
	v5 =	vadd.s32 v0, v4  }
0x258: {  	[tilespmem:$0x182C0] =	vst v5;
	v5 =	vadd.s32 v1, v4  }
0x259: {  	[tilespmem:$0x182D0] =	vst v5;
	v5 =	vadd.s32 v2, v4  }
0x25a: {  	v4 =	vadd.s32 v3, v4;
	[tilespmem:$0x182E0] =	vst v5  }
0x25b: {  	[tilespmem:$0x182F0] =	vst v4  }
0x25c: {  	[tilespmem:s11], [sflag:$0x2] =	stream.indirect.gather [hbm4b:s1+s7], $0x80, s10, s7, $0xb8;
	[tilespmem:$0x18580] =	vst v63  }
0x25d: {  	_ =	swait.ge [sflag:s24], $0x4000  }
0x25e: {  	[sflag:s24] =	ssyncset.done $0x0  }
0x25f: {  	s0 =	rddreg [dreg:$0x18];
	[sflag:s24] =	ssyncadd.s32 $0xFFFFC000  }
0x260: {  	[hbm4b:s0+s3] =	stream.linear.scatter [tilespmem:s13], [sflag:$0x9], $0x4000, $0x38;
	[tilespmem:$0x18580] =	vst v63  }
0x261: {  	_ =	swait.ge [sflag:s25], $0x4000  }
0x262: {  	[sflag:s25] =	ssyncset.done $0x0  }
0x263: {  	[sflag:s25] =	ssyncadd.s32 $0xFFFFC000  }
0x264: {  	v4 =	vld [tilespmem:$0x1A0];
	_ =	sdelay $0x4  }
0x265: {  	v4 =	vshll.u32 v4, $0x3  }
0x266: {  	[tilespmem:$0x18500] =	vst v4  }
0x267: {  	[tilespmem:$0x18510] =	vst v4  }
0x268: {  	v5 =	vld [tilespmem:$0x18508];
	_ =	sdelay $0x4  }
0x269: {  	v40 =	vsel vm0, v4, v5  }
0x26a: {  	v41 =	vadd.s32 v0, v40  }
0x26b: {  	v42 =	vadd.s32 v1, v40;
	[tilespmem:$0x18300] =	vst v41  }
0x26c: {  	v43 =	vadd.s32 v2, v40;
	[tilespmem:$0x18310] =	vst v42  }
0x26d: {  	v4 =	vsel vm0, v5, v4;
	v5 =	vadd.s32 v3, v40;
	[tilespmem:$0x18320] =	vst v43  }
0x26e: {  	[tilespmem:$0x18330] =	vst v5;
	v5 =	vadd.s32 v0, v4  }
0x26f: {  	[tilespmem:$0x18340] =	vst v5;
	v5 =	vadd.s32 v1, v4  }
0x270: {  	[tilespmem:$0x18350] =	vst v5;
	v5 =	vadd.s32 v2, v4  }
0x271: {  	v4 =	vadd.s32 v3, v4;
	[tilespmem:$0x18360] =	vst v5  }
0x272: {  	[tilespmem:$0x18370] =	vst v4  }
0x273: {  	[tilespmem:s13], [sflag:$0x3] =	stream.indirect.gather [hbm4b:s1+s7], $0x80, s12, s7, $0xb8;
	[tilespmem:$0x18580] =	vst v63  }
0x274: {  	_ =	swait.ge [sflag:s26], $0x4000  }
0x275: {  	[sflag:s26] =	ssyncset.done $0x0  }
0x276: {  	s0 =	rddreg [dreg:$0x19];
	[sflag:s26] =	ssyncadd.s32 $0xFFFFC000  }
0x277: {  	[hbm4b:s0+s3] =	stream.linear.scatter [tilespmem:s15], [sflag:$0xA], $0x4000, $0x38;
	[tilespmem:$0x18580] =	vst v63  }
0x278: {  	_ =	swait.ge [sflag:s28], $0x4000  }
0x279: {  	[sflag:s28] =	ssyncset.done $0x0  }
0x27a: {  	[sflag:s28] =	ssyncadd.s32 $0xFFFFC000  }
0x27b: {  	v4 =	vld [tilespmem:$0x1B0];
	_ =	sdelay $0x4  }
0x27c: {  	v4 =	vshll.u32 v4, $0x3  }
0x27d: {  	[tilespmem:$0x18500] =	vst v4  }
0x27e: {  	[tilespmem:$0x18510] =	vst v4  }
0x27f: {  	v5 =	vld [tilespmem:$0x18508];
	_ =	sdelay $0x4  }
0x280: {  	v44 =	vsel vm0, v4, v5  }
0x281: {  	v45 =	vadd.s32 v0, v44  }
0x282: {  	v46 =	vadd.s32 v1, v44;
	[tilespmem:$0x18380] =	vst v45  }
0x283: {  	v47 =	vadd.s32 v2, v44;
	[tilespmem:$0x18390] =	vst v46  }
0x284: {  	v4 =	vsel vm0, v5, v4;
	v5 =	vadd.s32 v3, v44;
	[tilespmem:$0x183A0] =	vst v47  }
0x285: {  	[tilespmem:$0x183B0] =	vst v5;
	v5 =	vadd.s32 v0, v4  }
0x286: {  	[tilespmem:$0x183C0] =	vst v5;
	v5 =	vadd.s32 v1, v4  }
0x287: {  	[tilespmem:$0x183D0] =	vst v5;
	v5 =	vadd.s32 v2, v4  }
0x288: {  	v4 =	vadd.s32 v3, v4;
	[tilespmem:$0x183E0] =	vst v5  }
0x289: {  	[tilespmem:$0x183F0] =	vst v4  }
0x28a: {  	[tilespmem:s15], [sflag:$0x4] =	stream.indirect.gather [hbm4b:s1+s7], $0x80, s14, s7, $0xb8;
	[tilespmem:$0x18580] =	vst v63  }
0x28b: {  	_ =	swait.ge [sflag:s29], $0x4000  }
0x28c: {  	[sflag:s29] =	ssyncset.done $0x0  }
0x28d: {  	s0 =	rddreg [dreg:$0x1a];
	[sflag:s29] =	ssyncadd.s32 $0xFFFFC000  }
0x28e: {  	[hbm4b:s0+s3] =	stream.linear.scatter [tilespmem:s17], [sflag:$0xB], $0x4000, $0x38;
	[tilespmem:$0x18580] =	vst v63  }
0x28f: {  	_ =	swait.ge [sflag:s30], $0x4000  }
0x290: {  	[sflag:s30] =	ssyncset.done $0x0  }
0x291: {  	[sflag:s30] =	ssyncadd.s32 $0xFFFFC000  }
0x292: {  	v4 =	vld [tilespmem:$0x1C0];
	_ =	sdelay $0x4  }
0x293: {  	v4 =	vshll.u32 v4, $0x3  }
0x294: {  	[tilespmem:$0x18500] =	vst v4  }
0x295: {  	[tilespmem:$0x18510] =	vst v4  }
0x296: {  	v5 =	vld [tilespmem:$0x18508];
	_ =	sdelay $0x4  }
0x297: {  	v48 =	vsel vm0, v4, v5  }
0x298: {  	v49 =	vadd.s32 v0, v48  }
0x299: {  	v50 =	vadd.s32 v1, v48;
	[tilespmem:$0x18400] =	vst v49  }
0x29a: {  	v51 =	vadd.s32 v2, v48;
	[tilespmem:$0x18410] =	vst v50  }
0x29b: {  	v4 =	vsel vm0, v5, v4;
	v5 =	vadd.s32 v3, v48;
	[tilespmem:$0x18420] =	vst v51  }
0x29c: {  	[tilespmem:$0x18430] =	vst v5;
	v5 =	vadd.s32 v0, v4  }
0x29d: {  	[tilespmem:$0x18440] =	vst v5;
	v5 =	vadd.s32 v1, v4  }
0x29e: {  	[tilespmem:$0x18450] =	vst v5;
	v5 =	vadd.s32 v2, v4  }
0x29f: {  	v4 =	vadd.s32 v3, v4;
	[tilespmem:$0x18460] =	vst v5  }
0x2a0: {  	[tilespmem:$0x18470] =	vst v4  }
0x2a1: {  	[tilespmem:s17], [sflag:$0x5] =	stream.indirect.gather [hbm4b:s1+s7], $0x80, s16, s7, $0xb8;
	[tilespmem:$0x18580] =	vst v63  }
0x2a2: {  	_ =	swait.ge [sflag:s31], $0x4000  }
0x2a3: {  	[sflag:s31] =	ssyncset.done $0x0  }
0x2a4: {  	s0 =	rddreg [dreg:$0x1b];
	[sflag:s31] =	ssyncadd.s32 $0xFFFFC000  }
0x2a5: {  	[hbm4b:s0+s3] =	stream.linear.scatter [tilespmem:s19], [sflag:$0xC], $0x4000, $0x38;
	[tilespmem:$0x18580] =	vst v63  }
0x2a6: {  	_ =	swait.ge [sflag:s2], $0x4000  }
0x2a7: {  	[sflag:s2] =	ssyncset.done $0x0  }
0x2a8: {  	[sflag:s2] =	ssyncadd.s32 $0xFFFFC000  }
0x2a9: {  	v4 =	vld [tilespmem:$0x1D0];
	_ =	sdelay $0x4  }
0x2aa: {  	v4 =	vshll.u32 v4, $0x3  }
0x2ab: {  	[tilespmem:$0x18500] =	vst v4  }
0x2ac: {  	[tilespmem:$0x18510] =	vst v4  }
0x2ad: {  	v5 =	vld [tilespmem:$0x18508];
	_ =	sdelay $0x4  }
0x2ae: {  	v52 =	vsel vm0, v4, v5  }
0x2af: {  	v53 =	vadd.s32 v0, v52  }
0x2b0: {  	v54 =	vadd.s32 v1, v52;
	[tilespmem:$0x18480] =	vst v53  }
0x2b1: {  	v55 =	vadd.s32 v2, v52;
	[tilespmem:$0x18490] =	vst v54  }
0x2b2: {  	v4 =	vsel vm0, v5, v4;
	v5 =	vadd.s32 v3, v52;
	[tilespmem:$0x184A0] =	vst v55  }
0x2b3: {  	[tilespmem:$0x184B0] =	vst v5;
	v5 =	vadd.s32 v0, v4  }
0x2b4: {  	[tilespmem:$0x184C0] =	vst v5;
	v5 =	vadd.s32 v1, v4  }
0x2b5: {  	[tilespmem:$0x184D0] =	vst v5;
	v5 =	vadd.s32 v2, v4  }
0x2b6: {  	v4 =	vadd.s32 v3, v4;
	[tilespmem:$0x184E0] =	vst v5  }
0x2b7: {  	[tilespmem:$0x184F0] =	vst v4  }
0x2b8: {  	[tilespmem:s19], [sflag:$0x6] =	stream.indirect.gather [hbm4b:s1+s7], $0x80, s18, s7, $0xb8;
	[tilespmem:$0x18580] =	vst v63  }
0x2b9: {  	_ =	swait.ge [sflag:s20], $0x4000  }
0x2ba: {  	[sflag:s20] =	ssyncset.done $0x0  }
0x2bb: {  	s0 =	rddreg [dreg:$0x1c];
	[sflag:s20] =	ssyncadd.s32 $0xFFFFC000  }
0x2bc: {  	[hbm4b:s0+s3] =	stream.linear.scatter [tilespmem:s9], [sflag:$0x7], $0x4000, $0x38;
	[tilespmem:$0x18580] =	vst v63  }
0x2bd: {  	_ =	swait.ge [sflag:s21], $0x4000  }
0x2be: {  	[sflag:s21] =	ssyncset.done $0x0  }
0x2bf: {  	[sflag:s21] =	ssyncadd.s32 $0xFFFFC000  }
0x2c0: {  	v4 =	vld [tilespmem:$0x1E0];
	_ =	sdelay $0x4  }
0x2c1: {  	v4 =	vshll.u32 v4, $0x3  }
0x2c2: {  	[tilespmem:$0x18500] =	vst v4  }
0x2c3: {  	[tilespmem:$0x18510] =	vst v4  }
0x2c4: {  	v5 =	vld [tilespmem:$0x18508];
	_ =	sdelay $0x4  }
0x2c5: {  	v56 =	vsel vm0, v4, v5  }
0x2c6: {  	v57 =	vadd.s32 v0, v56  }
0x2c7: {  	v58 =	vadd.s32 v1, v56;
	[tilespmem:$0x18200] =	vst v57  }
0x2c8: {  	v59 =	vadd.s32 v2, v56;
	[tilespmem:$0x18210] =	vst v58  }
0x2c9: {  	v4 =	vsel vm0, v5, v4;
	v5 =	vadd.s32 v3, v56;
	[tilespmem:$0x18220] =	vst v59  }
0x2ca: {  	[tilespmem:$0x18230] =	vst v5;
	v5 =	vadd.s32 v0, v4  }
0x2cb: {  	[tilespmem:$0x18240] =	vst v5;
	v5 =	vadd.s32 v1, v4  }
0x2cc: {  	[tilespmem:$0x18250] =	vst v5;
	v5 =	vadd.s32 v2, v4  }
0x2cd: {  	v4 =	vadd.s32 v3, v4;
	[tilespmem:$0x18260] =	vst v5  }
0x2ce: {  	[tilespmem:$0x18270] =	vst v4  }
0x2cf: {  	[tilespmem:s9], [sflag:$0x1] =	stream.indirect.gather [hbm4b:s1+s7], $0x80, s8, s7, $0xb8;
	[tilespmem:$0x18580] =	vst v63  }
0x2d0: {  	_ =	swait.ge [sflag:s22], $0x4000  }
0x2d1: {  	[sflag:s22] =	ssyncset.done $0x0  }
0x2d2: {  	s0 =	rddreg [dreg:$0x1d];
	[sflag:s22] =	ssyncadd.s32 $0xFFFFC000  }
0x2d3: {  	[hbm4b:s0+s3] =	stream.linear.scatter [tilespmem:s11], [sflag:$0x8], $0x4000, $0x38;
	[tilespmem:$0x18580] =	vst v63  }
0x2d4: {  	_ =	swait.ge [sflag:s23], $0x4000  }
0x2d5: {  	[sflag:s23] =	ssyncset.done $0x0  }
0x2d6: {  	[sflag:s23] =	ssyncadd.s32 $0xFFFFC000  }
0x2d7: {  	v4 =	vld [tilespmem:$0x1F0];
	_ =	sdelay $0x4  }
0x2d8: {  	v4 =	vshll.u32 v4, $0x3  }
0x2d9: {  	[tilespmem:$0x18500] =	vst v4  }
0x2da: {  	[tilespmem:$0x18510] =	vst v4  }
0x2db: {  	v5 =	vld [tilespmem:$0x18508];
	_ =	sdelay $0x4  }
0x2dc: {  	v60 =	vsel vm0, v4, v5  }
0x2dd: {  	v61 =	vadd.s32 v0, v60  }
0x2de: {  	v62 =	vadd.s32 v1, v60;
	[tilespmem:$0x18280] =	vst v61  }
0x2df: {  	v63 =	vadd.s32 v2, v60;
	[tilespmem:$0x18290] =	vst v62  }
0x2e0: {  	v4 =	vsel vm0, v5, v4;
	v5 =	vadd.s32 v3, v60;
	[tilespmem:$0x182A0] =	vst v63  }
0x2e1: {  	[tilespmem:$0x182B0] =	vst v5;
	v5 =	vadd.s32 v0, v4  }
0x2e2: {  	[tilespmem:$0x182C0] =	vst v5;
	v5 =	vadd.s32 v1, v4  }
0x2e3: {  	[tilespmem:$0x182D0] =	vst v5;
	v5 =	vadd.s32 v2, v4  }
0x2e4: {  	v4 =	vadd.s32 v3, v4;
	[tilespmem:$0x182E0] =	vst v5  }
0x2e5: {  	[tilespmem:$0x182F0] =	vst v4  }
0x2e6: {  	[tilespmem:s11], [sflag:$0x2] =	stream.indirect.gather [hbm4b:s1+s7], $0x80, s10, s7, $0xb8;
	[tilespmem:$0x18580] =	vst v63  }
0x2e7: {  	_ =	swait.ge [sflag:s24], $0x4000  }
0x2e8: {  	[sflag:s24] =	ssyncset.done $0x0  }
0x2e9: {  	s0 =	rddreg [dreg:$0x1e];
	[sflag:s24] =	ssyncadd.s32 $0xFFFFC000  }
0x2ea: {  	[hbm4b:s0+s3] =	stream.linear.scatter [tilespmem:s13], [sflag:$0x9], $0x4000, $0x38;
	[tilespmem:$0x18580] =	vst v63  }
0x2eb: {  	_ =	swait.ge [sflag:s26], $0x4000  }
0x2ec: {  	[sflag:s26] =	ssyncset.done $0x0  }
0x2ed: {  	s0 =	rddreg [dreg:$0x1f];
	[sflag:s26] =	ssyncadd.s32 $0xFFFFC000  }
0x2ee: {  	[hbm4b:s0+s3] =	stream.linear.scatter [tilespmem:s15], [sflag:$0xA], $0x4000, $0x38;
	[tilespmem:$0x18580] =	vst v63  }
0x2ef: {  	_ =	swait.ge [sflag:s29], $0x4000  }
0x2f0: {  	s0 =	sld [smem:$0x7FA]  }
0x2f1: {  	[sflag:s29] =	ssyncset.done $0x0  }
0x2f2: {  	[sflag:s29] =	ssyncadd.s32 $0xFFFFC000  }
0x2f3: {  	[hbm4b:s0+s3] =	stream.linear.scatter [tilespmem:s17], [sflag:$0xB], $0x4000, $0x38;
	[tilespmem:$0x18580] =	vst v63  }
0x2f4: {  	_ =	swait.ge [sflag:s31], $0x4000  }
0x2f5: {  	s0 =	sld [smem:$0x7FB]  }
0x2f6: {  	[sflag:s31] =	ssyncset.done $0x0  }
0x2f7: {  	[sflag:s31] =	ssyncadd.s32 $0xFFFFC000  }
0x2f8: {  	[hbm4b:s0+s3] =	stream.linear.scatter [tilespmem:s19], [sflag:$0xC], $0x4000, $0x38;
	[tilespmem:$0x18580] =	vst v63  }
0x2f9: {  	_ =	swait.ge [sflag:s20], $0x4000  }
0x2fa: {  	s0 =	sld [smem:$0x7FC]  }
0x2fb: {  	[sflag:s20] =	ssyncset.done $0x0  }
0x2fc: {  	[sflag:s20] =	ssyncadd.s32 $0xFFFFC000  }
0x2fd: {  	[hbm4b:s0+s3] =	stream.linear.scatter [tilespmem:s9], [sflag:$0x7], $0x4000, $0x38;
	[tilespmem:$0x18580] =	vst v63  }
0x2fe: {  	_ =	swait.ge [sflag:s22], $0x4000  }
0x2ff: {  	s0 =	sld [smem:$0x7FD]  }
0x300: {  	[sflag:s22] =	ssyncset.done $0x0  }
0x301: {  	[sflag:s22] =	ssyncadd.s32 $0xFFFFC000  }
0x302: {  	[hbm4b:s0+s3] =	stream.linear.scatter [tilespmem:s11], [sflag:$0x8], $0x4000, $0x38;
	[tilespmem:$0x18580] =	vst v63  }
0x303: {  	_ =	swait.ge [sflag:s21], $0x4000  }
0x304: {  	[sflag:s21] =	ssyncset.done $0x0  }
0x305: {  	[sflag:s21] =	ssyncadd.s32 $0xFFFFC000  }
0x306: {  	_ =	swait.ge [sflag:s23], $0x4000  }
0x307: {  	[sflag:s23] =	ssyncset.done $0x0  }
0x308: {  	[sflag:s23] =	ssyncadd.s32 $0xFFFFC000  }
0x309: {  	_ =	swait.ge [sflag:s25], $0x4000  }
0x30a: {  	[sflag:s25] =	ssyncset.done $0x0  }
0x30b: {  	[sflag:s25] =	ssyncadd.s32 $0xFFFFC000  }
0x30c: {  	_ =	swait.ge [sflag:s28], $0x4000  }
0x30d: {  	[sflag:s28] =	ssyncset.done $0x0  }
0x30e: {  	[sflag:s28] =	ssyncadd.s32 $0xFFFFC000  }
0x30f: {  	p0 =	sne.s32 s5, $0x1;
	_ =	swait.ge [sflag:s30], $0x4000  }
.Ltmp0:
0x310: {  	[sflag:s30] =	ssyncset.done $0x0;
	(pc) =	sbr.rel @p0 .LBB2_1-.Ltmp0, $4  }
0x311: {  	[sflag:s30] =	ssyncadd.s32 $0xFFFFC000  }
0x312: {  	_ =	swait.ge [sflag:s2], $0x4000  }
0x313: {  	[sflag:s2] =	ssyncset.done $0x0  }
0x314: {  	s5 =	sadd.s32 $0xFFFFFFFF, s5;
	[sflag:s2] =	ssyncadd.s32 $0xFFFFC000  }
0x315: {  	_ =	sfence.sel $0x180000  }
0x316: {  	[bflag:$0x0] =	sbarrier.arrive $0xFFFF  }
0x317: {  	_ =	strace $0x90000047  }
0x318: {  	s0 =	stileid.u32;
	[bflag:$0x2] =	sbarrier.arrive $0xFFFF  }
0x319: {  	p0 =	sne.s32 s0, $0x0;
	s0 =	rddreg [dreg:$0x3]  }
0x31a: {  	s0 =	sadd.s32 @!p0 $0x100000, s0  }
0x31b: {  	[sflag:s0] =	ssyncadd.tile.s32 @!p0 $0x1;
	_ =	shalt  }
.Lfunc_end2:
_tile_overlayer_lowered:
.L_overlay_start_2:
0x31c: {  	(tag) =	ssettag $0x2  }
0x31d: {  	s0 =	rddreg [dreg:$0x0];
	s2 =	stileid.u32  }
0x31e: {  	s1 =	rddreg [dreg:$0x1];
	p0 =	sne.s32 s2, $0x0  }
0x31f: {  	s3 =	rddreg [dreg:$0x2];
	[bflag:$0x3] =	sbarrier.arrive $0xFFFF;
	s2 =	simm.s32 @!p0 $0x1C0D  }
0x320: {  	[timem:s3], [sflag:s2] =	dma.local @!p0 [hbm:s0], s1  }
0x321: {  	s0 =	simm.s32 @!p0 $0xD  }
0x322: {  	_ =	swait.ge @!p0 [sflag:s0], s1  }
0x323: {  	s1 =	ssub.s32 @!p0 $0x0, s1;
	[sflag:s0] =	ssyncset.done @!p0 $0x0  }
0x324: {  	[sflag:s0] =	ssyncadd.s32 @!p0 s1  }
0x325: {  	[bflag:$0x3] =	sbarrier.arrive $0xFFFF  }
0x326: {  	_ =	shalt  }

</sc_bundles>
